<compile_context>
chip_gen: v7x
topology: tpu7x:2x2x1
jax: 0.10.2.dev20260603
libtpu: 0.0.44.dev20260713+nightly
codegen_flags: <defaults>
</compile_context>

<pallas_src>
import functools

import jax
import jax.numpy as jnp
import numpy as np
from jax import lax
from jax.experimental import pallas as pl
from jax.experimental.pallas import tpu as pltpu
from jax.experimental.pallas import tpu_sc as plsc

_LO = np.float32(-0.99999994)
_SPAN = np.float32(np.float32(1.0) - _LO)
_SQRT2 = np.float32(np.sqrt(2.0))

_S_ROWS = 6144
_R = 256


def _threefry2x32(k0, k1, x0, x1):
    ks2 = k0 ^ k1 ^ jnp.uint32(0x1BD11BDA)
    ks = (k0, k1, ks2)
    rots = ((13, 15, 26, 6), (17, 29, 16, 24))

    def rotl(x, d):
        return lax.shift_left(x, jnp.uint32(d)) | lax.shift_right_logical(
            x, jnp.uint32(32 - d))

    x0 = x0 + k0
    x1 = x1 + k1
    for i in range(5):
        for r in rots[i % 2]:
            x0 = x0 + x1
            x1 = rotl(x1, r)
            x1 = x1 ^ x0
        x0 = x0 + ks[(i + 1) % 3]
        x1 = x1 + ks[(i + 2) % 3] + jnp.uint32(i + 1)
    return x0, x1


def _erfinv_f32(x):
    w = -jnp.log1p(-x * x)
    w1 = w - jnp.float32(2.5)
    p = jnp.float32(2.81022636e-08)
    for c in (3.43273939e-07, -3.5233877e-06, -4.39150654e-06, 0.00021858087,
              -0.00125372503, -0.00417768164, 0.246640727, 1.50140941):
        p = jnp.float32(c) + p * w1
    w2 = jnp.sqrt(w) - jnp.float32(3.0)
    q = jnp.float32(-0.000200214257)
    for c in (0.000100950558, 0.00134934322, -0.00367342844, 0.00573950773,
              -0.0076224613, 0.00943887047, 1.00167406, 2.83297682):
        q = jnp.float32(c) + q * w2
    return jnp.where(w < jnp.float32(5.0), p, q) * x


def _bits_to_unit(bits):
    f = lax.bitcast_convert_type(
        lax.shift_right_logical(bits, jnp.uint32(9)) | jnp.uint32(0x3F800000),
        jnp.float32)
    return f - jnp.float32(1.0)


def _reparam(eps, mu_ref, w_ref, o_ref):
    mu = mu_ref[...]
    d = jnp.sum(eps * mu, axis=1, keepdims=True)
    nu = eps - d * mu
    nn = jnp.maximum(jnp.sqrt(jnp.sum(nu * nu, axis=1, keepdims=True)),
                     jnp.float32(1e-12))
    w = w_ref[...]
    o_ref[...] = w * mu + jnp.sqrt(jnp.float32(1.0) - w * w) * (nu / nn)


def _eps_from_bits(bits):
    u = jnp.maximum(_LO, _bits_to_unit(bits) * _SPAN + _LO)
    return _SQRT2 * _erfinv_f32(u)


def _vmf_body_rng(row_off_blocks, key_ref, w_ref, mu_ref, o_ref):
    R, D = mu_ref.shape
    i = pl.program_id(0)
    base = ((i + row_off_blocks) * (R * D)).astype(jnp.uint32)
    rows = lax.broadcasted_iota(jnp.int32, (R, D), 0).astype(jnp.uint32)
    cols = lax.broadcasted_iota(jnp.int32, (R, D), 1).astype(jnp.uint32)
    p = base + rows * jnp.uint32(D) + cols
    y0, y1 = _threefry2x32(key_ref[0], key_ref[1], jnp.zeros_like(p), p)
    _reparam(_eps_from_bits(y0 ^ y1), mu_ref, w_ref, o_ref)


def _vmf_body_bits(prev_ref, w_ref, bits_ref, mu_ref, o_ref):
    del prev_ref
    _reparam(_eps_from_bits(bits_ref[...]), mu_ref, w_ref, o_ref)


@functools.lru_cache(maxsize=None)
def _build_tc_hi(B, D, S, R):
    nb = (B - S) // R
    sb = S // R
    return pl.pallas_call(
        functools.partial(_vmf_body_rng, sb),
        grid=(nb,),
        in_specs=[
            pl.BlockSpec(memory_space=pltpu.SMEM),
            pl.BlockSpec((R, 1), lambda i: (i + sb, 0)),
            pl.BlockSpec((R, D), lambda i: (i + sb, 0)),
        ],
        out_specs=pl.BlockSpec((R, D), lambda i: (i + sb, 0)),
        out_shape=jax.ShapeDtypeStruct((B, D), jnp.float32),
    )


@functools.lru_cache(maxsize=None)
def _build_tc_lo(B, D, S, R):
    sb = S // R
    return pl.pallas_call(
        _vmf_body_bits,
        grid=(sb,),
        in_specs=[
            pl.BlockSpec(memory_space=pl.ANY),
            pl.BlockSpec((R, 1), lambda i: (i, 0)),
            pl.BlockSpec((R, D), lambda i: (i, 0)),
            pl.BlockSpec((R, D), lambda i: (i, 0)),
        ],
        out_specs=pl.BlockSpec((R, D), lambda i: (i, 0)),
        out_shape=jax.ShapeDtypeStruct((B, D), jnp.float32),
        input_output_aliases={0: 0},
    )


def _sc_worker_info():
    try:
        info = plsc.get_sparse_core_info()
        return info.num_cores, info.num_subcores
    except Exception:
        return 2, 16


@functools.lru_cache(maxsize=None)
def _build_sc_gather(NR, B):
    NC, NS = _sc_worker_info()
    NW = NC * NS
    BW = B // NW
    mesh = plsc.VectorSubcoreMesh(core_axis_name="c", subcore_axis_name="s")

    @functools.partial(
        pl.kernel,
        out_type=jax.ShapeDtypeStruct((B,), jnp.float32),
        mesh=mesh,
        compiler_params=pltpu.CompilerParams(needs_layout_passes=False),
        scratch_types=[
            pltpu.VMEM((BW,), jnp.int32),
            pltpu.VMEM((BW,), jnp.int32),
            pltpu.VMEM((BW, 128), jnp.float32),
            pltpu.VMEM((BW,), jnp.float32),
            pltpu.SemaphoreType.DMA,
        ],
    )
    def _gather(tab_hbm, idx_hbm, out_hbm, idx_v, hi_v, rows_v, w_v, sem):
        wid = lax.axis_index("s") * NC + lax.axis_index("c")
        base = wid * BW
        pltpu.sync_copy(idx_hbm.at[pl.ds(base, BW)], idx_v)
        lane = lax.iota(jnp.int32, 16)

        def shift_body(i, carry):
            v = idx_v[pl.ds(i * 16, 16)]
            hi_v[pl.ds(i * 16, 16)] = lax.shift_right_logical(v, 7)
            return carry

        lax.fori_loop(0, BW // 16, shift_body, 0)
        pltpu.async_copy(tab_hbm.at[hi_v], rows_v, sem).wait()

        def sel_body(i, carry):
            col = idx_v[pl.ds(i * 16, 16)] & 127
            row = i * 16 + lane
            w_v[pl.ds(i * 16, 16)] = plsc.load_gather(rows_v, [row, col])
            return carry

        lax.fori_loop(0, BW // 16, sel_body, 0)
        pltpu.sync_copy(w_v, out_hbm.at[pl.ds(base, BW)])

    return _gather


@functools.lru_cache(maxsize=None)
def _build_sc_bits(S, D):
    NC, NS = _sc_worker_info()
    NW = NC * NS
    RW = S // NW
    RC = 64
    U = 4
    NV = D // 16
    assert RW % RC == 0 and NV % U == 0
    NCH = RW // RC
    mesh = plsc.VectorSubcoreMesh(core_axis_name="c", subcore_axis_name="s")

    @functools.partial(
        pl.kernel,
        out_type=jax.ShapeDtypeStruct((S, D), jnp.uint32),
        mesh=mesh,
        scratch_types=[
            pltpu.VMEM((16,), jnp.uint32),
            pltpu.VMEM((16,), jnp.uint32),
            pltpu.VMEM((RC, D), jnp.uint32),
        ],
    )
    def _bits(k0_hbm, k1_hbm, dep_hbm, out_hbm, k0_v, k1_v, buf):
        del dep_hbm
        wid = lax.axis_index("s") * NC + lax.axis_index("c")
        pltpu.sync_copy(k0_hbm, k0_v)
        pltpu.sync_copy(k1_hbm, k1_v)
        k0 = k0_v[...]
        k1 = k1_v[...]
        lane = lax.iota(jnp.int32, 16)
        for ch in range(NCH):
            row0 = wid * RW + ch * RC

            def rbody(r, carry, row0=row0):
                pbase = (row0 + r) * D

                def cbody(j, carry2, pbase=pbase, r=r):
                    off = j * (16 * U)
                    for t in range(U):
                        pv = ((pbase + off + t * 16) + lane).astype(jnp.uint32)
                        y0, y1 = _threefry2x32(k0, k1, jnp.zeros_like(pv), pv)
                        buf[r, pl.ds(off + t * 16, 16)] = y0 ^ y1
                    return carry2

                return lax.fori_loop(0, NV // U, cbody, carry)

            lax.fori_loop(0, RC, rbody, 0)
            pltpu.sync_copy(buf, out_hbm.at[pl.ds(row0, RC)])

    return _bits


def kernel(mu, pw_samples):
    B, D = mu.shape
    N = pw_samples.shape[0]
    S, R = _S_ROWS, _R
    k_idx = jax.random.fold_in(jax.random.key(1), 0)
    k_eps = jax.random.fold_in(jax.random.key(1), 1)
    idxs = jax.random.uniform(k_idx, (B, 1), minval=0.0,
                              maxval=float(N)).astype(jnp.int32)
    key_data = jax.random.key_data(k_eps).astype(jnp.uint32)
    k0b = jnp.full((16,), key_data[0], jnp.uint32)
    k1b = jnp.full((16,), key_data[1], jnp.uint32)

    NR = -(-(-(-N // 128)) // 8) * 8
    pwp = jnp.pad(pw_samples, ((0, NR * 128 - N), (0, 0)))
    w = _build_sc_gather(NR, B)(pwp.reshape(NR, 128), idxs.reshape(B))
    w2 = w.reshape(B, 1)
    bits = _build_sc_bits(S, D)(k0b, k1b, w)

    hi = _build_tc_hi(B, D, S, R)(key_data, w2, mu)
    return _build_tc_lo(B, D, S, R)(hi, w2, bits, mu)

# --- scband reference (transcript-rebuilt; emitter-appended) ---
"""Pipeline reference for scband-von-mises-fisher-sampling-28355374088936 (READ-ONLY COPY).

The authoritative reference and input builder live on the scoring server;
editing this copy changes nothing except your own understanding.
"""

import jax, jax.numpy as jnp
import numpy as np

KAPPA = 0.4
NUM_CACHES = 10 ** 7
DIMS = 768
BATCH = 16384


def _init_pw_samples():
    # precompute inverse-CDF samples of w for the vMF distribution
    x = np.linspace(-1, 1, NUM_CACHES + 2)[1:-1]
    y = KAPPA * x + np.log(1 - x ** 2) * (DIMS - 3) / 2
    y = np.cumsum(np.exp(y - y.max()))
    return np.interp((x + 1) / 2, y / y[-1], x)


def setup_inputs(seed: int = 0) -> dict:
    key = jax.random.key(seed)
    mu = jax.random.normal(key, (BATCH, DIMS), dtype=jnp.float32)
    pw_samples = jnp.asarray(_init_pw_samples(), dtype=jnp.float32).reshape(NUM_CACHES, 1)
    return {"mu": mu, "pw_samples": pw_samples}


def reference(mu, pw_samples):
    B = mu.shape[0]
    k_idx = jax.random.fold_in(jax.random.key(1), 0)
    k_eps = jax.random.fold_in(jax.random.key(1), 1)
    # idxs ~ Uniform(0, num_caches), truncated to int (mirrors nn.init.uniform_ + .long())
    idxs = jax.random.uniform(k_idx, (B, 1), minval=0.0, maxval=float(NUM_CACHES)).astype(jnp.int32)
    # torch.gather(pw_samples, dim=0, index=idxs): out[i,0] = pw_samples[idxs[i,0], 0]
    w = jnp.take_along_axis(pw_samples, idxs, axis=0)
    eps = jax.random.normal(k_eps, mu.shape, dtype=mu.dtype)
    nu = eps - jnp.sum(eps * mu, axis=1, keepdims=True) * mu
    # F.normalize(dim=1): v / max(||v||_2, 1e-12)
    norm = jnp.maximum(jnp.linalg.norm(nu, axis=1, keepdims=True), 1e-12)
    nu = nu / norm
    return w * mu + (1 - w ** 2) ** 0.5 * nu

if __name__ == "__main__":
    import jax
    _d = setup_inputs()
    print(jax.jit(kernel)(*tuple(_d.values())))

</pallas_src>

<mosaic_0001>
#map = affine_map<(d0, d1) -> (0)>
#map1 = affine_map<(d0, d1) -> (0, 0)>
module attributes {stable_mosaic.version = 14 : i64} {
  func.func @_bits(%arg0: i32, %arg1: i32, %arg2: memref<16xi32, #tpu.memory_space<hbm>>, %arg3: memref<16xi32, #tpu.memory_space<hbm>>, %arg4: memref<16384xf32, #tpu.memory_space<hbm>>, %arg5: memref<6144x768xi32, #tpu.memory_space<hbm>>, %arg6: memref<16xi32, #tpu.memory_space<vmem>>, %arg7: memref<16xi32, #tpu.memory_space<vmem>>, %arg8: memref<64x768xi32, #tpu.memory_space<vmem>>) attributes {dimension_semantics = [#tpu.dimension_semantics<core_parallel>, #tpu.dimension_semantics<subcore_parallel>], iteration_bounds = array<i64: 2, 16>, scalar_prefetch = 0 : i64, scratch_operands = 3 : i64, tpu.core_type = #tpu.core_type<sc_vector_subcore>, window_params = [{transform_indices = #map}, {transform_indices = #map}, {transform_indices = #map}, {transform_indices = #map1}]} {
    %mul3A = arith.constant 2 : i32
    %mul3A_0 = arith.muli %arg1, %mul3A : i32
    %add3A = arith.addi %mul3A_0, %arg0 : i32
    "tpu.region"() ({
      %run_scoped3A = tpu.sem_alloc : memref<!tpu.dma_semaphore, #tpu.memory_space<semaphore_mem>>
      tpu.enqueue_dma source(%arg2 : memref<16xi32, #tpu.memory_space<hbm>>) target(%arg6 : memref<16xi32, #tpu.memory_space<vmem>>) target_semaphore(%run_scoped3A : memref<!tpu.dma_semaphore, #tpu.memory_space<semaphore_mem>>)
      tpu.wait_dma2 semaphore(%run_scoped3A : memref<!tpu.dma_semaphore, #tpu.memory_space<semaphore_mem>>) src(%arg2 : memref<16xi32, #tpu.memory_space<hbm>>) dst(%arg6 : memref<16xi32, #tpu.memory_space<vmem>>)
      tpu.yield
    }) : () -> ()
    "tpu.region"() ({
      %run_scoped3A = tpu.sem_alloc : memref<!tpu.dma_semaphore, #tpu.memory_space<semaphore_mem>>
      tpu.enqueue_dma source(%arg3 : memref<16xi32, #tpu.memory_space<hbm>>) target(%arg7 : memref<16xi32, #tpu.memory_space<vmem>>) target_semaphore(%run_scoped3A : memref<!tpu.dma_semaphore, #tpu.memory_space<semaphore_mem>>)
      tpu.wait_dma2 semaphore(%run_scoped3A : memref<!tpu.dma_semaphore, #tpu.memory_space<semaphore_mem>>) src(%arg3 : memref<16xi32, #tpu.memory_space<hbm>>) dst(%arg7 : memref<16xi32, #tpu.memory_space<vmem>>)
      tpu.yield
    }) : () -> ()
    %get3A = arith.constant 0 : index
    %get3A_1 = tpu.vector_load %arg6[%get3A] {strides = array<i32>} : memref<16xi32, #tpu.memory_space<vmem>>, vector<16xi32>,
    %get3A_2 = vector.shape_cast %get3A_1 : vector<16xi32> to vector<16xi32>
    %get3A_3 = arith.constant 0 : index
    %get3A_4 = tpu.vector_load %arg7[%get3A_3] {strides = array<i32>} : memref<16xi32, #tpu.memory_space<vmem>>, vector<16xi32>,
    %get3A_5 = vector.shape_cast %get3A_4 : vector<16xi32> to vector<16xi32>
    %iota3A = tpu.iota {dimensions = array<i32: 0>} : vector<16xi32>
    %mul3A_6 = arith.constant 192 : i32
    %mul3A_7 = arith.muli %add3A, %mul3A_6 : i32
    %add3A_8 = arith.constant 0 : i32
    %add3A_9 = arith.addi %mul3A_7, %add3A_8 : i32
    %scan3A = arith.constant 0 : i32
    %scan3A_10 = arith.constant 0 : i32
    %scan3A_11 = arith.constant 64 : i32
    %scan3A_12 = arith.addi %scan3A_10, %scan3A_11 : i32
    %scan3A_13 = arith.constant 1 : i32
    scf.for %scan3A_35 = %scan3A_10 to %scan3A_12 step %scan3A_13  : i32 {
      %add3A_36 = arith.addi %add3A_9, %scan3A_35 : i32
      %mul3A_37 = arith.constant 768 : i32
      %mul3A_38 = arith.muli %add3A_36, %mul3A_37 : i32
      %scan3A_39 = arith.constant 0 : i32
      %scan3A_40 = arith.constant 12 : i32
      %scan3A_41 = arith.addi %scan3A_39, %scan3A_40 : i32
      %scan3A_42 = arith.constant 1 : i32
      scf.for %scan3A_44 = %scan3A_39 to %scan3A_41 step %scan3A_42  : i32 {
        %mul3A_45 = arith.constant 64 : i32
        %mul3A_46 = arith.muli %scan3A_44, %mul3A_45 : i32
        %add3A_47 = arith.addi %mul3A_38, %mul3A_46 : i32
        %add3A_48 = arith.constant 0 : i32
        %add3A_49 = arith.addi %add3A_47, %add3A_48 : i32
        %add3A_50 = vector.broadcast %add3A_49 : i32 to vector<16xi32>
        %add3A_51 = arith.addi %add3A_50, %iota3A : vector<16xi32>
        %broadcast_in_dim3A = arith.constant 0 : i32
        %broadcast_in_dim3A_52 = vector.broadcast %broadcast_in_dim3A : i32 to vector<16xi32>
        %xor3A = arith.xori %get3A_2, %get3A_5 : vector<16xi32>
        %xor3A_53 = arith.constant 466688986 : i32
        %xor3A_54 = vector.broadcast %xor3A_53 : i32 to vector<16xi32>
        %xor3A_55 = arith.xori %xor3A, %xor3A_54 : vector<16xi32>
        %add3A_56 = arith.addi %broadcast_in_dim3A_52, %get3A_2 : vector<16xi32>
        %add3A_57 = arith.addi %add3A_51, %get3A_5 : vector<16xi32>
        %add3A_58 = arith.addi %add3A_56, %add3A_57 : vector<16xi32>
        %shift_left3A = arith.constant 13 : i32
        %shift_left3A_59 = vector.broadcast %shift_left3A : i32 to vector<16xi32>
        %shift_left3A_60 = arith.shli %add3A_57, %shift_left3A_59 : vector<16xi32>
        %shift_right_logical3A = arith.constant 19 : i32
        %shift_right_logical3A_61 = vector.broadcast %shift_right_logical3A : i32 to vector<16xi32>
        %shift_right_logical3A_62 = arith.shrui %add3A_57, %shift_right_logical3A_61 : vector<16xi32>
        %or3A = arith.ori %shift_left3A_60, %shift_right_logical3A_62 : vector<16xi32>
        %xor3A_63 = arith.xori %or3A, %add3A_58 : vector<16xi32>
        %add3A_64 = arith.addi %add3A_58, %xor3A_63 : vector<16xi32>
        %shift_left3A_65 = arith.constant 15 : i32
        %shift_left3A_66 = vector.broadcast %shift_left3A_65 : i32 to vector<16xi32>
        %shift_left3A_67 = arith.shli %xor3A_63, %shift_left3A_66 : vector<16xi32>
        %shift_right_logical3A_68 = arith.constant 17 : i32
        %shift_right_logical3A_69 = vector.broadcast %shift_right_logical3A_68 : i32 to vector<16xi32>
        %shift_right_logical3A_70 = arith.shrui %xor3A_63, %shift_right_logical3A_69 : vector<16xi32>
        %or3A_71 = arith.ori %shift_left3A_67, %shift_right_logical3A_70 : vector<16xi32>
        %xor3A_72 = arith.xori %or3A_71, %add3A_64 : vector<16xi32>
        %add3A_73 = arith.addi %add3A_64, %xor3A_72 : vector<16xi32>
        %shift_left3A_74 = arith.constant 26 : i32
        %shift_left3A_75 = vector.broadcast %shift_left3A_74 : i32 to vector<16xi32>
        %shift_left3A_76 = arith.shli %xor3A_72, %shift_left3A_75 : vector<16xi32>
        %shift_right_logical3A_77 = arith.constant 6 : i32
        %shift_right_logical3A_78 = vector.broadcast %shift_right_logical3A_77 : i32 to vector<16xi32>
        %shift_right_logical3A_79 = arith.shrui %xor3A_72, %shift_right_logical3A_78 : vector<16xi32>
        %or3A_80 = arith.ori %shift_left3A_76, %shift_right_logical3A_79 : vector<16xi32>
        %xor3A_81 = arith.xori %or3A_80, %add3A_73 : vector<16xi32>
        %add3A_82 = arith.addi %add3A_73, %xor3A_81 : vector<16xi32>
        %shift_left3A_83 = arith.constant 6 : i32
        %shift_left3A_84 = vector.broadcast %shift_left3A_83 : i32 to vector<16xi32>
        %shift_left3A_85 = arith.shli %xor3A_81, %shift_left3A_84 : vector<16xi32>
        %shift_right_logical3A_86 = arith.constant 26 : i32
        %shift_right_logical3A_87 = vector.broadcast %shift_right_logical3A_86 : i32 to vector<16xi32>
        %shift_right_logical3A_88 = arith.shrui %xor3A_81, %shift_right_logical3A_87 : vector<16xi32>
        %or3A_89 = arith.ori %shift_left3A_85, %shift_right_logical3A_88 : vector<16xi32>
        %xor3A_90 = arith.xori %or3A_89, %add3A_82 : vector<16xi32>
        %add3A_91 = arith.addi %add3A_82, %get3A_5 : vector<16xi32>
        %add3A_92 = arith.addi %xor3A_90, %xor3A_55 : vector<16xi32>
        %add3A_93 = arith.constant 1 : i32
        %add3A_94 = vector.broadcast %add3A_93 : i32 to vector<16xi32>
        %add3A_95 = arith.addi %add3A_92, %add3A_94 : vector<16xi32>
        %add3A_96 = arith.addi %add3A_91, %add3A_95 : vector<16xi32>
        %shift_left3A_97 = arith.constant 17 : i32
        %shift_left3A_98 = vector.broadcast %shift_left3A_97 : i32 to vector<16xi32>
        %shift_left3A_99 = arith.shli %add3A_95, %shift_left3A_98 : vector<16xi32>
        %shift_right_logical3A_100 = arith.constant 15 : i32
        %shift_right_logical3A_101 = vector.broadcast %shift_right_logical3A_100 : i32 to vector<16xi32>
        %shift_right_logical3A_102 = arith.shrui %add3A_95, %shift_right_logical3A_101 : vector<16xi32>
        %or3A_103 = arith.ori %shift_left3A_99, %shift_right_logical3A_102 : vector<16xi32>
        %xor3A_104 = arith.xori %or3A_103, %add3A_96 : vector<16xi32>
        %add3A_105 = arith.addi %add3A_96, %xor3A_104 : vector<16xi32>
        %shift_left3A_106 = arith.constant 29 : i32
        %shift_left3A_107 = vector.broadcast %shift_left3A_106 : i32 to vector<16xi32>
        %shift_left3A_108 = arith.shli %xor3A_104, %shift_left3A_107 : vector<16xi32>
        %shift_right_logical3A_109 = arith.constant 3 : i32
        %shift_right_logical3A_110 = vector.broadcast %shift_right_logical3A_109 : i32 to vector<16xi32>
        %shift_right_logical3A_111 = arith.shrui %xor3A_104, %shift_right_logical3A_110 : vector<16xi32>
        %or3A_112 = arith.ori %shift_left3A_108, %shift_right_logical3A_111 : vector<16xi32>
        %xor3A_113 = arith.xori %or3A_112, %add3A_105 : vector<16xi32>
        %add3A_114 = arith.addi %add3A_105, %xor3A_113 : vector<16xi32>
        %shift_left3A_115 = arith.constant 16 : i32
        %shift_left3A_116 = vector.broadcast %shift_left3A_115 : i32 to vector<16xi32>
        %shift_left3A_117 = arith.shli %xor3A_113, %shift_left3A_116 : vector<16xi32>
        %shift_right_logical3A_118 = arith.constant 16 : i32
        %shift_right_logical3A_119 = vector.broadcast %shift_right_logical3A_118 : i32 to vector<16xi32>
        %shift_right_logical3A_120 = arith.shrui %xor3A_113, %shift_right_logical3A_119 : vector<16xi32>
        %or3A_121 = arith.ori %shift_left3A_117, %shift_right_logical3A_120 : vector<16xi32>
        %xor3A_122 = arith.xori %or3A_121, %add3A_114 : vector<16xi32>
        %add3A_123 = arith.addi %add3A_114, %xor3A_122 : vector<16xi32>
        %shift_left3A_124 = arith.constant 24 : i32
        %shift_left3A_125 = vector.broadcast %shift_left3A_124 : i32 to vector<16xi32>
        %shift_left3A_126 = arith.shli %xor3A_122, %shift_left3A_125 : vector<16xi32>
        %shift_right_logical3A_127 = arith.constant 8 : i32
        %shift_right_logical3A_128 = vector.broadcast %shift_right_logical3A_127 : i32 to vector<16xi32>
        %shift_right_logical3A_129 = arith.shrui %xor3A_122, %shift_right_logical3A_128 : vector<16xi32>
        %or3A_130 = arith.ori %shift_left3A_126, %shift_right_logical3A_129 : vector<16xi32>
        %xor3A_131 = arith.xori %or3A_130, %add3A_123 : vector<16xi32>
        %add3A_132 = arith.addi %add3A_123, %xor3A_55 : vector<16xi32>
        %add3A_133 = arith.addi %xor3A_131, %get3A_2 : vector<16xi32>
        %add3A_134 = arith.constant 2 : i32
        %add3A_135 = vector.broadcast %add3A_134 : i32 to vector<16xi32>
        %add3A_136 = arith.addi %add3A_133, %add3A_135 : vector<16xi32>
        %add3A_137 = arith.addi %add3A_132, %add3A_136 : vector<16xi32>
        %shift_left3A_138 = arith.constant 13 : i32
        %shift_left3A_139 = vector.broadcast %shift_left3A_138 : i32 to vector<16xi32>
        %shift_left3A_140 = arith.shli %add3A_136, %shift_left3A_139 : vector<16xi32>
        %shift_right_logical3A_141 = arith.constant 19 : i32
        %shift_right_logical3A_142 = vector.broadcast %shift_right_logical3A_141 : i32 to vector<16xi32>
        %shift_right_logical3A_143 = arith.shrui %add3A_136, %shift_right_logical3A_142 : vector<16xi32>
        %or3A_144 = arith.ori %shift_left3A_140, %shift_right_logical3A_143 : vector<16xi32>
        %xor3A_145 = arith.xori %or3A_144, %add3A_137 : vector<16xi32>
        %add3A_146 = arith.addi %add3A_137, %xor3A_145 : vector<16xi32>
        %shift_left3A_147 = arith.constant 15 : i32
        %shift_left3A_148 = vector.broadcast %shift_left3A_147 : i32 to vector<16xi32>
        %shift_left3A_149 = arith.shli %xor3A_145, %shift_left3A_148 : vector<16xi32>
        %shift_right_logical3A_150 = arith.constant 17 : i32
        %shift_right_logical3A_151 = vector.broadcast %shift_right_logical3A_150 : i32 to vector<16xi32>
        %shift_right_logical3A_152 = arith.shrui %xor3A_145, %shift_right_logical3A_151 : vector<16xi32>
        %or3A_153 = arith.ori %shift_left3A_149, %shift_right_logical3A_152 : vector<16xi32>
        %xor3A_154 = arith.xori %or3A_153, %add3A_146 : vector<16xi32>
        %add3A_155 = arith.addi %add3A_146, %xor3A_154 : vector<16xi32>
        %shift_left3A_156 = arith.constant 26 : i32
        %shift_left3A_157 = vector.broadcast %shift_left3A_156 : i32 to vector<16xi32>
        %shift_left3A_158 = arith.shli %xor3A_154, %shift_left3A_157 : vector<16xi32>
        %shift_right_logical3A_159 = arith.constant 6 : i32
        %shift_right_logical3A_160 = vector.broadcast %shift_right_logical3A_159 : i32 to vector<16xi32>
        %shift_right_logical3A_161 = arith.shrui %xor3A_154, %shift_right_logical3A_160 : vector<16xi32>
        %or3A_162 = arith.ori %shift_left3A_158, %shift_right_logical3A_161 : vector<16xi32>
        %xor3A_163 = arith.xori %or3A_162, %add3A_155 : vector<16xi32>
        %add3A_164 = arith.addi %add3A_155, %xor3A_163 : vector<16xi32>
        %shift_left3A_165 = arith.constant 6 : i32
        %shift_left3A_166 = vector.broadcast %shift_left3A_165 : i32 to vector<16xi32>
        %shift_left3A_167 = arith.shli %xor3A_163, %shift_left3A_166 : vector<16xi32>
        %shift_right_logical3A_168 = arith.constant 26 : i32
        %shift_right_logical3A_169 = vector.broadcast %shift_right_logical3A_168 : i32 to vector<16xi32>
        %shift_right_logical3A_170 = arith.shrui %xor3A_163, %shift_right_logical3A_169 : vector<16xi32>
        %or3A_171 = arith.ori %shift_left3A_167, %shift_right_logical3A_170 : vector<16xi32>
        %xor3A_172 = arith.xori %or3A_171, %add3A_164 : vector<16xi32>
        %add3A_173 = arith.addi %add3A_164, %get3A_2 : vector<16xi32>
        %add3A_174 = arith.addi %xor3A_172, %get3A_5 : vector<16xi32>
        %add3A_175 = arith.constant 3 : i32
        %add3A_176 = vector.broadcast %add3A_175 : i32 to vector<16xi32>
        %add3A_177 = arith.addi %add3A_174, %add3A_176 : vector<16xi32>
        %add3A_178 = arith.addi %add3A_173, %add3A_177 : vector<16xi32>
        %shift_left3A_179 = arith.constant 17 : i32
        %shift_left3A_180 = vector.broadcast %shift_left3A_179 : i32 to vector<16xi32>
        %shift_left3A_181 = arith.shli %add3A_177, %shift_left3A_180 : vector<16xi32>
        %shift_right_logical3A_182 = arith.constant 15 : i32
        %shift_right_logical3A_183 = vector.broadcast %shift_right_logical3A_182 : i32 to vector<16xi32>
        %shift_right_logical3A_184 = arith.shrui %add3A_177, %shift_right_logical3A_183 : vector<16xi32>
        %or3A_185 = arith.ori %shift_left3A_181, %shift_right_logical3A_184 : vector<16xi32>
        %xor3A_186 = arith.xori %or3A_185, %add3A_178 : vector<16xi32>
        %add3A_187 = arith.addi %add3A_178, %xor3A_186 : vector<16xi32>
        %shift_left3A_188 = arith.constant 29 : i32
        %shift_left3A_189 = vector.broadcast %shift_left3A_188 : i32 to vector<16xi32>
        %shift_left3A_190 = arith.shli %xor3A_186, %shift_left3A_189 : vector<16xi32>
        %shift_right_logical3A_191 = arith.constant 3 : i32
        %shift_right_logical3A_192 = vector.broadcast %shift_right_logical3A_191 : i32 to vector<16xi32>
        %shift_right_logical3A_193 = arith.shrui %xor3A_186, %shift_right_logical3A_192 : vector<16xi32>
        %or3A_194 = arith.ori %shift_left3A_190, %shift_right_logical3A_193 : vector<16xi32>
        %xor3A_195 = arith.xori %or3A_194, %add3A_187 : vector<16xi32>
        %add3A_196 = arith.addi %add3A_187, %xor3A_195 : vector<16xi32>
        %shift_left3A_197 = arith.constant 16 : i32
        %shift_left3A_198 = vector.broadcast %shift_left3A_197 : i32 to vector<16xi32>
        %shift_left3A_199 = arith.shli %xor3A_195, %shift_left3A_198 : vector<16xi32>
        %shift_right_logical3A_200 = arith.constant 16 : i32
        %shift_right_logical3A_201 = vector.broadcast %shift_right_logical3A_200 : i32 to vector<16xi32>
        %shift_right_logical3A_202 = arith.shrui %xor3A_195, %shift_right_logical3A_201 : vector<16xi32>
        %or3A_203 = arith.ori %shift_left3A_199, %shift_right_logical3A_202 : vector<16xi32>
        %xor3A_204 = arith.xori %or3A_203, %add3A_196 : vector<16xi32>
        %add3A_205 = arith.addi %add3A_196, %xor3A_204 : vector<16xi32>
        %shift_left3A_206 = arith.constant 24 : i32
        %shift_left3A_207 = vector.broadcast %shift_left3A_206 : i32 to vector<16xi32>
        %shift_left3A_208 = arith.shli %xor3A_204, %shift_left3A_207 : vector<16xi32>
        %shift_right_logical3A_209 = arith.constant 8 : i32
        %shift_right_logical3A_210 = vector.broadcast %shift_right_logical3A_209 : i32 to vector<16xi32>
        %shift_right_logical3A_211 = arith.shrui %xor3A_204, %shift_right_logical3A_210 : vector<16xi32>
        %or3A_212 = arith.ori %shift_left3A_208, %shift_right_logical3A_211 : vector<16xi32>
        %xor3A_213 = arith.xori %or3A_212, %add3A_205 : vector<16xi32>
        %add3A_214 = arith.addi %add3A_205, %get3A_5 : vector<16xi32>
        %add3A_215 = arith.addi %xor3A_213, %xor3A_55 : vector<16xi32>
        %add3A_216 = arith.constant 4 : i32
        %add3A_217 = vector.broadcast %add3A_216 : i32 to vector<16xi32>
        %add3A_218 = arith.addi %add3A_215, %add3A_217 : vector<16xi32>
        %add3A_219 = arith.addi %add3A_214, %add3A_218 : vector<16xi32>
        %shift_left3A_220 = arith.constant 13 : i32
        %shift_left3A_221 = vector.broadcast %shift_left3A_220 : i32 to vector<16xi32>
        %shift_left3A_222 = arith.shli %add3A_218, %shift_left3A_221 : vector<16xi32>
        %shift_right_logical3A_223 = arith.constant 19 : i32
        %shift_right_logical3A_224 = vector.broadcast %shift_right_logical3A_223 : i32 to vector<16xi32>
        %shift_right_logical3A_225 = arith.shrui %add3A_218, %shift_right_logical3A_224 : vector<16xi32>
        %or3A_226 = arith.ori %shift_left3A_222, %shift_right_logical3A_225 : vector<16xi32>
        %xor3A_227 = arith.xori %or3A_226, %add3A_219 : vector<16xi32>
        %add3A_228 = arith.addi %add3A_219, %xor3A_227 : vector<16xi32>
        %shift_left3A_229 = arith.constant 15 : i32
        %shift_left3A_230 = vector.broadcast %shift_left3A_229 : i32 to vector<16xi32>
        %shift_left3A_231 = arith.shli %xor3A_227, %shift_left3A_230 : vector<16xi32>
        %shift_right_logical3A_232 = arith.constant 17 : i32
        %shift_right_logical3A_233 = vector.broadcast %shift_right_logical3A_232 : i32 to vector<16xi32>
        %shift_right_logical3A_234 = arith.shrui %xor3A_227, %shift_right_logical3A_233 : vector<16xi32>
        %or3A_235 = arith.ori %shift_left3A_231, %shift_right_logical3A_234 : vector<16xi32>
        %xor3A_236 = arith.xori %or3A_235, %add3A_228 : vector<16xi32>
        %add3A_237 = arith.addi %add3A_228, %xor3A_236 : vector<16xi32>
        %shift_left3A_238 = arith.constant 26 : i32
        %shift_left3A_239 = vector.broadcast %shift_left3A_238 : i32 to vector<16xi32>
        %shift_left3A_240 = arith.shli %xor3A_236, %shift_left3A_239 : vector<16xi32>
        %shift_right_logical3A_241 = arith.constant 6 : i32
        %shift_right_logical3A_242 = vector.broadcast %shift_right_logical3A_241 : i32 to vector<16xi32>
        %shift_right_logical3A_243 = arith.shrui %xor3A_236, %shift_right_logical3A_242 : vector<16xi32>
        %or3A_244 = arith.ori %shift_left3A_240, %shift_right_logical3A_243 : vector<16xi32>
        %xor3A_245 = arith.xori %or3A_244, %add3A_237 : vector<16xi32>
        %add3A_246 = arith.addi %add3A_237, %xor3A_245 : vector<16xi32>
        %shift_left3A_247 = arith.constant 6 : i32
        %shift_left3A_248 = vector.broadcast %shift_left3A_247 : i32 to vector<16xi32>
        %shift_left3A_249 = arith.shli %xor3A_245, %shift_left3A_248 : vector<16xi32>
        %shift_right_logical3A_250 = arith.constant 26 : i32
        %shift_right_logical3A_251 = vector.broadcast %shift_right_logical3A_250 : i32 to vector<16xi32>
        %shift_right_logical3A_252 = arith.shrui %xor3A_245, %shift_right_logical3A_251 : vector<16xi32>
        %or3A_253 = arith.ori %shift_left3A_249, %shift_right_logical3A_252 : vector<16xi32>
        %xor3A_254 = arith.xori %or3A_253, %add3A_246 : vector<16xi32>
        %add3A_255 = arith.addi %add3A_246, %xor3A_55 : vector<16xi32>
        %add3A_256 = arith.addi %xor3A_254, %get3A_2 : vector<16xi32>
        %add3A_257 = arith.constant 5 : i32
        %add3A_258 = vector.broadcast %add3A_257 : i32 to vector<16xi32>
        %add3A_259 = arith.addi %add3A_256, %add3A_258 : vector<16xi32>
        %xor3A_260 = arith.xori %add3A_255, %add3A_259 : vector<16xi32>
        %add3A_261 = arith.constant 0 : i32
        %add3A_262 = arith.addi %mul3A_46, %add3A_261 : i32
        %swap3A = arith.index_cast %scan3A_35 : i32 to index
        %swap3A_263 = arith.index_cast %add3A_262 : i32 to index
        %swap3A_264 = tpu.vector_load %arg8[%swap3A, %swap3A_263] {strides = array<i32>} : memref<64x768xi32, #tpu.memory_space<vmem>>, vector<1x16xi32>,
        %swap3A_265 = vector.shape_cast %swap3A_264 : vector<1x16xi32> to vector<16xi32>
        %swap3A_266 = vector.shape_cast %xor3A_260 : vector<16xi32> to vector<1x16xi32>
        tpu.vector_store %arg8[%swap3A, %swap3A_263], %swap3A_266 {strides = array<i32>} : memref<64x768xi32, #tpu.memory_space<vmem>>, vector<1x16xi32>,
        %add3A_267 = arith.addi %mul3A_38, %mul3A_46 : i32
        %add3A_268 = arith.constant 16 : i32
        %add3A_269 = arith.addi %add3A_267, %add3A_268 : i32
        %add3A_270 = vector.broadcast %add3A_269 : i32 to vector<16xi32>
        %add3A_271 = arith.addi %add3A_270, %iota3A : vector<16xi32>
        %broadcast_in_dim3A_272 = arith.constant 0 : i32
        %broadcast_in_dim3A_273 = vector.broadcast %broadcast_in_dim3A_272 : i32 to vector<16xi32>
        %xor3A_274 = arith.xori %get3A_2, %get3A_5 : vector<16xi32>
        %xor3A_275 = arith.constant 466688986 : i32
        %xor3A_276 = vector.broadcast %xor3A_275 : i32 to vector<16xi32>
        %xor3A_277 = arith.xori %xor3A_274, %xor3A_276 : vector<16xi32>
        %add3A_278 = arith.addi %broadcast_in_dim3A_273, %get3A_2 : vector<16xi32>
        %add3A_279 = arith.addi %add3A_271, %get3A_5 : vector<16xi32>
        %add3A_280 = arith.addi %add3A_278, %add3A_279 : vector<16xi32>
        %shift_left3A_281 = arith.constant 13 : i32
        %shift_left3A_282 = vector.broadcast %shift_left3A_281 : i32 to vector<16xi32>
        %shift_left3A_283 = arith.shli %add3A_279, %shift_left3A_282 : vector<16xi32>
        %shift_right_logical3A_284 = arith.constant 19 : i32
        %shift_right_logical3A_285 = vector.broadcast %shift_right_logical3A_284 : i32 to vector<16xi32>
        %shift_right_logical3A_286 = arith.shrui %add3A_279, %shift_right_logical3A_285 : vector<16xi32>
        %or3A_287 = arith.ori %shift_left3A_283, %shift_right_logical3A_286 : vector<16xi32>
        %xor3A_288 = arith.xori %or3A_287, %add3A_280 : vector<16xi32>
        %add3A_289 = arith.addi %add3A_280, %xor3A_288 : vector<16xi32>
        %shift_left3A_290 = arith.constant 15 : i32
        %shift_left3A_291 = vector.broadcast %shift_left3A_290 : i32 to vector<16xi32>
        %shift_left3A_292 = arith.shli %xor3A_288, %shift_left3A_291 : vector<16xi32>
        %shift_right_logical3A_293 = arith.constant 17 : i32
        %shift_right_logical3A_294 = vector.broadcast %shift_right_logical3A_293 : i32 to vector<16xi32>
        %shift_right_logical3A_295 = arith.shrui %xor3A_288, %shift_right_logical3A_294 : vector<16xi32>
        %or3A_296 = arith.ori %shift_left3A_292, %shift_right_logical3A_295 : vector<16xi32>
        %xor3A_297 = arith.xori %or3A_296, %add3A_289 : vector<16xi32>
        %add3A_298 = arith.addi %add3A_289, %xor3A_297 : vector<16xi32>
        %shift_left3A_299 = arith.constant 26 : i32
        %shift_left3A_300 = vector.broadcast %shift_left3A_299 : i32 to vector<16xi32>
        %shift_left3A_301 = arith.shli %xor3A_297, %shift_left3A_300 : vector<16xi32>
        %shift_right_logical3A_302 = arith.constant 6 : i32
        %shift_right_logical3A_303 = vector.broadcast %shift_right_logical3A_302 : i32 to vector<16xi32>
        %shift_right_logical3A_304 = arith.shrui %xor3A_297, %shift_right_logical3A_303 : vector<16xi32>
        %or3A_305 = arith.ori %shift_left3A_301, %shift_right_logical3A_304 : vector<16xi32>
        %xor3A_306 = arith.xori %or3A_305, %add3A_298 : vector<16xi32>
        %add3A_307 = arith.addi %add3A_298, %xor3A_306 : vector<16xi32>
        %shift_left3A_308 = arith.constant 6 : i32
        %shift_left3A_309 = vector.broadcast %shift_left3A_308 : i32 to vector<16xi32>
        %shift_left3A_310 = arith.shli %xor3A_306, %shift_left3A_309 : vector<16xi32>
        %shift_right_logical3A_311 = arith.constant 26 : i32
        %shift_right_logical3A_312 = vector.broadcast %shift_right_logical3A_311 : i32 to vector<16xi32>
        %shift_right_logical3A_313 = arith.shrui %xor3A_306, %shift_right_logical3A_312 : vector<16xi32>
        %or3A_314 = arith.ori %shift_left3A_310, %shift_right_logical3A_313 : vector<16xi32>
        %xor3A_315 = arith.xori %or3A_314, %add3A_307 : vector<16xi32>
        %add3A_316 = arith.addi %add3A_307, %get3A_5 : vector<16xi32>
        %add3A_317 = arith.addi %xor3A_315, %xor3A_277 : vector<16xi32>
        %add3A_318 = arith.constant 1 : i32
        %add3A_319 = vector.broadcast %add3A_318 : i32 to vector<16xi32>
        %add3A_320 = arith.addi %add3A_317, %add3A_319 : vector<16xi32>
        %add3A_321 = arith.addi %add3A_316, %add3A_320 : vector<16xi32>
        %shift_left3A_322 = arith.constant 17 : i32
        %shift_left3A_323 = vector.broadcast %shift_left3A_322 : i32 to vector<16xi32>
        %shift_left3A_324 = arith.shli %add3A_320, %shift_left3A_323 : vector<16xi32>
        %shift_right_logical3A_325 = arith.constant 15 : i32
        %shift_right_logical3A_326 = vector.broadcast %shift_right_logical3A_325 : i32 to vector<16xi32>
        %shift_right_logical3A_327 = arith.shrui %add3A_320, %shift_right_logical3A_326 : vector<16xi32>
        %or3A_328 = arith.ori %shift_left3A_324, %shift_right_logical3A_327 : vector<16xi32>
        %xor3A_329 = arith.xori %or3A_328, %add3A_321 : vector<16xi32>
        %add3A_330 = arith.addi %add3A_321, %xor3A_329 : vector<16xi32>
        %shift_left3A_331 = arith.constant 29 : i32
        %shift_left3A_332 = vector.broadcast %shift_left3A_331 : i32 to vector<16xi32>
        %shift_left3A_333 = arith.shli %xor3A_329, %shift_left3A_332 : vector<16xi32>
        %shift_right_logical3A_334 = arith.constant 3 : i32
        %shift_right_logical3A_335 = vector.broadcast %shift_right_logical3A_334 : i32 to vector<16xi32>
        %shift_right_logical3A_336 = arith.shrui %xor3A_329, %shift_right_logical3A_335 : vector<16xi32>
        %or3A_337 = arith.ori %shift_left3A_333, %shift_right_logical3A_336 : vector<16xi32>
        %xor3A_338 = arith.xori %or3A_337, %add3A_330 : vector<16xi32>
        %add3A_339 = arith.addi %add3A_330, %xor3A_338 : vector<16xi32>
        %shift_left3A_340 = arith.constant 16 : i32
        %shift_left3A_341 = vector.broadcast %shift_left3A_340 : i32 to vector<16xi32>
        %shift_left3A_342 = arith.shli %xor3A_338, %shift_left3A_341 : vector<16xi32>
        %shift_right_logical3A_343 = arith.constant 16 : i32
        %shift_right_logical3A_344 = vector.broadcast %shift_right_logical3A_343 : i32 to vector<16xi32>
        %shift_right_logical3A_345 = arith.shrui %xor3A_338, %shift_right_logical3A_344 : vector<16xi32>
        %or3A_346 = arith.ori %shift_left3A_342, %shift_right_logical3A_345 : vector<16xi32>
        %xor3A_347 = arith.xori %or3A_346, %add3A_339 : vector<16xi32>
        %add3A_348 = arith.addi %add3A_339, %xor3A_347 : vector<16xi32>
        %shift_left3A_349 = arith.constant 24 : i32
        %shift_left3A_350 = vector.broadcast %shift_left3A_349 : i32 to vector<16xi32>
        %shift_left3A_351 = arith.shli %xor3A_347, %shift_left3A_350 : vector<16xi32>
        %shift_right_logical3A_352 = arith.constant 8 : i32
        %shift_right_logical3A_353 = vector.broadcast %shift_right_logical3A_352 : i32 to vector<16xi32>
        %shift_right_logical3A_354 = arith.shrui %xor3A_347, %shift_right_logical3A_353 : vector<16xi32>
        %or3A_355 = arith.ori %shift_left3A_351, %shift_right_logical3A_354 : vector<16xi32>
        %xor3A_356 = arith.xori %or3A_355, %add3A_348 : vector<16xi32>
        %add3A_357 = arith.addi %add3A_348, %xor3A_277 : vector<16xi32>
        %add3A_358 = arith.addi %xor3A_356, %get3A_2 : vector<16xi32>
        %add3A_359 = arith.constant 2 : i32
        %add3A_360 = vector.broadcast %add3A_359 : i32 to vector<16xi32>
        %add3A_361 = arith.addi %add3A_358, %add3A_360 : vector<16xi32>
        %add3A_362 = arith.addi %add3A_357, %add3A_361 : vector<16xi32>
        %shift_left3A_363 = arith.constant 13 : i32
        %shift_left3A_364 = vector.broadcast %shift_left3A_363 : i32 to vector<16xi32>
        %shift_left3A_365 = arith.shli %add3A_361, %shift_left3A_364 : vector<16xi32>
        %shift_right_logical3A_366 = arith.constant 19 : i32
        %shift_right_logical3A_367 = vector.broadcast %shift_right_logical3A_366 : i32 to vector<16xi32>
        %shift_right_logical3A_368 = arith.shrui %add3A_361, %shift_right_logical3A_367 : vector<16xi32>
        %or3A_369 = arith.ori %shift_left3A_365, %shift_right_logical3A_368 : vector<16xi32>
        %xor3A_370 = arith.xori %or3A_369, %add3A_362 : vector<16xi32>
        %add3A_371 = arith.addi %add3A_362, %xor3A_370 : vector<16xi32>
        %shift_left3A_372 = arith.constant 15 : i32
        %shift_left3A_373 = vector.broadcast %shift_left3A_372 : i32 to vector<16xi32>
        %shift_left3A_374 = arith.shli %xor3A_370, %shift_left3A_373 : vector<16xi32>
        %shift_right_logical3A_375 = arith.constant 17 : i32
        %shift_right_logical3A_376 = vector.broadcast %shift_right_logical3A_375 : i32 to vector<16xi32>
        %shift_right_logical3A_377 = arith.shrui %xor3A_370, %shift_right_logical3A_376 : vector<16xi32>
        %or3A_378 = arith.ori %shift_left3A_374, %shift_right_logical3A_377 : vector<16xi32>
        %xor3A_379 = arith.xori %or3A_378, %add3A_371 : vector<16xi32>
        %add3A_380 = arith.addi %add3A_371, %xor3A_379 : vector<16xi32>
        %shift_left3A_381 = arith.constant 26 : i32
        %shift_left3A_382 = vector.broadcast %shift_left3A_381 : i32 to vector<16xi32>
        %shift_left3A_383 = arith.shli %xor3A_379, %shift_left3A_382 : vector<16xi32>
        %shift_right_logical3A_384 = arith.constant 6 : i32
        %shift_right_logical3A_385 = vector.broadcast %shift_right_logical3A_384 : i32 to vector<16xi32>
        %shift_right_logical3A_386 = arith.shrui %xor3A_379, %shift_right_logical3A_385 : vector<16xi32>
        %or3A_387 = arith.ori %shift_left3A_383, %shift_right_logical3A_386 : vector<16xi32>
        %xor3A_388 = arith.xori %or3A_387, %add3A_380 : vector<16xi32>
        %add3A_389 = arith.addi %add3A_380, %xor3A_388 : vector<16xi32>
        %shift_left3A_390 = arith.constant 6 : i32
        %shift_left3A_391 = vector.broadcast %shift_left3A_390 : i32 to vector<16xi32>
        %shift_left3A_392 = arith.shli %xor3A_388, %shift_left3A_391 : vector<16xi32>
        %shift_right_logical3A_393 = arith.constant 26 : i32
        %shift_right_logical3A_394 = vector.broadcast %shift_right_logical3A_393 : i32 to vector<16xi32>
        %shift_right_logical3A_395 = arith.shrui %xor3A_388, %shift_right_logical3A_394 : vector<16xi32>
        %or3A_396 = arith.ori %shift_left3A_392, %shift_right_logical3A_395 : vector<16xi32>
        %xor3A_397 = arith.xori %or3A_396, %add3A_389 : vector<16xi32>
        %add3A_398 = arith.addi %add3A_389, %get3A_2 : vector<16xi32>
        %add3A_399 = arith.addi %xor3A_397, %get3A_5 : vector<16xi32>
        %add3A_400 = arith.constant 3 : i32
        %add3A_401 = vector.broadcast %add3A_400 : i32 to vector<16xi32>
        %add3A_402 = arith.addi %add3A_399, %add3A_401 : vector<16xi32>
        %add3A_403 = arith.addi %add3A_398, %add3A_402 : vector<16xi32>
        %shift_left3A_404 = arith.constant 17 : i32
        %shift_left3A_405 = vector.broadcast %shift_left3A_404 : i32 to vector<16xi32>
        %shift_left3A_406 = arith.shli %add3A_402, %shift_left3A_405 : vector<16xi32>
        %shift_right_logical3A_407 = arith.constant 15 : i32
        %shift_right_logical3A_408 = vector.broadcast %shift_right_logical3A_407 : i32 to vector<16xi32>
        %shift_right_logical3A_409 = arith.shrui %add3A_402, %shift_right_logical3A_408 : vector<16xi32>
        %or3A_410 = arith.ori %shift_left3A_406, %shift_right_logical3A_409 : vector<16xi32>
        %xor3A_411 = arith.xori %or3A_410, %add3A_403 : vector<16xi32>
        %add3A_412 = arith.addi %add3A_403, %xor3A_411 : vector<16xi32>
        %shift_left3A_413 = arith.constant 29 : i32
        %shift_left3A_414 = vector.broadcast %shift_left3A_413 : i32 to vector<16xi32>
        %shift_left3A_415 = arith.shli %xor3A_411, %shift_left3A_414 : vector<16xi32>
        %shift_right_logical3A_416 = arith.constant 3 : i32
        %shift_right_logical3A_417 = vector.broadcast %shift_right_logical3A_416 : i32 to vector<16xi32>
        %shift_right_logical3A_418 = arith.shrui %xor3A_411, %shift_right_logical3A_417 : vector<16xi32>
        %or3A_419 = arith.ori %shift_left3A_415, %shift_right_logical3A_418 : vector<16xi32>
        %xor3A_420 = arith.xori %or3A_419, %add3A_412 : vector<16xi32>
        %add3A_421 = arith.addi %add3A_412, %xor3A_420 : vector<16xi32>
        %shift_left3A_422 = arith.constant 16 : i32
        %shift_left3A_423 = vector.broadcast %shift_left3A_422 : i32 to vector<16xi32>
        %shift_left3A_424 = arith.shli %xor3A_420, %shift_left3A_423 : vector<16xi32>
        %shift_right_logical3A_425 = arith.constant 16 : i32
        %shift_right_logical3A_426 = vector.broadcast %shift_right_logical3A_425 : i32 to vector<16xi32>
        %shift_right_logical3A_427 = arith.shrui %xor3A_420, %shift_right_logical3A_426 : vector<16xi32>
        %or3A_428 = arith.ori %shift_left3A_424, %shift_right_logical3A_427 : vector<16xi32>
        %xor3A_429 = arith.xori %or3A_428, %add3A_421 : vector<16xi32>
        %add3A_430 = arith.addi %add3A_421, %xor3A_429 : vector<16xi32>
        %shift_left3A_431 = arith.constant 24 : i32
        %shift_left3A_432 = vector.broadcast %shift_left3A_431 : i32 to vector<16xi32>
        %shift_left3A_433 = arith.shli %xor3A_429, %shift_left3A_432 : vector<16xi32>
        %shift_right_logical3A_434 = arith.constant 8 : i32
        %shift_right_logical3A_435 = vector.broadcast %shift_right_logical3A_434 : i32 to vector<16xi32>
        %shift_right_logical3A_436 = arith.shrui %xor3A_429, %shift_right_logical3A_435 : vector<16xi32>
        %or3A_437 = arith.ori %shift_left3A_433, %shift_right_logical3A_436 : vector<16xi32>
        %xor3A_438 = arith.xori %or3A_437, %add3A_430 : vector<16xi32>
        %add3A_439 = arith.addi %add3A_430, %get3A_5 : vector<16xi32>
        %add3A_440 = arith.addi %xor3A_438, %xor3A_277 : vector<16xi32>
        %add3A_441 = arith.constant 4 : i32
        %add3A_442 = vector.broadcast %add3A_441 : i32 to vector<16xi32>
        %add3A_443 = arith.addi %add3A_440, %add3A_442 : vector<16xi32>
        %add3A_444 = arith.addi %add3A_439, %add3A_443 : vector<16xi32>
        %shift_left3A_445 = arith.constant 13 : i32
        %shift_left3A_446 = vector.broadcast %shift_left3A_445 : i32 to vector<16xi32>
        %shift_left3A_447 = arith.shli %add3A_443, %shift_left3A_446 : vector<16xi32>
        %shift_right_logical3A_448 = arith.constant 19 : i32
        %shift_right_logical3A_449 = vector.broadcast %shift_right_logical3A_448 : i32 to vector<16xi32>
        %shift_right_logical3A_450 = arith.shrui %add3A_443, %shift_right_logical3A_449 : vector<16xi32>
        %or3A_451 = arith.ori %shift_left3A_447, %shift_right_logical3A_450 : vector<16xi32>
        %xor3A_452 = arith.xori %or3A_451, %add3A_444 : vector<16xi32>
        %add3A_453 = arith.addi %add3A_444, %xor3A_452 : vector<16xi32>
        %shift_left3A_454 = arith.constant 15 : i32
        %shift_left3A_455 = vector.broadcast %shift_left3A_454 : i32 to vector<16xi32>
        %shift_left3A_456 = arith.shli %xor3A_452, %shift_left3A_455 : vector<16xi32>
        %shift_right_logical3A_457 = arith.constant 17 : i32
        %shift_right_logical3A_458 = vector.broadcast %shift_right_logical3A_457 : i32 to vector<16xi32>
        %shift_right_logical3A_459 = arith.shrui %xor3A_452, %shift_right_logical3A_458 : vector<16xi32>
        %or3A_460 = arith.ori %shift_left3A_456, %shift_right_logical3A_459 : vector<16xi32>
        %xor3A_461 = arith.xori %or3A_460, %add3A_453 : vector<16xi32>
        %add3A_462 = arith.addi %add3A_453, %xor3A_461 : vector<16xi32>
        %shift_left3A_463 = arith.constant 26 : i32
        %shift_left3A_464 = vector.broadcast %shift_left3A_463 : i32 to vector<16xi32>
        %shift_left3A_465 = arith.shli %xor3A_461, %shift_left3A_464 : vector<16xi32>
        %shift_right_logical3A_466 = arith.constant 6 : i32
        %shift_right_logical3A_467 = vector.broadcast %shift_right_logical3A_466 : i32 to vector<16xi32>
        %shift_right_logical3A_468 = arith.shrui %xor3A_461, %shift_right_logical3A_467 : vector<16xi32>
        %or3A_469 = arith.ori %shift_left3A_465, %shift_right_logical3A_468 : vector<16xi32>
        %xor3A_470 = arith.xori %or3A_469, %add3A_462 : vector<16xi32>
        %add3A_471 = arith.addi %add3A_462, %xor3A_470 : vector<16xi32>
        %shift_left3A_472 = arith.constant 6 : i32
        %shift_left3A_473 = vector.broadcast %shift_left3A_472 : i32 to vector<16xi32>
        %shift_left3A_474 = arith.shli %xor3A_470, %shift_left3A_473 : vector<16xi32>
        %shift_right_logical3A_475 = arith.constant 26 : i32
        %shift_right_logical3A_476 = vector.broadcast %shift_right_logical3A_475 : i32 to vector<16xi32>
        %shift_right_logical3A_477 = arith.shrui %xor3A_470, %shift_right_logical3A_476 : vector<16xi32>
        %or3A_478 = arith.ori %shift_left3A_474, %shift_right_logical3A_477 : vector<16xi32>
        %xor3A_479 = arith.xori %or3A_478, %add3A_471 : vector<16xi32>
        %add3A_480 = arith.addi %add3A_471, %xor3A_277 : vector<16xi32>
        %add3A_481 = arith.addi %xor3A_479, %get3A_2 : vector<16xi32>
        %add3A_482 = arith.constant 5 : i32
        %add3A_483 = vector.broadcast %add3A_482 : i32 to vector<16xi32>
        %add3A_484 = arith.addi %add3A_481, %add3A_483 : vector<16xi32>
        %xor3A_485 = arith.xori %add3A_480, %add3A_484 : vector<16xi32>
        %add3A_486 = arith.constant 16 : i32
        %add3A_487 = arith.addi %mul3A_46, %add3A_486 : i32
        %swap3A_488 = arith.index_cast %scan3A_35 : i32 to index
        %swap3A_489 = arith.index_cast %add3A_487 : i32 to index
        %swap3A_490 = tpu.vector_load %arg8[%swap3A_488, %swap3A_489] {strides = array<i32>} : memref<64x768xi32, #tpu.memory_space<vmem>>, vector<1x16xi32>,
        %swap3A_491 = vector.shape_cast %swap3A_490 : vector<1x16xi32> to vector<16xi32>
        %swap3A_492 = vector.shape_cast %xor3A_485 : vector<16xi32> to vector<1x16xi32>
        tpu.vector_store %arg8[%swap3A_488, %swap3A_489], %swap3A_492 {strides = array<i32>} : memref<64x768xi32, #tpu.memory_space<vmem>>, vector<1x16xi32>,
        %add3A_493 = arith.addi %mul3A_38, %mul3A_46 : i32
        %add3A_494 = arith.constant 32 : i32
        %add3A_495 = arith.addi %add3A_493, %add3A_494 : i32
        %add3A_496 = vector.broadcast %add3A_495 : i32 to vector<16xi32>
        %add3A_497 = arith.addi %add3A_496, %iota3A : vector<16xi32>
        %broadcast_in_dim3A_498 = arith.constant 0 : i32
        %broadcast_in_dim3A_499 = vector.broadcast %broadcast_in_dim3A_498 : i32 to vector<16xi32>
        %xor3A_500 = arith.xori %get3A_2, %get3A_5 : vector<16xi32>
        %xor3A_501 = arith.constant 466688986 : i32
        %xor3A_502 = vector.broadcast %xor3A_501 : i32 to vector<16xi32>
        %xor3A_503 = arith.xori %xor3A_500, %xor3A_502 : vector<16xi32>
        %add3A_504 = arith.addi %broadcast_in_dim3A_499, %get3A_2 : vector<16xi32>
        %add3A_505 = arith.addi %add3A_497, %get3A_5 : vector<16xi32>
        %add3A_506 = arith.addi %add3A_504, %add3A_505 : vector<16xi32>
        %shift_left3A_507 = arith.constant 13 : i32
        %shift_left3A_508 = vector.broadcast %shift_left3A_507 : i32 to vector<16xi32>
        %shift_left3A_509 = arith.shli %add3A_505, %shift_left3A_508 : vector<16xi32>
        %shift_right_logical3A_510 = arith.constant 19 : i32
        %shift_right_logical3A_511 = vector.broadcast %shift_right_logical3A_510 : i32 to vector<16xi32>
        %shift_right_logical3A_512 = arith.shrui %add3A_505, %shift_right_logical3A_511 : vector<16xi32>
        %or3A_513 = arith.ori %shift_left3A_509, %shift_right_logical3A_512 : vector<16xi32>
        %xor3A_514 = arith.xori %or3A_513, %add3A_506 : vector<16xi32>
        %add3A_515 = arith.addi %add3A_506, %xor3A_514 : vector<16xi32>
        %shift_left3A_516 = arith.constant 15 : i32
        %shift_left3A_517 = vector.broadcast %shift_left3A_516 : i32 to vector<16xi32>
        %shift_left3A_518 = arith.shli %xor3A_514, %shift_left3A_517 : vector<16xi32>
        %shift_right_logical3A_519 = arith.constant 17 : i32
        %shift_right_logical3A_520 = vector.broadcast %shift_right_logical3A_519 : i32 to vector<16xi32>
        %shift_right_logical3A_521 = arith.shrui %xor3A_514, %shift_right_logical3A_520 : vector<16xi32>
        %or3A_522 = arith.ori %shift_left3A_518, %shift_right_logical3A_521 : vector<16xi32>
        %xor3A_523 = arith.xori %or3A_522, %add3A_515 : vector<16xi32>
        %add3A_524 = arith.addi %add3A_515, %xor3A_523 : vector<16xi32>
        %shift_left3A_525 = arith.constant 26 : i32
        %shift_left3A_526 = vector.broadcast %shift_left3A_525 : i32 to vector<16xi32>
        %shift_left3A_527 = arith.shli %xor3A_523, %shift_left3A_526 : vector<16xi32>
        %shift_right_logical3A_528 = arith.constant 6 : i32
        %shift_right_logical3A_529 = vector.broadcast %shift_right_logical3A_528 : i32 to vector<16xi32>
        %shift_right_logical3A_530 = arith.shrui %xor3A_523, %shift_right_logical3A_529 : vector<16xi32>
        %or3A_531 = arith.ori %shift_left3A_527, %shift_right_logical3A_530 : vector<16xi32>
        %xor3A_532 = arith.xori %or3A_531, %add3A_524 : vector<16xi32>
        %add3A_533 = arith.addi %add3A_524, %xor3A_532 : vector<16xi32>
        %shift_left3A_534 = arith.constant 6 : i32
        %shift_left3A_535 = vector.broadcast %shift_left3A_534 : i32 to vector<16xi32>
        %shift_left3A_536 = arith.shli %xor3A_532, %shift_left3A_535 : vector<16xi32>
        %shift_right_logical3A_537 = arith.constant 26 : i32
        %shift_right_logical3A_538 = vector.broadcast %shift_right_logical3A_537 : i32 to vector<16xi32>
        %shift_right_logical3A_539 = arith.shrui %xor3A_532, %shift_right_logical3A_538 : vector<16xi32>
        %or3A_540 = arith.ori %shift_left3A_536, %shift_right_logical3A_539 : vector<16xi32>
        %xor3A_541 = arith.xori %or3A_540, %add3A_533 : vector<16xi32>
        %add3A_542 = arith.addi %add3A_533, %get3A_5 : vector<16xi32>
        %add3A_543 = arith.addi %xor3A_541, %xor3A_503 : vector<16xi32>
        %add3A_544 = arith.constant 1 : i32
        %add3A_545 = vector.broadcast %add3A_544 : i32 to vector<16xi32>
        %add3A_546 = arith.addi %add3A_543, %add3A_545 : vector<16xi32>
        %add3A_547 = arith.addi %add3A_542, %add3A_546 : vector<16xi32>
        %shift_left3A_548 = arith.constant 17 : i32
        %shift_left3A_549 = vector.broadcast %shift_left3A_548 : i32 to vector<16xi32>
        %shift_left3A_550 = arith.shli %add3A_546, %shift_left3A_549 : vector<16xi32>
        %shift_right_logical3A_551 = arith.constant 15 : i32
        %shift_right_logical3A_552 = vector.broadcast %shift_right_logical3A_551 : i32 to vector<16xi32>
        %shift_right_logical3A_553 = arith.shrui %add3A_546, %shift_right_logical3A_552 : vector<16xi32>
        %or3A_554 = arith.ori %shift_left3A_550, %shift_right_logical3A_553 : vector<16xi32>
        %xor3A_555 = arith.xori %or3A_554, %add3A_547 : vector<16xi32>
        %add3A_556 = arith.addi %add3A_547, %xor3A_555 : vector<16xi32>
        %shift_left3A_557 = arith.constant 29 : i32
        %shift_left3A_558 = vector.broadcast %shift_left3A_557 : i32 to vector<16xi32>
        %shift_left3A_559 = arith.shli %xor3A_555, %shift_left3A_558 : vector<16xi32>
        %shift_right_logical3A_560 = arith.constant 3 : i32
        %shift_right_logical3A_561 = vector.broadcast %shift_right_logical3A_560 : i32 to vector<16xi32>
        %shift_right_logical3A_562 = arith.shrui %xor3A_555, %shift_right_logical3A_561 : vector<16xi32>
        %or3A_563 = arith.ori %shift_left3A_559, %shift_right_logical3A_562 : vector<16xi32>
        %xor3A_564 = arith.xori %or3A_563, %add3A_556 : vector<16xi32>
        %add3A_565 = arith.addi %add3A_556, %xor3A_564 : vector<16xi32>
        %shift_left3A_566 = arith.constant 16 : i32
        %shift_left3A_567 = vector.broadcast %shift_left3A_566 : i32 to vector<16xi32>
        %shift_left3A_568 = arith.shli %xor3A_564, %shift_left3A_567 : vector<16xi32>
        %shift_right_logical3A_569 = arith.constant 16 : i32
        %shift_right_logical3A_570 = vector.broadcast %shift_right_logical3A_569 : i32 to vector<16xi32>
        %shift_right_logical3A_571 = arith.shrui %xor3A_564, %shift_right_logical3A_570 : vector<16xi32>
        %or3A_572 = arith.ori %shift_left3A_568, %shift_right_logical3A_571 : vector<16xi32>
        %xor3A_573 = arith.xori %or3A_572, %add3A_565 : vector<16xi32>
        %add3A_574 = arith.addi %add3A_565, %xor3A_573 : vector<16xi32>
        %shift_left3A_575 = arith.constant 24 : i32
        %shift_left3A_576 = vector.broadcast %shift_left3A_575 : i32 to vector<16xi32>
        %shift_left3A_577 = arith.shli %xor3A_573, %shift_left3A_576 : vector<16xi32>
        %shift_right_logical3A_578 = arith.constant 8 : i32
        %shift_right_logical3A_579 = vector.broadcast %shift_right_logical3A_578 : i32 to vector<16xi32>
        %shift_right_logical3A_580 = arith.shrui %xor3A_573, %shift_right_logical3A_579 : vector<16xi32>
        %or3A_581 = arith.ori %shift_left3A_577, %shift_right_logical3A_580 : vector<16xi32>
        %xor3A_582 = arith.xori %or3A_581, %add3A_574 : vector<16xi32>
        %add3A_583 = arith.addi %add3A_574, %xor3A_503 : vector<16xi32>
        %add3A_584 = arith.addi %xor3A_582, %get3A_2 : vector<16xi32>
        %add3A_585 = arith.constant 2 : i32
        %add3A_586 = vector.broadcast %add3A_585 : i32 to vector<16xi32>
        %add3A_587 = arith.addi %add3A_584, %add3A_586 : vector<16xi32>
        %add3A_588 = arith.addi %add3A_583, %add3A_587 : vector<16xi32>
        %shift_left3A_589 = arith.constant 13 : i32
        %shift_left3A_590 = vector.broadcast %shift_left3A_589 : i32 to vector<16xi32>
        %shift_left3A_591 = arith.shli %add3A_587, %shift_left3A_590 : vector<16xi32>
        %shift_right_logical3A_592 = arith.constant 19 : i32
        %shift_right_logical3A_593 = vector.broadcast %shift_right_logical3A_592 : i32 to vector<16xi32>
        %shift_right_logical3A_594 = arith.shrui %add3A_587, %shift_right_logical3A_593 : vector<16xi32>
        %or3A_595 = arith.ori %shift_left3A_591, %shift_right_logical3A_594 : vector<16xi32>
        %xor3A_596 = arith.xori %or3A_595, %add3A_588 : vector<16xi32>
        %add3A_597 = arith.addi %add3A_588, %xor3A_596 : vector<16xi32>
        %shift_left3A_598 = arith.constant 15 : i32
        %shift_left3A_599 = vector.broadcast %shift_left3A_598 : i32 to vector<16xi32>
        %shift_left3A_600 = arith.shli %xor3A_596, %shift_left3A_599 : vector<16xi32>
        %shift_right_logical3A_601 = arith.constant 17 : i32
        %shift_right_logical3A_602 = vector.broadcast %shift_right_logical3A_601 : i32 to vector<16xi32>
        %shift_right_logical3A_603 = arith.shrui %xor3A_596, %shift_right_logical3A_602 : vector<16xi32>
        %or3A_604 = arith.ori %shift_left3A_600, %shift_right_logical3A_603 : vector<16xi32>
        %xor3A_605 = arith.xori %or3A_604, %add3A_597 : vector<16xi32>
        %add3A_606 = arith.addi %add3A_597, %xor3A_605 : vector<16xi32>
        %shift_left3A_607 = arith.constant 26 : i32
        %shift_left3A_608 = vector.broadcast %shift_left3A_607 : i32 to vector<16xi32>
        %shift_left3A_609 = arith.shli %xor3A_605, %shift_left3A_608 : vector<16xi32>
        %shift_right_logical3A_610 = arith.constant 6 : i32
        %shift_right_logical3A_611 = vector.broadcast %shift_right_logical3A_610 : i32 to vector<16xi32>
        %shift_right_logical3A_612 = arith.shrui %xor3A_605, %shift_right_logical3A_611 : vector<16xi32>
        %or3A_613 = arith.ori %shift_left3A_609, %shift_right_logical3A_612 : vector<16xi32>
        %xor3A_614 = arith.xori %or3A_613, %add3A_606 : vector<16xi32>
        %add3A_615 = arith.addi %add3A_606, %xor3A_614 : vector<16xi32>
        %shift_left3A_616 = arith.constant 6 : i32
        %shift_left3A_617 = vector.broadcast %shift_left3A_616 : i32 to vector<16xi32>
        %shift_left3A_618 = arith.shli %xor3A_614, %shift_left3A_617 : vector<16xi32>
        %shift_right_logical3A_619 = arith.constant 26 : i32
        %shift_right_logical3A_620 = vector.broadcast %shift_right_logical3A_619 : i32 to vector<16xi32>
        %shift_right_logical3A_621 = arith.shrui %xor3A_614, %shift_right_logical3A_620 : vector<16xi32>
        %or3A_622 = arith.ori %shift_left3A_618, %shift_right_logical3A_621 : vector<16xi32>
        %xor3A_623 = arith.xori %or3A_622, %add3A_615 : vector<16xi32>
        %add3A_624 = arith.addi %add3A_615, %get3A_2 : vector<16xi32>
        %add3A_625 = arith.addi %xor3A_623, %get3A_5 : vector<16xi32>
        %add3A_626 = arith.constant 3 : i32
        %add3A_627 = vector.broadcast %add3A_626 : i32 to vector<16xi32>
        %add3A_628 = arith.addi %add3A_625, %add3A_627 : vector<16xi32>
        %add3A_629 = arith.addi %add3A_624, %add3A_628 : vector<16xi32>
        %shift_left3A_630 = arith.constant 17 : i32
        %shift_left3A_631 = vector.broadcast %shift_left3A_630 : i32 to vector<16xi32>
        %shift_left3A_632 = arith.shli %add3A_628, %shift_left3A_631 : vector<16xi32>
        %shift_right_logical3A_633 = arith.constant 15 : i32
        %shift_right_logical3A_634 = vector.broadcast %shift_right_logical3A_633 : i32 to vector<16xi32>
        %shift_right_logical3A_635 = arith.shrui %add3A_628, %shift_right_logical3A_634 : vector<16xi32>
        %or3A_636 = arith.ori %shift_left3A_632, %shift_right_logical3A_635 : vector<16xi32>
        %xor3A_637 = arith.xori %or3A_636, %add3A_629 : vector<16xi32>
        %add3A_638 = arith.addi %add3A_629, %xor3A_637 : vector<16xi32>
        %shift_left3A_639 = arith.constant 29 : i32
        %shift_left3A_640 = vector.broadcast %shift_left3A_639 : i32 to vector<16xi32>
        %shift_left3A_641 = arith.shli %xor3A_637, %shift_left3A_640 : vector<16xi32>
        %shift_right_logical3A_642 = arith.constant 3 : i32
        %shift_right_logical3A_643 = vector.broadcast %shift_right_logical3A_642 : i32 to vector<16xi32>
        %shift_right_logical3A_644 = arith.shrui %xor3A_637, %shift_right_logical3A_643 : vector<16xi32>
        %or3A_645 = arith.ori %shift_left3A_641, %shift_right_logical3A_644 : vector<16xi32>
        %xor3A_646 = arith.xori %or3A_645, %add3A_638 : vector<16xi32>
        %add3A_647 = arith.addi %add3A_638, %xor3A_646 : vector<16xi32>
        %shift_left3A_648 = arith.constant 16 : i32
        %shift_left3A_649 = vector.broadcast %shift_left3A_648 : i32 to vector<16xi32>
        %shift_left3A_650 = arith.shli %xor3A_646, %shift_left3A_649 : vector<16xi32>
        %shift_right_logical3A_651 = arith.constant 16 : i32
        %shift_right_logical3A_652 = vector.broadcast %shift_right_logical3A_651 : i32 to vector<16xi32>
        %shift_right_logical3A_653 = arith.shrui %xor3A_646, %shift_right_logical3A_652 : vector<16xi32>
        %or3A_654 = arith.ori %shift_left3A_650, %shift_right_logical3A_653 : vector<16xi32>
        %xor3A_655 = arith.xori %or3A_654, %add3A_647 : vector<16xi32>
        %add3A_656 = arith.addi %add3A_647, %xor3A_655 : vector<16xi32>
        %shift_left3A_657 = arith.constant 24 : i32
        %shift_left3A_658 = vector.broadcast %shift_left3A_657 : i32 to vector<16xi32>
        %shift_left3A_659 = arith.shli %xor3A_655, %shift_left3A_658 : vector<16xi32>
        %shift_right_logical3A_660 = arith.constant 8 : i32
        %shift_right_logical3A_661 = vector.broadcast %shift_right_logical3A_660 : i32 to vector<16xi32>
        %shift_right_logical3A_662 = arith.shrui %xor3A_655, %shift_right_logical3A_661 : vector<16xi32>
        %or3A_663 = arith.ori %shift_left3A_659, %shift_right_logical3A_662 : vector<16xi32>
        %xor3A_664 = arith.xori %or3A_663, %add3A_656 : vector<16xi32>
        %add3A_665 = arith.addi %add3A_656, %get3A_5 : vector<16xi32>
        %add3A_666 = arith.addi %xor3A_664, %xor3A_503 : vector<16xi32>
        %add3A_667 = arith.constant 4 : i32
        %add3A_668 = vector.broadcast %add3A_667 : i32 to vector<16xi32>
        %add3A_669 = arith.addi %add3A_666, %add3A_668 : vector<16xi32>
        %add3A_670 = arith.addi %add3A_665, %add3A_669 : vector<16xi32>
        %shift_left3A_671 = arith.constant 13 : i32
        %shift_left3A_672 = vector.broadcast %shift_left3A_671 : i32 to vector<16xi32>
        %shift_left3A_673 = arith.shli %add3A_669, %shift_left3A_672 : vector<16xi32>
        %shift_right_logical3A_674 = arith.constant 19 : i32
        %shift_right_logical3A_675 = vector.broadcast %shift_right_logical3A_674 : i32 to vector<16xi32>
        %shift_right_logical3A_676 = arith.shrui %add3A_669, %shift_right_logical3A_675 : vector<16xi32>
        %or3A_677 = arith.ori %shift_left3A_673, %shift_right_logical3A_676 : vector<16xi32>
        %xor3A_678 = arith.xori %or3A_677, %add3A_670 : vector<16xi32>
        %add3A_679 = arith.addi %add3A_670, %xor3A_678 : vector<16xi32>
        %shift_left3A_680 = arith.constant 15 : i32
        %shift_left3A_681 = vector.broadcast %shift_left3A_680 : i32 to vector<16xi32>
        %shift_left3A_682 = arith.shli %xor3A_678, %shift_left3A_681 : vector<16xi32>
        %shift_right_logical3A_683 = arith.constant 17 : i32
        %shift_right_logical3A_684 = vector.broadcast %shift_right_logical3A_683 : i32 to vector<16xi32>
        %shift_right_logical3A_685 = arith.shrui %xor3A_678, %shift_right_logical3A_684 : vector<16xi32>
        %or3A_686 = arith.ori %shift_left3A_682, %shift_right_logical3A_685 : vector<16xi32>
        %xor3A_687 = arith.xori %or3A_686, %add3A_679 : vector<16xi32>
        %add3A_688 = arith.addi %add3A_679, %xor3A_687 : vector<16xi32>
        %shift_left3A_689 = arith.constant 26 : i32
        %shift_left3A_690 = vector.broadcast %shift_left3A_689 : i32 to vector<16xi32>
        %shift_left3A_691 = arith.shli %xor3A_687, %shift_left3A_690 : vector<16xi32>
        %shift_right_logical3A_692 = arith.constant 6 : i32
        %shift_right_logical3A_693 = vector.broadcast %shift_right_logical3A_692 : i32 to vector<16xi32>
        %shift_right_logical3A_694 = arith.shrui %xor3A_687, %shift_right_logical3A_693 : vector<16xi32>
        %or3A_695 = arith.ori %shift_left3A_691, %shift_right_logical3A_694 : vector<16xi32>
        %xor3A_696 = arith.xori %or3A_695, %add3A_688 : vector<16xi32>
        %add3A_697 = arith.addi %add3A_688, %xor3A_696 : vector<16xi32>
        %shift_left3A_698 = arith.constant 6 : i32
        %shift_left3A_699 = vector.broadcast %shift_left3A_698 : i32 to vector<16xi32>
        %shift_left3A_700 = arith.shli %xor3A_696, %shift_left3A_699 : vector<16xi32>
        %shift_right_logical3A_701 = arith.constant 26 : i32
        %shift_right_logical3A_702 = vector.broadcast %shift_right_logical3A_701 : i32 to vector<16xi32>
        %shift_right_logical3A_703 = arith.shrui %xor3A_696, %shift_right_logical3A_702 : vector<16xi32>
        %or3A_704 = arith.ori %shift_left3A_700, %shift_right_logical3A_703 : vector<16xi32>
        %xor3A_705 = arith.xori %or3A_704, %add3A_697 : vector<16xi32>
        %add3A_706 = arith.addi %add3A_697, %xor3A_503 : vector<16xi32>
        %add3A_707 = arith.addi %xor3A_705, %get3A_2 : vector<16xi32>
        %add3A_708 = arith.constant 5 : i32
        %add3A_709 = vector.broadcast %add3A_708 : i32 to vector<16xi32>
        %add3A_710 = arith.addi %add3A_707, %add3A_709 : vector<16xi32>
        %xor3A_711 = arith.xori %add3A_706, %add3A_710 : vector<16xi32>
        %add3A_712 = arith.constant 32 : i32
        %add3A_713 = arith.addi %mul3A_46, %add3A_712 : i32
        %swap3A_714 = arith.index_cast %scan3A_35 : i32 to index
        %swap3A_715 = arith.index_cast %add3A_713 : i32 to index
        %swap3A_716 = tpu.vector_load %arg8[%swap3A_714, %swap3A_715] {strides = array<i32>} : memref<64x768xi32, #tpu.memory_space<vmem>>, vector<1x16xi32>,
        %swap3A_717 = vector.shape_cast %swap3A_716 : vector<1x16xi32> to vector<16xi32>
        %swap3A_718 = vector.shape_cast %xor3A_711 : vector<16xi32> to vector<1x16xi32>
        tpu.vector_store %arg8[%swap3A_714, %swap3A_715], %swap3A_718 {strides = array<i32>} : memref<64x768xi32, #tpu.memory_space<vmem>>, vector<1x16xi32>,
        %add3A_719 = arith.addi %mul3A_38, %mul3A_46 : i32
        %add3A_720 = arith.constant 48 : i32
        %add3A_721 = arith.addi %add3A_719, %add3A_720 : i32
        %add3A_722 = vector.broadcast %add3A_721 : i32 to vector<16xi32>
        %add3A_723 = arith.addi %add3A_722, %iota3A : vector<16xi32>
        %broadcast_in_dim3A_724 = arith.constant 0 : i32
        %broadcast_in_dim3A_725 = vector.broadcast %broadcast_in_dim3A_724 : i32 to vector<16xi32>
        %xor3A_726 = arith.xori %get3A_2, %get3A_5 : vector<16xi32>
        %xor3A_727 = arith.constant 466688986 : i32
        %xor3A_728 = vector.broadcast %xor3A_727 : i32 to vector<16xi32>
        %xor3A_729 = arith.xori %xor3A_726, %xor3A_728 : vector<16xi32>
        %add3A_730 = arith.addi %broadcast_in_dim3A_725, %get3A_2 : vector<16xi32>
        %add3A_731 = arith.addi %add3A_723, %get3A_5 : vector<16xi32>
        %add3A_732 = arith.addi %add3A_730, %add3A_731 : vector<16xi32>
        %shift_left3A_733 = arith.constant 13 : i32
        %shift_left3A_734 = vector.broadcast %shift_left3A_733 : i32 to vector<16xi32>
        %shift_left3A_735 = arith.shli %add3A_731, %shift_left3A_734 : vector<16xi32>
        %shift_right_logical3A_736 = arith.constant 19 : i32
        %shift_right_logical3A_737 = vector.broadcast %shift_right_logical3A_736 : i32 to vector<16xi32>
        %shift_right_logical3A_738 = arith.shrui %add3A_731, %shift_right_logical3A_737 : vector<16xi32>
        %or3A_739 = arith.ori %shift_left3A_735, %shift_right_logical3A_738 : vector<16xi32>
        %xor3A_740 = arith.xori %or3A_739, %add3A_732 : vector<16xi32>
        %add3A_741 = arith.addi %add3A_732, %xor3A_740 : vector<16xi32>
        %shift_left3A_742 = arith.constant 15 : i32
        %shift_left3A_743 = vector.broadcast %shift_left3A_742 : i32 to vector<16xi32>
        %shift_left3A_744 = arith.shli %xor3A_740, %shift_left3A_743 : vector<16xi32>
        %shift_right_logical3A_745 = arith.constant 17 : i32
        %shift_right_logical3A_746 = vector.broadcast %shift_right_logical3A_745 : i32 to vector<16xi32>
        %shift_right_logical3A_747 = arith.shrui %xor3A_740, %shift_right_logical3A_746 : vector<16xi32>
        %or3A_748 = arith.ori %shift_left3A_744, %shift_right_logical3A_747 : vector<16xi32>
        %xor3A_749 = arith.xori %or3A_748, %add3A_741 : vector<16xi32>
        %add3A_750 = arith.addi %add3A_741, %xor3A_749 : vector<16xi32>
        %shift_left3A_751 = arith.constant 26 : i32
        %shift_left3A_752 = vector.broadcast %shift_left3A_751 : i32 to vector<16xi32>
        %shift_left3A_753 = arith.shli %xor3A_749, %shift_left3A_752 : vector<16xi32>
        %shift_right_logical3A_754 = arith.constant 6 : i32
        %shift_right_logical3A_755 = vector.broadcast %shift_right_logical3A_754 : i32 to vector<16xi32>
        %shift_right_logical3A_756 = arith.shrui %xor3A_749, %shift_right_logical3A_755 : vector<16xi32>
        %or3A_757 = arith.ori %shift_left3A_753, %shift_right_logical3A_756 : vector<16xi32>
        %xor3A_758 = arith.xori %or3A_757, %add3A_750 : vector<16xi32>
        %add3A_759 = arith.addi %add3A_750, %xor3A_758 : vector<16xi32>
        %shift_left3A_760 = arith.constant 6 : i32
        %shift_left3A_761 = vector.broadcast %shift_left3A_760 : i32 to vector<16xi32>
        %shift_left3A_762 = arith.shli %xor3A_758, %shift_left3A_761 : vector<16xi32>
        %shift_right_logical3A_763 = arith.constant 26 : i32
        %shift_right_logical3A_764 = vector.broadcast %shift_right_logical3A_763 : i32 to vector<16xi32>
        %shift_right_logical3A_765 = arith.shrui %xor3A_758, %shift_right_logical3A_764 : vector<16xi32>
        %or3A_766 = arith.ori %shift_left3A_762, %shift_right_logical3A_765 : vector<16xi32>
        %xor3A_767 = arith.xori %or3A_766, %add3A_759 : vector<16xi32>
        %add3A_768 = arith.addi %add3A_759, %get3A_5 : vector<16xi32>
        %add3A_769 = arith.addi %xor3A_767, %xor3A_729 : vector<16xi32>
        %add3A_770 = arith.constant 1 : i32
        %add3A_771 = vector.broadcast %add3A_770 : i32 to vector<16xi32>
        %add3A_772 = arith.addi %add3A_769, %add3A_771 : vector<16xi32>
        %add3A_773 = arith.addi %add3A_768, %add3A_772 : vector<16xi32>
        %shift_left3A_774 = arith.constant 17 : i32
        %shift_left3A_775 = vector.broadcast %shift_left3A_774 : i32 to vector<16xi32>
        %shift_left3A_776 = arith.shli %add3A_772, %shift_left3A_775 : vector<16xi32>
        %shift_right_logical3A_777 = arith.constant 15 : i32
        %shift_right_logical3A_778 = vector.broadcast %shift_right_logical3A_777 : i32 to vector<16xi32>
        %shift_right_logical3A_779 = arith.shrui %add3A_772, %shift_right_logical3A_778 : vector<16xi32>
        %or3A_780 = arith.ori %shift_left3A_776, %shift_right_logical3A_779 : vector<16xi32>
        %xor3A_781 = arith.xori %or3A_780, %add3A_773 : vector<16xi32>
        %add3A_782 = arith.addi %add3A_773, %xor3A_781 : vector<16xi32>
        %shift_left3A_783 = arith.constant 29 : i32
        %shift_left3A_784 = vector.broadcast %shift_left3A_783 : i32 to vector<16xi32>
        %shift_left3A_785 = arith.shli %xor3A_781, %shift_left3A_784 : vector<16xi32>
        %shift_right_logical3A_786 = arith.constant 3 : i32
        %shift_right_logical3A_787 = vector.broadcast %shift_right_logical3A_786 : i32 to vector<16xi32>
        %shift_right_logical3A_788 = arith.shrui %xor3A_781, %shift_right_logical3A_787 : vector<16xi32>
        %or3A_789 = arith.ori %shift_left3A_785, %shift_right_logical3A_788 : vector<16xi32>
        %xor3A_790 = arith.xori %or3A_789, %add3A_782 : vector<16xi32>
        %add3A_791 = arith.addi %add3A_782, %xor3A_790 : vector<16xi32>
        %shift_left3A_792 = arith.constant 16 : i32
        %shift_left3A_793 = vector.broadcast %shift_left3A_792 : i32 to vector<16xi32>
        %shift_left3A_794 = arith.shli %xor3A_790, %shift_left3A_793 : vector<16xi32>
        %shift_right_logical3A_795 = arith.constant 16 : i32
        %shift_right_logical3A_796 = vector.broadcast %shift_right_logical3A_795 : i32 to vector<16xi32>
        %shift_right_logical3A_797 = arith.shrui %xor3A_790, %shift_right_logical3A_796 : vector<16xi32>
        %or3A_798 = arith.ori %shift_left3A_794, %shift_right_logical3A_797 : vector<16xi32>
        %xor3A_799 = arith.xori %or3A_798, %add3A_791 : vector<16xi32>
        %add3A_800 = arith.addi %add3A_791, %xor3A_799 : vector<16xi32>
        %shift_left3A_801 = arith.constant 24 : i32
        %shift_left3A_802 = vector.broadcast %shift_left3A_801 : i32 to vector<16xi32>
        %shift_left3A_803 = arith.shli %xor3A_799, %shift_left3A_802 : vector<16xi32>
        %shift_right_logical3A_804 = arith.constant 8 : i32
        %shift_right_logical3A_805 = vector.broadcast %shift_right_logical3A_804 : i32 to vector<16xi32>
        %shift_right_logical3A_806 = arith.shrui %xor3A_799, %shift_right_logical3A_805 : vector<16xi32>
        %or3A_807 = arith.ori %shift_left3A_803, %shift_right_logical3A_806 : vector<16xi32>
        %xor3A_808 = arith.xori %or3A_807, %add3A_800 : vector<16xi32>
        %add3A_809 = arith.addi %add3A_800, %xor3A_729 : vector<16xi32>
        %add3A_810 = arith.addi %xor3A_808, %get3A_2 : vector<16xi32>
        %add3A_811 = arith.constant 2 : i32
        %add3A_812 = vector.broadcast %add3A_811 : i32 to vector<16xi32>
        %add3A_813 = arith.addi %add3A_810, %add3A_812 : vector<16xi32>
        %add3A_814 = arith.addi %add3A_809, %add3A_813 : vector<16xi32>
        %shift_left3A_815 = arith.constant 13 : i32
        %shift_left3A_816 = vector.broadcast %shift_left3A_815 : i32 to vector<16xi32>
        %shift_left3A_817 = arith.shli %add3A_813, %shift_left3A_816 : vector<16xi32>
        %shift_right_logical3A_818 = arith.constant 19 : i32
        %shift_right_logical3A_819 = vector.broadcast %shift_right_logical3A_818 : i32 to vector<16xi32>
        %shift_right_logical3A_820 = arith.shrui %add3A_813, %shift_right_logical3A_819 : vector<16xi32>
        %or3A_821 = arith.ori %shift_left3A_817, %shift_right_logical3A_820 : vector<16xi32>
        %xor3A_822 = arith.xori %or3A_821, %add3A_814 : vector<16xi32>
        %add3A_823 = arith.addi %add3A_814, %xor3A_822 : vector<16xi32>
        %shift_left3A_824 = arith.constant 15 : i32
        %shift_left3A_825 = vector.broadcast %shift_left3A_824 : i32 to vector<16xi32>
        %shift_left3A_826 = arith.shli %xor3A_822, %shift_left3A_825 : vector<16xi32>
        %shift_right_logical3A_827 = arith.constant 17 : i32
        %shift_right_logical3A_828 = vector.broadcast %shift_right_logical3A_827 : i32 to vector<16xi32>
        %shift_right_logical3A_829 = arith.shrui %xor3A_822, %shift_right_logical3A_828 : vector<16xi32>
        %or3A_830 = arith.ori %shift_left3A_826, %shift_right_logical3A_829 : vector<16xi32>
        %xor3A_831 = arith.xori %or3A_830, %add3A_823 : vector<16xi32>
        %add3A_832 = arith.addi %add3A_823, %xor3A_831 : vector<16xi32>
        %shift_left3A_833 = arith.constant 26 : i32
        %shift_left3A_834 = vector.broadcast %shift_left3A_833 : i32 to vector<16xi32>
        %shift_left3A_835 = arith.shli %xor3A_831, %shift_left3A_834 : vector<16xi32>
        %shift_right_logical3A_836 = arith.constant 6 : i32
        %shift_right_logical3A_837 = vector.broadcast %shift_right_logical3A_836 : i32 to vector<16xi32>
        %shift_right_logical3A_838 = arith.shrui %xor3A_831, %shift_right_logical3A_837 : vector<16xi32>
        %or3A_839 = arith.ori %shift_left3A_835, %shift_right_logical3A_838 : vector<16xi32>
        %xor3A_840 = arith.xori %or3A_839, %add3A_832 : vector<16xi32>
        %add3A_841 = arith.addi %add3A_832, %xor3A_840 : vector<16xi32>
        %shift_left3A_842 = arith.constant 6 : i32
        %shift_left3A_843 = vector.broadcast %shift_left3A_842 : i32 to vector<16xi32>
        %shift_left3A_844 = arith.shli %xor3A_840, %shift_left3A_843 : vector<16xi32>
        %shift_right_logical3A_845 = arith.constant 26 : i32
        %shift_right_logical3A_846 = vector.broadcast %shift_right_logical3A_845 : i32 to vector<16xi32>
        %shift_right_logical3A_847 = arith.shrui %xor3A_840, %shift_right_logical3A_846 : vector<16xi32>
        %or3A_848 = arith.ori %shift_left3A_844, %shift_right_logical3A_847 : vector<16xi32>
        %xor3A_849 = arith.xori %or3A_848, %add3A_841 : vector<16xi32>
        %add3A_850 = arith.addi %add3A_841, %get3A_2 : vector<16xi32>
        %add3A_851 = arith.addi %xor3A_849, %get3A_5 : vector<16xi32>
        %add3A_852 = arith.constant 3 : i32
        %add3A_853 = vector.broadcast %add3A_852 : i32 to vector<16xi32>
        %add3A_854 = arith.addi %add3A_851, %add3A_853 : vector<16xi32>
        %add3A_855 = arith.addi %add3A_850, %add3A_854 : vector<16xi32>
        %shift_left3A_856 = arith.constant 17 : i32
        %shift_left3A_857 = vector.broadcast %shift_left3A_856 : i32 to vector<16xi32>
        %shift_left3A_858 = arith.shli %add3A_854, %shift_left3A_857 : vector<16xi32>
        %shift_right_logical3A_859 = arith.constant 15 : i32
        %shift_right_logical3A_860 = vector.broadcast %shift_right_logical3A_859 : i32 to vector<16xi32>
        %shift_right_logical3A_861 = arith.shrui %add3A_854, %shift_right_logical3A_860 : vector<16xi32>
        %or3A_862 = arith.ori %shift_left3A_858, %shift_right_logical3A_861 : vector<16xi32>
        %xor3A_863 = arith.xori %or3A_862, %add3A_855 : vector<16xi32>
        %add3A_864 = arith.addi %add3A_855, %xor3A_863 : vector<16xi32>
        %shift_left3A_865 = arith.constant 29 : i32
        %shift_left3A_866 = vector.broadcast %shift_left3A_865 : i32 to vector<16xi32>
        %shift_left3A_867 = arith.shli %xor3A_863, %shift_left3A_866 : vector<16xi32>
        %shift_right_logical3A_868 = arith.constant 3 : i32
        %shift_right_logical3A_869 = vector.broadcast %shift_right_logical3A_868 : i32 to vector<16xi32>
        %shift_right_logical3A_870 = arith.shrui %xor3A_863, %shift_right_logical3A_869 : vector<16xi32>
        %or3A_871 = arith.ori %shift_left3A_867, %shift_right_logical3A_870 : vector<16xi32>
        %xor3A_872 = arith.xori %or3A_871, %add3A_864 : vector<16xi32>
        %add3A_873 = arith.addi %add3A_864, %xor3A_872 : vector<16xi32>
        %shift_left3A_874 = arith.constant 16 : i32
        %shift_left3A_875 = vector.broadcast %shift_left3A_874 : i32 to vector<16xi32>
        %shift_left3A_876 = arith.shli %xor3A_872, %shift_left3A_875 : vector<16xi32>
        %shift_right_logical3A_877 = arith.constant 16 : i32
        %shift_right_logical3A_878 = vector.broadcast %shift_right_logical3A_877 : i32 to vector<16xi32>
        %shift_right_logical3A_879 = arith.shrui %xor3A_872, %shift_right_logical3A_878 : vector<16xi32>
        %or3A_880 = arith.ori %shift_left3A_876, %shift_right_logical3A_879 : vector<16xi32>
        %xor3A_881 = arith.xori %or3A_880, %add3A_873 : vector<16xi32>
        %add3A_882 = arith.addi %add3A_873, %xor3A_881 : vector<16xi32>
        %shift_left3A_883 = arith.constant 24 : i32
        %shift_left3A_884 = vector.broadcast %shift_left3A_883 : i32 to vector<16xi32>
        %shift_left3A_885 = arith.shli %xor3A_881, %shift_left3A_884 : vector<16xi32>
        %shift_right_logical3A_886 = arith.constant 8 : i32
        %shift_right_logical3A_887 = vector.broadcast %shift_right_logical3A_886 : i32 to vector<16xi32>
        %shift_right_logical3A_888 = arith.shrui %xor3A_881, %shift_right_logical3A_887 : vector<16xi32>
        %or3A_889 = arith.ori %shift_left3A_885, %shift_right_logical3A_888 : vector<16xi32>
        %xor3A_890 = arith.xori %or3A_889, %add3A_882 : vector<16xi32>
        %add3A_891 = arith.addi %add3A_882, %get3A_5 : vector<16xi32>
        %add3A_892 = arith.addi %xor3A_890, %xor3A_729 : vector<16xi32>
        %add3A_893 = arith.constant 4 : i32
        %add3A_894 = vector.broadcast %add3A_893 : i32 to vector<16xi32>
        %add3A_895 = arith.addi %add3A_892, %add3A_894 : vector<16xi32>
        %add3A_896 = arith.addi %add3A_891, %add3A_895 : vector<16xi32>
        %shift_left3A_897 = arith.constant 13 : i32
        %shift_left3A_898 = vector.broadcast %shift_left3A_897 : i32 to vector<16xi32>
        %shift_left3A_899 = arith.shli %add3A_895, %shift_left3A_898 : vector<16xi32>
        %shift_right_logical3A_900 = arith.constant 19 : i32
        %shift_right_logical3A_901 = vector.broadcast %shift_right_logical3A_900 : i32 to vector<16xi32>
        %shift_right_logical3A_902 = arith.shrui %add3A_895, %shift_right_logical3A_901 : vector<16xi32>
        %or3A_903 = arith.ori %shift_left3A_899, %shift_right_logical3A_902 : vector<16xi32>
        %xor3A_904 = arith.xori %or3A_903, %add3A_896 : vector<16xi32>
        %add3A_905 = arith.addi %add3A_896, %xor3A_904 : vector<16xi32>
        %shift_left3A_906 = arith.constant 15 : i32
        %shift_left3A_907 = vector.broadcast %shift_left3A_906 : i32 to vector<16xi32>
        %shift_left3A_908 = arith.shli %xor3A_904, %shift_left3A_907 : vector<16xi32>
        %shift_right_logical3A_909 = arith.constant 17 : i32
        %shift_right_logical3A_910 = vector.broadcast %shift_right_logical3A_909 : i32 to vector<16xi32>
        %shift_right_logical3A_911 = arith.shrui %xor3A_904, %shift_right_logical3A_910 : vector<16xi32>
        %or3A_912 = arith.ori %shift_left3A_908, %shift_right_logical3A_911 : vector<16xi32>
        %xor3A_913 = arith.xori %or3A_912, %add3A_905 : vector<16xi32>
        %add3A_914 = arith.addi %add3A_905, %xor3A_913 : vector<16xi32>
        %shift_left3A_915 = arith.constant 26 : i32
        %shift_left3A_916 = vector.broadcast %shift_left3A_915 : i32 to vector<16xi32>
        %shift_left3A_917 = arith.shli %xor3A_913, %shift_left3A_916 : vector<16xi32>
        %shift_right_logical3A_918 = arith.constant 6 : i32
        %shift_right_logical3A_919 = vector.broadcast %shift_right_logical3A_918 : i32 to vector<16xi32>
        %shift_right_logical3A_920 = arith.shrui %xor3A_913, %shift_right_logical3A_919 : vector<16xi32>
        %or3A_921 = arith.ori %shift_left3A_917, %shift_right_logical3A_920 : vector<16xi32>
        %xor3A_922 = arith.xori %or3A_921, %add3A_914 : vector<16xi32>
        %add3A_923 = arith.addi %add3A_914, %xor3A_922 : vector<16xi32>
        %shift_left3A_924 = arith.constant 6 : i32
        %shift_left3A_925 = vector.broadcast %shift_left3A_924 : i32 to vector<16xi32>
        %shift_left3A_926 = arith.shli %xor3A_922, %shift_left3A_925 : vector<16xi32>
        %shift_right_logical3A_927 = arith.constant 26 : i32
        %shift_right_logical3A_928 = vector.broadcast %shift_right_logical3A_927 : i32 to vector<16xi32>
        %shift_right_logical3A_929 = arith.shrui %xor3A_922, %shift_right_logical3A_928 : vector<16xi32>
        %or3A_930 = arith.ori %shift_left3A_926, %shift_right_logical3A_929 : vector<16xi32>
        %xor3A_931 = arith.xori %or3A_930, %add3A_923 : vector<16xi32>
        %add3A_932 = arith.addi %add3A_923, %xor3A_729 : vector<16xi32>
        %add3A_933 = arith.addi %xor3A_931, %get3A_2 : vector<16xi32>
        %add3A_934 = arith.constant 5 : i32
        %add3A_935 = vector.broadcast %add3A_934 : i32 to vector<16xi32>
        %add3A_936 = arith.addi %add3A_933, %add3A_935 : vector<16xi32>
        %xor3A_937 = arith.xori %add3A_932, %add3A_936 : vector<16xi32>
        %add3A_938 = arith.constant 48 : i32
        %add3A_939 = arith.addi %mul3A_46, %add3A_938 : i32
        %swap3A_940 = arith.index_cast %scan3A_35 : i32 to index
        %swap3A_941 = arith.index_cast %add3A_939 : i32 to index
        %swap3A_942 = tpu.vector_load %arg8[%swap3A_940, %swap3A_941] {strides = array<i32>} : memref<64x768xi32, #tpu.memory_space<vmem>>, vector<1x16xi32>,
        %swap3A_943 = vector.shape_cast %swap3A_942 : vector<1x16xi32> to vector<16xi32>
        %swap3A_944 = vector.shape_cast %xor3A_937 : vector<16xi32> to vector<1x16xi32>
        tpu.vector_store %arg8[%swap3A_940, %swap3A_941], %swap3A_944 {strides = array<i32>} : memref<64x768xi32, #tpu.memory_space<vmem>>, vector<1x16xi32>,
      }
      %scan3A_43 = arith.constant 12 : i32
    }
    %scan3A_14 = arith.constant 64 : i32
    "tpu.region"() ({
      %run_scoped3A = tpu.sem_alloc : memref<!tpu.dma_semaphore, #tpu.memory_space<semaphore_mem>>
      %dma_start3A = arith.constant 0 : i32
      %dma_start3A_35 = tpu.memref_slice %arg5[%add3A_9, %dma_start3A] : memref<6144x768xi32, #tpu.memory_space<hbm>> -> memref<64x768xi32, #tpu.memory_space<hbm>>
      %dma_start3A_36 = arith.constant 0 : i32
      %dma_start3A_37 = tpu.memref_slice %arg5[%add3A_9, %dma_start3A_36] : memref<6144x768xi32, #tpu.memory_space<hbm>> -> memref<64x768xi32, #tpu.memory_space<hbm>>
      tpu.enqueue_dma source(%arg8 : memref<64x768xi32, #tpu.memory_space<vmem>>) target(%dma_start3A_37 : memref<64x768xi32, #tpu.memory_space<hbm>>) target_semaphore(%run_scoped3A : memref<!tpu.dma_semaphore, #tpu.memory_space<semaphore_mem>>)
      %dma_wait3A = arith.constant 0 : i32
      %dma_wait3A_38 = tpu.memref_slice %arg5[%add3A_9, %dma_wait3A] : memref<6144x768xi32, #tpu.memory_space<hbm>> -> memref<64x768xi32, #tpu.memory_space<hbm>>
      %dma_wait3A_39 = arith.constant 0 : i32
      %dma_wait3A_40 = tpu.memref_slice %arg5[%add3A_9, %dma_wait3A_39] : memref<6144x768xi32, #tpu.memory_space<hbm>> -> memref<64x768xi32, #tpu.memory_space<hbm>>
      tpu.wait_dma2 semaphore(%run_scoped3A : memref<!tpu.dma_semaphore, #tpu.memory_space<semaphore_mem>>) src(%arg8 : memref<64x768xi32, #tpu.memory_space<vmem>>) dst(%dma_wait3A_40 : memref<64x768xi32, #tpu.memory_space<hbm>>)
      tpu.yield
    }) : () -> ()
    %mul3A_15 = arith.constant 192 : i32
    %mul3A_16 = arith.muli %add3A, %mul3A_15 : i32
    %add3A_17 = arith.constant 64 : i32
    %add3A_18 = arith.addi %mul3A_16, %add3A_17 : i32
    %scan3A_19 = arith.constant 0 : i32
    %scan3A_20 = arith.constant 0 : i32
    %scan3A_21 = arith.constant 64 : i32
    %scan3A_22 = arith.addi %scan3A_20, %scan3A_21 : i32
    %scan3A_23 = arith.constant 1 : i32
    scf.for %scan3A_35 = %scan3A_20 to %scan3A_22 step %scan3A_23  : i32 {
      %add3A_36 = arith.addi %add3A_18, %scan3A_35 : i32
      %mul3A_37 = arith.constant 768 : i32
      %mul3A_38 = arith.muli %add3A_36, %mul3A_37 : i32
      %scan3A_39 = arith.constant 0 : i32
      %scan3A_40 = arith.constant 12 : i32
      %scan3A_41 = arith.addi %scan3A_39, %scan3A_40 : i32
      %scan3A_42 = arith.constant 1 : i32
      scf.for %scan3A_44 = %scan3A_39 to %scan3A_41 step %scan3A_42  : i32 {
        %mul3A_45 = arith.constant 64 : i32
        %mul3A_46 = arith.muli %scan3A_44, %mul3A_45 : i32
        %add3A_47 = arith.addi %mul3A_38, %mul3A_46 : i32
        %add3A_48 = arith.constant 0 : i32
        %add3A_49 = arith.addi %add3A_47, %add3A_48 : i32
        %add3A_50 = vector.broadcast %add3A_49 : i32 to vector<16xi32>
        %add3A_51 = arith.addi %add3A_50, %iota3A : vector<16xi32>
        %broadcast_in_dim3A = arith.constant 0 : i32
        %broadcast_in_dim3A_52 = vector.broadcast %broadcast_in_dim3A : i32 to vector<16xi32>
        %xor3A = arith.xori %get3A_2, %get3A_5 : vector<16xi32>
        %xor3A_53 = arith.constant 466688986 : i32
        %xor3A_54 = vector.broadcast %xor3A_53 : i32 to vector<16xi32>
        %xor3A_55 = arith.xori %xor3A, %xor3A_54 : vector<16xi32>
        %add3A_56 = arith.addi %broadcast_in_dim3A_52, %get3A_2 : vector<16xi32>
        %add3A_57 = arith.addi %add3A_51, %get3A_5 : vector<16xi32>
        %add3A_58 = arith.addi %add3A_56, %add3A_57 : vector<16xi32>
        %shift_left3A = arith.constant 13 : i32
        %shift_left3A_59 = vector.broadcast %shift_left3A : i32 to vector<16xi32>
        %shift_left3A_60 = arith.shli %add3A_57, %shift_left3A_59 : vector<16xi32>
        %shift_right_logical3A = arith.constant 19 : i32
        %shift_right_logical3A_61 = vector.broadcast %shift_right_logical3A : i32 to vector<16xi32>
        %shift_right_logical3A_62 = arith.shrui %add3A_57, %shift_right_logical3A_61 : vector<16xi32>
        %or3A = arith.ori %shift_left3A_60, %shift_right_logical3A_62 : vector<16xi32>
        %xor3A_63 = arith.xori %or3A, %add3A_58 : vector<16xi32>
        %add3A_64 = arith.addi %add3A_58, %xor3A_63 : vector<16xi32>
        %shift_left3A_65 = arith.constant 15 : i32
        %shift_left3A_66 = vector.broadcast %shift_left3A_65 : i32 to vector<16xi32>
        %shift_left3A_67 = arith.shli %xor3A_63, %shift_left3A_66 : vector<16xi32>
        %shift_right_logical3A_68 = arith.constant 17 : i32
        %shift_right_logical3A_69 = vector.broadcast %shift_right_logical3A_68 : i32 to vector<16xi32>
        %shift_right_logical3A_70 = arith.shrui %xor3A_63, %shift_right_logical3A_69 : vector<16xi32>
        %or3A_71 = arith.ori %shift_left3A_67, %shift_right_logical3A_70 : vector<16xi32>
        %xor3A_72 = arith.xori %or3A_71, %add3A_64 : vector<16xi32>
        %add3A_73 = arith.addi %add3A_64, %xor3A_72 : vector<16xi32>
        %shift_left3A_74 = arith.constant 26 : i32
        %shift_left3A_75 = vector.broadcast %shift_left3A_74 : i32 to vector<16xi32>
        %shift_left3A_76 = arith.shli %xor3A_72, %shift_left3A_75 : vector<16xi32>
        %shift_right_logical3A_77 = arith.constant 6 : i32
        %shift_right_logical3A_78 = vector.broadcast %shift_right_logical3A_77 : i32 to vector<16xi32>
        %shift_right_logical3A_79 = arith.shrui %xor3A_72, %shift_right_logical3A_78 : vector<16xi32>
        %or3A_80 = arith.ori %shift_left3A_76, %shift_right_logical3A_79 : vector<16xi32>
        %xor3A_81 = arith.xori %or3A_80, %add3A_73 : vector<16xi32>
        %add3A_82 = arith.addi %add3A_73, %xor3A_81 : vector<16xi32>
        %shift_left3A_83 = arith.constant 6 : i32
        %shift_left3A_84 = vector.broadcast %shift_left3A_83 : i32 to vector<16xi32>
        %shift_left3A_85 = arith.shli %xor3A_81, %shift_left3A_84 : vector<16xi32>
        %shift_right_logical3A_86 = arith.constant 26 : i32
        %shift_right_logical3A_87 = vector.broadcast %shift_right_logical3A_86 : i32 to vector<16xi32>
        %shift_right_logical3A_88 = arith.shrui %xor3A_81, %shift_right_logical3A_87 : vector<16xi32>
        %or3A_89 = arith.ori %shift_left3A_85, %shift_right_logical3A_88 : vector<16xi32>
        %xor3A_90 = arith.xori %or3A_89, %add3A_82 : vector<16xi32>
        %add3A_91 = arith.addi %add3A_82, %get3A_5 : vector<16xi32>
        %add3A_92 = arith.addi %xor3A_90, %xor3A_55 : vector<16xi32>
        %add3A_93 = arith.constant 1 : i32
        %add3A_94 = vector.broadcast %add3A_93 : i32 to vector<16xi32>
        %add3A_95 = arith.addi %add3A_92, %add3A_94 : vector<16xi32>
        %add3A_96 = arith.addi %add3A_91, %add3A_95 : vector<16xi32>
        %shift_left3A_97 = arith.constant 17 : i32
        %shift_left3A_98 = vector.broadcast %shift_left3A_97 : i32 to vector<16xi32>
        %shift_left3A_99 = arith.shli %add3A_95, %shift_left3A_98 : vector<16xi32>
        %shift_right_logical3A_100 = arith.constant 15 : i32
        %shift_right_logical3A_101 = vector.broadcast %shift_right_logical3A_100 : i32 to vector<16xi32>
        %shift_right_logical3A_102 = arith.shrui %add3A_95, %shift_right_logical3A_101 : vector<16xi32>
        %or3A_103 = arith.ori %shift_left3A_99, %shift_right_logical3A_102 : vector<16xi32>
        %xor3A_104 = arith.xori %or3A_103, %add3A_96 : vector<16xi32>
        %add3A_105 = arith.addi %add3A_96, %xor3A_104 : vector<16xi32>
        %shift_left3A_106 = arith.constant 29 : i32
        %shift_left3A_107 = vector.broadcast %shift_left3A_106 : i32 to vector<16xi32>
        %shift_left3A_108 = arith.shli %xor3A_104, %shift_left3A_107 : vector<16xi32>
        %shift_right_logical3A_109 = arith.constant 3 : i32
        %shift_right_logical3A_110 = vector.broadcast %shift_right_logical3A_109 : i32 to vector<16xi32>
        %shift_right_logical3A_111 = arith.shrui %xor3A_104, %shift_right_logical3A_110 : vector<16xi32>
        %or3A_112 = arith.ori %shift_left3A_108, %shift_right_logical3A_111 : vector<16xi32>
        %xor3A_113 = arith.xori %or3A_112, %add3A_105 : vector<16xi32>
        %add3A_114 = arith.addi %add3A_105, %xor3A_113 : vector<16xi32>
        %shift_left3A_115 = arith.constant 16 : i32
        %shift_left3A_116 = vector.broadcast %shift_left3A_115 : i32 to vector<16xi32>
        %shift_left3A_117 = arith.shli %xor3A_113, %shift_left3A_116 : vector<16xi32>
        %shift_right_logical3A_118 = arith.constant 16 : i32
        %shift_right_logical3A_119 = vector.broadcast %shift_right_logical3A_118 : i32 to vector<16xi32>
        %shift_right_logical3A_120 = arith.shrui %xor3A_113, %shift_right_logical3A_119 : vector<16xi32>
        %or3A_121 = arith.ori %shift_left3A_117, %shift_right_logical3A_120 : vector<16xi32>
        %xor3A_122 = arith.xori %or3A_121, %add3A_114 : vector<16xi32>
        %add3A_123 = arith.addi %add3A_114, %xor3A_122 : vector<16xi32>
        %shift_left3A_124 = arith.constant 24 : i32
        %shift_left3A_125 = vector.broadcast %shift_left3A_124 : i32 to vector<16xi32>
        %shift_left3A_126 = arith.shli %xor3A_122, %shift_left3A_125 : vector<16xi32>
        %shift_right_logical3A_127 = arith.constant 8 : i32
        %shift_right_logical3A_128 = vector.broadcast %shift_right_logical3A_127 : i32 to vector<16xi32>
        %shift_right_logical3A_129 = arith.shrui %xor3A_122, %shift_right_logical3A_128 : vector<16xi32>
        %or3A_130 = arith.ori %shift_left3A_126, %shift_right_logical3A_129 : vector<16xi32>
        %xor3A_131 = arith.xori %or3A_130, %add3A_123 : vector<16xi32>
        %add3A_132 = arith.addi %add3A_123, %xor3A_55 : vector<16xi32>
        %add3A_133 = arith.addi %xor3A_131, %get3A_2 : vector<16xi32>
        %add3A_134 = arith.constant 2 : i32
        %add3A_135 = vector.broadcast %add3A_134 : i32 to vector<16xi32>
        %add3A_136 = arith.addi %add3A_133, %add3A_135 : vector<16xi32>
        %add3A_137 = arith.addi %add3A_132, %add3A_136 : vector<16xi32>
        %shift_left3A_138 = arith.constant 13 : i32
        %shift_left3A_139 = vector.broadcast %shift_left3A_138 : i32 to vector<16xi32>
        %shift_left3A_140 = arith.shli %add3A_136, %shift_left3A_139 : vector<16xi32>
        %shift_right_logical3A_141 = arith.constant 19 : i32
        %shift_right_logical3A_142 = vector.broadcast %shift_right_logical3A_141 : i32 to vector<16xi32>
        %shift_right_logical3A_143 = arith.shrui %add3A_136, %shift_right_logical3A_142 : vector<16xi32>
        %or3A_144 = arith.ori %shift_left3A_140, %shift_right_logical3A_143 : vector<16xi32>
        %xor3A_145 = arith.xori %or3A_144, %add3A_137 : vector<16xi32>
        %add3A_146 = arith.addi %add3A_137, %xor3A_145 : vector<16xi32>
        %shift_left3A_147 = arith.constant 15 : i32
        %shift_left3A_148 = vector.broadcast %shift_left3A_147 : i32 to vector<16xi32>
        %shift_left3A_149 = arith.shli %xor3A_145, %shift_left3A_148 : vector<16xi32>
        %shift_right_logical3A_150 = arith.constant 17 : i32
        %shift_right_logical3A_151 = vector.broadcast %shift_right_logical3A_150 : i32 to vector<16xi32>
        %shift_right_logical3A_152 = arith.shrui %xor3A_145, %shift_right_logical3A_151 : vector<16xi32>
        %or3A_153 = arith.ori %shift_left3A_149, %shift_right_logical3A_152 : vector<16xi32>
        %xor3A_154 = arith.xori %or3A_153, %add3A_146 : vector<16xi32>
        %add3A_155 = arith.addi %add3A_146, %xor3A_154 : vector<16xi32>
        %shift_left3A_156 = arith.constant 26 : i32
        %shift_left3A_157 = vector.broadcast %shift_left3A_156 : i32 to vector<16xi32>
        %shift_left3A_158 = arith.shli %xor3A_154, %shift_left3A_157 : vector<16xi32>
        %shift_right_logical3A_159 = arith.constant 6 : i32
        %shift_right_logical3A_160 = vector.broadcast %shift_right_logical3A_159 : i32 to vector<16xi32>
        %shift_right_logical3A_161 = arith.shrui %xor3A_154, %shift_right_logical3A_160 : vector<16xi32>
        %or3A_162 = arith.ori %shift_left3A_158, %shift_right_logical3A_161 : vector<16xi32>
        %xor3A_163 = arith.xori %or3A_162, %add3A_155 : vector<16xi32>
        %add3A_164 = arith.addi %add3A_155, %xor3A_163 : vector<16xi32>
        %shift_left3A_165 = arith.constant 6 : i32
        %shift_left3A_166 = vector.broadcast %shift_left3A_165 : i32 to vector<16xi32>
        %shift_left3A_167 = arith.shli %xor3A_163, %shift_left3A_166 : vector<16xi32>
        %shift_right_logical3A_168 = arith.constant 26 : i32
        %shift_right_logical3A_169 = vector.broadcast %shift_right_logical3A_168 : i32 to vector<16xi32>
        %shift_right_logical3A_170 = arith.shrui %xor3A_163, %shift_right_logical3A_169 : vector<16xi32>
        %or3A_171 = arith.ori %shift_left3A_167, %shift_right_logical3A_170 : vector<16xi32>
        %xor3A_172 = arith.xori %or3A_171, %add3A_164 : vector<16xi32>
        %add3A_173 = arith.addi %add3A_164, %get3A_2 : vector<16xi32>
        %add3A_174 = arith.addi %xor3A_172, %get3A_5 : vector<16xi32>
        %add3A_175 = arith.constant 3 : i32
        %add3A_176 = vector.broadcast %add3A_175 : i32 to vector<16xi32>
        %add3A_177 = arith.addi %add3A_174, %add3A_176 : vector<16xi32>
        %add3A_178 = arith.addi %add3A_173, %add3A_177 : vector<16xi32>
        %shift_left3A_179 = arith.constant 17 : i32
        %shift_left3A_180 = vector.broadcast %shift_left3A_179 : i32 to vector<16xi32>
        %shift_left3A_181 = arith.shli %add3A_177, %shift_left3A_180 : vector<16xi32>
        %shift_right_logical3A_182 = arith.constant 15 : i32
        %shift_right_logical3A_183 = vector.broadcast %shift_right_logical3A_182 : i32 to vector<16xi32>
        %shift_right_logical3A_184 = arith.shrui %add3A_177, %shift_right_logical3A_183 : vector<16xi32>
        %or3A_185 = arith.ori %shift_left3A_181, %shift_right_logical3A_184 : vector<16xi32>
        %xor3A_186 = arith.xori %or3A_185, %add3A_178 : vector<16xi32>
        %add3A_187 = arith.addi %add3A_178, %xor3A_186 : vector<16xi32>
        %shift_left3A_188 = arith.constant 29 : i32
        %shift_left3A_189 = vector.broadcast %shift_left3A_188 : i32 to vector<16xi32>
        %shift_left3A_190 = arith.shli %xor3A_186, %shift_left3A_189 : vector<16xi32>
        %shift_right_logical3A_191 = arith.constant 3 : i32
        %shift_right_logical3A_192 = vector.broadcast %shift_right_logical3A_191 : i32 to vector<16xi32>
        %shift_right_logical3A_193 = arith.shrui %xor3A_186, %shift_right_logical3A_192 : vector<16xi32>
        %or3A_194 = arith.ori %shift_left3A_190, %shift_right_logical3A_193 : vector<16xi32>
        %xor3A_195 = arith.xori %or3A_194, %add3A_187 : vector<16xi32>
        %add3A_196 = arith.addi %add3A_187, %xor3A_195 : vector<16xi32>
        %shift_left3A_197 = arith.constant 16 : i32
        %shift_left3A_198 = vector.broadcast %shift_left3A_197 : i32 to vector<16xi32>
        %shift_left3A_199 = arith.shli %xor3A_195, %shift_left3A_198 : vector<16xi32>
        %shift_right_logical3A_200 = arith.constant 16 : i32
        %shift_right_logical3A_201 = vector.broadcast %shift_right_logical3A_200 : i32 to vector<16xi32>
        %shift_right_logical3A_202 = arith.shrui %xor3A_195, %shift_right_logical3A_201 : vector<16xi32>
        %or3A_203 = arith.ori %shift_left3A_199, %shift_right_logical3A_202 : vector<16xi32>
        %xor3A_204 = arith.xori %or3A_203, %add3A_196 : vector<16xi32>
        %add3A_205 = arith.addi %add3A_196, %xor3A_204 : vector<16xi32>
        %shift_left3A_206 = arith.constant 24 : i32
        %shift_left3A_207 = vector.broadcast %shift_left3A_206 : i32 to vector<16xi32>
        %shift_left3A_208 = arith.shli %xor3A_204, %shift_left3A_207 : vector<16xi32>
        %shift_right_logical3A_209 = arith.constant 8 : i32
        %shift_right_logical3A_210 = vector.broadcast %shift_right_logical3A_209 : i32 to vector<16xi32>
        %shift_right_logical3A_211 = arith.shrui %xor3A_204, %shift_right_logical3A_210 : vector<16xi32>
        %or3A_212 = arith.ori %shift_left3A_208, %shift_right_logical3A_211 : vector<16xi32>
        %xor3A_213 = arith.xori %or3A_212, %add3A_205 : vector<16xi32>
        %add3A_214 = arith.addi %add3A_205, %get3A_5 : vector<16xi32>
        %add3A_215 = arith.addi %xor3A_213, %xor3A_55 : vector<16xi32>
        %add3A_216 = arith.constant 4 : i32
        %add3A_217 = vector.broadcast %add3A_216 : i32 to vector<16xi32>
        %add3A_218 = arith.addi %add3A_215, %add3A_217 : vector<16xi32>
        %add3A_219 = arith.addi %add3A_214, %add3A_218 : vector<16xi32>
        %shift_left3A_220 = arith.constant 13 : i32
        %shift_left3A_221 = vector.broadcast %shift_left3A_220 : i32 to vector<16xi32>
        %shift_left3A_222 = arith.shli %add3A_218, %shift_left3A_221 : vector<16xi32>
        %shift_right_logical3A_223 = arith.constant 19 : i32
        %shift_right_logical3A_224 = vector.broadcast %shift_right_logical3A_223 : i32 to vector<16xi32>
        %shift_right_logical3A_225 = arith.shrui %add3A_218, %shift_right_logical3A_224 : vector<16xi32>
        %or3A_226 = arith.ori %shift_left3A_222, %shift_right_logical3A_225 : vector<16xi32>
        %xor3A_227 = arith.xori %or3A_226, %add3A_219 : vector<16xi32>
        %add3A_228 = arith.addi %add3A_219, %xor3A_227 : vector<16xi32>
        %shift_left3A_229 = arith.constant 15 : i32
        %shift_left3A_230 = vector.broadcast %shift_left3A_229 : i32 to vector<16xi32>
        %shift_left3A_231 = arith.shli %xor3A_227, %shift_left3A_230 : vector<16xi32>
        %shift_right_logical3A_232 = arith.constant 17 : i32
        %shift_right_logical3A_233 = vector.broadcast %shift_right_logical3A_232 : i32 to vector<16xi32>
        %shift_right_logical3A_234 = arith.shrui %xor3A_227, %shift_right_logical3A_233 : vector<16xi32>
        %or3A_235 = arith.ori %shift_left3A_231, %shift_right_logical3A_234 : vector<16xi32>
        %xor3A_236 = arith.xori %or3A_235, %add3A_228 : vector<16xi32>
        %add3A_237 = arith.addi %add3A_228, %xor3A_236 : vector<16xi32>
        %shift_left3A_238 = arith.constant 26 : i32
        %shift_left3A_239 = vector.broadcast %shift_left3A_238 : i32 to vector<16xi32>
        %shift_left3A_240 = arith.shli %xor3A_236, %shift_left3A_239 : vector<16xi32>
        %shift_right_logical3A_241 = arith.constant 6 : i32
        %shift_right_logical3A_242 = vector.broadcast %shift_right_logical3A_241 : i32 to vector<16xi32>
        %shift_right_logical3A_243 = arith.shrui %xor3A_236, %shift_right_logical3A_242 : vector<16xi32>
        %or3A_244 = arith.ori %shift_left3A_240, %shift_right_logical3A_243 : vector<16xi32>
        %xor3A_245 = arith.xori %or3A_244, %add3A_237 : vector<16xi32>
        %add3A_246 = arith.addi %add3A_237, %xor3A_245 : vector<16xi32>
        %shift_left3A_247 = arith.constant 6 : i32
        %shift_left3A_248 = vector.broadcast %shift_left3A_247 : i32 to vector<16xi32>
        %shift_left3A_249 = arith.shli %xor3A_245, %shift_left3A_248 : vector<16xi32>
        %shift_right_logical3A_250 = arith.constant 26 : i32
        %shift_right_logical3A_251 = vector.broadcast %shift_right_logical3A_250 : i32 to vector<16xi32>
        %shift_right_logical3A_252 = arith.shrui %xor3A_245, %shift_right_logical3A_251 : vector<16xi32>
        %or3A_253 = arith.ori %shift_left3A_249, %shift_right_logical3A_252 : vector<16xi32>
        %xor3A_254 = arith.xori %or3A_253, %add3A_246 : vector<16xi32>
        %add3A_255 = arith.addi %add3A_246, %xor3A_55 : vector<16xi32>
        %add3A_256 = arith.addi %xor3A_254, %get3A_2 : vector<16xi32>
        %add3A_257 = arith.constant 5 : i32
        %add3A_258 = vector.broadcast %add3A_257 : i32 to vector<16xi32>
        %add3A_259 = arith.addi %add3A_256, %add3A_258 : vector<16xi32>
        %xor3A_260 = arith.xori %add3A_255, %add3A_259 : vector<16xi32>
        %add3A_261 = arith.constant 0 : i32
        %add3A_262 = arith.addi %mul3A_46, %add3A_261 : i32
        %swap3A = arith.index_cast %scan3A_35 : i32 to index
        %swap3A_263 = arith.index_cast %add3A_262 : i32 to index
        %swap3A_264 = tpu.vector_load %arg8[%swap3A, %swap3A_263] {strides = array<i32>} : memref<64x768xi32, #tpu.memory_space<vmem>>, vector<1x16xi32>,
        %swap3A_265 = vector.shape_cast %swap3A_264 : vector<1x16xi32> to vector<16xi32>
        %swap3A_266 = vector.shape_cast %xor3A_260 : vector<16xi32> to vector<1x16xi32>
        tpu.vector_store %arg8[%swap3A, %swap3A_263], %swap3A_266 {strides = array<i32>} : memref<64x768xi32, #tpu.memory_space<vmem>>, vector<1x16xi32>,
        %add3A_267 = arith.addi %mul3A_38, %mul3A_46 : i32
        %add3A_268 = arith.constant 16 : i32
        %add3A_269 = arith.addi %add3A_267, %add3A_268 : i32
        %add3A_270 = vector.broadcast %add3A_269 : i32 to vector<16xi32>
        %add3A_271 = arith.addi %add3A_270, %iota3A : vector<16xi32>
        %broadcast_in_dim3A_272 = arith.constant 0 : i32
        %broadcast_in_dim3A_273 = vector.broadcast %broadcast_in_dim3A_272 : i32 to vector<16xi32>
        %xor3A_274 = arith.xori %get3A_2, %get3A_5 : vector<16xi32>
        %xor3A_275 = arith.constant 466688986 : i32
        %xor3A_276 = vector.broadcast %xor3A_275 : i32 to vector<16xi32>
        %xor3A_277 = arith.xori %xor3A_274, %xor3A_276 : vector<16xi32>
        %add3A_278 = arith.addi %broadcast_in_dim3A_273, %get3A_2 : vector<16xi32>
        %add3A_279 = arith.addi %add3A_271, %get3A_5 : vector<16xi32>
        %add3A_280 = arith.addi %add3A_278, %add3A_279 : vector<16xi32>
        %shift_left3A_281 = arith.constant 13 : i32
        %shift_left3A_282 = vector.broadcast %shift_left3A_281 : i32 to vector<16xi32>
        %shift_left3A_283 = arith.shli %add3A_279, %shift_left3A_282 : vector<16xi32>
        %shift_right_logical3A_284 = arith.constant 19 : i32
        %shift_right_logical3A_285 = vector.broadcast %shift_right_logical3A_284 : i32 to vector<16xi32>
        %shift_right_logical3A_286 = arith.shrui %add3A_279, %shift_right_logical3A_285 : vector<16xi32>
        %or3A_287 = arith.ori %shift_left3A_283, %shift_right_logical3A_286 : vector<16xi32>
        %xor3A_288 = arith.xori %or3A_287, %add3A_280 : vector<16xi32>
        %add3A_289 = arith.addi %add3A_280, %xor3A_288 : vector<16xi32>
        %shift_left3A_290 = arith.constant 15 : i32
        %shift_left3A_291 = vector.broadcast %shift_left3A_290 : i32 to vector<16xi32>
        %shift_left3A_292 = arith.shli %xor3A_288, %shift_left3A_291 : vector<16xi32>
        %shift_right_logical3A_293 = arith.constant 17 : i32
        %shift_right_logical3A_294 = vector.broadcast %shift_right_logical3A_293 : i32 to vector<16xi32>
        %shift_right_logical3A_295 = arith.shrui %xor3A_288, %shift_right_logical3A_294 : vector<16xi32>
        %or3A_296 = arith.ori %shift_left3A_292, %shift_right_logical3A_295 : vector<16xi32>
        %xor3A_297 = arith.xori %or3A_296, %add3A_289 : vector<16xi32>
        %add3A_298 = arith.addi %add3A_289, %xor3A_297 : vector<16xi32>
        %shift_left3A_299 = arith.constant 26 : i32
        %shift_left3A_300 = vector.broadcast %shift_left3A_299 : i32 to vector<16xi32>
        %shift_left3A_301 = arith.shli %xor3A_297, %shift_left3A_300 : vector<16xi32>
        %shift_right_logical3A_302 = arith.constant 6 : i32
        %shift_right_logical3A_303 = vector.broadcast %shift_right_logical3A_302 : i32 to vector<16xi32>
        %shift_right_logical3A_304 = arith.shrui %xor3A_297, %shift_right_logical3A_303 : vector<16xi32>
        %or3A_305 = arith.ori %shift_left3A_301, %shift_right_logical3A_304 : vector<16xi32>
        %xor3A_306 = arith.xori %or3A_305, %add3A_298 : vector<16xi32>
        %add3A_307 = arith.addi %add3A_298, %xor3A_306 : vector<16xi32>
        %shift_left3A_308 = arith.constant 6 : i32
        %shift_left3A_309 = vector.broadcast %shift_left3A_308 : i32 to vector<16xi32>
        %shift_left3A_310 = arith.shli %xor3A_306, %shift_left3A_309 : vector<16xi32>
        %shift_right_logical3A_311 = arith.constant 26 : i32
        %shift_right_logical3A_312 = vector.broadcast %shift_right_logical3A_311 : i32 to vector<16xi32>
        %shift_right_logical3A_313 = arith.shrui %xor3A_306, %shift_right_logical3A_312 : vector<16xi32>
        %or3A_314 = arith.ori %shift_left3A_310, %shift_right_logical3A_313 : vector<16xi32>
        %xor3A_315 = arith.xori %or3A_314, %add3A_307 : vector<16xi32>
        %add3A_316 = arith.addi %add3A_307, %get3A_5 : vector<16xi32>
        %add3A_317 = arith.addi %xor3A_315, %xor3A_277 : vector<16xi32>
        %add3A_318 = arith.constant 1 : i32
        %add3A_319 = vector.broadcast %add3A_318 : i32 to vector<16xi32>
        %add3A_320 = arith.addi %add3A_317, %add3A_319 : vector<16xi32>
        %add3A_321 = arith.addi %add3A_316, %add3A_320 : vector<16xi32>
        %shift_left3A_322 = arith.constant 17 : i32
        %shift_left3A_323 = vector.broadcast %shift_left3A_322 : i32 to vector<16xi32>
        %shift_left3A_324 = arith.shli %add3A_320, %shift_left3A_323 : vector<16xi32>
        %shift_right_logical3A_325 = arith.constant 15 : i32
        %shift_right_logical3A_326 = vector.broadcast %shift_right_logical3A_325 : i32 to vector<16xi32>
        %shift_right_logical3A_327 = arith.shrui %add3A_320, %shift_right_logical3A_326 : vector<16xi32>
        %or3A_328 = arith.ori %shift_left3A_324, %shift_right_logical3A_327 : vector<16xi32>
        %xor3A_329 = arith.xori %or3A_328, %add3A_321 : vector<16xi32>
        %add3A_330 = arith.addi %add3A_321, %xor3A_329 : vector<16xi32>
        %shift_left3A_331 = arith.constant 29 : i32
        %shift_left3A_332 = vector.broadcast %shift_left3A_331 : i32 to vector<16xi32>
        %shift_left3A_333 = arith.shli %xor3A_329, %shift_left3A_332 : vector<16xi32>
        %shift_right_logical3A_334 = arith.constant 3 : i32
        %shift_right_logical3A_335 = vector.broadcast %shift_right_logical3A_334 : i32 to vector<16xi32>
        %shift_right_logical3A_336 = arith.shrui %xor3A_329, %shift_right_logical3A_335 : vector<16xi32>
        %or3A_337 = arith.ori %shift_left3A_333, %shift_right_logical3A_336 : vector<16xi32>
        %xor3A_338 = arith.xori %or3A_337, %add3A_330 : vector<16xi32>
        %add3A_339 = arith.addi %add3A_330, %xor3A_338 : vector<16xi32>
        %shift_left3A_340 = arith.constant 16 : i32
        %shift_left3A_341 = vector.broadcast %shift_left3A_340 : i32 to vector<16xi32>
        %shift_left3A_342 = arith.shli %xor3A_338, %shift_left3A_341 : vector<16xi32>
        %shift_right_logical3A_343 = arith.constant 16 : i32
        %shift_right_logical3A_344 = vector.broadcast %shift_right_logical3A_343 : i32 to vector<16xi32>
        %shift_right_logical3A_345 = arith.shrui %xor3A_338, %shift_right_logical3A_344 : vector<16xi32>
        %or3A_346 = arith.ori %shift_left3A_342, %shift_right_logical3A_345 : vector<16xi32>
        %xor3A_347 = arith.xori %or3A_346, %add3A_339 : vector<16xi32>
        %add3A_348 = arith.addi %add3A_339, %xor3A_347 : vector<16xi32>
        %shift_left3A_349 = arith.constant 24 : i32
        %shift_left3A_350 = vector.broadcast %shift_left3A_349 : i32 to vector<16xi32>
        %shift_left3A_351 = arith.shli %xor3A_347, %shift_left3A_350 : vector<16xi32>
        %shift_right_logical3A_352 = arith.constant 8 : i32
        %shift_right_logical3A_353 = vector.broadcast %shift_right_logical3A_352 : i32 to vector<16xi32>
        %shift_right_logical3A_354 = arith.shrui %xor3A_347, %shift_right_logical3A_353 : vector<16xi32>
        %or3A_355 = arith.ori %shift_left3A_351, %shift_right_logical3A_354 : vector<16xi32>
        %xor3A_356 = arith.xori %or3A_355, %add3A_348 : vector<16xi32>
        %add3A_357 = arith.addi %add3A_348, %xor3A_277 : vector<16xi32>
        %add3A_358 = arith.addi %xor3A_356, %get3A_2 : vector<16xi32>
        %add3A_359 = arith.constant 2 : i32
        %add3A_360 = vector.broadcast %add3A_359 : i32 to vector<16xi32>
        %add3A_361 = arith.addi %add3A_358, %add3A_360 : vector<16xi32>
        %add3A_362 = arith.addi %add3A_357, %add3A_361 : vector<16xi32>
        %shift_left3A_363 = arith.constant 13 : i32
        %shift_left3A_364 = vector.broadcast %shift_left3A_363 : i32 to vector<16xi32>
        %shift_left3A_365 = arith.shli %add3A_361, %shift_left3A_364 : vector<16xi32>
        %shift_right_logical3A_366 = arith.constant 19 : i32
        %shift_right_logical3A_367 = vector.broadcast %shift_right_logical3A_366 : i32 to vector<16xi32>
        %shift_right_logical3A_368 = arith.shrui %add3A_361, %shift_right_logical3A_367 : vector<16xi32>
        %or3A_369 = arith.ori %shift_left3A_365, %shift_right_logical3A_368 : vector<16xi32>
        %xor3A_370 = arith.xori %or3A_369, %add3A_362 : vector<16xi32>
        %add3A_371 = arith.addi %add3A_362, %xor3A_370 : vector<16xi32>
        %shift_left3A_372 = arith.constant 15 : i32
        %shift_left3A_373 = vector.broadcast %shift_left3A_372 : i32 to vector<16xi32>
        %shift_left3A_374 = arith.shli %xor3A_370, %shift_left3A_373 : vector<16xi32>
        %shift_right_logical3A_375 = arith.constant 17 : i32
        %shift_right_logical3A_376 = vector.broadcast %shift_right_logical3A_375 : i32 to vector<16xi32>
        %shift_right_logical3A_377 = arith.shrui %xor3A_370, %shift_right_logical3A_376 : vector<16xi32>
        %or3A_378 = arith.ori %shift_left3A_374, %shift_right_logical3A_377 : vector<16xi32>
        %xor3A_379 = arith.xori %or3A_378, %add3A_371 : vector<16xi32>
        %add3A_380 = arith.addi %add3A_371, %xor3A_379 : vector<16xi32>
        %shift_left3A_381 = arith.constant 26 : i32
        %shift_left3A_382 = vector.broadcast %shift_left3A_381 : i32 to vector<16xi32>
        %shift_left3A_383 = arith.shli %xor3A_379, %shift_left3A_382 : vector<16xi32>
        %shift_right_logical3A_384 = arith.constant 6 : i32
        %shift_right_logical3A_385 = vector.broadcast %shift_right_logical3A_384 : i32 to vector<16xi32>
        %shift_right_logical3A_386 = arith.shrui %xor3A_379, %shift_right_logical3A_385 : vector<16xi32>
        %or3A_387 = arith.ori %shift_left3A_383, %shift_right_logical3A_386 : vector<16xi32>
        %xor3A_388 = arith.xori %or3A_387, %add3A_380 : vector<16xi32>
        %add3A_389 = arith.addi %add3A_380, %xor3A_388 : vector<16xi32>
        %shift_left3A_390 = arith.constant 6 : i32
        %shift_left3A_391 = vector.broadcast %shift_left3A_390 : i32 to vector<16xi32>
        %shift_left3A_392 = arith.shli %xor3A_388, %shift_left3A_391 : vector<16xi32>
        %shift_right_logical3A_393 = arith.constant 26 : i32
        %shift_right_logical3A_394 = vector.broadcast %shift_right_logical3A_393 : i32 to vector<16xi32>
        %shift_right_logical3A_395 = arith.shrui %xor3A_388, %shift_right_logical3A_394 : vector<16xi32>
        %or3A_396 = arith.ori %shift_left3A_392, %shift_right_logical3A_395 : vector<16xi32>
        %xor3A_397 = arith.xori %or3A_396, %add3A_389 : vector<16xi32>
        %add3A_398 = arith.addi %add3A_389, %get3A_2 : vector<16xi32>
        %add3A_399 = arith.addi %xor3A_397, %get3A_5 : vector<16xi32>
        %add3A_400 = arith.constant 3 : i32
        %add3A_401 = vector.broadcast %add3A_400 : i32 to vector<16xi32>
        %add3A_402 = arith.addi %add3A_399, %add3A_401 : vector<16xi32>
        %add3A_403 = arith.addi %add3A_398, %add3A_402 : vector<16xi32>
        %shift_left3A_404 = arith.constant 17 : i32
        %shift_left3A_405 = vector.broadcast %shift_left3A_404 : i32 to vector<16xi32>
        %shift_left3A_406 = arith.shli %add3A_402, %shift_left3A_405 : vector<16xi32>
        %shift_right_logical3A_407 = arith.constant 15 : i32
        %shift_right_logical3A_408 = vector.broadcast %shift_right_logical3A_407 : i32 to vector<16xi32>
        %shift_right_logical3A_409 = arith.shrui %add3A_402, %shift_right_logical3A_408 : vector<16xi32>
        %or3A_410 = arith.ori %shift_left3A_406, %shift_right_logical3A_409 : vector<16xi32>
        %xor3A_411 = arith.xori %or3A_410, %add3A_403 : vector<16xi32>
        %add3A_412 = arith.addi %add3A_403, %xor3A_411 : vector<16xi32>
        %shift_left3A_413 = arith.constant 29 : i32
        %shift_left3A_414 = vector.broadcast %shift_left3A_413 : i32 to vector<16xi32>
        %shift_left3A_415 = arith.shli %xor3A_411, %shift_left3A_414 : vector<16xi32>
        %shift_right_logical3A_416 = arith.constant 3 : i32
        %shift_right_logical3A_417 = vector.broadcast %shift_right_logical3A_416 : i32 to vector<16xi32>
        %shift_right_logical3A_418 = arith.shrui %xor3A_411, %shift_right_logical3A_417 : vector<16xi32>
        %or3A_419 = arith.ori %shift_left3A_415, %shift_right_logical3A_418 : vector<16xi32>
        %xor3A_420 = arith.xori %or3A_419, %add3A_412 : vector<16xi32>
        %add3A_421 = arith.addi %add3A_412, %xor3A_420 : vector<16xi32>
        %shift_left3A_422 = arith.constant 16 : i32
        %shift_left3A_423 = vector.broadcast %shift_left3A_422 : i32 to vector<16xi32>
        %shift_left3A_424 = arith.shli %xor3A_420, %shift_left3A_423 : vector<16xi32>
        %shift_right_logical3A_425 = arith.constant 16 : i32
        %shift_right_logical3A_426 = vector.broadcast %shift_right_logical3A_425 : i32 to vector<16xi32>
        %shift_right_logical3A_427 = arith.shrui %xor3A_420, %shift_right_logical3A_426 : vector<16xi32>
        %or3A_428 = arith.ori %shift_left3A_424, %shift_right_logical3A_427 : vector<16xi32>
        %xor3A_429 = arith.xori %or3A_428, %add3A_421 : vector<16xi32>
        %add3A_430 = arith.addi %add3A_421, %xor3A_429 : vector<16xi32>
        %shift_left3A_431 = arith.constant 24 : i32
        %shift_left3A_432 = vector.broadcast %shift_left3A_431 : i32 to vector<16xi32>
        %shift_left3A_433 = arith.shli %xor3A_429, %shift_left3A_432 : vector<16xi32>
        %shift_right_logical3A_434 = arith.constant 8 : i32
        %shift_right_logical3A_435 = vector.broadcast %shift_right_logical3A_434 : i32 to vector<16xi32>
        %shift_right_logical3A_436 = arith.shrui %xor3A_429, %shift_right_logical3A_435 : vector<16xi32>
        %or3A_437 = arith.ori %shift_left3A_433, %shift_right_logical3A_436 : vector<16xi32>
        %xor3A_438 = arith.xori %or3A_437, %add3A_430 : vector<16xi32>
        %add3A_439 = arith.addi %add3A_430, %get3A_5 : vector<16xi32>
        %add3A_440 = arith.addi %xor3A_438, %xor3A_277 : vector<16xi32>
        %add3A_441 = arith.constant 4 : i32
        %add3A_442 = vector.broadcast %add3A_441 : i32 to vector<16xi32>
        %add3A_443 = arith.addi %add3A_440, %add3A_442 : vector<16xi32>
        %add3A_444 = arith.addi %add3A_439, %add3A_443 : vector<16xi32>
        %shift_left3A_445 = arith.constant 13 : i32
        %shift_left3A_446 = vector.broadcast %shift_left3A_445 : i32 to vector<16xi32>
        %shift_left3A_447 = arith.shli %add3A_443, %shift_left3A_446 : vector<16xi32>
        %shift_right_logical3A_448 = arith.constant 19 : i32
        %shift_right_logical3A_449 = vector.broadcast %shift_right_logical3A_448 : i32 to vector<16xi32>
        %shift_right_logical3A_450 = arith.shrui %add3A_443, %shift_right_logical3A_449 : vector<16xi32>
        %or3A_451 = arith.ori %shift_left3A_447, %shift_right_logical3A_450 : vector<16xi32>
        %xor3A_452 = arith.xori %or3A_451, %add3A_444 : vector<16xi32>
        %add3A_453 = arith.addi %add3A_444, %xor3A_452 : vector<16xi32>
        %shift_left3A_454 = arith.constant 15 : i32
        %shift_left3A_455 = vector.broadcast %shift_left3A_454 : i32 to vector<16xi32>
        %shift_left3A_456 = arith.shli %xor3A_452, %shift_left3A_455 : vector<16xi32>
        %shift_right_logical3A_457 = arith.constant 17 : i32
        %shift_right_logical3A_458 = vector.broadcast %shift_right_logical3A_457 : i32 to vector<16xi32>
        %shift_right_logical3A_459 = arith.shrui %xor3A_452, %shift_right_logical3A_458 : vector<16xi32>
        %or3A_460 = arith.ori %shift_left3A_456, %shift_right_logical3A_459 : vector<16xi32>
        %xor3A_461 = arith.xori %or3A_460, %add3A_453 : vector<16xi32>
        %add3A_462 = arith.addi %add3A_453, %xor3A_461 : vector<16xi32>
        %shift_left3A_463 = arith.constant 26 : i32
        %shift_left3A_464 = vector.broadcast %shift_left3A_463 : i32 to vector<16xi32>
        %shift_left3A_465 = arith.shli %xor3A_461, %shift_left3A_464 : vector<16xi32>
        %shift_right_logical3A_466 = arith.constant 6 : i32
        %shift_right_logical3A_467 = vector.broadcast %shift_right_logical3A_466 : i32 to vector<16xi32>
        %shift_right_logical3A_468 = arith.shrui %xor3A_461, %shift_right_logical3A_467 : vector<16xi32>
        %or3A_469 = arith.ori %shift_left3A_465, %shift_right_logical3A_468 : vector<16xi32>
        %xor3A_470 = arith.xori %or3A_469, %add3A_462 : vector<16xi32>
        %add3A_471 = arith.addi %add3A_462, %xor3A_470 : vector<16xi32>
        %shift_left3A_472 = arith.constant 6 : i32
        %shift_left3A_473 = vector.broadcast %shift_left3A_472 : i32 to vector<16xi32>
        %shift_left3A_474 = arith.shli %xor3A_470, %shift_left3A_473 : vector<16xi32>
        %shift_right_logical3A_475 = arith.constant 26 : i32
        %shift_right_logical3A_476 = vector.broadcast %shift_right_logical3A_475 : i32 to vector<16xi32>
        %shift_right_logical3A_477 = arith.shrui %xor3A_470, %shift_right_logical3A_476 : vector<16xi32>
        %or3A_478 = arith.ori %shift_left3A_474, %shift_right_logical3A_477 : vector<16xi32>
        %xor3A_479 = arith.xori %or3A_478, %add3A_471 : vector<16xi32>
        %add3A_480 = arith.addi %add3A_471, %xor3A_277 : vector<16xi32>
        %add3A_481 = arith.addi %xor3A_479, %get3A_2 : vector<16xi32>
        %add3A_482 = arith.constant 5 : i32
        %add3A_483 = vector.broadcast %add3A_482 : i32 to vector<16xi32>
        %add3A_484 = arith.addi %add3A_481, %add3A_483 : vector<16xi32>
        %xor3A_485 = arith.xori %add3A_480, %add3A_484 : vector<16xi32>
        %add3A_486 = arith.constant 16 : i32
        %add3A_487 = arith.addi %mul3A_46, %add3A_486 : i32
        %swap3A_488 = arith.index_cast %scan3A_35 : i32 to index
        %swap3A_489 = arith.index_cast %add3A_487 : i32 to index
        %swap3A_490 = tpu.vector_load %arg8[%swap3A_488, %swap3A_489] {strides = array<i32>} : memref<64x768xi32, #tpu.memory_space<vmem>>, vector<1x16xi32>,
        %swap3A_491 = vector.shape_cast %swap3A_490 : vector<1x16xi32> to vector<16xi32>
        %swap3A_492 = vector.shape_cast %xor3A_485 : vector<16xi32> to vector<1x16xi32>
        tpu.vector_store %arg8[%swap3A_488, %swap3A_489], %swap3A_492 {strides = array<i32>} : memref<64x768xi32, #tpu.memory_space<vmem>>, vector<1x16xi32>,
        %add3A_493 = arith.addi %mul3A_38, %mul3A_46 : i32
        %add3A_494 = arith.constant 32 : i32
        %add3A_495 = arith.addi %add3A_493, %add3A_494 : i32
        %add3A_496 = vector.broadcast %add3A_495 : i32 to vector<16xi32>
        %add3A_497 = arith.addi %add3A_496, %iota3A : vector<16xi32>
        %broadcast_in_dim3A_498 = arith.constant 0 : i32
        %broadcast_in_dim3A_499 = vector.broadcast %broadcast_in_dim3A_498 : i32 to vector<16xi32>
        %xor3A_500 = arith.xori %get3A_2, %get3A_5 : vector<16xi32>
        %xor3A_501 = arith.constant 466688986 : i32
        %xor3A_502 = vector.broadcast %xor3A_501 : i32 to vector<16xi32>
        %xor3A_503 = arith.xori %xor3A_500, %xor3A_502 : vector<16xi32>
        %add3A_504 = arith.addi %broadcast_in_dim3A_499, %get3A_2 : vector<16xi32>
        %add3A_505 = arith.addi %add3A_497, %get3A_5 : vector<16xi32>
        %add3A_506 = arith.addi %add3A_504, %add3A_505 : vector<16xi32>
        %shift_left3A_507 = arith.constant 13 : i32
        %shift_left3A_508 = vector.broadcast %shift_left3A_507 : i32 to vector<16xi32>
        %shift_left3A_509 = arith.shli %add3A_505, %shift_left3A_508 : vector<16xi32>
        %shift_right_logical3A_510 = arith.constant 19 : i32
        %shift_right_logical3A_511 = vector.broadcast %shift_right_logical3A_510 : i32 to vector<16xi32>
        %shift_right_logical3A_512 = arith.shrui %add3A_505, %shift_right_logical3A_511 : vector<16xi32>
        %or3A_513 = arith.ori %shift_left3A_509, %shift_right_logical3A_512 : vector<16xi32>
        %xor3A_514 = arith.xori %or3A_513, %add3A_506 : vector<16xi32>
        %add3A_515 = arith.addi %add3A_506, %xor3A_514 : vector<16xi32>
        %shift_left3A_516 = arith.constant 15 : i32
        %shift_left3A_517 = vector.broadcast %shift_left3A_516 : i32 to vector<16xi32>
        %shift_left3A_518 = arith.shli %xor3A_514, %shift_left3A_517 : vector<16xi32>
        %shift_right_logical3A_519 = arith.constant 17 : i32
        %shift_right_logical3A_520 = vector.broadcast %shift_right_logical3A_519 : i32 to vector<16xi32>
        %shift_right_logical3A_521 = arith.shrui %xor3A_514, %shift_right_logical3A_520 : vector<16xi32>
        %or3A_522 = arith.ori %shift_left3A_518, %shift_right_logical3A_521 : vector<16xi32>
        %xor3A_523 = arith.xori %or3A_522, %add3A_515 : vector<16xi32>
        %add3A_524 = arith.addi %add3A_515, %xor3A_523 : vector<16xi32>
        %shift_left3A_525 = arith.constant 26 : i32
        %shift_left3A_526 = vector.broadcast %shift_left3A_525 : i32 to vector<16xi32>
        %shift_left3A_527 = arith.shli %xor3A_523, %shift_left3A_526 : vector<16xi32>
        %shift_right_logical3A_528 = arith.constant 6 : i32
        %shift_right_logical3A_529 = vector.broadcast %shift_right_logical3A_528 : i32 to vector<16xi32>
        %shift_right_logical3A_530 = arith.shrui %xor3A_523, %shift_right_logical3A_529 : vector<16xi32>
        %or3A_531 = arith.ori %shift_left3A_527, %shift_right_logical3A_530 : vector<16xi32>
        %xor3A_532 = arith.xori %or3A_531, %add3A_524 : vector<16xi32>
        %add3A_533 = arith.addi %add3A_524, %xor3A_532 : vector<16xi32>
        %shift_left3A_534 = arith.constant 6 : i32
        %shift_left3A_535 = vector.broadcast %shift_left3A_534 : i32 to vector<16xi32>
        %shift_left3A_536 = arith.shli %xor3A_532, %shift_left3A_535 : vector<16xi32>
        %shift_right_logical3A_537 = arith.constant 26 : i32
        %shift_right_logical3A_538 = vector.broadcast %shift_right_logical3A_537 : i32 to vector<16xi32>
        %shift_right_logical3A_539 = arith.shrui %xor3A_532, %shift_right_logical3A_538 : vector<16xi32>
        %or3A_540 = arith.ori %shift_left3A_536, %shift_right_logical3A_539 : vector<16xi32>
        %xor3A_541 = arith.xori %or3A_540, %add3A_533 : vector<16xi32>
        %add3A_542 = arith.addi %add3A_533, %get3A_5 : vector<16xi32>
        %add3A_543 = arith.addi %xor3A_541, %xor3A_503 : vector<16xi32>
        %add3A_544 = arith.constant 1 : i32
        %add3A_545 = vector.broadcast %add3A_544 : i32 to vector<16xi32>
        %add3A_546 = arith.addi %add3A_543, %add3A_545 : vector<16xi32>
        %add3A_547 = arith.addi %add3A_542, %add3A_546 : vector<16xi32>
        %shift_left3A_548 = arith.constant 17 : i32
        %shift_left3A_549 = vector.broadcast %shift_left3A_548 : i32 to vector<16xi32>
        %shift_left3A_550 = arith.shli %add3A_546, %shift_left3A_549 : vector<16xi32>
        %shift_right_logical3A_551 = arith.constant 15 : i32
        %shift_right_logical3A_552 = vector.broadcast %shift_right_logical3A_551 : i32 to vector<16xi32>
        %shift_right_logical3A_553 = arith.shrui %add3A_546, %shift_right_logical3A_552 : vector<16xi32>
        %or3A_554 = arith.ori %shift_left3A_550, %shift_right_logical3A_553 : vector<16xi32>
        %xor3A_555 = arith.xori %or3A_554, %add3A_547 : vector<16xi32>
        %add3A_556 = arith.addi %add3A_547, %xor3A_555 : vector<16xi32>
        %shift_left3A_557 = arith.constant 29 : i32
        %shift_left3A_558 = vector.broadcast %shift_left3A_557 : i32 to vector<16xi32>
        %shift_left3A_559 = arith.shli %xor3A_555, %shift_left3A_558 : vector<16xi32>
        %shift_right_logical3A_560 = arith.constant 3 : i32
        %shift_right_logical3A_561 = vector.broadcast %shift_right_logical3A_560 : i32 to vector<16xi32>
        %shift_right_logical3A_562 = arith.shrui %xor3A_555, %shift_right_logical3A_561 : vector<16xi32>
        %or3A_563 = arith.ori %shift_left3A_559, %shift_right_logical3A_562 : vector<16xi32>
        %xor3A_564 = arith.xori %or3A_563, %add3A_556 : vector<16xi32>
        %add3A_565 = arith.addi %add3A_556, %xor3A_564 : vector<16xi32>
        %shift_left3A_566 = arith.constant 16 : i32
        %shift_left3A_567 = vector.broadcast %shift_left3A_566 : i32 to vector<16xi32>
        %shift_left3A_568 = arith.shli %xor3A_564, %shift_left3A_567 : vector<16xi32>
        %shift_right_logical3A_569 = arith.constant 16 : i32
        %shift_right_logical3A_570 = vector.broadcast %shift_right_logical3A_569 : i32 to vector<16xi32>
        %shift_right_logical3A_571 = arith.shrui %xor3A_564, %shift_right_logical3A_570 : vector<16xi32>
        %or3A_572 = arith.ori %shift_left3A_568, %shift_right_logical3A_571 : vector<16xi32>
        %xor3A_573 = arith.xori %or3A_572, %add3A_565 : vector<16xi32>
        %add3A_574 = arith.addi %add3A_565, %xor3A_573 : vector<16xi32>
        %shift_left3A_575 = arith.constant 24 : i32
        %shift_left3A_576 = vector.broadcast %shift_left3A_575 : i32 to vector<16xi32>
        %shift_left3A_577 = arith.shli %xor3A_573, %shift_left3A_576 : vector<16xi32>
        %shift_right_logical3A_578 = arith.constant 8 : i32
        %shift_right_logical3A_579 = vector.broadcast %shift_right_logical3A_578 : i32 to vector<16xi32>
        %shift_right_logical3A_580 = arith.shrui %xor3A_573, %shift_right_logical3A_579 : vector<16xi32>
        %or3A_581 = arith.ori %shift_left3A_577, %shift_right_logical3A_580 : vector<16xi32>
        %xor3A_582 = arith.xori %or3A_581, %add3A_574 : vector<16xi32>
        %add3A_583 = arith.addi %add3A_574, %xor3A_503 : vector<16xi32>
        %add3A_584 = arith.addi %xor3A_582, %get3A_2 : vector<16xi32>
        %add3A_585 = arith.constant 2 : i32
        %add3A_586 = vector.broadcast %add3A_585 : i32 to vector<16xi32>
        %add3A_587 = arith.addi %add3A_584, %add3A_586 : vector<16xi32>
        %add3A_588 = arith.addi %add3A_583, %add3A_587 : vector<16xi32>
        %shift_left3A_589 = arith.constant 13 : i32
        %shift_left3A_590 = vector.broadcast %shift_left3A_589 : i32 to vector<16xi32>
        %shift_left3A_591 = arith.shli %add3A_587, %shift_left3A_590 : vector<16xi32>
        %shift_right_logical3A_592 = arith.constant 19 : i32
        %shift_right_logical3A_593 = vector.broadcast %shift_right_logical3A_592 : i32 to vector<16xi32>
        %shift_right_logical3A_594 = arith.shrui %add3A_587, %shift_right_logical3A_593 : vector<16xi32>
        %or3A_595 = arith.ori %shift_left3A_591, %shift_right_logical3A_594 : vector<16xi32>
        %xor3A_596 = arith.xori %or3A_595, %add3A_588 : vector<16xi32>
        %add3A_597 = arith.addi %add3A_588, %xor3A_596 : vector<16xi32>
        %shift_left3A_598 = arith.constant 15 : i32
        %shift_left3A_599 = vector.broadcast %shift_left3A_598 : i32 to vector<16xi32>
        %shift_left3A_600 = arith.shli %xor3A_596, %shift_left3A_599 : vector<16xi32>
        %shift_right_logical3A_601 = arith.constant 17 : i32
        %shift_right_logical3A_602 = vector.broadcast %shift_right_logical3A_601 : i32 to vector<16xi32>
        %shift_right_logical3A_603 = arith.shrui %xor3A_596, %shift_right_logical3A_602 : vector<16xi32>
        %or3A_604 = arith.ori %shift_left3A_600, %shift_right_logical3A_603 : vector<16xi32>
        %xor3A_605 = arith.xori %or3A_604, %add3A_597 : vector<16xi32>
        %add3A_606 = arith.addi %add3A_597, %xor3A_605 : vector<16xi32>
        %shift_left3A_607 = arith.constant 26 : i32
        %shift_left3A_608 = vector.broadcast %shift_left3A_607 : i32 to vector<16xi32>
        %shift_left3A_609 = arith.shli %xor3A_605, %shift_left3A_608 : vector<16xi32>
        %shift_right_logical3A_610 = arith.constant 6 : i32
        %shift_right_logical3A_611 = vector.broadcast %shift_right_logical3A_610 : i32 to vector<16xi32>
        %shift_right_logical3A_612 = arith.shrui %xor3A_605, %shift_right_logical3A_611 : vector<16xi32>
        %or3A_613 = arith.ori %shift_left3A_609, %shift_right_logical3A_612 : vector<16xi32>
        %xor3A_614 = arith.xori %or3A_613, %add3A_606 : vector<16xi32>
        %add3A_615 = arith.addi %add3A_606, %xor3A_614 : vector<16xi32>
        %shift_left3A_616 = arith.constant 6 : i32
        %shift_left3A_617 = vector.broadcast %shift_left3A_616 : i32 to vector<16xi32>
        %shift_left3A_618 = arith.shli %xor3A_614, %shift_left3A_617 : vector<16xi32>
        %shift_right_logical3A_619 = arith.constant 26 : i32
        %shift_right_logical3A_620 = vector.broadcast %shift_right_logical3A_619 : i32 to vector<16xi32>
        %shift_right_logical3A_621 = arith.shrui %xor3A_614, %shift_right_logical3A_620 : vector<16xi32>
        %or3A_622 = arith.ori %shift_left3A_618, %shift_right_logical3A_621 : vector<16xi32>
        %xor3A_623 = arith.xori %or3A_622, %add3A_615 : vector<16xi32>
        %add3A_624 = arith.addi %add3A_615, %get3A_2 : vector<16xi32>
        %add3A_625 = arith.addi %xor3A_623, %get3A_5 : vector<16xi32>
        %add3A_626 = arith.constant 3 : i32
        %add3A_627 = vector.broadcast %add3A_626 : i32 to vector<16xi32>
        %add3A_628 = arith.addi %add3A_625, %add3A_627 : vector<16xi32>
        %add3A_629 = arith.addi %add3A_624, %add3A_628 : vector<16xi32>
        %shift_left3A_630 = arith.constant 17 : i32
        %shift_left3A_631 = vector.broadcast %shift_left3A_630 : i32 to vector<16xi32>
        %shift_left3A_632 = arith.shli %add3A_628, %shift_left3A_631 : vector<16xi32>
        %shift_right_logical3A_633 = arith.constant 15 : i32
        %shift_right_logical3A_634 = vector.broadcast %shift_right_logical3A_633 : i32 to vector<16xi32>
        %shift_right_logical3A_635 = arith.shrui %add3A_628, %shift_right_logical3A_634 : vector<16xi32>
        %or3A_636 = arith.ori %shift_left3A_632, %shift_right_logical3A_635 : vector<16xi32>
        %xor3A_637 = arith.xori %or3A_636, %add3A_629 : vector<16xi32>
        %add3A_638 = arith.addi %add3A_629, %xor3A_637 : vector<16xi32>
        %shift_left3A_639 = arith.constant 29 : i32
        %shift_left3A_640 = vector.broadcast %shift_left3A_639 : i32 to vector<16xi32>
        %shift_left3A_641 = arith.shli %xor3A_637, %shift_left3A_640 : vector<16xi32>
        %shift_right_logical3A_642 = arith.constant 3 : i32
        %shift_right_logical3A_643 = vector.broadcast %shift_right_logical3A_642 : i32 to vector<16xi32>
        %shift_right_logical3A_644 = arith.shrui %xor3A_637, %shift_right_logical3A_643 : vector<16xi32>
        %or3A_645 = arith.ori %shift_left3A_641, %shift_right_logical3A_644 : vector<16xi32>
        %xor3A_646 = arith.xori %or3A_645, %add3A_638 : vector<16xi32>
        %add3A_647 = arith.addi %add3A_638, %xor3A_646 : vector<16xi32>
        %shift_left3A_648 = arith.constant 16 : i32
        %shift_left3A_649 = vector.broadcast %shift_left3A_648 : i32 to vector<16xi32>
        %shift_left3A_650 = arith.shli %xor3A_646, %shift_left3A_649 : vector<16xi32>
        %shift_right_logical3A_651 = arith.constant 16 : i32
        %shift_right_logical3A_652 = vector.broadcast %shift_right_logical3A_651 : i32 to vector<16xi32>
        %shift_right_logical3A_653 = arith.shrui %xor3A_646, %shift_right_logical3A_652 : vector<16xi32>
        %or3A_654 = arith.ori %shift_left3A_650, %shift_right_logical3A_653 : vector<16xi32>
        %xor3A_655 = arith.xori %or3A_654, %add3A_647 : vector<16xi32>
        %add3A_656 = arith.addi %add3A_647, %xor3A_655 : vector<16xi32>
        %shift_left3A_657 = arith.constant 24 : i32
        %shift_left3A_658 = vector.broadcast %shift_left3A_657 : i32 to vector<16xi32>
        %shift_left3A_659 = arith.shli %xor3A_655, %shift_left3A_658 : vector<16xi32>
        %shift_right_logical3A_660 = arith.constant 8 : i32
        %shift_right_logical3A_661 = vector.broadcast %shift_right_logical3A_660 : i32 to vector<16xi32>
        %shift_right_logical3A_662 = arith.shrui %xor3A_655, %shift_right_logical3A_661 : vector<16xi32>
        %or3A_663 = arith.ori %shift_left3A_659, %shift_right_logical3A_662 : vector<16xi32>
        %xor3A_664 = arith.xori %or3A_663, %add3A_656 : vector<16xi32>
        %add3A_665 = arith.addi %add3A_656, %get3A_5 : vector<16xi32>
        %add3A_666 = arith.addi %xor3A_664, %xor3A_503 : vector<16xi32>
        %add3A_667 = arith.constant 4 : i32
        %add3A_668 = vector.broadcast %add3A_667 : i32 to vector<16xi32>
        %add3A_669 = arith.addi %add3A_666, %add3A_668 : vector<16xi32>
        %add3A_670 = arith.addi %add3A_665, %add3A_669 : vector<16xi32>
        %shift_left3A_671 = arith.constant 13 : i32
        %shift_left3A_672 = vector.broadcast %shift_left3A_671 : i32 to vector<16xi32>
        %shift_left3A_673 = arith.shli %add3A_669, %shift_left3A_672 : vector<16xi32>
        %shift_right_logical3A_674 = arith.constant 19 : i32
        %shift_right_logical3A_675 = vector.broadcast %shift_right_logical3A_674 : i32 to vector<16xi32>
        %shift_right_logical3A_676 = arith.shrui %add3A_669, %shift_right_logical3A_675 : vector<16xi32>
        %or3A_677 = arith.ori %shift_left3A_673, %shift_right_logical3A_676 : vector<16xi32>
        %xor3A_678 = arith.xori %or3A_677, %add3A_670 : vector<16xi32>
        %add3A_679 = arith.addi %add3A_670, %xor3A_678 : vector<16xi32>
        %shift_left3A_680 = arith.constant 15 : i32
        %shift_left3A_681 = vector.broadcast %shift_left3A_680 : i32 to vector<16xi32>
        %shift_left3A_682 = arith.shli %xor3A_678, %shift_left3A_681 : vector<16xi32>
        %shift_right_logical3A_683 = arith.constant 17 : i32
        %shift_right_logical3A_684 = vector.broadcast %shift_right_logical3A_683 : i32 to vector<16xi32>
        %shift_right_logical3A_685 = arith.shrui %xor3A_678, %shift_right_logical3A_684 : vector<16xi32>
        %or3A_686 = arith.ori %shift_left3A_682, %shift_right_logical3A_685 : vector<16xi32>
        %xor3A_687 = arith.xori %or3A_686, %add3A_679 : vector<16xi32>
        %add3A_688 = arith.addi %add3A_679, %xor3A_687 : vector<16xi32>
        %shift_left3A_689 = arith.constant 26 : i32
        %shift_left3A_690 = vector.broadcast %shift_left3A_689 : i32 to vector<16xi32>
        %shift_left3A_691 = arith.shli %xor3A_687, %shift_left3A_690 : vector<16xi32>
        %shift_right_logical3A_692 = arith.constant 6 : i32
        %shift_right_logical3A_693 = vector.broadcast %shift_right_logical3A_692 : i32 to vector<16xi32>
        %shift_right_logical3A_694 = arith.shrui %xor3A_687, %shift_right_logical3A_693 : vector<16xi32>
        %or3A_695 = arith.ori %shift_left3A_691, %shift_right_logical3A_694 : vector<16xi32>
        %xor3A_696 = arith.xori %or3A_695, %add3A_688 : vector<16xi32>
        %add3A_697 = arith.addi %add3A_688, %xor3A_696 : vector<16xi32>
        %shift_left3A_698 = arith.constant 6 : i32
        %shift_left3A_699 = vector.broadcast %shift_left3A_698 : i32 to vector<16xi32>
        %shift_left3A_700 = arith.shli %xor3A_696, %shift_left3A_699 : vector<16xi32>
        %shift_right_logical3A_701 = arith.constant 26 : i32
        %shift_right_logical3A_702 = vector.broadcast %shift_right_logical3A_701 : i32 to vector<16xi32>
        %shift_right_logical3A_703 = arith.shrui %xor3A_696, %shift_right_logical3A_702 : vector<16xi32>
        %or3A_704 = arith.ori %shift_left3A_700, %shift_right_logical3A_703 : vector<16xi32>
        %xor3A_705 = arith.xori %or3A_704, %add3A_697 : vector<16xi32>
        %add3A_706 = arith.addi %add3A_697, %xor3A_503 : vector<16xi32>
        %add3A_707 = arith.addi %xor3A_705, %get3A_2 : vector<16xi32>
        %add3A_708 = arith.constant 5 : i32
        %add3A_709 = vector.broadcast %add3A_708 : i32 to vector<16xi32>
        %add3A_710 = arith.addi %add3A_707, %add3A_709 : vector<16xi32>
        %xor3A_711 = arith.xori %add3A_706, %add3A_710 : vector<16xi32>
        %add3A_712 = arith.constant 32 : i32
        %add3A_713 = arith.addi %mul3A_46, %add3A_712 : i32
        %swap3A_714 = arith.index_cast %scan3A_35 : i32 to index
        %swap3A_715 = arith.index_cast %add3A_713 : i32 to index
        %swap3A_716 = tpu.vector_load %arg8[%swap3A_714, %swap3A_715] {strides = array<i32>} : memref<64x768xi32, #tpu.memory_space<vmem>>, vector<1x16xi32>,
        %swap3A_717 = vector.shape_cast %swap3A_716 : vector<1x16xi32> to vector<16xi32>
        %swap3A_718 = vector.shape_cast %xor3A_711 : vector<16xi32> to vector<1x16xi32>
        tpu.vector_store %arg8[%swap3A_714, %swap3A_715], %swap3A_718 {strides = array<i32>} : memref<64x768xi32, #tpu.memory_space<vmem>>, vector<1x16xi32>,
        %add3A_719 = arith.addi %mul3A_38, %mul3A_46 : i32
        %add3A_720 = arith.constant 48 : i32
        %add3A_721 = arith.addi %add3A_719, %add3A_720 : i32
        %add3A_722 = vector.broadcast %add3A_721 : i32 to vector<16xi32>
        %add3A_723 = arith.addi %add3A_722, %iota3A : vector<16xi32>
        %broadcast_in_dim3A_724 = arith.constant 0 : i32
        %broadcast_in_dim3A_725 = vector.broadcast %broadcast_in_dim3A_724 : i32 to vector<16xi32>
        %xor3A_726 = arith.xori %get3A_2, %get3A_5 : vector<16xi32>
        %xor3A_727 = arith.constant 466688986 : i32
        %xor3A_728 = vector.broadcast %xor3A_727 : i32 to vector<16xi32>
        %xor3A_729 = arith.xori %xor3A_726, %xor3A_728 : vector<16xi32>
        %add3A_730 = arith.addi %broadcast_in_dim3A_725, %get3A_2 : vector<16xi32>
        %add3A_731 = arith.addi %add3A_723, %get3A_5 : vector<16xi32>
        %add3A_732 = arith.addi %add3A_730, %add3A_731 : vector<16xi32>
        %shift_left3A_733 = arith.constant 13 : i32
        %shift_left3A_734 = vector.broadcast %shift_left3A_733 : i32 to vector<16xi32>
        %shift_left3A_735 = arith.shli %add3A_731, %shift_left3A_734 : vector<16xi32>
        %shift_right_logical3A_736 = arith.constant 19 : i32
        %shift_right_logical3A_737 = vector.broadcast %shift_right_logical3A_736 : i32 to vector<16xi32>
        %shift_right_logical3A_738 = arith.shrui %add3A_731, %shift_right_logical3A_737 : vector<16xi32>
        %or3A_739 = arith.ori %shift_left3A_735, %shift_right_logical3A_738 : vector<16xi32>
        %xor3A_740 = arith.xori %or3A_739, %add3A_732 : vector<16xi32>
        %add3A_741 = arith.addi %add3A_732, %xor3A_740 : vector<16xi32>
        %shift_left3A_742 = arith.constant 15 : i32
        %shift_left3A_743 = vector.broadcast %shift_left3A_742 : i32 to vector<16xi32>
        %shift_left3A_744 = arith.shli %xor3A_740, %shift_left3A_743 : vector<16xi32>
        %shift_right_logical3A_745 = arith.constant 17 : i32
        %shift_right_logical3A_746 = vector.broadcast %shift_right_logical3A_745 : i32 to vector<16xi32>
        %shift_right_logical3A_747 = arith.shrui %xor3A_740, %shift_right_logical3A_746 : vector<16xi32>
        %or3A_748 = arith.ori %shift_left3A_744, %shift_right_logical3A_747 : vector<16xi32>
        %xor3A_749 = arith.xori %or3A_748, %add3A_741 : vector<16xi32>
        %add3A_750 = arith.addi %add3A_741, %xor3A_749 : vector<16xi32>
        %shift_left3A_751 = arith.constant 26 : i32
        %shift_left3A_752 = vector.broadcast %shift_left3A_751 : i32 to vector<16xi32>
        %shift_left3A_753 = arith.shli %xor3A_749, %shift_left3A_752 : vector<16xi32>
        %shift_right_logical3A_754 = arith.constant 6 : i32
        %shift_right_logical3A_755 = vector.broadcast %shift_right_logical3A_754 : i32 to vector<16xi32>
        %shift_right_logical3A_756 = arith.shrui %xor3A_749, %shift_right_logical3A_755 : vector<16xi32>
        %or3A_757 = arith.ori %shift_left3A_753, %shift_right_logical3A_756 : vector<16xi32>
        %xor3A_758 = arith.xori %or3A_757, %add3A_750 : vector<16xi32>
        %add3A_759 = arith.addi %add3A_750, %xor3A_758 : vector<16xi32>
        %shift_left3A_760 = arith.constant 6 : i32
        %shift_left3A_761 = vector.broadcast %shift_left3A_760 : i32 to vector<16xi32>
        %shift_left3A_762 = arith.shli %xor3A_758, %shift_left3A_761 : vector<16xi32>
        %shift_right_logical3A_763 = arith.constant 26 : i32
        %shift_right_logical3A_764 = vector.broadcast %shift_right_logical3A_763 : i32 to vector<16xi32>
        %shift_right_logical3A_765 = arith.shrui %xor3A_758, %shift_right_logical3A_764 : vector<16xi32>
        %or3A_766 = arith.ori %shift_left3A_762, %shift_right_logical3A_765 : vector<16xi32>
        %xor3A_767 = arith.xori %or3A_766, %add3A_759 : vector<16xi32>
        %add3A_768 = arith.addi %add3A_759, %get3A_5 : vector<16xi32>
        %add3A_769 = arith.addi %xor3A_767, %xor3A_729 : vector<16xi32>
        %add3A_770 = arith.constant 1 : i32
        %add3A_771 = vector.broadcast %add3A_770 : i32 to vector<16xi32>
        %add3A_772 = arith.addi %add3A_769, %add3A_771 : vector<16xi32>
        %add3A_773 = arith.addi %add3A_768, %add3A_772 : vector<16xi32>
        %shift_left3A_774 = arith.constant 17 : i32
        %shift_left3A_775 = vector.broadcast %shift_left3A_774 : i32 to vector<16xi32>
        %shift_left3A_776 = arith.shli %add3A_772, %shift_left3A_775 : vector<16xi32>
        %shift_right_logical3A_777 = arith.constant 15 : i32
        %shift_right_logical3A_778 = vector.broadcast %shift_right_logical3A_777 : i32 to vector<16xi32>
        %shift_right_logical3A_779 = arith.shrui %add3A_772, %shift_right_logical3A_778 : vector<16xi32>
        %or3A_780 = arith.ori %shift_left3A_776, %shift_right_logical3A_779 : vector<16xi32>
        %xor3A_781 = arith.xori %or3A_780, %add3A_773 : vector<16xi32>
        %add3A_782 = arith.addi %add3A_773, %xor3A_781 : vector<16xi32>
        %shift_left3A_783 = arith.constant 29 : i32
        %shift_left3A_784 = vector.broadcast %shift_left3A_783 : i32 to vector<16xi32>
        %shift_left3A_785 = arith.shli %xor3A_781, %shift_left3A_784 : vector<16xi32>
        %shift_right_logical3A_786 = arith.constant 3 : i32
        %shift_right_logical3A_787 = vector.broadcast %shift_right_logical3A_786 : i32 to vector<16xi32>
        %shift_right_logical3A_788 = arith.shrui %xor3A_781, %shift_right_logical3A_787 : vector<16xi32>
        %or3A_789 = arith.ori %shift_left3A_785, %shift_right_logical3A_788 : vector<16xi32>
        %xor3A_790 = arith.xori %or3A_789, %add3A_782 : vector<16xi32>
        %add3A_791 = arith.addi %add3A_782, %xor3A_790 : vector<16xi32>
        %shift_left3A_792 = arith.constant 16 : i32
        %shift_left3A_793 = vector.broadcast %shift_left3A_792 : i32 to vector<16xi32>
        %shift_left3A_794 = arith.shli %xor3A_790, %shift_left3A_793 : vector<16xi32>
        %shift_right_logical3A_795 = arith.constant 16 : i32
        %shift_right_logical3A_796 = vector.broadcast %shift_right_logical3A_795 : i32 to vector<16xi32>
        %shift_right_logical3A_797 = arith.shrui %xor3A_790, %shift_right_logical3A_796 : vector<16xi32>
        %or3A_798 = arith.ori %shift_left3A_794, %shift_right_logical3A_797 : vector<16xi32>
        %xor3A_799 = arith.xori %or3A_798, %add3A_791 : vector<16xi32>
        %add3A_800 = arith.addi %add3A_791, %xor3A_799 : vector<16xi32>
        %shift_left3A_801 = arith.constant 24 : i32
        %shift_left3A_802 = vector.broadcast %shift_left3A_801 : i32 to vector<16xi32>
        %shift_left3A_803 = arith.shli %xor3A_799, %shift_left3A_802 : vector<16xi32>
        %shift_right_logical3A_804 = arith.constant 8 : i32
        %shift_right_logical3A_805 = vector.broadcast %shift_right_logical3A_804 : i32 to vector<16xi32>
        %shift_right_logical3A_806 = arith.shrui %xor3A_799, %shift_right_logical3A_805 : vector<16xi32>
        %or3A_807 = arith.ori %shift_left3A_803, %shift_right_logical3A_806 : vector<16xi32>
        %xor3A_808 = arith.xori %or3A_807, %add3A_800 : vector<16xi32>
        %add3A_809 = arith.addi %add3A_800, %xor3A_729 : vector<16xi32>
        %add3A_810 = arith.addi %xor3A_808, %get3A_2 : vector<16xi32>
        %add3A_811 = arith.constant 2 : i32
        %add3A_812 = vector.broadcast %add3A_811 : i32 to vector<16xi32>
        %add3A_813 = arith.addi %add3A_810, %add3A_812 : vector<16xi32>
        %add3A_814 = arith.addi %add3A_809, %add3A_813 : vector<16xi32>
        %shift_left3A_815 = arith.constant 13 : i32
        %shift_left3A_816 = vector.broadcast %shift_left3A_815 : i32 to vector<16xi32>
        %shift_left3A_817 = arith.shli %add3A_813, %shift_left3A_816 : vector<16xi32>
        %shift_right_logical3A_818 = arith.constant 19 : i32
        %shift_right_logical3A_819 = vector.broadcast %shift_right_logical3A_818 : i32 to vector<16xi32>
        %shift_right_logical3A_820 = arith.shrui %add3A_813, %shift_right_logical3A_819 : vector<16xi32>
        %or3A_821 = arith.ori %shift_left3A_817, %shift_right_logical3A_820 : vector<16xi32>
        %xor3A_822 = arith.xori %or3A_821, %add3A_814 : vector<16xi32>
        %add3A_823 = arith.addi %add3A_814, %xor3A_822 : vector<16xi32>
        %shift_left3A_824 = arith.constant 15 : i32
        %shift_left3A_825 = vector.broadcast %shift_left3A_824 : i32 to vector<16xi32>
        %shift_left3A_826 = arith.shli %xor3A_822, %shift_left3A_825 : vector<16xi32>
        %shift_right_logical3A_827 = arith.constant 17 : i32
        %shift_right_logical3A_828 = vector.broadcast %shift_right_logical3A_827 : i32 to vector<16xi32>
        %shift_right_logical3A_829 = arith.shrui %xor3A_822, %shift_right_logical3A_828 : vector<16xi32>
        %or3A_830 = arith.ori %shift_left3A_826, %shift_right_logical3A_829 : vector<16xi32>
        %xor3A_831 = arith.xori %or3A_830, %add3A_823 : vector<16xi32>
        %add3A_832 = arith.addi %add3A_823, %xor3A_831 : vector<16xi32>
        %shift_left3A_833 = arith.constant 26 : i32
        %shift_left3A_834 = vector.broadcast %shift_left3A_833 : i32 to vector<16xi32>
        %shift_left3A_835 = arith.shli %xor3A_831, %shift_left3A_834 : vector<16xi32>
        %shift_right_logical3A_836 = arith.constant 6 : i32
        %shift_right_logical3A_837 = vector.broadcast %shift_right_logical3A_836 : i32 to vector<16xi32>
        %shift_right_logical3A_838 = arith.shrui %xor3A_831, %shift_right_logical3A_837 : vector<16xi32>
        %or3A_839 = arith.ori %shift_left3A_835, %shift_right_logical3A_838 : vector<16xi32>
        %xor3A_840 = arith.xori %or3A_839, %add3A_832 : vector<16xi32>
        %add3A_841 = arith.addi %add3A_832, %xor3A_840 : vector<16xi32>
        %shift_left3A_842 = arith.constant 6 : i32
        %shift_left3A_843 = vector.broadcast %shift_left3A_842 : i32 to vector<16xi32>
        %shift_left3A_844 = arith.shli %xor3A_840, %shift_left3A_843 : vector<16xi32>
        %shift_right_logical3A_845 = arith.constant 26 : i32
        %shift_right_logical3A_846 = vector.broadcast %shift_right_logical3A_845 : i32 to vector<16xi32>
        %shift_right_logical3A_847 = arith.shrui %xor3A_840, %shift_right_logical3A_846 : vector<16xi32>
        %or3A_848 = arith.ori %shift_left3A_844, %shift_right_logical3A_847 : vector<16xi32>
        %xor3A_849 = arith.xori %or3A_848, %add3A_841 : vector<16xi32>
        %add3A_850 = arith.addi %add3A_841, %get3A_2 : vector<16xi32>
        %add3A_851 = arith.addi %xor3A_849, %get3A_5 : vector<16xi32>
        %add3A_852 = arith.constant 3 : i32
        %add3A_853 = vector.broadcast %add3A_852 : i32 to vector<16xi32>
        %add3A_854 = arith.addi %add3A_851, %add3A_853 : vector<16xi32>
        %add3A_855 = arith.addi %add3A_850, %add3A_854 : vector<16xi32>
        %shift_left3A_856 = arith.constant 17 : i32
        %shift_left3A_857 = vector.broadcast %shift_left3A_856 : i32 to vector<16xi32>
        %shift_left3A_858 = arith.shli %add3A_854, %shift_left3A_857 : vector<16xi32>
        %shift_right_logical3A_859 = arith.constant 15 : i32
        %shift_right_logical3A_860 = vector.broadcast %shift_right_logical3A_859 : i32 to vector<16xi32>
        %shift_right_logical3A_861 = arith.shrui %add3A_854, %shift_right_logical3A_860 : vector<16xi32>
        %or3A_862 = arith.ori %shift_left3A_858, %shift_right_logical3A_861 : vector<16xi32>
        %xor3A_863 = arith.xori %or3A_862, %add3A_855 : vector<16xi32>
        %add3A_864 = arith.addi %add3A_855, %xor3A_863 : vector<16xi32>
        %shift_left3A_865 = arith.constant 29 : i32
        %shift_left3A_866 = vector.broadcast %shift_left3A_865 : i32 to vector<16xi32>
        %shift_left3A_867 = arith.shli %xor3A_863, %shift_left3A_866 : vector<16xi32>
        %shift_right_logical3A_868 = arith.constant 3 : i32
        %shift_right_logical3A_869 = vector.broadcast %shift_right_logical3A_868 : i32 to vector<16xi32>
        %shift_right_logical3A_870 = arith.shrui %xor3A_863, %shift_right_logical3A_869 : vector<16xi32>
        %or3A_871 = arith.ori %shift_left3A_867, %shift_right_logical3A_870 : vector<16xi32>
        %xor3A_872 = arith.xori %or3A_871, %add3A_864 : vector<16xi32>
        %add3A_873 = arith.addi %add3A_864, %xor3A_872 : vector<16xi32>
        %shift_left3A_874 = arith.constant 16 : i32
        %shift_left3A_875 = vector.broadcast %shift_left3A_874 : i32 to vector<16xi32>
        %shift_left3A_876 = arith.shli %xor3A_872, %shift_left3A_875 : vector<16xi32>
        %shift_right_logical3A_877 = arith.constant 16 : i32
        %shift_right_logical3A_878 = vector.broadcast %shift_right_logical3A_877 : i32 to vector<16xi32>
        %shift_right_logical3A_879 = arith.shrui %xor3A_872, %shift_right_logical3A_878 : vector<16xi32>
        %or3A_880 = arith.ori %shift_left3A_876, %shift_right_logical3A_879 : vector<16xi32>
        %xor3A_881 = arith.xori %or3A_880, %add3A_873 : vector<16xi32>
        %add3A_882 = arith.addi %add3A_873, %xor3A_881 : vector<16xi32>
        %shift_left3A_883 = arith.constant 24 : i32
        %shift_left3A_884 = vector.broadcast %shift_left3A_883 : i32 to vector<16xi32>
        %shift_left3A_885 = arith.shli %xor3A_881, %shift_left3A_884 : vector<16xi32>
        %shift_right_logical3A_886 = arith.constant 8 : i32
        %shift_right_logical3A_887 = vector.broadcast %shift_right_logical3A_886 : i32 to vector<16xi32>
        %shift_right_logical3A_888 = arith.shrui %xor3A_881, %shift_right_logical3A_887 : vector<16xi32>
        %or3A_889 = arith.ori %shift_left3A_885, %shift_right_logical3A_888 : vector<16xi32>
        %xor3A_890 = arith.xori %or3A_889, %add3A_882 : vector<16xi32>
        %add3A_891 = arith.addi %add3A_882, %get3A_5 : vector<16xi32>
        %add3A_892 = arith.addi %xor3A_890, %xor3A_729 : vector<16xi32>
        %add3A_893 = arith.constant 4 : i32
        %add3A_894 = vector.broadcast %add3A_893 : i32 to vector<16xi32>
        %add3A_895 = arith.addi %add3A_892, %add3A_894 : vector<16xi32>
        %add3A_896 = arith.addi %add3A_891, %add3A_895 : vector<16xi32>
        %shift_left3A_897 = arith.constant 13 : i32
        %shift_left3A_898 = vector.broadcast %shift_left3A_897 : i32 to vector<16xi32>
        %shift_left3A_899 = arith.shli %add3A_895, %shift_left3A_898 : vector<16xi32>
        %shift_right_logical3A_900 = arith.constant 19 : i32
        %shift_right_logical3A_901 = vector.broadcast %shift_right_logical3A_900 : i32 to vector<16xi32>
        %shift_right_logical3A_902 = arith.shrui %add3A_895, %shift_right_logical3A_901 : vector<16xi32>
        %or3A_903 = arith.ori %shift_left3A_899, %shift_right_logical3A_902 : vector<16xi32>
        %xor3A_904 = arith.xori %or3A_903, %add3A_896 : vector<16xi32>
        %add3A_905 = arith.addi %add3A_896, %xor3A_904 : vector<16xi32>
        %shift_left3A_906 = arith.constant 15 : i32
        %shift_left3A_907 = vector.broadcast %shift_left3A_906 : i32 to vector<16xi32>
        %shift_left3A_908 = arith.shli %xor3A_904, %shift_left3A_907 : vector<16xi32>
        %shift_right_logical3A_909 = arith.constant 17 : i32
        %shift_right_logical3A_910 = vector.broadcast %shift_right_logical3A_909 : i32 to vector<16xi32>
        %shift_right_logical3A_911 = arith.shrui %xor3A_904, %shift_right_logical3A_910 : vector<16xi32>
        %or3A_912 = arith.ori %shift_left3A_908, %shift_right_logical3A_911 : vector<16xi32>
        %xor3A_913 = arith.xori %or3A_912, %add3A_905 : vector<16xi32>
        %add3A_914 = arith.addi %add3A_905, %xor3A_913 : vector<16xi32>
        %shift_left3A_915 = arith.constant 26 : i32
        %shift_left3A_916 = vector.broadcast %shift_left3A_915 : i32 to vector<16xi32>
        %shift_left3A_917 = arith.shli %xor3A_913, %shift_left3A_916 : vector<16xi32>
        %shift_right_logical3A_918 = arith.constant 6 : i32
        %shift_right_logical3A_919 = vector.broadcast %shift_right_logical3A_918 : i32 to vector<16xi32>
        %shift_right_logical3A_920 = arith.shrui %xor3A_913, %shift_right_logical3A_919 : vector<16xi32>
        %or3A_921 = arith.ori %shift_left3A_917, %shift_right_logical3A_920 : vector<16xi32>
        %xor3A_922 = arith.xori %or3A_921, %add3A_914 : vector<16xi32>
        %add3A_923 = arith.addi %add3A_914, %xor3A_922 : vector<16xi32>
        %shift_left3A_924 = arith.constant 6 : i32
        %shift_left3A_925 = vector.broadcast %shift_left3A_924 : i32 to vector<16xi32>
        %shift_left3A_926 = arith.shli %xor3A_922, %shift_left3A_925 : vector<16xi32>
        %shift_right_logical3A_927 = arith.constant 26 : i32
        %shift_right_logical3A_928 = vector.broadcast %shift_right_logical3A_927 : i32 to vector<16xi32>
        %shift_right_logical3A_929 = arith.shrui %xor3A_922, %shift_right_logical3A_928 : vector<16xi32>
        %or3A_930 = arith.ori %shift_left3A_926, %shift_right_logical3A_929 : vector<16xi32>
        %xor3A_931 = arith.xori %or3A_930, %add3A_923 : vector<16xi32>
        %add3A_932 = arith.addi %add3A_923, %xor3A_729 : vector<16xi32>
        %add3A_933 = arith.addi %xor3A_931, %get3A_2 : vector<16xi32>
        %add3A_934 = arith.constant 5 : i32
        %add3A_935 = vector.broadcast %add3A_934 : i32 to vector<16xi32>
        %add3A_936 = arith.addi %add3A_933, %add3A_935 : vector<16xi32>
        %xor3A_937 = arith.xori %add3A_932, %add3A_936 : vector<16xi32>
        %add3A_938 = arith.constant 48 : i32
        %add3A_939 = arith.addi %mul3A_46, %add3A_938 : i32
        %swap3A_940 = arith.index_cast %scan3A_35 : i32 to index
        %swap3A_941 = arith.index_cast %add3A_939 : i32 to index
        %swap3A_942 = tpu.vector_load %arg8[%swap3A_940, %swap3A_941] {strides = array<i32>} : memref<64x768xi32, #tpu.memory_space<vmem>>, vector<1x16xi32>,
        %swap3A_943 = vector.shape_cast %swap3A_942 : vector<1x16xi32> to vector<16xi32>
        %swap3A_944 = vector.shape_cast %xor3A_937 : vector<16xi32> to vector<1x16xi32>
        tpu.vector_store %arg8[%swap3A_940, %swap3A_941], %swap3A_944 {strides = array<i32>} : memref<64x768xi32, #tpu.memory_space<vmem>>, vector<1x16xi32>,
      }
      %scan3A_43 = arith.constant 12 : i32
    }
    %scan3A_24 = arith.constant 64 : i32
    "tpu.region"() ({
      %run_scoped3A = tpu.sem_alloc : memref<!tpu.dma_semaphore, #tpu.memory_space<semaphore_mem>>
      %dma_start3A = arith.constant 0 : i32
      %dma_start3A_35 = tpu.memref_slice %arg5[%add3A_18, %dma_start3A] : memref<6144x768xi32, #tpu.memory_space<hbm>> -> memref<64x768xi32, #tpu.memory_space<hbm>>
      %dma_start3A_36 = arith.constant 0 : i32
      %dma_start3A_37 = tpu.memref_slice %arg5[%add3A_18, %dma_start3A_36] : memref<6144x768xi32, #tpu.memory_space<hbm>> -> memref<64x768xi32, #tpu.memory_space<hbm>>
      tpu.enqueue_dma source(%arg8 : memref<64x768xi32, #tpu.memory_space<vmem>>) target(%dma_start3A_37 : memref<64x768xi32, #tpu.memory_space<hbm>>) target_semaphore(%run_scoped3A : memref<!tpu.dma_semaphore, #tpu.memory_space<semaphore_mem>>)
      %dma_wait3A = arith.constant 0 : i32
      %dma_wait3A_38 = tpu.memref_slice %arg5[%add3A_18, %dma_wait3A] : memref<6144x768xi32, #tpu.memory_space<hbm>> -> memref<64x768xi32, #tpu.memory_space<hbm>>
      %dma_wait3A_39 = arith.constant 0 : i32
      %dma_wait3A_40 = tpu.memref_slice %arg5[%add3A_18, %dma_wait3A_39] : memref<6144x768xi32, #tpu.memory_space<hbm>> -> memref<64x768xi32, #tpu.memory_space<hbm>>
      tpu.wait_dma2 semaphore(%run_scoped3A : memref<!tpu.dma_semaphore, #tpu.memory_space<semaphore_mem>>) src(%arg8 : memref<64x768xi32, #tpu.memory_space<vmem>>) dst(%dma_wait3A_40 : memref<64x768xi32, #tpu.memory_space<hbm>>)
      tpu.yield
    }) : () -> ()
    %mul3A_25 = arith.constant 192 : i32
    %mul3A_26 = arith.muli %add3A, %mul3A_25 : i32
    %add3A_27 = arith.constant 128 : i32
    %add3A_28 = arith.addi %mul3A_26, %add3A_27 : i32
    %scan3A_29 = arith.constant 0 : i32
    %scan3A_30 = arith.constant 0 : i32
    %scan3A_31 = arith.constant 64 : i32
    %scan3A_32 = arith.addi %scan3A_30, %scan3A_31 : i32
    %scan3A_33 = arith.constant 1 : i32
    scf.for %scan3A_35 = %scan3A_30 to %scan3A_32 step %scan3A_33  : i32 {
      %add3A_36 = arith.addi %add3A_28, %scan3A_35 : i32
      %mul3A_37 = arith.constant 768 : i32
      %mul3A_38 = arith.muli %add3A_36, %mul3A_37 : i32
      %scan3A_39 = arith.constant 0 : i32
      %scan3A_40 = arith.constant 12 : i32
      %scan3A_41 = arith.addi %scan3A_39, %scan3A_40 : i32
      %scan3A_42 = arith.constant 1 : i32
      scf.for %scan3A_44 = %scan3A_39 to %scan3A_41 step %scan3A_42  : i32 {
        %mul3A_45 = arith.constant 64 : i32
        %mul3A_46 = arith.muli %scan3A_44, %mul3A_45 : i32
        %add3A_47 = arith.addi %mul3A_38, %mul3A_46 : i32
        %add3A_48 = arith.constant 0 : i32
        %add3A_49 = arith.addi %add3A_47, %add3A_48 : i32
        %add3A_50 = vector.broadcast %add3A_49 : i32 to vector<16xi32>
        %add3A_51 = arith.addi %add3A_50, %iota3A : vector<16xi32>
        %broadcast_in_dim3A = arith.constant 0 : i32
        %broadcast_in_dim3A_52 = vector.broadcast %broadcast_in_dim3A : i32 to vector<16xi32>
        %xor3A = arith.xori %get3A_2, %get3A_5 : vector<16xi32>
        %xor3A_53 = arith.constant 466688986 : i32
        %xor3A_54 = vector.broadcast %xor3A_53 : i32 to vector<16xi32>
        %xor3A_55 = arith.xori %xor3A, %xor3A_54 : vector<16xi32>
        %add3A_56 = arith.addi %broadcast_in_dim3A_52, %get3A_2 : vector<16xi32>
        %add3A_57 = arith.addi %add3A_51, %get3A_5 : vector<16xi32>
        %add3A_58 = arith.addi %add3A_56, %add3A_57 : vector<16xi32>
        %shift_left3A = arith.constant 13 : i32
        %shift_left3A_59 = vector.broadcast %shift_left3A : i32 to vector<16xi32>
        %shift_left3A_60 = arith.shli %add3A_57, %shift_left3A_59 : vector<16xi32>
        %shift_right_logical3A = arith.constant 19 : i32
        %shift_right_logical3A_61 = vector.broadcast %shift_right_logical3A : i32 to vector<16xi32>
        %shift_right_logical3A_62 = arith.shrui %add3A_57, %shift_right_logical3A_61 : vector<16xi32>
        %or3A = arith.ori %shift_left3A_60, %shift_right_logical3A_62 : vector<16xi32>
        %xor3A_63 = arith.xori %or3A, %add3A_58 : vector<16xi32>
        %add3A_64 = arith.addi %add3A_58, %xor3A_63 : vector<16xi32>
        %shift_left3A_65 = arith.constant 15 : i32
        %shift_left3A_66 = vector.broadcast %shift_left3A_65 : i32 to vector<16xi32>
        %shift_left3A_67 = arith.shli %xor3A_63, %shift_left3A_66 : vector<16xi32>
        %shift_right_logical3A_68 = arith.constant 17 : i32
        %shift_right_logical3A_69 = vector.broadcast %shift_right_logical3A_68 : i32 to vector<16xi32>
        %shift_right_logical3A_70 = arith.shrui %xor3A_63, %shift_right_logical3A_69 : vector<16xi32>
        %or3A_71 = arith.ori %shift_left3A_67, %shift_right_logical3A_70 : vector<16xi32>
        %xor3A_72 = arith.xori %or3A_71, %add3A_64 : vector<16xi32>
        %add3A_73 = arith.addi %add3A_64, %xor3A_72 : vector<16xi32>
        %shift_left3A_74 = arith.constant 26 : i32
        %shift_left3A_75 = vector.broadcast %shift_left3A_74 : i32 to vector<16xi32>
        %shift_left3A_76 = arith.shli %xor3A_72, %shift_left3A_75 : vector<16xi32>
        %shift_right_logical3A_77 = arith.constant 6 : i32
        %shift_right_logical3A_78 = vector.broadcast %shift_right_logical3A_77 : i32 to vector<16xi32>
        %shift_right_logical3A_79 = arith.shrui %xor3A_72, %shift_right_logical3A_78 : vector<16xi32>
        %or3A_80 = arith.ori %shift_left3A_76, %shift_right_logical3A_79 : vector<16xi32>
        %xor3A_81 = arith.xori %or3A_80, %add3A_73 : vector<16xi32>
        %add3A_82 = arith.addi %add3A_73, %xor3A_81 : vector<16xi32>
        %shift_left3A_83 = arith.constant 6 : i32
        %shift_left3A_84 = vector.broadcast %shift_left3A_83 : i32 to vector<16xi32>
        %shift_left3A_85 = arith.shli %xor3A_81, %shift_left3A_84 : vector<16xi32>
        %shift_right_logical3A_86 = arith.constant 26 : i32
        %shift_right_logical3A_87 = vector.broadcast %shift_right_logical3A_86 : i32 to vector<16xi32>
        %shift_right_logical3A_88 = arith.shrui %xor3A_81, %shift_right_logical3A_87 : vector<16xi32>
        %or3A_89 = arith.ori %shift_left3A_85, %shift_right_logical3A_88 : vector<16xi32>
        %xor3A_90 = arith.xori %or3A_89, %add3A_82 : vector<16xi32>
        %add3A_91 = arith.addi %add3A_82, %get3A_5 : vector<16xi32>
        %add3A_92 = arith.addi %xor3A_90, %xor3A_55 : vector<16xi32>
        %add3A_93 = arith.constant 1 : i32
        %add3A_94 = vector.broadcast %add3A_93 : i32 to vector<16xi32>
        %add3A_95 = arith.addi %add3A_92, %add3A_94 : vector<16xi32>
        %add3A_96 = arith.addi %add3A_91, %add3A_95 : vector<16xi32>
        %shift_left3A_97 = arith.constant 17 : i32
        %shift_left3A_98 = vector.broadcast %shift_left3A_97 : i32 to vector<16xi32>
        %shift_left3A_99 = arith.shli %add3A_95, %shift_left3A_98 : vector<16xi32>
        %shift_right_logical3A_100 = arith.constant 15 : i32
        %shift_right_logical3A_101 = vector.broadcast %shift_right_logical3A_100 : i32 to vector<16xi32>
        %shift_right_logical3A_102 = arith.shrui %add3A_95, %shift_right_logical3A_101 : vector<16xi32>
        %or3A_103 = arith.ori %shift_left3A_99, %shift_right_logical3A_102 : vector<16xi32>
        %xor3A_104 = arith.xori %or3A_103, %add3A_96 : vector<16xi32>
        %add3A_105 = arith.addi %add3A_96, %xor3A_104 : vector<16xi32>
        %shift_left3A_106 = arith.constant 29 : i32
        %shift_left3A_107 = vector.broadcast %shift_left3A_106 : i32 to vector<16xi32>
        %shift_left3A_108 = arith.shli %xor3A_104, %shift_left3A_107 : vector<16xi32>
        %shift_right_logical3A_109 = arith.constant 3 : i32
        %shift_right_logical3A_110 = vector.broadcast %shift_right_logical3A_109 : i32 to vector<16xi32>
        %shift_right_logical3A_111 = arith.shrui %xor3A_104, %shift_right_logical3A_110 : vector<16xi32>
        %or3A_112 = arith.ori %shift_left3A_108, %shift_right_logical3A_111 : vector<16xi32>
        %xor3A_113 = arith.xori %or3A_112, %add3A_105 : vector<16xi32>
        %add3A_114 = arith.addi %add3A_105, %xor3A_113 : vector<16xi32>
        %shift_left3A_115 = arith.constant 16 : i32
        %shift_left3A_116 = vector.broadcast %shift_left3A_115 : i32 to vector<16xi32>
        %shift_left3A_117 = arith.shli %xor3A_113, %shift_left3A_116 : vector<16xi32>
        %shift_right_logical3A_118 = arith.constant 16 : i32
        %shift_right_logical3A_119 = vector.broadcast %shift_right_logical3A_118 : i32 to vector<16xi32>
        %shift_right_logical3A_120 = arith.shrui %xor3A_113, %shift_right_logical3A_119 : vector<16xi32>
        %or3A_121 = arith.ori %shift_left3A_117, %shift_right_logical3A_120 : vector<16xi32>
        %xor3A_122 = arith.xori %or3A_121, %add3A_114 : vector<16xi32>
        %add3A_123 = arith.addi %add3A_114, %xor3A_122 : vector<16xi32>
        %shift_left3A_124 = arith.constant 24 : i32
        %shift_left3A_125 = vector.broadcast %shift_left3A_124 : i32 to vector<16xi32>
        %shift_left3A_126 = arith.shli %xor3A_122, %shift_left3A_125 : vector<16xi32>
        %shift_right_logical3A_127 = arith.constant 8 : i32
        %shift_right_logical3A_128 = vector.broadcast %shift_right_logical3A_127 : i32 to vector<16xi32>
        %shift_right_logical3A_129 = arith.shrui %xor3A_122, %shift_right_logical3A_128 : vector<16xi32>
        %or3A_130 = arith.ori %shift_left3A_126, %shift_right_logical3A_129 : vector<16xi32>
        %xor3A_131 = arith.xori %or3A_130, %add3A_123 : vector<16xi32>
        %add3A_132 = arith.addi %add3A_123, %xor3A_55 : vector<16xi32>
        %add3A_133 = arith.addi %xor3A_131, %get3A_2 : vector<16xi32>
        %add3A_134 = arith.constant 2 : i32
        %add3A_135 = vector.broadcast %add3A_134 : i32 to vector<16xi32>
        %add3A_136 = arith.addi %add3A_133, %add3A_135 : vector<16xi32>
        %add3A_137 = arith.addi %add3A_132, %add3A_136 : vector<16xi32>
        %shift_left3A_138 = arith.constant 13 : i32
        %shift_left3A_139 = vector.broadcast %shift_left3A_138 : i32 to vector<16xi32>
        %shift_left3A_140 = arith.shli %add3A_136, %shift_left3A_139 : vector<16xi32>
        %shift_right_logical3A_141 = arith.constant 19 : i32
        %shift_right_logical3A_142 = vector.broadcast %shift_right_logical3A_141 : i32 to vector<16xi32>
        %shift_right_logical3A_143 = arith.shrui %add3A_136, %shift_right_logical3A_142 : vector<16xi32>
        %or3A_144 = arith.ori %shift_left3A_140, %shift_right_logical3A_143 : vector<16xi32>
        %xor3A_145 = arith.xori %or3A_144, %add3A_137 : vector<16xi32>
        %add3A_146 = arith.addi %add3A_137, %xor3A_145 : vector<16xi32>
        %shift_left3A_147 = arith.constant 15 : i32
        %shift_left3A_148 = vector.broadcast %shift_left3A_147 : i32 to vector<16xi32>
        %shift_left3A_149 = arith.shli %xor3A_145, %shift_left3A_148 : vector<16xi32>
        %shift_right_logical3A_150 = arith.constant 17 : i32
        %shift_right_logical3A_151 = vector.broadcast %shift_right_logical3A_150 : i32 to vector<16xi32>
        %shift_right_logical3A_152 = arith.shrui %xor3A_145, %shift_right_logical3A_151 : vector<16xi32>
        %or3A_153 = arith.ori %shift_left3A_149, %shift_right_logical3A_152 : vector<16xi32>
        %xor3A_154 = arith.xori %or3A_153, %add3A_146 : vector<16xi32>
        %add3A_155 = arith.addi %add3A_146, %xor3A_154 : vector<16xi32>
        %shift_left3A_156 = arith.constant 26 : i32
        %shift_left3A_157 = vector.broadcast %shift_left3A_156 : i32 to vector<16xi32>
        %shift_left3A_158 = arith.shli %xor3A_154, %shift_left3A_157 : vector<16xi32>
        %shift_right_logical3A_159 = arith.constant 6 : i32
        %shift_right_logical3A_160 = vector.broadcast %shift_right_logical3A_159 : i32 to vector<16xi32>
        %shift_right_logical3A_161 = arith.shrui %xor3A_154, %shift_right_logical3A_160 : vector<16xi32>
        %or3A_162 = arith.ori %shift_left3A_158, %shift_right_logical3A_161 : vector<16xi32>
        %xor3A_163 = arith.xori %or3A_162, %add3A_155 : vector<16xi32>
        %add3A_164 = arith.addi %add3A_155, %xor3A_163 : vector<16xi32>
        %shift_left3A_165 = arith.constant 6 : i32
        %shift_left3A_166 = vector.broadcast %shift_left3A_165 : i32 to vector<16xi32>
        %shift_left3A_167 = arith.shli %xor3A_163, %shift_left3A_166 : vector<16xi32>
        %shift_right_logical3A_168 = arith.constant 26 : i32
        %shift_right_logical3A_169 = vector.broadcast %shift_right_logical3A_168 : i32 to vector<16xi32>
        %shift_right_logical3A_170 = arith.shrui %xor3A_163, %shift_right_logical3A_169 : vector<16xi32>
        %or3A_171 = arith.ori %shift_left3A_167, %shift_right_logical3A_170 : vector<16xi32>
        %xor3A_172 = arith.xori %or3A_171, %add3A_164 : vector<16xi32>
        %add3A_173 = arith.addi %add3A_164, %get3A_2 : vector<16xi32>
        %add3A_174 = arith.addi %xor3A_172, %get3A_5 : vector<16xi32>
        %add3A_175 = arith.constant 3 : i32
        %add3A_176 = vector.broadcast %add3A_175 : i32 to vector<16xi32>
        %add3A_177 = arith.addi %add3A_174, %add3A_176 : vector<16xi32>
        %add3A_178 = arith.addi %add3A_173, %add3A_177 : vector<16xi32>
        %shift_left3A_179 = arith.constant 17 : i32
        %shift_left3A_180 = vector.broadcast %shift_left3A_179 : i32 to vector<16xi32>
        %shift_left3A_181 = arith.shli %add3A_177, %shift_left3A_180 : vector<16xi32>
        %shift_right_logical3A_182 = arith.constant 15 : i32
        %shift_right_logical3A_183 = vector.broadcast %shift_right_logical3A_182 : i32 to vector<16xi32>
        %shift_right_logical3A_184 = arith.shrui %add3A_177, %shift_right_logical3A_183 : vector<16xi32>
        %or3A_185 = arith.ori %shift_left3A_181, %shift_right_logical3A_184 : vector<16xi32>
        %xor3A_186 = arith.xori %or3A_185, %add3A_178 : vector<16xi32>
        %add3A_187 = arith.addi %add3A_178, %xor3A_186 : vector<16xi32>
        %shift_left3A_188 = arith.constant 29 : i32
        %shift_left3A_189 = vector.broadcast %shift_left3A_188 : i32 to vector<16xi32>
        %shift_left3A_190 = arith.shli %xor3A_186, %shift_left3A_189 : vector<16xi32>
        %shift_right_logical3A_191 = arith.constant 3 : i32
        %shift_right_logical3A_192 = vector.broadcast %shift_right_logical3A_191 : i32 to vector<16xi32>
        %shift_right_logical3A_193 = arith.shrui %xor3A_186, %shift_right_logical3A_192 : vector<16xi32>
        %or3A_194 = arith.ori %shift_left3A_190, %shift_right_logical3A_193 : vector<16xi32>
        %xor3A_195 = arith.xori %or3A_194, %add3A_187 : vector<16xi32>
        %add3A_196 = arith.addi %add3A_187, %xor3A_195 : vector<16xi32>
        %shift_left3A_197 = arith.constant 16 : i32
        %shift_left3A_198 = vector.broadcast %shift_left3A_197 : i32 to vector<16xi32>
        %shift_left3A_199 = arith.shli %xor3A_195, %shift_left3A_198 : vector<16xi32>
        %shift_right_logical3A_200 = arith.constant 16 : i32
        %shift_right_logical3A_201 = vector.broadcast %shift_right_logical3A_200 : i32 to vector<16xi32>
        %shift_right_logical3A_202 = arith.shrui %xor3A_195, %shift_right_logical3A_201 : vector<16xi32>
        %or3A_203 = arith.ori %shift_left3A_199, %shift_right_logical3A_202 : vector<16xi32>
        %xor3A_204 = arith.xori %or3A_203, %add3A_196 : vector<16xi32>
        %add3A_205 = arith.addi %add3A_196, %xor3A_204 : vector<16xi32>
        %shift_left3A_206 = arith.constant 24 : i32
        %shift_left3A_207 = vector.broadcast %shift_left3A_206 : i32 to vector<16xi32>
        %shift_left3A_208 = arith.shli %xor3A_204, %shift_left3A_207 : vector<16xi32>
        %shift_right_logical3A_209 = arith.constant 8 : i32
        %shift_right_logical3A_210 = vector.broadcast %shift_right_logical3A_209 : i32 to vector<16xi32>
        %shift_right_logical3A_211 = arith.shrui %xor3A_204, %shift_right_logical3A_210 : vector<16xi32>
        %or3A_212 = arith.ori %shift_left3A_208, %shift_right_logical3A_211 : vector<16xi32>
        %xor3A_213 = arith.xori %or3A_212, %add3A_205 : vector<16xi32>
        %add3A_214 = arith.addi %add3A_205, %get3A_5 : vector<16xi32>
        %add3A_215 = arith.addi %xor3A_213, %xor3A_55 : vector<16xi32>
        %add3A_216 = arith.constant 4 : i32
        %add3A_217 = vector.broadcast %add3A_216 : i32 to vector<16xi32>
        %add3A_218 = arith.addi %add3A_215, %add3A_217 : vector<16xi32>
        %add3A_219 = arith.addi %add3A_214, %add3A_218 : vector<16xi32>
        %shift_left3A_220 = arith.constant 13 : i32
        %shift_left3A_221 = vector.broadcast %shift_left3A_220 : i32 to vector<16xi32>
        %shift_left3A_222 = arith.shli %add3A_218, %shift_left3A_221 : vector<16xi32>
        %shift_right_logical3A_223 = arith.constant 19 : i32
        %shift_right_logical3A_224 = vector.broadcast %shift_right_logical3A_223 : i32 to vector<16xi32>
        %shift_right_logical3A_225 = arith.shrui %add3A_218, %shift_right_logical3A_224 : vector<16xi32>
        %or3A_226 = arith.ori %shift_left3A_222, %shift_right_logical3A_225 : vector<16xi32>
        %xor3A_227 = arith.xori %or3A_226, %add3A_219 : vector<16xi32>
        %add3A_228 = arith.addi %add3A_219, %xor3A_227 : vector<16xi32>
        %shift_left3A_229 = arith.constant 15 : i32
        %shift_left3A_230 = vector.broadcast %shift_left3A_229 : i32 to vector<16xi32>
        %shift_left3A_231 = arith.shli %xor3A_227, %shift_left3A_230 : vector<16xi32>
        %shift_right_logical3A_232 = arith.constant 17 : i32
        %shift_right_logical3A_233 = vector.broadcast %shift_right_logical3A_232 : i32 to vector<16xi32>
        %shift_right_logical3A_234 = arith.shrui %xor3A_227, %shift_right_logical3A_233 : vector<16xi32>
        %or3A_235 = arith.ori %shift_left3A_231, %shift_right_logical3A_234 : vector<16xi32>
        %xor3A_236 = arith.xori %or3A_235, %add3A_228 : vector<16xi32>
        %add3A_237 = arith.addi %add3A_228, %xor3A_236 : vector<16xi32>
        %shift_left3A_238 = arith.constant 26 : i32
        %shift_left3A_239 = vector.broadcast %shift_left3A_238 : i32 to vector<16xi32>
        %shift_left3A_240 = arith.shli %xor3A_236, %shift_left3A_239 : vector<16xi32>
        %shift_right_logical3A_241 = arith.constant 6 : i32
        %shift_right_logical3A_242 = vector.broadcast %shift_right_logical3A_241 : i32 to vector<16xi32>
        %shift_right_logical3A_243 = arith.shrui %xor3A_236, %shift_right_logical3A_242 : vector<16xi32>
        %or3A_244 = arith.ori %shift_left3A_240, %shift_right_logical3A_243 : vector<16xi32>
        %xor3A_245 = arith.xori %or3A_244, %add3A_237 : vector<16xi32>
        %add3A_246 = arith.addi %add3A_237, %xor3A_245 : vector<16xi32>
        %shift_left3A_247 = arith.constant 6 : i32
        %shift_left3A_248 = vector.broadcast %shift_left3A_247 : i32 to vector<16xi32>
        %shift_left3A_249 = arith.shli %xor3A_245, %shift_left3A_248 : vector<16xi32>
        %shift_right_logical3A_250 = arith.constant 26 : i32
        %shift_right_logical3A_251 = vector.broadcast %shift_right_logical3A_250 : i32 to vector<16xi32>
        %shift_right_logical3A_252 = arith.shrui %xor3A_245, %shift_right_logical3A_251 : vector<16xi32>
        %or3A_253 = arith.ori %shift_left3A_249, %shift_right_logical3A_252 : vector<16xi32>
        %xor3A_254 = arith.xori %or3A_253, %add3A_246 : vector<16xi32>
        %add3A_255 = arith.addi %add3A_246, %xor3A_55 : vector<16xi32>
        %add3A_256 = arith.addi %xor3A_254, %get3A_2 : vector<16xi32>
        %add3A_257 = arith.constant 5 : i32
        %add3A_258 = vector.broadcast %add3A_257 : i32 to vector<16xi32>
        %add3A_259 = arith.addi %add3A_256, %add3A_258 : vector<16xi32>
        %xor3A_260 = arith.xori %add3A_255, %add3A_259 : vector<16xi32>
        %add3A_261 = arith.constant 0 : i32
        %add3A_262 = arith.addi %mul3A_46, %add3A_261 : i32
        %swap3A = arith.index_cast %scan3A_35 : i32 to index
        %swap3A_263 = arith.index_cast %add3A_262 : i32 to index
        %swap3A_264 = tpu.vector_load %arg8[%swap3A, %swap3A_263] {strides = array<i32>} : memref<64x768xi32, #tpu.memory_space<vmem>>, vector<1x16xi32>,
        %swap3A_265 = vector.shape_cast %swap3A_264 : vector<1x16xi32> to vector<16xi32>
        %swap3A_266 = vector.shape_cast %xor3A_260 : vector<16xi32> to vector<1x16xi32>
        tpu.vector_store %arg8[%swap3A, %swap3A_263], %swap3A_266 {strides = array<i32>} : memref<64x768xi32, #tpu.memory_space<vmem>>, vector<1x16xi32>,
        %add3A_267 = arith.addi %mul3A_38, %mul3A_46 : i32
        %add3A_268 = arith.constant 16 : i32
        %add3A_269 = arith.addi %add3A_267, %add3A_268 : i32
        %add3A_270 = vector.broadcast %add3A_269 : i32 to vector<16xi32>
        %add3A_271 = arith.addi %add3A_270, %iota3A : vector<16xi32>
        %broadcast_in_dim3A_272 = arith.constant 0 : i32
        %broadcast_in_dim3A_273 = vector.broadcast %broadcast_in_dim3A_272 : i32 to vector<16xi32>
        %xor3A_274 = arith.xori %get3A_2, %get3A_5 : vector<16xi32>
        %xor3A_275 = arith.constant 466688986 : i32
        %xor3A_276 = vector.broadcast %xor3A_275 : i32 to vector<16xi32>
        %xor3A_277 = arith.xori %xor3A_274, %xor3A_276 : vector<16xi32>
        %add3A_278 = arith.addi %broadcast_in_dim3A_273, %get3A_2 : vector<16xi32>
        %add3A_279 = arith.addi %add3A_271, %get3A_5 : vector<16xi32>
        %add3A_280 = arith.addi %add3A_278, %add3A_279 : vector<16xi32>
        %shift_left3A_281 = arith.constant 13 : i32
        %shift_left3A_282 = vector.broadcast %shift_left3A_281 : i32 to vector<16xi32>
        %shift_left3A_283 = arith.shli %add3A_279, %shift_left3A_282 : vector<16xi32>
        %shift_right_logical3A_284 = arith.constant 19 : i32
        %shift_right_logical3A_285 = vector.broadcast %shift_right_logical3A_284 : i32 to vector<16xi32>
        %shift_right_logical3A_286 = arith.shrui %add3A_279, %shift_right_logical3A_285 : vector<16xi32>
        %or3A_287 = arith.ori %shift_left3A_283, %shift_right_logical3A_286 : vector<16xi32>
        %xor3A_288 = arith.xori %or3A_287, %add3A_280 : vector<16xi32>
        %add3A_289 = arith.addi %add3A_280, %xor3A_288 : vector<16xi32>
        %shift_left3A_290 = arith.constant 15 : i32
        %shift_left3A_291 = vector.broadcast %shift_left3A_290 : i32 to vector<16xi32>
        %shift_left3A_292 = arith.shli %xor3A_288, %shift_left3A_291 : vector<16xi32>
        %shift_right_logical3A_293 = arith.constant 17 : i32
        %shift_right_logical3A_294 = vector.broadcast %shift_right_logical3A_293 : i32 to vector<16xi32>
        %shift_right_logical3A_295 = arith.shrui %xor3A_288, %shift_right_logical3A_294 : vector<16xi32>
        %or3A_296 = arith.ori %shift_left3A_292, %shift_right_logical3A_295 : vector<16xi32>
        %xor3A_297 = arith.xori %or3A_296, %add3A_289 : vector<16xi32>
        %add3A_298 = arith.addi %add3A_289, %xor3A_297 : vector<16xi32>
        %shift_left3A_299 = arith.constant 26 : i32
        %shift_left3A_300 = vector.broadcast %shift_left3A_299 : i32 to vector<16xi32>
        %shift_left3A_301 = arith.shli %xor3A_297, %shift_left3A_300 : vector<16xi32>
        %shift_right_logical3A_302 = arith.constant 6 : i32
        %shift_right_logical3A_303 = vector.broadcast %shift_right_logical3A_302 : i32 to vector<16xi32>
        %shift_right_logical3A_304 = arith.shrui %xor3A_297, %shift_right_logical3A_303 : vector<16xi32>
        %or3A_305 = arith.ori %shift_left3A_301, %shift_right_logical3A_304 : vector<16xi32>
        %xor3A_306 = arith.xori %or3A_305, %add3A_298 : vector<16xi32>
        %add3A_307 = arith.addi %add3A_298, %xor3A_306 : vector<16xi32>
        %shift_left3A_308 = arith.constant 6 : i32
        %shift_left3A_309 = vector.broadcast %shift_left3A_308 : i32 to vector<16xi32>
        %shift_left3A_310 = arith.shli %xor3A_306, %shift_left3A_309 : vector<16xi32>
        %shift_right_logical3A_311 = arith.constant 26 : i32
        %shift_right_logical3A_312 = vector.broadcast %shift_right_logical3A_311 : i32 to vector<16xi32>
        %shift_right_logical3A_313 = arith.shrui %xor3A_306, %shift_right_logical3A_312 : vector<16xi32>
        %or3A_314 = arith.ori %shift_left3A_310, %shift_right_logical3A_313 : vector<16xi32>
        %xor3A_315 = arith.xori %or3A_314, %add3A_307 : vector<16xi32>
        %add3A_316 = arith.addi %add3A_307, %get3A_5 : vector<16xi32>
        %add3A_317 = arith.addi %xor3A_315, %xor3A_277 : vector<16xi32>
        %add3A_318 = arith.constant 1 : i32
        %add3A_319 = vector.broadcast %add3A_318 : i32 to vector<16xi32>
        %add3A_320 = arith.addi %add3A_317, %add3A_319 : vector<16xi32>
        %add3A_321 = arith.addi %add3A_316, %add3A_320 : vector<16xi32>
        %shift_left3A_322 = arith.constant 17 : i32
        %shift_left3A_323 = vector.broadcast %shift_left3A_322 : i32 to vector<16xi32>
        %shift_left3A_324 = arith.shli %add3A_320, %shift_left3A_323 : vector<16xi32>
        %shift_right_logical3A_325 = arith.constant 15 : i32
        %shift_right_logical3A_326 = vector.broadcast %shift_right_logical3A_325 : i32 to vector<16xi32>
        %shift_right_logical3A_327 = arith.shrui %add3A_320, %shift_right_logical3A_326 : vector<16xi32>
        %or3A_328 = arith.ori %shift_left3A_324, %shift_right_logical3A_327 : vector<16xi32>
        %xor3A_329 = arith.xori %or3A_328, %add3A_321 : vector<16xi32>
        %add3A_330 = arith.addi %add3A_321, %xor3A_329 : vector<16xi32>
        %shift_left3A_331 = arith.constant 29 : i32
        %shift_left3A_332 = vector.broadcast %shift_left3A_331 : i32 to vector<16xi32>
        %shift_left3A_333 = arith.shli %xor3A_329, %shift_left3A_332 : vector<16xi32>
        %shift_right_logical3A_334 = arith.constant 3 : i32
        %shift_right_logical3A_335 = vector.broadcast %shift_right_logical3A_334 : i32 to vector<16xi32>
        %shift_right_logical3A_336 = arith.shrui %xor3A_329, %shift_right_logical3A_335 : vector<16xi32>
        %or3A_337 = arith.ori %shift_left3A_333, %shift_right_logical3A_336 : vector<16xi32>
        %xor3A_338 = arith.xori %or3A_337, %add3A_330 : vector<16xi32>
        %add3A_339 = arith.addi %add3A_330, %xor3A_338 : vector<16xi32>
        %shift_left3A_340 = arith.constant 16 : i32
        %shift_left3A_341 = vector.broadcast %shift_left3A_340 : i32 to vector<16xi32>
        %shift_left3A_342 = arith.shli %xor3A_338, %shift_left3A_341 : vector<16xi32>
        %shift_right_logical3A_343 = arith.constant 16 : i32
        %shift_right_logical3A_344 = vector.broadcast %shift_right_logical3A_343 : i32 to vector<16xi32>
        %shift_right_logical3A_345 = arith.shrui %xor3A_338, %shift_right_logical3A_344 : vector<16xi32>
        %or3A_346 = arith.ori %shift_left3A_342, %shift_right_logical3A_345 : vector<16xi32>
        %xor3A_347 = arith.xori %or3A_346, %add3A_339 : vector<16xi32>
        %add3A_348 = arith.addi %add3A_339, %xor3A_347 : vector<16xi32>
        %shift_left3A_349 = arith.constant 24 : i32
        %shift_left3A_350 = vector.broadcast %shift_left3A_349 : i32 to vector<16xi32>
        %shift_left3A_351 = arith.shli %xor3A_347, %shift_left3A_350 : vector<16xi32>
        %shift_right_logical3A_352 = arith.constant 8 : i32
        %shift_right_logical3A_353 = vector.broadcast %shift_right_logical3A_352 : i32 to vector<16xi32>
        %shift_right_logical3A_354 = arith.shrui %xor3A_347, %shift_right_logical3A_353 : vector<16xi32>
        %or3A_355 = arith.ori %shift_left3A_351, %shift_right_logical3A_354 : vector<16xi32>
        %xor3A_356 = arith.xori %or3A_355, %add3A_348 : vector<16xi32>
        %add3A_357 = arith.addi %add3A_348, %xor3A_277 : vector<16xi32>
        %add3A_358 = arith.addi %xor3A_356, %get3A_2 : vector<16xi32>
        %add3A_359 = arith.constant 2 : i32
        %add3A_360 = vector.broadcast %add3A_359 : i32 to vector<16xi32>
        %add3A_361 = arith.addi %add3A_358, %add3A_360 : vector<16xi32>
        %add3A_362 = arith.addi %add3A_357, %add3A_361 : vector<16xi32>
        %shift_left3A_363 = arith.constant 13 : i32
        %shift_left3A_364 = vector.broadcast %shift_left3A_363 : i32 to vector<16xi32>
        %shift_left3A_365 = arith.shli %add3A_361, %shift_left3A_364 : vector<16xi32>
        %shift_right_logical3A_366 = arith.constant 19 : i32
        %shift_right_logical3A_367 = vector.broadcast %shift_right_logical3A_366 : i32 to vector<16xi32>
        %shift_right_logical3A_368 = arith.shrui %add3A_361, %shift_right_logical3A_367 : vector<16xi32>
        %or3A_369 = arith.ori %shift_left3A_365, %shift_right_logical3A_368 : vector<16xi32>
        %xor3A_370 = arith.xori %or3A_369, %add3A_362 : vector<16xi32>
        %add3A_371 = arith.addi %add3A_362, %xor3A_370 : vector<16xi32>
        %shift_left3A_372 = arith.constant 15 : i32
        %shift_left3A_373 = vector.broadcast %shift_left3A_372 : i32 to vector<16xi32>
        %shift_left3A_374 = arith.shli %xor3A_370, %shift_left3A_373 : vector<16xi32>
        %shift_right_logical3A_375 = arith.constant 17 : i32
        %shift_right_logical3A_376 = vector.broadcast %shift_right_logical3A_375 : i32 to vector<16xi32>
        %shift_right_logical3A_377 = arith.shrui %xor3A_370, %shift_right_logical3A_376 : vector<16xi32>
        %or3A_378 = arith.ori %shift_left3A_374, %shift_right_logical3A_377 : vector<16xi32>
        %xor3A_379 = arith.xori %or3A_378, %add3A_371 : vector<16xi32>
        %add3A_380 = arith.addi %add3A_371, %xor3A_379 : vector<16xi32>
        %shift_left3A_381 = arith.constant 26 : i32
        %shift_left3A_382 = vector.broadcast %shift_left3A_381 : i32 to vector<16xi32>
        %shift_left3A_383 = arith.shli %xor3A_379, %shift_left3A_382 : vector<16xi32>
        %shift_right_logical3A_384 = arith.constant 6 : i32
        %shift_right_logical3A_385 = vector.broadcast %shift_right_logical3A_384 : i32 to vector<16xi32>
        %shift_right_logical3A_386 = arith.shrui %xor3A_379, %shift_right_logical3A_385 : vector<16xi32>
        %or3A_387 = arith.ori %shift_left3A_383, %shift_right_logical3A_386 : vector<16xi32>
        %xor3A_388 = arith.xori %or3A_387, %add3A_380 : vector<16xi32>
        %add3A_389 = arith.addi %add3A_380, %xor3A_388 : vector<16xi32>
        %shift_left3A_390 = arith.constant 6 : i32
        %shift_left3A_391 = vector.broadcast %shift_left3A_390 : i32 to vector<16xi32>
        %shift_left3A_392 = arith.shli %xor3A_388, %shift_left3A_391 : vector<16xi32>
        %shift_right_logical3A_393 = arith.constant 26 : i32
        %shift_right_logical3A_394 = vector.broadcast %shift_right_logical3A_393 : i32 to vector<16xi32>
        %shift_right_logical3A_395 = arith.shrui %xor3A_388, %shift_right_logical3A_394 : vector<16xi32>
        %or3A_396 = arith.ori %shift_left3A_392, %shift_right_logical3A_395 : vector<16xi32>
        %xor3A_397 = arith.xori %or3A_396, %add3A_389 : vector<16xi32>
        %add3A_398 = arith.addi %add3A_389, %get3A_2 : vector<16xi32>
        %add3A_399 = arith.addi %xor3A_397, %get3A_5 : vector<16xi32>
        %add3A_400 = arith.constant 3 : i32
        %add3A_401 = vector.broadcast %add3A_400 : i32 to vector<16xi32>
        %add3A_402 = arith.addi %add3A_399, %add3A_401 : vector<16xi32>
        %add3A_403 = arith.addi %add3A_398, %add3A_402 : vector<16xi32>
        %shift_left3A_404 = arith.constant 17 : i32
        %shift_left3A_405 = vector.broadcast %shift_left3A_404 : i32 to vector<16xi32>
        %shift_left3A_406 = arith.shli %add3A_402, %shift_left3A_405 : vector<16xi32>
        %shift_right_logical3A_407 = arith.constant 15 : i32
        %shift_right_logical3A_408 = vector.broadcast %shift_right_logical3A_407 : i32 to vector<16xi32>
        %shift_right_logical3A_409 = arith.shrui %add3A_402, %shift_right_logical3A_408 : vector<16xi32>
        %or3A_410 = arith.ori %shift_left3A_406, %shift_right_logical3A_409 : vector<16xi32>
        %xor3A_411 = arith.xori %or3A_410, %add3A_403 : vector<16xi32>
        %add3A_412 = arith.addi %add3A_403, %xor3A_411 : vector<16xi32>
        %shift_left3A_413 = arith.constant 29 : i32
        %shift_left3A_414 = vector.broadcast %shift_left3A_413 : i32 to vector<16xi32>
        %shift_left3A_415 = arith.shli %xor3A_411, %shift_left3A_414 : vector<16xi32>
        %shift_right_logical3A_416 = arith.constant 3 : i32
        %shift_right_logical3A_417 = vector.broadcast %shift_right_logical3A_416 : i32 to vector<16xi32>
        %shift_right_logical3A_418 = arith.shrui %xor3A_411, %shift_right_logical3A_417 : vector<16xi32>
        %or3A_419 = arith.ori %shift_left3A_415, %shift_right_logical3A_418 : vector<16xi32>
        %xor3A_420 = arith.xori %or3A_419, %add3A_412 : vector<16xi32>
        %add3A_421 = arith.addi %add3A_412, %xor3A_420 : vector<16xi32>
        %shift_left3A_422 = arith.constant 16 : i32
        %shift_left3A_423 = vector.broadcast %shift_left3A_422 : i32 to vector<16xi32>
        %shift_left3A_424 = arith.shli %xor3A_420, %shift_left3A_423 : vector<16xi32>
        %shift_right_logical3A_425 = arith.constant 16 : i32
        %shift_right_logical3A_426 = vector.broadcast %shift_right_logical3A_425 : i32 to vector<16xi32>
        %shift_right_logical3A_427 = arith.shrui %xor3A_420, %shift_right_logical3A_426 : vector<16xi32>
        %or3A_428 = arith.ori %shift_left3A_424, %shift_right_logical3A_427 : vector<16xi32>
        %xor3A_429 = arith.xori %or3A_428, %add3A_421 : vector<16xi32>
        %add3A_430 = arith.addi %add3A_421, %xor3A_429 : vector<16xi32>
        %shift_left3A_431 = arith.constant 24 : i32
        %shift_left3A_432 = vector.broadcast %shift_left3A_431 : i32 to vector<16xi32>
        %shift_left3A_433 = arith.shli %xor3A_429, %shift_left3A_432 : vector<16xi32>
        %shift_right_logical3A_434 = arith.constant 8 : i32
        %shift_right_logical3A_435 = vector.broadcast %shift_right_logical3A_434 : i32 to vector<16xi32>
        %shift_right_logical3A_436 = arith.shrui %xor3A_429, %shift_right_logical3A_435 : vector<16xi32>
        %or3A_437 = arith.ori %shift_left3A_433, %shift_right_logical3A_436 : vector<16xi32>
        %xor3A_438 = arith.xori %or3A_437, %add3A_430 : vector<16xi32>
        %add3A_439 = arith.addi %add3A_430, %get3A_5 : vector<16xi32>
        %add3A_440 = arith.addi %xor3A_438, %xor3A_277 : vector<16xi32>
        %add3A_441 = arith.constant 4 : i32
        %add3A_442 = vector.broadcast %add3A_441 : i32 to vector<16xi32>
        %add3A_443 = arith.addi %add3A_440, %add3A_442 : vector<16xi32>
        %add3A_444 = arith.addi %add3A_439, %add3A_443 : vector<16xi32>
        %shift_left3A_445 = arith.constant 13 : i32
        %shift_left3A_446 = vector.broadcast %shift_left3A_445 : i32 to vector<16xi32>
        %shift_left3A_447 = arith.shli %add3A_443, %shift_left3A_446 : vector<16xi32>
        %shift_right_logical3A_448 = arith.constant 19 : i32
        %shift_right_logical3A_449 = vector.broadcast %shift_right_logical3A_448 : i32 to vector<16xi32>
        %shift_right_logical3A_450 = arith.shrui %add3A_443, %shift_right_logical3A_449 : vector<16xi32>
        %or3A_451 = arith.ori %shift_left3A_447, %shift_right_logical3A_450 : vector<16xi32>
        %xor3A_452 = arith.xori %or3A_451, %add3A_444 : vector<16xi32>
        %add3A_453 = arith.addi %add3A_444, %xor3A_452 : vector<16xi32>
        %shift_left3A_454 = arith.constant 15 : i32
        %shift_left3A_455 = vector.broadcast %shift_left3A_454 : i32 to vector<16xi32>
        %shift_left3A_456 = arith.shli %xor3A_452, %shift_left3A_455 : vector<16xi32>
        %shift_right_logical3A_457 = arith.constant 17 : i32
        %shift_right_logical3A_458 = vector.broadcast %shift_right_logical3A_457 : i32 to vector<16xi32>
        %shift_right_logical3A_459 = arith.shrui %xor3A_452, %shift_right_logical3A_458 : vector<16xi32>
        %or3A_460 = arith.ori %shift_left3A_456, %shift_right_logical3A_459 : vector<16xi32>
        %xor3A_461 = arith.xori %or3A_460, %add3A_453 : vector<16xi32>
        %add3A_462 = arith.addi %add3A_453, %xor3A_461 : vector<16xi32>
        %shift_left3A_463 = arith.constant 26 : i32
        %shift_left3A_464 = vector.broadcast %shift_left3A_463 : i32 to vector<16xi32>
        %shift_left3A_465 = arith.shli %xor3A_461, %shift_left3A_464 : vector<16xi32>
        %shift_right_logical3A_466 = arith.constant 6 : i32
        %shift_right_logical3A_467 = vector.broadcast %shift_right_logical3A_466 : i32 to vector<16xi32>
        %shift_right_logical3A_468 = arith.shrui %xor3A_461, %shift_right_logical3A_467 : vector<16xi32>
        %or3A_469 = arith.ori %shift_left3A_465, %shift_right_logical3A_468 : vector<16xi32>
        %xor3A_470 = arith.xori %or3A_469, %add3A_462 : vector<16xi32>
        %add3A_471 = arith.addi %add3A_462, %xor3A_470 : vector<16xi32>
        %shift_left3A_472 = arith.constant 6 : i32
        %shift_left3A_473 = vector.broadcast %shift_left3A_472 : i32 to vector<16xi32>
        %shift_left3A_474 = arith.shli %xor3A_470, %shift_left3A_473 : vector<16xi32>
        %shift_right_logical3A_475 = arith.constant 26 : i32
        %shift_right_logical3A_476 = vector.broadcast %shift_right_logical3A_475 : i32 to vector<16xi32>
        %shift_right_logical3A_477 = arith.shrui %xor3A_470, %shift_right_logical3A_476 : vector<16xi32>
        %or3A_478 = arith.ori %shift_left3A_474, %shift_right_logical3A_477 : vector<16xi32>
        %xor3A_479 = arith.xori %or3A_478, %add3A_471 : vector<16xi32>
        %add3A_480 = arith.addi %add3A_471, %xor3A_277 : vector<16xi32>
        %add3A_481 = arith.addi %xor3A_479, %get3A_2 : vector<16xi32>
        %add3A_482 = arith.constant 5 : i32
        %add3A_483 = vector.broadcast %add3A_482 : i32 to vector<16xi32>
        %add3A_484 = arith.addi %add3A_481, %add3A_483 : vector<16xi32>
        %xor3A_485 = arith.xori %add3A_480, %add3A_484 : vector<16xi32>
        %add3A_486 = arith.constant 16 : i32
        %add3A_487 = arith.addi %mul3A_46, %add3A_486 : i32
        %swap3A_488 = arith.index_cast %scan3A_35 : i32 to index
        %swap3A_489 = arith.index_cast %add3A_487 : i32 to index
        %swap3A_490 = tpu.vector_load %arg8[%swap3A_488, %swap3A_489] {strides = array<i32>} : memref<64x768xi32, #tpu.memory_space<vmem>>, vector<1x16xi32>,
        %swap3A_491 = vector.shape_cast %swap3A_490 : vector<1x16xi32> to vector<16xi32>
        %swap3A_492 = vector.shape_cast %xor3A_485 : vector<16xi32> to vector<1x16xi32>
        tpu.vector_store %arg8[%swap3A_488, %swap3A_489], %swap3A_492 {strides = array<i32>} : memref<64x768xi32, #tpu.memory_space<vmem>>, vector<1x16xi32>,
        %add3A_493 = arith.addi %mul3A_38, %mul3A_46 : i32
        %add3A_494 = arith.constant 32 : i32
        %add3A_495 = arith.addi %add3A_493, %add3A_494 : i32
        %add3A_496 = vector.broadcast %add3A_495 : i32 to vector<16xi32>
        %add3A_497 = arith.addi %add3A_496, %iota3A : vector<16xi32>
        %broadcast_in_dim3A_498 = arith.constant 0 : i32
        %broadcast_in_dim3A_499 = vector.broadcast %broadcast_in_dim3A_498 : i32 to vector<16xi32>
        %xor3A_500 = arith.xori %get3A_2, %get3A_5 : vector<16xi32>
        %xor3A_501 = arith.constant 466688986 : i32
        %xor3A_502 = vector.broadcast %xor3A_501 : i32 to vector<16xi32>
        %xor3A_503 = arith.xori %xor3A_500, %xor3A_502 : vector<16xi32>
        %add3A_504 = arith.addi %broadcast_in_dim3A_499, %get3A_2 : vector<16xi32>
        %add3A_505 = arith.addi %add3A_497, %get3A_5 : vector<16xi32>
        %add3A_506 = arith.addi %add3A_504, %add3A_505 : vector<16xi32>
        %shift_left3A_507 = arith.constant 13 : i32
        %shift_left3A_508 = vector.broadcast %shift_left3A_507 : i32 to vector<16xi32>
        %shift_left3A_509 = arith.shli %add3A_505, %shift_left3A_508 : vector<16xi32>
        %shift_right_logical3A_510 = arith.constant 19 : i32
        %shift_right_logical3A_511 = vector.broadcast %shift_right_logical3A_510 : i32 to vector<16xi32>
        %shift_right_logical3A_512 = arith.shrui %add3A_505, %shift_right_logical3A_511 : vector<16xi32>
        %or3A_513 = arith.ori %shift_left3A_509, %shift_right_logical3A_512 : vector<16xi32>
        %xor3A_514 = arith.xori %or3A_513, %add3A_506 : vector<16xi32>
        %add3A_515 = arith.addi %add3A_506, %xor3A_514 : vector<16xi32>
        %shift_left3A_516 = arith.constant 15 : i32
        %shift_left3A_517 = vector.broadcast %shift_left3A_516 : i32 to vector<16xi32>
        %shift_left3A_518 = arith.shli %xor3A_514, %shift_left3A_517 : vector<16xi32>
        %shift_right_logical3A_519 = arith.constant 17 : i32
        %shift_right_logical3A_520 = vector.broadcast %shift_right_logical3A_519 : i32 to vector<16xi32>
        %shift_right_logical3A_521 = arith.shrui %xor3A_514, %shift_right_logical3A_520 : vector<16xi32>
        %or3A_522 = arith.ori %shift_left3A_518, %shift_right_logical3A_521 : vector<16xi32>
        %xor3A_523 = arith.xori %or3A_522, %add3A_515 : vector<16xi32>
        %add3A_524 = arith.addi %add3A_515, %xor3A_523 : vector<16xi32>
        %shift_left3A_525 = arith.constant 26 : i32
        %shift_left3A_526 = vector.broadcast %shift_left3A_525 : i32 to vector<16xi32>
        %shift_left3A_527 = arith.shli %xor3A_523, %shift_left3A_526 : vector<16xi32>
        %shift_right_logical3A_528 = arith.constant 6 : i32
        %shift_right_logical3A_529 = vector.broadcast %shift_right_logical3A_528 : i32 to vector<16xi32>
        %shift_right_logical3A_530 = arith.shrui %xor3A_523, %shift_right_logical3A_529 : vector<16xi32>
        %or3A_531 = arith.ori %shift_left3A_527, %shift_right_logical3A_530 : vector<16xi32>
        %xor3A_532 = arith.xori %or3A_531, %add3A_524 : vector<16xi32>
        %add3A_533 = arith.addi %add3A_524, %xor3A_532 : vector<16xi32>
        %shift_left3A_534 = arith.constant 6 : i32
        %shift_left3A_535 = vector.broadcast %shift_left3A_534 : i32 to vector<16xi32>
        %shift_left3A_536 = arith.shli %xor3A_532, %shift_left3A_535 : vector<16xi32>
        %shift_right_logical3A_537 = arith.constant 26 : i32
        %shift_right_logical3A_538 = vector.broadcast %shift_right_logical3A_537 : i32 to vector<16xi32>
        %shift_right_logical3A_539 = arith.shrui %xor3A_532, %shift_right_logical3A_538 : vector<16xi32>
        %or3A_540 = arith.ori %shift_left3A_536, %shift_right_logical3A_539 : vector<16xi32>
        %xor3A_541 = arith.xori %or3A_540, %add3A_533 : vector<16xi32>
        %add3A_542 = arith.addi %add3A_533, %get3A_5 : vector<16xi32>
        %add3A_543 = arith.addi %xor3A_541, %xor3A_503 : vector<16xi32>
        %add3A_544 = arith.constant 1 : i32
        %add3A_545 = vector.broadcast %add3A_544 : i32 to vector<16xi32>
        %add3A_546 = arith.addi %add3A_543, %add3A_545 : vector<16xi32>
        %add3A_547 = arith.addi %add3A_542, %add3A_546 : vector<16xi32>
        %shift_left3A_548 = arith.constant 17 : i32
        %shift_left3A_549 = vector.broadcast %shift_left3A_548 : i32 to vector<16xi32>
        %shift_left3A_550 = arith.shli %add3A_546, %shift_left3A_549 : vector<16xi32>
        %shift_right_logical3A_551 = arith.constant 15 : i32
        %shift_right_logical3A_552 = vector.broadcast %shift_right_logical3A_551 : i32 to vector<16xi32>
        %shift_right_logical3A_553 = arith.shrui %add3A_546, %shift_right_logical3A_552 : vector<16xi32>
        %or3A_554 = arith.ori %shift_left3A_550, %shift_right_logical3A_553 : vector<16xi32>
        %xor3A_555 = arith.xori %or3A_554, %add3A_547 : vector<16xi32>
        %add3A_556 = arith.addi %add3A_547, %xor3A_555 : vector<16xi32>
        %shift_left3A_557 = arith.constant 29 : i32
        %shift_left3A_558 = vector.broadcast %shift_left3A_557 : i32 to vector<16xi32>
        %shift_left3A_559 = arith.shli %xor3A_555, %shift_left3A_558 : vector<16xi32>
        %shift_right_logical3A_560 = arith.constant 3 : i32
        %shift_right_logical3A_561 = vector.broadcast %shift_right_logical3A_560 : i32 to vector<16xi32>
        %shift_right_logical3A_562 = arith.shrui %xor3A_555, %shift_right_logical3A_561 : vector<16xi32>
        %or3A_563 = arith.ori %shift_left3A_559, %shift_right_logical3A_562 : vector<16xi32>
        %xor3A_564 = arith.xori %or3A_563, %add3A_556 : vector<16xi32>
        %add3A_565 = arith.addi %add3A_556, %xor3A_564 : vector<16xi32>
        %shift_left3A_566 = arith.constant 16 : i32
        %shift_left3A_567 = vector.broadcast %shift_left3A_566 : i32 to vector<16xi32>
        %shift_left3A_568 = arith.shli %xor3A_564, %shift_left3A_567 : vector<16xi32>
        %shift_right_logical3A_569 = arith.constant 16 : i32
        %shift_right_logical3A_570 = vector.broadcast %shift_right_logical3A_569 : i32 to vector<16xi32>
        %shift_right_logical3A_571 = arith.shrui %xor3A_564, %shift_right_logical3A_570 : vector<16xi32>
        %or3A_572 = arith.ori %shift_left3A_568, %shift_right_logical3A_571 : vector<16xi32>
        %xor3A_573 = arith.xori %or3A_572, %add3A_565 : vector<16xi32>
        %add3A_574 = arith.addi %add3A_565, %xor3A_573 : vector<16xi32>
        %shift_left3A_575 = arith.constant 24 : i32
        %shift_left3A_576 = vector.broadcast %shift_left3A_575 : i32 to vector<16xi32>
        %shift_left3A_577 = arith.shli %xor3A_573, %shift_left3A_576 : vector<16xi32>
        %shift_right_logical3A_578 = arith.constant 8 : i32
        %shift_right_logical3A_579 = vector.broadcast %shift_right_logical3A_578 : i32 to vector<16xi32>
        %shift_right_logical3A_580 = arith.shrui %xor3A_573, %shift_right_logical3A_579 : vector<16xi32>
        %or3A_581 = arith.ori %shift_left3A_577, %shift_right_logical3A_580 : vector<16xi32>
        %xor3A_582 = arith.xori %or3A_581, %add3A_574 : vector<16xi32>
        %add3A_583 = arith.addi %add3A_574, %xor3A_503 : vector<16xi32>
        %add3A_584 = arith.addi %xor3A_582, %get3A_2 : vector<16xi32>
        %add3A_585 = arith.constant 2 : i32
        %add3A_586 = vector.broadcast %add3A_585 : i32 to vector<16xi32>
        %add3A_587 = arith.addi %add3A_584, %add3A_586 : vector<16xi32>
        %add3A_588 = arith.addi %add3A_583, %add3A_587 : vector<16xi32>
        %shift_left3A_589 = arith.constant 13 : i32
        %shift_left3A_590 = vector.broadcast %shift_left3A_589 : i32 to vector<16xi32>
        %shift_left3A_591 = arith.shli %add3A_587, %shift_left3A_590 : vector<16xi32>
        %shift_right_logical3A_592 = arith.constant 19 : i32
        %shift_right_logical3A_593 = vector.broadcast %shift_right_logical3A_592 : i32 to vector<16xi32>
        %shift_right_logical3A_594 = arith.shrui %add3A_587, %shift_right_logical3A_593 : vector<16xi32>
        %or3A_595 = arith.ori %shift_left3A_591, %shift_right_logical3A_594 : vector<16xi32>
        %xor3A_596 = arith.xori %or3A_595, %add3A_588 : vector<16xi32>
        %add3A_597 = arith.addi %add3A_588, %xor3A_596 : vector<16xi32>
        %shift_left3A_598 = arith.constant 15 : i32
        %shift_left3A_599 = vector.broadcast %shift_left3A_598 : i32 to vector<16xi32>
        %shift_left3A_600 = arith.shli %xor3A_596, %shift_left3A_599 : vector<16xi32>
        %shift_right_logical3A_601 = arith.constant 17 : i32
        %shift_right_logical3A_602 = vector.broadcast %shift_right_logical3A_601 : i32 to vector<16xi32>
        %shift_right_logical3A_603 = arith.shrui %xor3A_596, %shift_right_logical3A_602 : vector<16xi32>
        %or3A_604 = arith.ori %shift_left3A_600, %shift_right_logical3A_603 : vector<16xi32>
        %xor3A_605 = arith.xori %or3A_604, %add3A_597 : vector<16xi32>
        %add3A_606 = arith.addi %add3A_597, %xor3A_605 : vector<16xi32>
        %shift_left3A_607 = arith.constant 26 : i32
        %shift_left3A_608 = vector.broadcast %shift_left3A_607 : i32 to vector<16xi32>
        %shift_left3A_609 = arith.shli %xor3A_605, %shift_left3A_608 : vector<16xi32>
        %shift_right_logical3A_610 = arith.constant 6 : i32
        %shift_right_logical3A_611 = vector.broadcast %shift_right_logical3A_610 : i32 to vector<16xi32>
        %shift_right_logical3A_612 = arith.shrui %xor3A_605, %shift_right_logical3A_611 : vector<16xi32>
        %or3A_613 = arith.ori %shift_left3A_609, %shift_right_logical3A_612 : vector<16xi32>
        %xor3A_614 = arith.xori %or3A_613, %add3A_606 : vector<16xi32>
        %add3A_615 = arith.addi %add3A_606, %xor3A_614 : vector<16xi32>
        %shift_left3A_616 = arith.constant 6 : i32
        %shift_left3A_617 = vector.broadcast %shift_left3A_616 : i32 to vector<16xi32>
        %shift_left3A_618 = arith.shli %xor3A_614, %shift_left3A_617 : vector<16xi32>
        %shift_right_logical3A_619 = arith.constant 26 : i32
        %shift_right_logical3A_620 = vector.broadcast %shift_right_logical3A_619 : i32 to vector<16xi32>
        %shift_right_logical3A_621 = arith.shrui %xor3A_614, %shift_right_logical3A_620 : vector<16xi32>
        %or3A_622 = arith.ori %shift_left3A_618, %shift_right_logical3A_621 : vector<16xi32>
        %xor3A_623 = arith.xori %or3A_622, %add3A_615 : vector<16xi32>
        %add3A_624 = arith.addi %add3A_615, %get3A_2 : vector<16xi32>
        %add3A_625 = arith.addi %xor3A_623, %get3A_5 : vector<16xi32>
        %add3A_626 = arith.constant 3 : i32
        %add3A_627 = vector.broadcast %add3A_626 : i32 to vector<16xi32>
        %add3A_628 = arith.addi %add3A_625, %add3A_627 : vector<16xi32>
        %add3A_629 = arith.addi %add3A_624, %add3A_628 : vector<16xi32>
        %shift_left3A_630 = arith.constant 17 : i32
        %shift_left3A_631 = vector.broadcast %shift_left3A_630 : i32 to vector<16xi32>
        %shift_left3A_632 = arith.shli %add3A_628, %shift_left3A_631 : vector<16xi32>
        %shift_right_logical3A_633 = arith.constant 15 : i32
        %shift_right_logical3A_634 = vector.broadcast %shift_right_logical3A_633 : i32 to vector<16xi32>
        %shift_right_logical3A_635 = arith.shrui %add3A_628, %shift_right_logical3A_634 : vector<16xi32>
        %or3A_636 = arith.ori %shift_left3A_632, %shift_right_logical3A_635 : vector<16xi32>
        %xor3A_637 = arith.xori %or3A_636, %add3A_629 : vector<16xi32>
        %add3A_638 = arith.addi %add3A_629, %xor3A_637 : vector<16xi32>
        %shift_left3A_639 = arith.constant 29 : i32
        %shift_left3A_640 = vector.broadcast %shift_left3A_639 : i32 to vector<16xi32>
        %shift_left3A_641 = arith.shli %xor3A_637, %shift_left3A_640 : vector<16xi32>
        %shift_right_logical3A_642 = arith.constant 3 : i32
        %shift_right_logical3A_643 = vector.broadcast %shift_right_logical3A_642 : i32 to vector<16xi32>
        %shift_right_logical3A_644 = arith.shrui %xor3A_637, %shift_right_logical3A_643 : vector<16xi32>
        %or3A_645 = arith.ori %shift_left3A_641, %shift_right_logical3A_644 : vector<16xi32>
        %xor3A_646 = arith.xori %or3A_645, %add3A_638 : vector<16xi32>
        %add3A_647 = arith.addi %add3A_638, %xor3A_646 : vector<16xi32>
        %shift_left3A_648 = arith.constant 16 : i32
        %shift_left3A_649 = vector.broadcast %shift_left3A_648 : i32 to vector<16xi32>
        %shift_left3A_650 = arith.shli %xor3A_646, %shift_left3A_649 : vector<16xi32>
        %shift_right_logical3A_651 = arith.constant 16 : i32
        %shift_right_logical3A_652 = vector.broadcast %shift_right_logical3A_651 : i32 to vector<16xi32>
        %shift_right_logical3A_653 = arith.shrui %xor3A_646, %shift_right_logical3A_652 : vector<16xi32>
        %or3A_654 = arith.ori %shift_left3A_650, %shift_right_logical3A_653 : vector<16xi32>
        %xor3A_655 = arith.xori %or3A_654, %add3A_647 : vector<16xi32>
        %add3A_656 = arith.addi %add3A_647, %xor3A_655 : vector<16xi32>
        %shift_left3A_657 = arith.constant 24 : i32
        %shift_left3A_658 = vector.broadcast %shift_left3A_657 : i32 to vector<16xi32>
        %shift_left3A_659 = arith.shli %xor3A_655, %shift_left3A_658 : vector<16xi32>
        %shift_right_logical3A_660 = arith.constant 8 : i32
        %shift_right_logical3A_661 = vector.broadcast %shift_right_logical3A_660 : i32 to vector<16xi32>
        %shift_right_logical3A_662 = arith.shrui %xor3A_655, %shift_right_logical3A_661 : vector<16xi32>
        %or3A_663 = arith.ori %shift_left3A_659, %shift_right_logical3A_662 : vector<16xi32>
        %xor3A_664 = arith.xori %or3A_663, %add3A_656 : vector<16xi32>
        %add3A_665 = arith.addi %add3A_656, %get3A_5 : vector<16xi32>
        %add3A_666 = arith.addi %xor3A_664, %xor3A_503 : vector<16xi32>
        %add3A_667 = arith.constant 4 : i32
        %add3A_668 = vector.broadcast %add3A_667 : i32 to vector<16xi32>
        %add3A_669 = arith.addi %add3A_666, %add3A_668 : vector<16xi32>
        %add3A_670 = arith.addi %add3A_665, %add3A_669 : vector<16xi32>
        %shift_left3A_671 = arith.constant 13 : i32
        %shift_left3A_672 = vector.broadcast %shift_left3A_671 : i32 to vector<16xi32>
        %shift_left3A_673 = arith.shli %add3A_669, %shift_left3A_672 : vector<16xi32>
        %shift_right_logical3A_674 = arith.constant 19 : i32
        %shift_right_logical3A_675 = vector.broadcast %shift_right_logical3A_674 : i32 to vector<16xi32>
        %shift_right_logical3A_676 = arith.shrui %add3A_669, %shift_right_logical3A_675 : vector<16xi32>
        %or3A_677 = arith.ori %shift_left3A_673, %shift_right_logical3A_676 : vector<16xi32>
        %xor3A_678 = arith.xori %or3A_677, %add3A_670 : vector<16xi32>
        %add3A_679 = arith.addi %add3A_670, %xor3A_678 : vector<16xi32>
        %shift_left3A_680 = arith.constant 15 : i32
        %shift_left3A_681 = vector.broadcast %shift_left3A_680 : i32 to vector<16xi32>
        %shift_left3A_682 = arith.shli %xor3A_678, %shift_left3A_681 : vector<16xi32>
        %shift_right_logical3A_683 = arith.constant 17 : i32
        %shift_right_logical3A_684 = vector.broadcast %shift_right_logical3A_683 : i32 to vector<16xi32>
        %shift_right_logical3A_685 = arith.shrui %xor3A_678, %shift_right_logical3A_684 : vector<16xi32>
        %or3A_686 = arith.ori %shift_left3A_682, %shift_right_logical3A_685 : vector<16xi32>
        %xor3A_687 = arith.xori %or3A_686, %add3A_679 : vector<16xi32>
        %add3A_688 = arith.addi %add3A_679, %xor3A_687 : vector<16xi32>
        %shift_left3A_689 = arith.constant 26 : i32
        %shift_left3A_690 = vector.broadcast %shift_left3A_689 : i32 to vector<16xi32>
        %shift_left3A_691 = arith.shli %xor3A_687, %shift_left3A_690 : vector<16xi32>
        %shift_right_logical3A_692 = arith.constant 6 : i32
        %shift_right_logical3A_693 = vector.broadcast %shift_right_logical3A_692 : i32 to vector<16xi32>
        %shift_right_logical3A_694 = arith.shrui %xor3A_687, %shift_right_logical3A_693 : vector<16xi32>
        %or3A_695 = arith.ori %shift_left3A_691, %shift_right_logical3A_694 : vector<16xi32>
        %xor3A_696 = arith.xori %or3A_695, %add3A_688 : vector<16xi32>
        %add3A_697 = arith.addi %add3A_688, %xor3A_696 : vector<16xi32>
        %shift_left3A_698 = arith.constant 6 : i32
        %shift_left3A_699 = vector.broadcast %shift_left3A_698 : i32 to vector<16xi32>
        %shift_left3A_700 = arith.shli %xor3A_696, %shift_left3A_699 : vector<16xi32>
        %shift_right_logical3A_701 = arith.constant 26 : i32
        %shift_right_logical3A_702 = vector.broadcast %shift_right_logical3A_701 : i32 to vector<16xi32>
        %shift_right_logical3A_703 = arith.shrui %xor3A_696, %shift_right_logical3A_702 : vector<16xi32>
        %or3A_704 = arith.ori %shift_left3A_700, %shift_right_logical3A_703 : vector<16xi32>
        %xor3A_705 = arith.xori %or3A_704, %add3A_697 : vector<16xi32>
        %add3A_706 = arith.addi %add3A_697, %xor3A_503 : vector<16xi32>
        %add3A_707 = arith.addi %xor3A_705, %get3A_2 : vector<16xi32>
        %add3A_708 = arith.constant 5 : i32
        %add3A_709 = vector.broadcast %add3A_708 : i32 to vector<16xi32>
        %add3A_710 = arith.addi %add3A_707, %add3A_709 : vector<16xi32>
        %xor3A_711 = arith.xori %add3A_706, %add3A_710 : vector<16xi32>
        %add3A_712 = arith.constant 32 : i32
        %add3A_713 = arith.addi %mul3A_46, %add3A_712 : i32
        %swap3A_714 = arith.index_cast %scan3A_35 : i32 to index
        %swap3A_715 = arith.index_cast %add3A_713 : i32 to index
        %swap3A_716 = tpu.vector_load %arg8[%swap3A_714, %swap3A_715] {strides = array<i32>} : memref<64x768xi32, #tpu.memory_space<vmem>>, vector<1x16xi32>,
        %swap3A_717 = vector.shape_cast %swap3A_716 : vector<1x16xi32> to vector<16xi32>
        %swap3A_718 = vector.shape_cast %xor3A_711 : vector<16xi32> to vector<1x16xi32>
        tpu.vector_store %arg8[%swap3A_714, %swap3A_715], %swap3A_718 {strides = array<i32>} : memref<64x768xi32, #tpu.memory_space<vmem>>, vector<1x16xi32>,
        %add3A_719 = arith.addi %mul3A_38, %mul3A_46 : i32
        %add3A_720 = arith.constant 48 : i32
        %add3A_721 = arith.addi %add3A_719, %add3A_720 : i32
        %add3A_722 = vector.broadcast %add3A_721 : i32 to vector<16xi32>
        %add3A_723 = arith.addi %add3A_722, %iota3A : vector<16xi32>
        %broadcast_in_dim3A_724 = arith.constant 0 : i32
        %broadcast_in_dim3A_725 = vector.broadcast %broadcast_in_dim3A_724 : i32 to vector<16xi32>
        %xor3A_726 = arith.xori %get3A_2, %get3A_5 : vector<16xi32>
        %xor3A_727 = arith.constant 466688986 : i32
        %xor3A_728 = vector.broadcast %xor3A_727 : i32 to vector<16xi32>
        %xor3A_729 = arith.xori %xor3A_726, %xor3A_728 : vector<16xi32>
        %add3A_730 = arith.addi %broadcast_in_dim3A_725, %get3A_2 : vector<16xi32>
        %add3A_731 = arith.addi %add3A_723, %get3A_5 : vector<16xi32>
        %add3A_732 = arith.addi %add3A_730, %add3A_731 : vector<16xi32>
        %shift_left3A_733 = arith.constant 13 : i32
        %shift_left3A_734 = vector.broadcast %shift_left3A_733 : i32 to vector<16xi32>
        %shift_left3A_735 = arith.shli %add3A_731, %shift_left3A_734 : vector<16xi32>
        %shift_right_logical3A_736 = arith.constant 19 : i32
        %shift_right_logical3A_737 = vector.broadcast %shift_right_logical3A_736 : i32 to vector<16xi32>
        %shift_right_logical3A_738 = arith.shrui %add3A_731, %shift_right_logical3A_737 : vector<16xi32>
        %or3A_739 = arith.ori %shift_left3A_735, %shift_right_logical3A_738 : vector<16xi32>
        %xor3A_740 = arith.xori %or3A_739, %add3A_732 : vector<16xi32>
        %add3A_741 = arith.addi %add3A_732, %xor3A_740 : vector<16xi32>
        %shift_left3A_742 = arith.constant 15 : i32
        %shift_left3A_743 = vector.broadcast %shift_left3A_742 : i32 to vector<16xi32>
        %shift_left3A_744 = arith.shli %xor3A_740, %shift_left3A_743 : vector<16xi32>
        %shift_right_logical3A_745 = arith.constant 17 : i32
        %shift_right_logical3A_746 = vector.broadcast %shift_right_logical3A_745 : i32 to vector<16xi32>
        %shift_right_logical3A_747 = arith.shrui %xor3A_740, %shift_right_logical3A_746 : vector<16xi32>
        %or3A_748 = arith.ori %shift_left3A_744, %shift_right_logical3A_747 : vector<16xi32>
        %xor3A_749 = arith.xori %or3A_748, %add3A_741 : vector<16xi32>
        %add3A_750 = arith.addi %add3A_741, %xor3A_749 : vector<16xi32>
        %shift_left3A_751 = arith.constant 26 : i32
        %shift_left3A_752 = vector.broadcast %shift_left3A_751 : i32 to vector<16xi32>
        %shift_left3A_753 = arith.shli %xor3A_749, %shift_left3A_752 : vector<16xi32>
        %shift_right_logical3A_754 = arith.constant 6 : i32
        %shift_right_logical3A_755 = vector.broadcast %shift_right_logical3A_754 : i32 to vector<16xi32>
        %shift_right_logical3A_756 = arith.shrui %xor3A_749, %shift_right_logical3A_755 : vector<16xi32>
        %or3A_757 = arith.ori %shift_left3A_753, %shift_right_logical3A_756 : vector<16xi32>
        %xor3A_758 = arith.xori %or3A_757, %add3A_750 : vector<16xi32>
        %add3A_759 = arith.addi %add3A_750, %xor3A_758 : vector<16xi32>
        %shift_left3A_760 = arith.constant 6 : i32
        %shift_left3A_761 = vector.broadcast %shift_left3A_760 : i32 to vector<16xi32>
        %shift_left3A_762 = arith.shli %xor3A_758, %shift_left3A_761 : vector<16xi32>
        %shift_right_logical3A_763 = arith.constant 26 : i32
        %shift_right_logical3A_764 = vector.broadcast %shift_right_logical3A_763 : i32 to vector<16xi32>
        %shift_right_logical3A_765 = arith.shrui %xor3A_758, %shift_right_logical3A_764 : vector<16xi32>
        %or3A_766 = arith.ori %shift_left3A_762, %shift_right_logical3A_765 : vector<16xi32>
        %xor3A_767 = arith.xori %or3A_766, %add3A_759 : vector<16xi32>
        %add3A_768 = arith.addi %add3A_759, %get3A_5 : vector<16xi32>
        %add3A_769 = arith.addi %xor3A_767, %xor3A_729 : vector<16xi32>
        %add3A_770 = arith.constant 1 : i32
        %add3A_771 = vector.broadcast %add3A_770 : i32 to vector<16xi32>
        %add3A_772 = arith.addi %add3A_769, %add3A_771 : vector<16xi32>
        %add3A_773 = arith.addi %add3A_768, %add3A_772 : vector<16xi32>
        %shift_left3A_774 = arith.constant 17 : i32
        %shift_left3A_775 = vector.broadcast %shift_left3A_774 : i32 to vector<16xi32>
        %shift_left3A_776 = arith.shli %add3A_772, %shift_left3A_775 : vector<16xi32>
        %shift_right_logical3A_777 = arith.constant 15 : i32
        %shift_right_logical3A_778 = vector.broadcast %shift_right_logical3A_777 : i32 to vector<16xi32>
        %shift_right_logical3A_779 = arith.shrui %add3A_772, %shift_right_logical3A_778 : vector<16xi32>
        %or3A_780 = arith.ori %shift_left3A_776, %shift_right_logical3A_779 : vector<16xi32>
        %xor3A_781 = arith.xori %or3A_780, %add3A_773 : vector<16xi32>
        %add3A_782 = arith.addi %add3A_773, %xor3A_781 : vector<16xi32>
        %shift_left3A_783 = arith.constant 29 : i32
        %shift_left3A_784 = vector.broadcast %shift_left3A_783 : i32 to vector<16xi32>
        %shift_left3A_785 = arith.shli %xor3A_781, %shift_left3A_784 : vector<16xi32>
        %shift_right_logical3A_786 = arith.constant 3 : i32
        %shift_right_logical3A_787 = vector.broadcast %shift_right_logical3A_786 : i32 to vector<16xi32>
        %shift_right_logical3A_788 = arith.shrui %xor3A_781, %shift_right_logical3A_787 : vector<16xi32>
        %or3A_789 = arith.ori %shift_left3A_785, %shift_right_logical3A_788 : vector<16xi32>
        %xor3A_790 = arith.xori %or3A_789, %add3A_782 : vector<16xi32>
        %add3A_791 = arith.addi %add3A_782, %xor3A_790 : vector<16xi32>
        %shift_left3A_792 = arith.constant 16 : i32
        %shift_left3A_793 = vector.broadcast %shift_left3A_792 : i32 to vector<16xi32>
        %shift_left3A_794 = arith.shli %xor3A_790, %shift_left3A_793 : vector<16xi32>
        %shift_right_logical3A_795 = arith.constant 16 : i32
        %shift_right_logical3A_796 = vector.broadcast %shift_right_logical3A_795 : i32 to vector<16xi32>
        %shift_right_logical3A_797 = arith.shrui %xor3A_790, %shift_right_logical3A_796 : vector<16xi32>
        %or3A_798 = arith.ori %shift_left3A_794, %shift_right_logical3A_797 : vector<16xi32>
        %xor3A_799 = arith.xori %or3A_798, %add3A_791 : vector<16xi32>
        %add3A_800 = arith.addi %add3A_791, %xor3A_799 : vector<16xi32>
        %shift_left3A_801 = arith.constant 24 : i32
        %shift_left3A_802 = vector.broadcast %shift_left3A_801 : i32 to vector<16xi32>
        %shift_left3A_803 = arith.shli %xor3A_799, %shift_left3A_802 : vector<16xi32>
        %shift_right_logical3A_804 = arith.constant 8 : i32
        %shift_right_logical3A_805 = vector.broadcast %shift_right_logical3A_804 : i32 to vector<16xi32>
        %shift_right_logical3A_806 = arith.shrui %xor3A_799, %shift_right_logical3A_805 : vector<16xi32>
        %or3A_807 = arith.ori %shift_left3A_803, %shift_right_logical3A_806 : vector<16xi32>
        %xor3A_808 = arith.xori %or3A_807, %add3A_800 : vector<16xi32>
        %add3A_809 = arith.addi %add3A_800, %xor3A_729 : vector<16xi32>
        %add3A_810 = arith.addi %xor3A_808, %get3A_2 : vector<16xi32>
        %add3A_811 = arith.constant 2 : i32
        %add3A_812 = vector.broadcast %add3A_811 : i32 to vector<16xi32>
        %add3A_813 = arith.addi %add3A_810, %add3A_812 : vector<16xi32>
        %add3A_814 = arith.addi %add3A_809, %add3A_813 : vector<16xi32>
        %shift_left3A_815 = arith.constant 13 : i32
        %shift_left3A_816 = vector.broadcast %shift_left3A_815 : i32 to vector<16xi32>
        %shift_left3A_817 = arith.shli %add3A_813, %shift_left3A_816 : vector<16xi32>
        %shift_right_logical3A_818 = arith.constant 19 : i32
        %shift_right_logical3A_819 = vector.broadcast %shift_right_logical3A_818 : i32 to vector<16xi32>
        %shift_right_logical3A_820 = arith.shrui %add3A_813, %shift_right_logical3A_819 : vector<16xi32>
        %or3A_821 = arith.ori %shift_left3A_817, %shift_right_logical3A_820 : vector<16xi32>
        %xor3A_822 = arith.xori %or3A_821, %add3A_814 : vector<16xi32>
        %add3A_823 = arith.addi %add3A_814, %xor3A_822 : vector<16xi32>
        %shift_left3A_824 = arith.constant 15 : i32
        %shift_left3A_825 = vector.broadcast %shift_left3A_824 : i32 to vector<16xi32>
        %shift_left3A_826 = arith.shli %xor3A_822, %shift_left3A_825 : vector<16xi32>
        %shift_right_logical3A_827 = arith.constant 17 : i32
        %shift_right_logical3A_828 = vector.broadcast %shift_right_logical3A_827 : i32 to vector<16xi32>
        %shift_right_logical3A_829 = arith.shrui %xor3A_822, %shift_right_logical3A_828 : vector<16xi32>
        %or3A_830 = arith.ori %shift_left3A_826, %shift_right_logical3A_829 : vector<16xi32>
        %xor3A_831 = arith.xori %or3A_830, %add3A_823 : vector<16xi32>
        %add3A_832 = arith.addi %add3A_823, %xor3A_831 : vector<16xi32>
        %shift_left3A_833 = arith.constant 26 : i32
        %shift_left3A_834 = vector.broadcast %shift_left3A_833 : i32 to vector<16xi32>
        %shift_left3A_835 = arith.shli %xor3A_831, %shift_left3A_834 : vector<16xi32>
        %shift_right_logical3A_836 = arith.constant 6 : i32
        %shift_right_logical3A_837 = vector.broadcast %shift_right_logical3A_836 : i32 to vector<16xi32>
        %shift_right_logical3A_838 = arith.shrui %xor3A_831, %shift_right_logical3A_837 : vector<16xi32>
        %or3A_839 = arith.ori %shift_left3A_835, %shift_right_logical3A_838 : vector<16xi32>
        %xor3A_840 = arith.xori %or3A_839, %add3A_832 : vector<16xi32>
        %add3A_841 = arith.addi %add3A_832, %xor3A_840 : vector<16xi32>
        %shift_left3A_842 = arith.constant 6 : i32
        %shift_left3A_843 = vector.broadcast %shift_left3A_842 : i32 to vector<16xi32>
        %shift_left3A_844 = arith.shli %xor3A_840, %shift_left3A_843 : vector<16xi32>
        %shift_right_logical3A_845 = arith.constant 26 : i32
        %shift_right_logical3A_846 = vector.broadcast %shift_right_logical3A_845 : i32 to vector<16xi32>
        %shift_right_logical3A_847 = arith.shrui %xor3A_840, %shift_right_logical3A_846 : vector<16xi32>
        %or3A_848 = arith.ori %shift_left3A_844, %shift_right_logical3A_847 : vector<16xi32>
        %xor3A_849 = arith.xori %or3A_848, %add3A_841 : vector<16xi32>
        %add3A_850 = arith.addi %add3A_841, %get3A_2 : vector<16xi32>
        %add3A_851 = arith.addi %xor3A_849, %get3A_5 : vector<16xi32>
        %add3A_852 = arith.constant 3 : i32
        %add3A_853 = vector.broadcast %add3A_852 : i32 to vector<16xi32>
        %add3A_854 = arith.addi %add3A_851, %add3A_853 : vector<16xi32>
        %add3A_855 = arith.addi %add3A_850, %add3A_854 : vector<16xi32>
        %shift_left3A_856 = arith.constant 17 : i32
        %shift_left3A_857 = vector.broadcast %shift_left3A_856 : i32 to vector<16xi32>
        %shift_left3A_858 = arith.shli %add3A_854, %shift_left3A_857 : vector<16xi32>
        %shift_right_logical3A_859 = arith.constant 15 : i32
        %shift_right_logical3A_860 = vector.broadcast %shift_right_logical3A_859 : i32 to vector<16xi32>
        %shift_right_logical3A_861 = arith.shrui %add3A_854, %shift_right_logical3A_860 : vector<16xi32>
        %or3A_862 = arith.ori %shift_left3A_858, %shift_right_logical3A_861 : vector<16xi32>
        %xor3A_863 = arith.xori %or3A_862, %add3A_855 : vector<16xi32>
        %add3A_864 = arith.addi %add3A_855, %xor3A_863 : vector<16xi32>
        %shift_left3A_865 = arith.constant 29 : i32
        %shift_left3A_866 = vector.broadcast %shift_left3A_865 : i32 to vector<16xi32>
        %shift_left3A_867 = arith.shli %xor3A_863, %shift_left3A_866 : vector<16xi32>
        %shift_right_logical3A_868 = arith.constant 3 : i32
        %shift_right_logical3A_869 = vector.broadcast %shift_right_logical3A_868 : i32 to vector<16xi32>
        %shift_right_logical3A_870 = arith.shrui %xor3A_863, %shift_right_logical3A_869 : vector<16xi32>
        %or3A_871 = arith.ori %shift_left3A_867, %shift_right_logical3A_870 : vector<16xi32>
        %xor3A_872 = arith.xori %or3A_871, %add3A_864 : vector<16xi32>
        %add3A_873 = arith.addi %add3A_864, %xor3A_872 : vector<16xi32>
        %shift_left3A_874 = arith.constant 16 : i32
        %shift_left3A_875 = vector.broadcast %shift_left3A_874 : i32 to vector<16xi32>
        %shift_left3A_876 = arith.shli %xor3A_872, %shift_left3A_875 : vector<16xi32>
        %shift_right_logical3A_877 = arith.constant 16 : i32
        %shift_right_logical3A_878 = vector.broadcast %shift_right_logical3A_877 : i32 to vector<16xi32>
        %shift_right_logical3A_879 = arith.shrui %xor3A_872, %shift_right_logical3A_878 : vector<16xi32>
        %or3A_880 = arith.ori %shift_left3A_876, %shift_right_logical3A_879 : vector<16xi32>
        %xor3A_881 = arith.xori %or3A_880, %add3A_873 : vector<16xi32>
        %add3A_882 = arith.addi %add3A_873, %xor3A_881 : vector<16xi32>
        %shift_left3A_883 = arith.constant 24 : i32
        %shift_left3A_884 = vector.broadcast %shift_left3A_883 : i32 to vector<16xi32>
        %shift_left3A_885 = arith.shli %xor3A_881, %shift_left3A_884 : vector<16xi32>
        %shift_right_logical3A_886 = arith.constant 8 : i32
        %shift_right_logical3A_887 = vector.broadcast %shift_right_logical3A_886 : i32 to vector<16xi32>
        %shift_right_logical3A_888 = arith.shrui %xor3A_881, %shift_right_logical3A_887 : vector<16xi32>
        %or3A_889 = arith.ori %shift_left3A_885, %shift_right_logical3A_888 : vector<16xi32>
        %xor3A_890 = arith.xori %or3A_889, %add3A_882 : vector<16xi32>
        %add3A_891 = arith.addi %add3A_882, %get3A_5 : vector<16xi32>
        %add3A_892 = arith.addi %xor3A_890, %xor3A_729 : vector<16xi32>
        %add3A_893 = arith.constant 4 : i32
        %add3A_894 = vector.broadcast %add3A_893 : i32 to vector<16xi32>
        %add3A_895 = arith.addi %add3A_892, %add3A_894 : vector<16xi32>
        %add3A_896 = arith.addi %add3A_891, %add3A_895 : vector<16xi32>
        %shift_left3A_897 = arith.constant 13 : i32
        %shift_left3A_898 = vector.broadcast %shift_left3A_897 : i32 to vector<16xi32>
        %shift_left3A_899 = arith.shli %add3A_895, %shift_left3A_898 : vector<16xi32>
        %shift_right_logical3A_900 = arith.constant 19 : i32
        %shift_right_logical3A_901 = vector.broadcast %shift_right_logical3A_900 : i32 to vector<16xi32>
        %shift_right_logical3A_902 = arith.shrui %add3A_895, %shift_right_logical3A_901 : vector<16xi32>
        %or3A_903 = arith.ori %shift_left3A_899, %shift_right_logical3A_902 : vector<16xi32>
        %xor3A_904 = arith.xori %or3A_903, %add3A_896 : vector<16xi32>
        %add3A_905 = arith.addi %add3A_896, %xor3A_904 : vector<16xi32>
        %shift_left3A_906 = arith.constant 15 : i32
        %shift_left3A_907 = vector.broadcast %shift_left3A_906 : i32 to vector<16xi32>
        %shift_left3A_908 = arith.shli %xor3A_904, %shift_left3A_907 : vector<16xi32>
        %shift_right_logical3A_909 = arith.constant 17 : i32
        %shift_right_logical3A_910 = vector.broadcast %shift_right_logical3A_909 : i32 to vector<16xi32>
        %shift_right_logical3A_911 = arith.shrui %xor3A_904, %shift_right_logical3A_910 : vector<16xi32>
        %or3A_912 = arith.ori %shift_left3A_908, %shift_right_logical3A_911 : vector<16xi32>
        %xor3A_913 = arith.xori %or3A_912, %add3A_905 : vector<16xi32>
        %add3A_914 = arith.addi %add3A_905, %xor3A_913 : vector<16xi32>
        %shift_left3A_915 = arith.constant 26 : i32
        %shift_left3A_916 = vector.broadcast %shift_left3A_915 : i32 to vector<16xi32>
        %shift_left3A_917 = arith.shli %xor3A_913, %shift_left3A_916 : vector<16xi32>
        %shift_right_logical3A_918 = arith.constant 6 : i32
        %shift_right_logical3A_919 = vector.broadcast %shift_right_logical3A_918 : i32 to vector<16xi32>
        %shift_right_logical3A_920 = arith.shrui %xor3A_913, %shift_right_logical3A_919 : vector<16xi32>
        %or3A_921 = arith.ori %shift_left3A_917, %shift_right_logical3A_920 : vector<16xi32>
        %xor3A_922 = arith.xori %or3A_921, %add3A_914 : vector<16xi32>
        %add3A_923 = arith.addi %add3A_914, %xor3A_922 : vector<16xi32>
        %shift_left3A_924 = arith.constant 6 : i32
        %shift_left3A_925 = vector.broadcast %shift_left3A_924 : i32 to vector<16xi32>
        %shift_left3A_926 = arith.shli %xor3A_922, %shift_left3A_925 : vector<16xi32>
        %shift_right_logical3A_927 = arith.constant 26 : i32
        %shift_right_logical3A_928 = vector.broadcast %shift_right_logical3A_927 : i32 to vector<16xi32>
        %shift_right_logical3A_929 = arith.shrui %xor3A_922, %shift_right_logical3A_928 : vector<16xi32>
        %or3A_930 = arith.ori %shift_left3A_926, %shift_right_logical3A_929 : vector<16xi32>
        %xor3A_931 = arith.xori %or3A_930, %add3A_923 : vector<16xi32>
        %add3A_932 = arith.addi %add3A_923, %xor3A_729 : vector<16xi32>
        %add3A_933 = arith.addi %xor3A_931, %get3A_2 : vector<16xi32>
        %add3A_934 = arith.constant 5 : i32
        %add3A_935 = vector.broadcast %add3A_934 : i32 to vector<16xi32>
        %add3A_936 = arith.addi %add3A_933, %add3A_935 : vector<16xi32>
        %xor3A_937 = arith.xori %add3A_932, %add3A_936 : vector<16xi32>
        %add3A_938 = arith.constant 48 : i32
        %add3A_939 = arith.addi %mul3A_46, %add3A_938 : i32
        %swap3A_940 = arith.index_cast %scan3A_35 : i32 to index
        %swap3A_941 = arith.index_cast %add3A_939 : i32 to index
        %swap3A_942 = tpu.vector_load %arg8[%swap3A_940, %swap3A_941] {strides = array<i32>} : memref<64x768xi32, #tpu.memory_space<vmem>>, vector<1x16xi32>,
        %swap3A_943 = vector.shape_cast %swap3A_942 : vector<1x16xi32> to vector<16xi32>
        %swap3A_944 = vector.shape_cast %xor3A_937 : vector<16xi32> to vector<1x16xi32>
        tpu.vector_store %arg8[%swap3A_940, %swap3A_941], %swap3A_944 {strides = array<i32>} : memref<64x768xi32, #tpu.memory_space<vmem>>, vector<1x16xi32>,
      }
      %scan3A_43 = arith.constant 12 : i32
    }
    %scan3A_34 = arith.constant 64 : i32
    "tpu.region"() ({
      %run_scoped3A = tpu.sem_alloc : memref<!tpu.dma_semaphore, #tpu.memory_space<semaphore_mem>>
      %dma_start3A = arith.constant 0 : i32
      %dma_start3A_35 = tpu.memref_slice %arg5[%add3A_28, %dma_start3A] : memref<6144x768xi32, #tpu.memory_space<hbm>> -> memref<64x768xi32, #tpu.memory_space<hbm>>
      %dma_start3A_36 = arith.constant 0 : i32
      %dma_start3A_37 = tpu.memref_slice %arg5[%add3A_28, %dma_start3A_36] : memref<6144x768xi32, #tpu.memory_space<hbm>> -> memref<64x768xi32, #tpu.memory_space<hbm>>
      tpu.enqueue_dma source(%arg8 : memref<64x768xi32, #tpu.memory_space<vmem>>) target(%dma_start3A_37 : memref<64x768xi32, #tpu.memory_space<hbm>>) target_semaphore(%run_scoped3A : memref<!tpu.dma_semaphore, #tpu.memory_space<semaphore_mem>>)
      %dma_wait3A = arith.constant 0 : i32
      %dma_wait3A_38 = tpu.memref_slice %arg5[%add3A_28, %dma_wait3A] : memref<6144x768xi32, #tpu.memory_space<hbm>> -> memref<64x768xi32, #tpu.memory_space<hbm>>
      %dma_wait3A_39 = arith.constant 0 : i32
      %dma_wait3A_40 = tpu.memref_slice %arg5[%add3A_28, %dma_wait3A_39] : memref<6144x768xi32, #tpu.memory_space<hbm>> -> memref<64x768xi32, #tpu.memory_space<hbm>>
      tpu.wait_dma2 semaphore(%run_scoped3A : memref<!tpu.dma_semaphore, #tpu.memory_space<semaphore_mem>>) src(%arg8 : memref<64x768xi32, #tpu.memory_space<vmem>>) dst(%dma_wait3A_40 : memref<64x768xi32, #tpu.memory_space<hbm>>)
      tpu.yield
    }) : () -> ()
    return
  }
}

#map = affine_map<(d0, d1) -> (0, 0)>
#map1 = affine_map<(d0, d1) -> (0)>
module attributes {stable_mosaic.version = 14 : i64} {
  func.func @_gather(%arg0: i32, %arg1: i32, %arg2: memref<78128x128xf32, #tpu.memory_space<hbm>>, %arg3: memref<16384xi32, #tpu.memory_space<hbm>>, %arg4: memref<16384xf32, #tpu.memory_space<hbm>>, %arg5: memref<512xi32, #tpu.memory_space<vmem>>, %arg6: memref<512xi32, #tpu.memory_space<vmem>>, %arg7: memref<512x128xf32, #tpu.memory_space<vmem>>, %arg8: memref<512xf32, #tpu.memory_space<vmem>>, %arg9: memref<!tpu.dma_semaphore, #tpu.memory_space<semaphore_mem>>) attributes {dimension_semantics = [#tpu.dimension_semantics<core_parallel>, #tpu.dimension_semantics<subcore_parallel>], iteration_bounds = array<i64: 2, 16>, scalar_prefetch = 0 : i64, scratch_operands = 5 : i64, tpu.core_type = #tpu.core_type<sc_vector_subcore>, window_params = [{transform_indices = #map}, {transform_indices = #map1}, {transform_indices = #map1}]} {
    %mul3A = arith.constant 2 : i32
    %mul3A_0 = arith.muli %arg1, %mul3A : i32
    %add3A = arith.addi %mul3A_0, %arg0 : i32
    %mul3A_1 = arith.constant 512 : i32
    %mul3A_2 = arith.muli %add3A, %mul3A_1 : i32
    "tpu.region"() ({
      %run_scoped3A = tpu.sem_alloc : memref<!tpu.dma_semaphore, #tpu.memory_space<semaphore_mem>>
      %dma_start3A_18 = tpu.memref_slice %arg3[%mul3A_2] : memref<16384xi32, #tpu.memory_space<hbm>> -> memref<512xi32, #tpu.memory_space<hbm>>
      %dma_start3A_19 = tpu.memref_slice %arg3[%mul3A_2] : memref<16384xi32, #tpu.memory_space<hbm>> -> memref<512xi32, #tpu.memory_space<hbm>>
      tpu.enqueue_dma source(%dma_start3A_19 : memref<512xi32, #tpu.memory_space<hbm>>) target(%arg5 : memref<512xi32, #tpu.memory_space<vmem>>) target_semaphore(%run_scoped3A : memref<!tpu.dma_semaphore, #tpu.memory_space<semaphore_mem>>)
      %dma_wait3A_20 = tpu.memref_slice %arg3[%mul3A_2] : memref<16384xi32, #tpu.memory_space<hbm>> -> memref<512xi32, #tpu.memory_space<hbm>>
      %dma_wait3A_21 = tpu.memref_slice %arg3[%mul3A_2] : memref<16384xi32, #tpu.memory_space<hbm>> -> memref<512xi32, #tpu.memory_space<hbm>>
      tpu.wait_dma2 semaphore(%run_scoped3A : memref<!tpu.dma_semaphore, #tpu.memory_space<semaphore_mem>>) src(%dma_wait3A_21 : memref<512xi32, #tpu.memory_space<hbm>>) dst(%arg5 : memref<512xi32, #tpu.memory_space<vmem>>)
      tpu.yield
    }) : () -> ()
    %iota3A = tpu.iota {dimensions = array<i32: 0>} : vector<16xi32>
    %scan3A = arith.constant 0 : i32
    %scan3A_3 = arith.constant 0 : i32
    %scan3A_4 = arith.constant 32 : i32
    %scan3A_5 = arith.addi %scan3A_3, %scan3A_4 : i32
    %scan3A_6 = arith.constant 1 : i32
    scf.for %scan3A_18 = %scan3A_3 to %scan3A_5 step %scan3A_6  : i32 {
      %mul3A_19 = arith.constant 16 : i32
      %mul3A_20 = arith.muli %scan3A_18, %mul3A_19 : i32
      %get3A = arith.index_cast %mul3A_20 : i32 to index
      %get3A_21 = tpu.vector_load %arg5[%get3A] {strides = array<i32>} : memref<512xi32, #tpu.memory_space<vmem>>, vector<16xi32>,
      %shift_right_logical3A = arith.constant 7 : i32
      %shift_right_logical3A_22 = vector.broadcast %shift_right_logical3A : i32 to vector<16xi32>
      %shift_right_logical3A_23 = arith.shrui %get3A_21, %shift_right_logical3A_22 : vector<16xi32>
      %mul3A_24 = arith.constant 16 : i32
      %mul3A_25 = arith.muli %scan3A_18, %mul3A_24 : i32
      %swap3A = arith.index_cast %mul3A_25 : i32 to index
      %swap3A_26 = tpu.vector_load %arg6[%swap3A] {strides = array<i32>} : memref<512xi32, #tpu.memory_space<vmem>>, vector<16xi32>,
      tpu.vector_store %arg6[%swap3A], %shift_right_logical3A_23 {strides = array<i32>} : memref<512xi32, #tpu.memory_space<vmem>>, vector<16xi32>,
    }
    %scan3A_7 = arith.constant 32 : i32
    %dma_start3A = arith.constant 0 : i32
    %dma_start3A_8 = arith.constant 0 : i32
    %dma_start3A_9 = tpu.memref_slice %arg2[%dma_start3A, %dma_start3A_8] : memref<78128x128xf32, #tpu.memory_space<hbm>> -> memref<78128x128xf32, #tpu.memory_space<hbm>>
    tpu.enqueue_indirect_dma source(%dma_start3A_9 : memref<78128x128xf32, #tpu.memory_space<hbm>>) target(%arg7 : memref<512x128xf32, #tpu.memory_space<vmem>>) offsets(%arg6 : memref<512xi32, #tpu.memory_space<vmem>>) semaphore(%arg9 : memref<!tpu.dma_semaphore, #tpu.memory_space<semaphore_mem>>)
    %dma_wait3A = arith.constant 0 : i32
    %dma_wait3A_10 = arith.constant 0 : i32
    %dma_wait3A_11 = tpu.memref_slice %arg2[%dma_wait3A, %dma_wait3A_10] : memref<78128x128xf32, #tpu.memory_space<hbm>> -> memref<78128x128xf32, #tpu.memory_space<hbm>>
    tpu.wait_indirect_dma semaphore(%arg9 : memref<!tpu.dma_semaphore, #tpu.memory_space<semaphore_mem>>) src(%dma_wait3A_11 : memref<78128x128xf32, #tpu.memory_space<hbm>>) dst(%arg7 : memref<512x128xf32, #tpu.memory_space<vmem>>)
    %scan3A_12 = arith.constant 0 : i32
    %scan3A_13 = arith.constant 0 : i32
    %scan3A_14 = arith.constant 32 : i32
    %scan3A_15 = arith.addi %scan3A_13, %scan3A_14 : i32
    %scan3A_16 = arith.constant 1 : i32
    scf.for %scan3A_18 = %scan3A_13 to %scan3A_15 step %scan3A_16  : i32 {
      %mul3A_19 = arith.constant 16 : i32
      %mul3A_20 = arith.muli %scan3A_18, %mul3A_19 : i32
      %get3A = arith.index_cast %mul3A_20 : i32 to index
      %get3A_21 = tpu.vector_load %arg5[%get3A] {strides = array<i32>} : memref<512xi32, #tpu.memory_space<vmem>>, vector<16xi32>,
      %and3A = arith.constant 127 : i32
      %and3A_22 = vector.broadcast %and3A : i32 to vector<16xi32>
      %and3A_23 = arith.andi %get3A_21, %and3A_22 : vector<16xi32>
      %mul3A_24 = arith.constant 16 : i32
      %mul3A_25 = arith.muli %scan3A_18, %mul3A_24 : i32
      %add3A_26 = vector.broadcast %mul3A_25 : i32 to vector<16xi32>
      %add3A_27 = arith.addi %add3A_26, %iota3A : vector<16xi32>
      %gather3A = tpu.vector_load_idx %arg7[%add3A_27, %and3A_23] : memref<512x128xf32, #tpu.memory_space<vmem>>[vector<16xi32>, vector<16xi32>], vector<16xf32>,
      %mul3A_28 = arith.constant 16 : i32
      %mul3A_29 = arith.muli %scan3A_18, %mul3A_28 : i32
      %swap3A = arith.index_cast %mul3A_29 : i32 to index
      %swap3A_30 = tpu.vector_load %arg8[%swap3A] {strides = array<i32>} : memref<512xf32, #tpu.memory_space<vmem>>, vector<16xf32>,
      tpu.vector_store %arg8[%swap3A], %gather3A {strides = array<i32>} : memref<512xf32, #tpu.memory_space<vmem>>, vector<16xf32>,
    }
    %scan3A_17 = arith.constant 32 : i32
    "tpu.region"() ({
      %run_scoped3A = tpu.sem_alloc : memref<!tpu.dma_semaphore, #tpu.memory_space<semaphore_mem>>
      %dma_start3A_18 = tpu.memref_slice %arg4[%mul3A_2] : memref<16384xf32, #tpu.memory_space<hbm>> -> memref<512xf32, #tpu.memory_space<hbm>>
      %dma_start3A_19 = tpu.memref_slice %arg4[%mul3A_2] : memref<16384xf32, #tpu.memory_space<hbm>> -> memref<512xf32, #tpu.memory_space<hbm>>
      tpu.enqueue_dma source(%arg8 : memref<512xf32, #tpu.memory_space<vmem>>) target(%dma_start3A_19 : memref<512xf32, #tpu.memory_space<hbm>>) target_semaphore(%run_scoped3A : memref<!tpu.dma_semaphore, #tpu.memory_space<semaphore_mem>>)
      %dma_wait3A_20 = tpu.memref_slice %arg4[%mul3A_2] : memref<16384xf32, #tpu.memory_space<hbm>> -> memref<512xf32, #tpu.memory_space<hbm>>
      %dma_wait3A_21 = tpu.memref_slice %arg4[%mul3A_2] : memref<16384xf32, #tpu.memory_space<hbm>> -> memref<512xf32, #tpu.memory_space<hbm>>
      tpu.wait_dma2 semaphore(%run_scoped3A : memref<!tpu.dma_semaphore, #tpu.memory_space<semaphore_mem>>) src(%arg8 : memref<512xf32, #tpu.memory_space<vmem>>) dst(%dma_wait3A_21 : memref<512xf32, #tpu.memory_space<hbm>>)
      tpu.yield
    }) : () -> ()
    return
  }
}

module attributes {stable_mosaic.version = 14 : i64} {
  func.func @_vmf_body_rng(%arg0: i32, %arg1: memref<2xi32, #tpu.memory_space<smem>>, %arg2: memref<256x1xf32, #tpu.memory_space<vmem>>, %arg3: memref<256x768xf32, #tpu.memory_space<vmem>>, %arg4: memref<256x768xf32, #tpu.memory_space<vmem>>) attributes {dimension_semantics = [#tpu.dimension_semantics<arbitrary>], iteration_bounds = array<i64: 40>, scalar_prefetch = 0 : i64, scratch_operands = 0 : i64, tpu.core_type = #tpu.core_type<tc>, window_params = [{transform_indices = @transform_0, window_bounds = array<i64: 2>}, {transform_indices = @transform_1, window_bounds = array<i64: 256, 1>}, {transform_indices = @transform_2, window_bounds = array<i64: 256, 768>}, {transform_indices = @transform_3, window_bounds = array<i64: 256, 768>}]} {
    %add3A = arith.constant 24 : i32
    %add3A_0 = arith.addi %arg0, %add3A : i32
    %mul3A = arith.constant 196608 : i32
    %mul3A_1 = arith.muli %add3A_0, %mul3A : i32
    %iota3A = tpu.iota {dimensions = array<i32: 0>} : vector<256x768xi32>
    %iota3A_2 = tpu.iota {dimensions = array<i32: 1>} : vector<256x768xi32>
    %mul3A_3 = arith.constant 768 : i32
    %mul3A_4 = vector.broadcast %mul3A_3 : i32 to vector<256x768xi32>
    %mul3A_5 = arith.muli %iota3A, %mul3A_4 : vector<256x768xi32>
    %add3A_6 = vector.broadcast %mul3A_1 : i32 to vector<256x768xi32>
    %add3A_7 = arith.addi %add3A_6, %mul3A_5 : vector<256x768xi32>
    %add3A_8 = arith.addi %add3A_7, %iota3A_2 : vector<256x768xi32>
    %get3A = arith.constant 0 : index
    %get3A_9 = memref.load %arg1[%get3A] : memref<2xi32, #tpu.memory_space<smem>>
    %get3A_10 = arith.constant 1 : index
    %get3A_11 = memref.load %arg1[%get3A_10] : memref<2xi32, #tpu.memory_space<smem>>
    %broadcast_in_dim3A = arith.constant 0 : i32
    %broadcast_in_dim3A_12 = vector.broadcast %broadcast_in_dim3A : i32 to vector<256x768xi32>
    %xor3A = arith.xori %get3A_9, %get3A_11 : i32
    %xor3A_13 = arith.constant 466688986 : i32
    %xor3A_14 = arith.xori %xor3A, %xor3A_13 : i32
    %add3A_15 = vector.broadcast %get3A_9 : i32 to vector<256x768xi32>
    %add3A_16 = arith.addi %broadcast_in_dim3A_12, %add3A_15 : vector<256x768xi32>
    %add3A_17 = vector.broadcast %get3A_11 : i32 to vector<256x768xi32>
    %add3A_18 = arith.addi %add3A_8, %add3A_17 : vector<256x768xi32>
    %add3A_19 = arith.addi %add3A_16, %add3A_18 : vector<256x768xi32>
    %shift_left3A = arith.constant 13 : i32
    %shift_left3A_20 = vector.broadcast %shift_left3A : i32 to vector<256x768xi32>
    %shift_left3A_21 = arith.shli %add3A_18, %shift_left3A_20 : vector<256x768xi32>
    %shift_right_logical3A = arith.constant 19 : i32
    %shift_right_logical3A_22 = vector.broadcast %shift_right_logical3A : i32 to vector<256x768xi32>
    %shift_right_logical3A_23 = arith.shrui %add3A_18, %shift_right_logical3A_22 : vector<256x768xi32>
    %or3A = arith.ori %shift_left3A_21, %shift_right_logical3A_23 : vector<256x768xi32>
    %xor3A_24 = arith.xori %or3A, %add3A_19 : vector<256x768xi32>
    %add3A_25 = arith.addi %add3A_19, %xor3A_24 : vector<256x768xi32>
    %shift_left3A_26 = arith.constant 15 : i32
    %shift_left3A_27 = vector.broadcast %shift_left3A_26 : i32 to vector<256x768xi32>
    %shift_left3A_28 = arith.shli %xor3A_24, %shift_left3A_27 : vector<256x768xi32>
    %shift_right_logical3A_29 = arith.constant 17 : i32
    %shift_right_logical3A_30 = vector.broadcast %shift_right_logical3A_29 : i32 to vector<256x768xi32>
    %shift_right_logical3A_31 = arith.shrui %xor3A_24, %shift_right_logical3A_30 : vector<256x768xi32>
    %or3A_32 = arith.ori %shift_left3A_28, %shift_right_logical3A_31 : vector<256x768xi32>
    %xor3A_33 = arith.xori %or3A_32, %add3A_25 : vector<256x768xi32>
    %add3A_34 = arith.addi %add3A_25, %xor3A_33 : vector<256x768xi32>
    %shift_left3A_35 = arith.constant 26 : i32
    %shift_left3A_36 = vector.broadcast %shift_left3A_35 : i32 to vector<256x768xi32>
    %shift_left3A_37 = arith.shli %xor3A_33, %shift_left3A_36 : vector<256x768xi32>
    %shift_right_logical3A_38 = arith.constant 6 : i32
    %shift_right_logical3A_39 = vector.broadcast %shift_right_logical3A_38 : i32 to vector<256x768xi32>
    %shift_right_logical3A_40 = arith.shrui %xor3A_33, %shift_right_logical3A_39 : vector<256x768xi32>
    %or3A_41 = arith.ori %shift_left3A_37, %shift_right_logical3A_40 : vector<256x768xi32>
    %xor3A_42 = arith.xori %or3A_41, %add3A_34 : vector<256x768xi32>
    %add3A_43 = arith.addi %add3A_34, %xor3A_42 : vector<256x768xi32>
    %shift_left3A_44 = arith.constant 6 : i32
    %shift_left3A_45 = vector.broadcast %shift_left3A_44 : i32 to vector<256x768xi32>
    %shift_left3A_46 = arith.shli %xor3A_42, %shift_left3A_45 : vector<256x768xi32>
    %shift_right_logical3A_47 = arith.constant 26 : i32
    %shift_right_logical3A_48 = vector.broadcast %shift_right_logical3A_47 : i32 to vector<256x768xi32>
    %shift_right_logical3A_49 = arith.shrui %xor3A_42, %shift_right_logical3A_48 : vector<256x768xi32>
    %or3A_50 = arith.ori %shift_left3A_46, %shift_right_logical3A_49 : vector<256x768xi32>
    %xor3A_51 = arith.xori %or3A_50, %add3A_43 : vector<256x768xi32>
    %add3A_52 = vector.broadcast %get3A_11 : i32 to vector<256x768xi32>
    %add3A_53 = arith.addi %add3A_43, %add3A_52 : vector<256x768xi32>
    %add3A_54 = vector.broadcast %xor3A_14 : i32 to vector<256x768xi32>
    %add3A_55 = arith.addi %xor3A_51, %add3A_54 : vector<256x768xi32>
    %add3A_56 = arith.constant 1 : i32
    %add3A_57 = vector.broadcast %add3A_56 : i32 to vector<256x768xi32>
    %add3A_58 = arith.addi %add3A_55, %add3A_57 : vector<256x768xi32>
    %add3A_59 = arith.addi %add3A_53, %add3A_58 : vector<256x768xi32>
    %shift_left3A_60 = arith.constant 17 : i32
    %shift_left3A_61 = vector.broadcast %shift_left3A_60 : i32 to vector<256x768xi32>
    %shift_left3A_62 = arith.shli %add3A_58, %shift_left3A_61 : vector<256x768xi32>
    %shift_right_logical3A_63 = arith.constant 15 : i32
    %shift_right_logical3A_64 = vector.broadcast %shift_right_logical3A_63 : i32 to vector<256x768xi32>
    %shift_right_logical3A_65 = arith.shrui %add3A_58, %shift_right_logical3A_64 : vector<256x768xi32>
    %or3A_66 = arith.ori %shift_left3A_62, %shift_right_logical3A_65 : vector<256x768xi32>
    %xor3A_67 = arith.xori %or3A_66, %add3A_59 : vector<256x768xi32>
    %add3A_68 = arith.addi %add3A_59, %xor3A_67 : vector<256x768xi32>
    %shift_left3A_69 = arith.constant 29 : i32
    %shift_left3A_70 = vector.broadcast %shift_left3A_69 : i32 to vector<256x768xi32>
    %shift_left3A_71 = arith.shli %xor3A_67, %shift_left3A_70 : vector<256x768xi32>
    %shift_right_logical3A_72 = arith.constant 3 : i32
    %shift_right_logical3A_73 = vector.broadcast %shift_right_logical3A_72 : i32 to vector<256x768xi32>
    %shift_right_logical3A_74 = arith.shrui %xor3A_67, %shift_right_logical3A_73 : vector<256x768xi32>
    %or3A_75 = arith.ori %shift_left3A_71, %shift_right_logical3A_74 : vector<256x768xi32>
    %xor3A_76 = arith.xori %or3A_75, %add3A_68 : vector<256x768xi32>
    %add3A_77 = arith.addi %add3A_68, %xor3A_76 : vector<256x768xi32>
    %shift_left3A_78 = arith.constant 16 : i32
    %shift_left3A_79 = vector.broadcast %shift_left3A_78 : i32 to vector<256x768xi32>
    %shift_left3A_80 = arith.shli %xor3A_76, %shift_left3A_79 : vector<256x768xi32>
    %shift_right_logical3A_81 = arith.constant 16 : i32
    %shift_right_logical3A_82 = vector.broadcast %shift_right_logical3A_81 : i32 to vector<256x768xi32>
    %shift_right_logical3A_83 = arith.shrui %xor3A_76, %shift_right_logical3A_82 : vector<256x768xi32>
    %or3A_84 = arith.ori %shift_left3A_80, %shift_right_logical3A_83 : vector<256x768xi32>
    %xor3A_85 = arith.xori %or3A_84, %add3A_77 : vector<256x768xi32>
    %add3A_86 = arith.addi %add3A_77, %xor3A_85 : vector<256x768xi32>
    %shift_left3A_87 = arith.constant 24 : i32
    %shift_left3A_88 = vector.broadcast %shift_left3A_87 : i32 to vector<256x768xi32>
    %shift_left3A_89 = arith.shli %xor3A_85, %shift_left3A_88 : vector<256x768xi32>
    %shift_right_logical3A_90 = arith.constant 8 : i32
    %shift_right_logical3A_91 = vector.broadcast %shift_right_logical3A_90 : i32 to vector<256x768xi32>
    %shift_right_logical3A_92 = arith.shrui %xor3A_85, %shift_right_logical3A_91 : vector<256x768xi32>
    %or3A_93 = arith.ori %shift_left3A_89, %shift_right_logical3A_92 : vector<256x768xi32>
    %xor3A_94 = arith.xori %or3A_93, %add3A_86 : vector<256x768xi32>
    %add3A_95 = vector.broadcast %xor3A_14 : i32 to vector<256x768xi32>
    %add3A_96 = arith.addi %add3A_86, %add3A_95 : vector<256x768xi32>
    %add3A_97 = vector.broadcast %get3A_9 : i32 to vector<256x768xi32>
    %add3A_98 = arith.addi %xor3A_94, %add3A_97 : vector<256x768xi32>
    %add3A_99 = arith.constant 2 : i32
    %add3A_100 = vector.broadcast %add3A_99 : i32 to vector<256x768xi32>
    %add3A_101 = arith.addi %add3A_98, %add3A_100 : vector<256x768xi32>
    %add3A_102 = arith.addi %add3A_96, %add3A_101 : vector<256x768xi32>
    %shift_left3A_103 = arith.constant 13 : i32
    %shift_left3A_104 = vector.broadcast %shift_left3A_103 : i32 to vector<256x768xi32>
    %shift_left3A_105 = arith.shli %add3A_101, %shift_left3A_104 : vector<256x768xi32>
    %shift_right_logical3A_106 = arith.constant 19 : i32
    %shift_right_logical3A_107 = vector.broadcast %shift_right_logical3A_106 : i32 to vector<256x768xi32>
    %shift_right_logical3A_108 = arith.shrui %add3A_101, %shift_right_logical3A_107 : vector<256x768xi32>
    %or3A_109 = arith.ori %shift_left3A_105, %shift_right_logical3A_108 : vector<256x768xi32>
    %xor3A_110 = arith.xori %or3A_109, %add3A_102 : vector<256x768xi32>
    %add3A_111 = arith.addi %add3A_102, %xor3A_110 : vector<256x768xi32>
    %shift_left3A_112 = arith.constant 15 : i32
    %shift_left3A_113 = vector.broadcast %shift_left3A_112 : i32 to vector<256x768xi32>
    %shift_left3A_114 = arith.shli %xor3A_110, %shift_left3A_113 : vector<256x768xi32>
    %shift_right_logical3A_115 = arith.constant 17 : i32
    %shift_right_logical3A_116 = vector.broadcast %shift_right_logical3A_115 : i32 to vector<256x768xi32>
    %shift_right_logical3A_117 = arith.shrui %xor3A_110, %shift_right_logical3A_116 : vector<256x768xi32>
    %or3A_118 = arith.ori %shift_left3A_114, %shift_right_logical3A_117 : vector<256x768xi32>
    %xor3A_119 = arith.xori %or3A_118, %add3A_111 : vector<256x768xi32>
    %add3A_120 = arith.addi %add3A_111, %xor3A_119 : vector<256x768xi32>
    %shift_left3A_121 = arith.constant 26 : i32
    %shift_left3A_122 = vector.broadcast %shift_left3A_121 : i32 to vector<256x768xi32>
    %shift_left3A_123 = arith.shli %xor3A_119, %shift_left3A_122 : vector<256x768xi32>
    %shift_right_logical3A_124 = arith.constant 6 : i32
    %shift_right_logical3A_125 = vector.broadcast %shift_right_logical3A_124 : i32 to vector<256x768xi32>
    %shift_right_logical3A_126 = arith.shrui %xor3A_119, %shift_right_logical3A_125 : vector<256x768xi32>
    %or3A_127 = arith.ori %shift_left3A_123, %shift_right_logical3A_126 : vector<256x768xi32>
    %xor3A_128 = arith.xori %or3A_127, %add3A_120 : vector<256x768xi32>
    %add3A_129 = arith.addi %add3A_120, %xor3A_128 : vector<256x768xi32>
    %shift_left3A_130 = arith.constant 6 : i32
    %shift_left3A_131 = vector.broadcast %shift_left3A_130 : i32 to vector<256x768xi32>
    %shift_left3A_132 = arith.shli %xor3A_128, %shift_left3A_131 : vector<256x768xi32>
    %shift_right_logical3A_133 = arith.constant 26 : i32
    %shift_right_logical3A_134 = vector.broadcast %shift_right_logical3A_133 : i32 to vector<256x768xi32>
    %shift_right_logical3A_135 = arith.shrui %xor3A_128, %shift_right_logical3A_134 : vector<256x768xi32>
    %or3A_136 = arith.ori %shift_left3A_132, %shift_right_logical3A_135 : vector<256x768xi32>
    %xor3A_137 = arith.xori %or3A_136, %add3A_129 : vector<256x768xi32>
    %add3A_138 = vector.broadcast %get3A_9 : i32 to vector<256x768xi32>
    %add3A_139 = arith.addi %add3A_129, %add3A_138 : vector<256x768xi32>
    %add3A_140 = vector.broadcast %get3A_11 : i32 to vector<256x768xi32>
    %add3A_141 = arith.addi %xor3A_137, %add3A_140 : vector<256x768xi32>
    %add3A_142 = arith.constant 3 : i32
    %add3A_143 = vector.broadcast %add3A_142 : i32 to vector<256x768xi32>
    %add3A_144 = arith.addi %add3A_141, %add3A_143 : vector<256x768xi32>
    %add3A_145 = arith.addi %add3A_139, %add3A_144 : vector<256x768xi32>
    %shift_left3A_146 = arith.constant 17 : i32
    %shift_left3A_147 = vector.broadcast %shift_left3A_146 : i32 to vector<256x768xi32>
    %shift_left3A_148 = arith.shli %add3A_144, %shift_left3A_147 : vector<256x768xi32>
    %shift_right_logical3A_149 = arith.constant 15 : i32
    %shift_right_logical3A_150 = vector.broadcast %shift_right_logical3A_149 : i32 to vector<256x768xi32>
    %shift_right_logical3A_151 = arith.shrui %add3A_144, %shift_right_logical3A_150 : vector<256x768xi32>
    %or3A_152 = arith.ori %shift_left3A_148, %shift_right_logical3A_151 : vector<256x768xi32>
    %xor3A_153 = arith.xori %or3A_152, %add3A_145 : vector<256x768xi32>
    %add3A_154 = arith.addi %add3A_145, %xor3A_153 : vector<256x768xi32>
    %shift_left3A_155 = arith.constant 29 : i32
    %shift_left3A_156 = vector.broadcast %shift_left3A_155 : i32 to vector<256x768xi32>
    %shift_left3A_157 = arith.shli %xor3A_153, %shift_left3A_156 : vector<256x768xi32>
    %shift_right_logical3A_158 = arith.constant 3 : i32
    %shift_right_logical3A_159 = vector.broadcast %shift_right_logical3A_158 : i32 to vector<256x768xi32>
    %shift_right_logical3A_160 = arith.shrui %xor3A_153, %shift_right_logical3A_159 : vector<256x768xi32>
    %or3A_161 = arith.ori %shift_left3A_157, %shift_right_logical3A_160 : vector<256x768xi32>
    %xor3A_162 = arith.xori %or3A_161, %add3A_154 : vector<256x768xi32>
    %add3A_163 = arith.addi %add3A_154, %xor3A_162 : vector<256x768xi32>
    %shift_left3A_164 = arith.constant 16 : i32
    %shift_left3A_165 = vector.broadcast %shift_left3A_164 : i32 to vector<256x768xi32>
    %shift_left3A_166 = arith.shli %xor3A_162, %shift_left3A_165 : vector<256x768xi32>
    %shift_right_logical3A_167 = arith.constant 16 : i32
    %shift_right_logical3A_168 = vector.broadcast %shift_right_logical3A_167 : i32 to vector<256x768xi32>
    %shift_right_logical3A_169 = arith.shrui %xor3A_162, %shift_right_logical3A_168 : vector<256x768xi32>
    %or3A_170 = arith.ori %shift_left3A_166, %shift_right_logical3A_169 : vector<256x768xi32>
    %xor3A_171 = arith.xori %or3A_170, %add3A_163 : vector<256x768xi32>
    %add3A_172 = arith.addi %add3A_163, %xor3A_171 : vector<256x768xi32>
    %shift_left3A_173 = arith.constant 24 : i32
    %shift_left3A_174 = vector.broadcast %shift_left3A_173 : i32 to vector<256x768xi32>
    %shift_left3A_175 = arith.shli %xor3A_171, %shift_left3A_174 : vector<256x768xi32>
    %shift_right_logical3A_176 = arith.constant 8 : i32
    %shift_right_logical3A_177 = vector.broadcast %shift_right_logical3A_176 : i32 to vector<256x768xi32>
    %shift_right_logical3A_178 = arith.shrui %xor3A_171, %shift_right_logical3A_177 : vector<256x768xi32>
    %or3A_179 = arith.ori %shift_left3A_175, %shift_right_logical3A_178 : vector<256x768xi32>
    %xor3A_180 = arith.xori %or3A_179, %add3A_172 : vector<256x768xi32>
    %add3A_181 = vector.broadcast %get3A_11 : i32 to vector<256x768xi32>
    %add3A_182 = arith.addi %add3A_172, %add3A_181 : vector<256x768xi32>
    %add3A_183 = vector.broadcast %xor3A_14 : i32 to vector<256x768xi32>
    %add3A_184 = arith.addi %xor3A_180, %add3A_183 : vector<256x768xi32>
    %add3A_185 = arith.constant 4 : i32
    %add3A_186 = vector.broadcast %add3A_185 : i32 to vector<256x768xi32>
    %add3A_187 = arith.addi %add3A_184, %add3A_186 : vector<256x768xi32>
    %add3A_188 = arith.addi %add3A_182, %add3A_187 : vector<256x768xi32>
    %shift_left3A_189 = arith.constant 13 : i32
    %shift_left3A_190 = vector.broadcast %shift_left3A_189 : i32 to vector<256x768xi32>
    %shift_left3A_191 = arith.shli %add3A_187, %shift_left3A_190 : vector<256x768xi32>
    %shift_right_logical3A_192 = arith.constant 19 : i32
    %shift_right_logical3A_193 = vector.broadcast %shift_right_logical3A_192 : i32 to vector<256x768xi32>
    %shift_right_logical3A_194 = arith.shrui %add3A_187, %shift_right_logical3A_193 : vector<256x768xi32>
    %or3A_195 = arith.ori %shift_left3A_191, %shift_right_logical3A_194 : vector<256x768xi32>
    %xor3A_196 = arith.xori %or3A_195, %add3A_188 : vector<256x768xi32>
    %add3A_197 = arith.addi %add3A_188, %xor3A_196 : vector<256x768xi32>
    %shift_left3A_198 = arith.constant 15 : i32
    %shift_left3A_199 = vector.broadcast %shift_left3A_198 : i32 to vector<256x768xi32>
    %shift_left3A_200 = arith.shli %xor3A_196, %shift_left3A_199 : vector<256x768xi32>
    %shift_right_logical3A_201 = arith.constant 17 : i32
    %shift_right_logical3A_202 = vector.broadcast %shift_right_logical3A_201 : i32 to vector<256x768xi32>
    %shift_right_logical3A_203 = arith.shrui %xor3A_196, %shift_right_logical3A_202 : vector<256x768xi32>
    %or3A_204 = arith.ori %shift_left3A_200, %shift_right_logical3A_203 : vector<256x768xi32>
    %xor3A_205 = arith.xori %or3A_204, %add3A_197 : vector<256x768xi32>
    %add3A_206 = arith.addi %add3A_197, %xor3A_205 : vector<256x768xi32>
    %shift_left3A_207 = arith.constant 26 : i32
    %shift_left3A_208 = vector.broadcast %shift_left3A_207 : i32 to vector<256x768xi32>
    %shift_left3A_209 = arith.shli %xor3A_205, %shift_left3A_208 : vector<256x768xi32>
    %shift_right_logical3A_210 = arith.constant 6 : i32
    %shift_right_logical3A_211 = vector.broadcast %shift_right_logical3A_210 : i32 to vector<256x768xi32>
    %shift_right_logical3A_212 = arith.shrui %xor3A_205, %shift_right_logical3A_211 : vector<256x768xi32>
    %or3A_213 = arith.ori %shift_left3A_209, %shift_right_logical3A_212 : vector<256x768xi32>
    %xor3A_214 = arith.xori %or3A_213, %add3A_206 : vector<256x768xi32>
    %add3A_215 = arith.addi %add3A_206, %xor3A_214 : vector<256x768xi32>
    %shift_left3A_216 = arith.constant 6 : i32
    %shift_left3A_217 = vector.broadcast %shift_left3A_216 : i32 to vector<256x768xi32>
    %shift_left3A_218 = arith.shli %xor3A_214, %shift_left3A_217 : vector<256x768xi32>
    %shift_right_logical3A_219 = arith.constant 26 : i32
    %shift_right_logical3A_220 = vector.broadcast %shift_right_logical3A_219 : i32 to vector<256x768xi32>
    %shift_right_logical3A_221 = arith.shrui %xor3A_214, %shift_right_logical3A_220 : vector<256x768xi32>
    %or3A_222 = arith.ori %shift_left3A_218, %shift_right_logical3A_221 : vector<256x768xi32>
    %xor3A_223 = arith.xori %or3A_222, %add3A_215 : vector<256x768xi32>
    %add3A_224 = vector.broadcast %xor3A_14 : i32 to vector<256x768xi32>
    %add3A_225 = arith.addi %add3A_215, %add3A_224 : vector<256x768xi32>
    %add3A_226 = vector.broadcast %get3A_9 : i32 to vector<256x768xi32>
    %add3A_227 = arith.addi %xor3A_223, %add3A_226 : vector<256x768xi32>
    %add3A_228 = arith.constant 5 : i32
    %add3A_229 = vector.broadcast %add3A_228 : i32 to vector<256x768xi32>
    %add3A_230 = arith.addi %add3A_227, %add3A_229 : vector<256x768xi32>
    %xor3A_231 = arith.xori %add3A_225, %add3A_230 : vector<256x768xi32>
    %shift_right_logical3A_232 = arith.constant 9 : i32
    %shift_right_logical3A_233 = vector.broadcast %shift_right_logical3A_232 : i32 to vector<256x768xi32>
    %shift_right_logical3A_234 = arith.shrui %xor3A_231, %shift_right_logical3A_233 : vector<256x768xi32>
    %or3A_235 = arith.constant 1065353216 : i32
    %or3A_236 = vector.broadcast %or3A_235 : i32 to vector<256x768xi32>
    %or3A_237 = arith.ori %shift_right_logical3A_234, %or3A_236 : vector<256x768xi32>
    %bitcast_convert_type3A = tpu.bitcast %or3A_237 : vector<256x768xi32> -> vector<256x768xf32>
    %sub3A = arith.constant 1.000000e+00 : f32
    %sub3A_238 = vector.broadcast %sub3A : f32 to vector<256x768xf32>
    %sub3A_239 = arith.subf %bitcast_convert_type3A, %sub3A_238 : vector<256x768xf32>
    %mul3A_240 = arith.constant 2.000000e+00 : f32
    %mul3A_241 = vector.broadcast %mul3A_240 : f32 to vector<256x768xf32>
    %mul3A_242 = arith.mulf %sub3A_239, %mul3A_241 : vector<256x768xf32>
    %add3A_243 = arith.constant -0.99999994 : f32
    %add3A_244 = vector.broadcast %add3A_243 : f32 to vector<256x768xf32>
    %add3A_245 = arith.addf %mul3A_242, %add3A_244 : vector<256x768xf32>
    %max3A = arith.constant -0.99999994 : f32
    %max3A_246 = vector.broadcast %max3A : f32 to vector<256x768xf32>
    %max3A_247 = arith.maximumf %max3A_246, %add3A_245 : vector<256x768xf32>
    %neg3A = arith.constant 0.000000e+00 : f32
    %neg3A_248 = vector.broadcast %neg3A : f32 to vector<256x768xf32>
    %neg3A_249 = arith.subf %neg3A_248, %max3A_247 : vector<256x768xf32>
    %mul3A_250 = arith.mulf %neg3A_249, %max3A_247 : vector<256x768xf32>
    %log1p3A = math.log1p %mul3A_250 : vector<256x768xf32>
    %neg3A_251 = arith.constant 0.000000e+00 : f32
    %neg3A_252 = vector.broadcast %neg3A_251 : f32 to vector<256x768xf32>
    %neg3A_253 = arith.subf %neg3A_252, %log1p3A : vector<256x768xf32>
    %sub3A_254 = arith.constant 2.500000e+00 : f32
    %sub3A_255 = vector.broadcast %sub3A_254 : f32 to vector<256x768xf32>
    %sub3A_256 = arith.subf %neg3A_253, %sub3A_255 : vector<256x768xf32>
    %mul3A_257 = arith.constant 2.81022636E-8 : f32
    %mul3A_258 = vector.broadcast %mul3A_257 : f32 to vector<256x768xf32>
    %mul3A_259 = arith.mulf %mul3A_258, %sub3A_256 : vector<256x768xf32>
    %add3A_260 = arith.constant 3.43273939E-7 : f32
    %add3A_261 = vector.broadcast %add3A_260 : f32 to vector<256x768xf32>
    %add3A_262 = arith.addf %add3A_261, %mul3A_259 : vector<256x768xf32>
    %mul3A_263 = arith.mulf %add3A_262, %sub3A_256 : vector<256x768xf32>
    %add3A_264 = arith.constant -3.5233877E-6 : f32
    %add3A_265 = vector.broadcast %add3A_264 : f32 to vector<256x768xf32>
    %add3A_266 = arith.addf %add3A_265, %mul3A_263 : vector<256x768xf32>
    %mul3A_267 = arith.mulf %add3A_266, %sub3A_256 : vector<256x768xf32>
    %add3A_268 = arith.constant -4.39150654E-6 : f32
    %add3A_269 = vector.broadcast %add3A_268 : f32 to vector<256x768xf32>
    %add3A_270 = arith.addf %add3A_269, %mul3A_267 : vector<256x768xf32>
    %mul3A_271 = arith.mulf %add3A_270, %sub3A_256 : vector<256x768xf32>
    %add3A_272 = arith.constant 2.1858087E-4 : f32
    %add3A_273 = vector.broadcast %add3A_272 : f32 to vector<256x768xf32>
    %add3A_274 = arith.addf %add3A_273, %mul3A_271 : vector<256x768xf32>
    %mul3A_275 = arith.mulf %add3A_274, %sub3A_256 : vector<256x768xf32>
    %add3A_276 = arith.constant -0.00125372503 : f32
    %add3A_277 = vector.broadcast %add3A_276 : f32 to vector<256x768xf32>
    %add3A_278 = arith.addf %add3A_277, %mul3A_275 : vector<256x768xf32>
    %mul3A_279 = arith.mulf %add3A_278, %sub3A_256 : vector<256x768xf32>
    %add3A_280 = arith.constant -0.00417768164 : f32
    %add3A_281 = vector.broadcast %add3A_280 : f32 to vector<256x768xf32>
    %add3A_282 = arith.addf %add3A_281, %mul3A_279 : vector<256x768xf32>
    %mul3A_283 = arith.mulf %add3A_282, %sub3A_256 : vector<256x768xf32>
    %add3A_284 = arith.constant 0.246640727 : f32
    %add3A_285 = vector.broadcast %add3A_284 : f32 to vector<256x768xf32>
    %add3A_286 = arith.addf %add3A_285, %mul3A_283 : vector<256x768xf32>
    %mul3A_287 = arith.mulf %add3A_286, %sub3A_256 : vector<256x768xf32>
    %add3A_288 = arith.constant 1.50140941 : f32
    %add3A_289 = vector.broadcast %add3A_288 : f32 to vector<256x768xf32>
    %add3A_290 = arith.addf %add3A_289, %mul3A_287 : vector<256x768xf32>
    %sqrt3A = math.sqrt %neg3A_253 : vector<256x768xf32>
    %sub3A_291 = arith.constant 3.000000e+00 : f32
    %sub3A_292 = vector.broadcast %sub3A_291 : f32 to vector<256x768xf32>
    %sub3A_293 = arith.subf %sqrt3A, %sub3A_292 : vector<256x768xf32>
    %mul3A_294 = arith.constant -2.00214257E-4 : f32
    %mul3A_295 = vector.broadcast %mul3A_294 : f32 to vector<256x768xf32>
    %mul3A_296 = arith.mulf %mul3A_295, %sub3A_293 : vector<256x768xf32>
    %add3A_297 = arith.constant 1.00950558E-4 : f32
    %add3A_298 = vector.broadcast %add3A_297 : f32 to vector<256x768xf32>
    %add3A_299 = arith.addf %add3A_298, %mul3A_296 : vector<256x768xf32>
    %mul3A_300 = arith.mulf %add3A_299, %sub3A_293 : vector<256x768xf32>
    %add3A_301 = arith.constant 0.00134934322 : f32
    %add3A_302 = vector.broadcast %add3A_301 : f32 to vector<256x768xf32>
    %add3A_303 = arith.addf %add3A_302, %mul3A_300 : vector<256x768xf32>
    %mul3A_304 = arith.mulf %add3A_303, %sub3A_293 : vector<256x768xf32>
    %add3A_305 = arith.constant -0.00367342844 : f32
    %add3A_306 = vector.broadcast %add3A_305 : f32 to vector<256x768xf32>
    %add3A_307 = arith.addf %add3A_306, %mul3A_304 : vector<256x768xf32>
    %mul3A_308 = arith.mulf %add3A_307, %sub3A_293 : vector<256x768xf32>
    %add3A_309 = arith.constant 0.00573950773 : f32
    %add3A_310 = vector.broadcast %add3A_309 : f32 to vector<256x768xf32>
    %add3A_311 = arith.addf %add3A_310, %mul3A_308 : vector<256x768xf32>
    %mul3A_312 = arith.mulf %add3A_311, %sub3A_293 : vector<256x768xf32>
    %add3A_313 = arith.constant -0.0076224613 : f32
    %add3A_314 = vector.broadcast %add3A_313 : f32 to vector<256x768xf32>
    %add3A_315 = arith.addf %add3A_314, %mul3A_312 : vector<256x768xf32>
    %mul3A_316 = arith.mulf %add3A_315, %sub3A_293 : vector<256x768xf32>
    %add3A_317 = arith.constant 0.00943887047 : f32
    %add3A_318 = vector.broadcast %add3A_317 : f32 to vector<256x768xf32>
    %add3A_319 = arith.addf %add3A_318, %mul3A_316 : vector<256x768xf32>
    %mul3A_320 = arith.mulf %add3A_319, %sub3A_293 : vector<256x768xf32>
    %add3A_321 = arith.constant 1.00167406 : f32
    %add3A_322 = vector.broadcast %add3A_321 : f32 to vector<256x768xf32>
    %add3A_323 = arith.addf %add3A_322, %mul3A_320 : vector<256x768xf32>
    %mul3A_324 = arith.mulf %add3A_323, %sub3A_293 : vector<256x768xf32>
    %add3A_325 = arith.constant 2.83297682 : f32
    %add3A_326 = vector.broadcast %add3A_325 : f32 to vector<256x768xf32>
    %add3A_327 = arith.addf %add3A_326, %mul3A_324 : vector<256x768xf32>
    %lt3A = arith.constant 5.000000e+00 : f32
    %lt3A_328 = vector.broadcast %lt3A : f32 to vector<256x768xf32>
    %lt3A_329 = arith.cmpf olt, %neg3A_253, %lt3A_328 : vector<256x768xf32>
    %select_n3A = arith.select %lt3A_329, %add3A_290, %add3A_327 : vector<256x768xi1>, vector<256x768xf32>
    %mul3A_330 = arith.mulf %select_n3A, %max3A_247 : vector<256x768xf32>
    %mul3A_331 = arith.constant 1.41421354 : f32
    %mul3A_332 = vector.broadcast %mul3A_331 : f32 to vector<256x768xf32>
    %mul3A_333 = arith.mulf %mul3A_332, %mul3A_330 : vector<256x768xf32>
    %get3A_334 = arith.constant 0 : index
    %get3A_335 = arith.constant 0 : index
    %get3A_336 = vector.load %arg3[%get3A_334, %get3A_335] : memref<256x768xf32, #tpu.memory_space<vmem>>, vector<256x768xf32>
    %mul3A_337 = arith.mulf %mul3A_333, %get3A_336 : vector<256x768xf32>
    %reduce_sum3A = arith.constant dense<0.000000e+00> : vector<256xf32>
    %reduce_sum3A_338 = vector.multi_reduction <add>, %mul3A_337, %reduce_sum3A [1] : vector<256x768xf32> to vector<256xf32>
    %broadcast_in_dim3A_339 = vector.shape_cast %reduce_sum3A_338 : vector<256xf32> to vector<256x1xf32>
    %mul3A_340 = vector.broadcast %broadcast_in_dim3A_339 : vector<256x1xf32> to vector<256x768xf32>
    %mul3A_341 = arith.mulf %mul3A_340, %get3A_336 : vector<256x768xf32>
    %sub3A_342 = arith.subf %mul3A_333, %mul3A_341 : vector<256x768xf32>
    %mul3A_343 = arith.mulf %sub3A_342, %sub3A_342 : vector<256x768xf32>
    %reduce_sum3A_344 = arith.constant dense<0.000000e+00> : vector<256xf32>
    %reduce_sum3A_345 = vector.multi_reduction <add>, %mul3A_343, %reduce_sum3A_344 [1] : vector<256x768xf32> to vector<256xf32>
    %broadcast_in_dim3A_346 = vector.shape_cast %reduce_sum3A_345 : vector<256xf32> to vector<256x1xf32>
    %sqrt3A_347 = math.sqrt %broadcast_in_dim3A_346 : vector<256x1xf32>
    %max3A_348 = arith.constant 9.99999996E-13 : f32
    %max3A_349 = vector.broadcast %max3A_348 : f32 to vector<256x1xf32>
    %max3A_350 = arith.maximumf %sqrt3A_347, %max3A_349 : vector<256x1xf32>
    %get3A_351 = arith.constant 0 : index
    %get3A_352 = arith.constant 0 : index
    %get3A_353 = vector.load %arg2[%get3A_351, %get3A_352] : memref<256x1xf32, #tpu.memory_space<vmem>>, vector<256x1xf32>
    %mul3A_354 = vector.broadcast %get3A_353 : vector<256x1xf32> to vector<256x768xf32>
    %mul3A_355 = arith.mulf %mul3A_354, %get3A_336 : vector<256x768xf32>
    %mul3A_356 = arith.mulf %get3A_353, %get3A_353 : vector<256x1xf32>
    %sub3A_357 = arith.constant 1.000000e+00 : f32
    %sub3A_358 = vector.broadcast %sub3A_357 : f32 to vector<256x1xf32>
    %sub3A_359 = arith.subf %sub3A_358, %mul3A_356 : vector<256x1xf32>
    %sqrt3A_360 = math.sqrt %sub3A_359 : vector<256x1xf32>
    %div3A = vector.broadcast %max3A_350 : vector<256x1xf32> to vector<256x768xf32>
    %div3A_361 = arith.divf %sub3A_342, %div3A : vector<256x768xf32>
    %mul3A_362 = vector.broadcast %sqrt3A_360 : vector<256x1xf32> to vector<256x768xf32>
    %mul3A_363 = arith.mulf %mul3A_362, %div3A_361 : vector<256x768xf32>
    %add3A_364 = arith.addf %mul3A_355, %mul3A_363 : vector<256x768xf32>
    %swap3A = arith.constant 0 : index
    %swap3A_365 = arith.constant 0 : index
    %swap3A_366 = vector.load %arg4[%swap3A, %swap3A_365] : memref<256x768xf32, #tpu.memory_space<vmem>>, vector<256x768xf32>
    tpu.vector_store %arg4[%swap3A, %swap3A_365], %add3A_364 {strides = array<i32>} : memref<256x768xf32, #tpu.memory_space<vmem>>, vector<256x768xf32>,
    return
  }
  func.func @transform_0(%arg0: i32) -> i32 {
    %c0_i32 = arith.constant 0 : i32
    %c0_i32_0 = arith.constant 0 : i32
    return %c0_i32 : i32
  }
  func.func @transform_1(%arg0: i32) -> (i32, i32) {
    %add3A = arith.constant 24 : i32
    %add3A_0 = arith.addi %arg0, %add3A : i32
    %c0_i32 = arith.constant 0 : i32
    %c0_i32_1 = arith.constant 0 : i32
    return %add3A_0, %c0_i32 : i32, i32
  }
  func.func @transform_2(%arg0: i32) -> (i32, i32) {
    %add3A = arith.constant 24 : i32
    %add3A_0 = arith.addi %arg0, %add3A : i32
    %c0_i32 = arith.constant 0 : i32
    %c0_i32_1 = arith.constant 0 : i32
    return %add3A_0, %c0_i32 : i32, i32
  }
  func.func @transform_3(%arg0: i32) -> (i32, i32) {
    %add3A = arith.constant 24 : i32
    %add3A_0 = arith.addi %arg0, %add3A : i32
    %c0_i32 = arith.constant 0 : i32
    %c0_i32_1 = arith.constant 0 : i32
    return %add3A_0, %c0_i32 : i32, i32
  }
}

module attributes {stable_mosaic.version = 14 : i64} {
  func.func @_vmf_body_bits(%arg0: i32, %arg1: memref<16384x768xf32, #tpu.memory_space<any>>, %arg2: memref<256x1xf32, #tpu.memory_space<vmem>>, %arg3: memref<256x768xi32, #tpu.memory_space<vmem>>, %arg4: memref<256x768xf32, #tpu.memory_space<vmem>>, %arg5: memref<256x768xf32, #tpu.memory_space<vmem>>) attributes {dimension_semantics = [#tpu.dimension_semantics<arbitrary>], iteration_bounds = array<i64: 24>, scalar_prefetch = 0 : i64, scratch_operands = 0 : i64, tpu.core_type = #tpu.core_type<tc>, window_params = [{}, {transform_indices = @transform_1, window_bounds = array<i64: 256, 1>}, {transform_indices = @transform_2, window_bounds = array<i64: 256, 768>}, {transform_indices = @transform_3, window_bounds = array<i64: 256, 768>}, {transform_indices = @transform_4, window_bounds = array<i64: 256, 768>}]} {
    %get3A = arith.constant 0 : index
    %get3A_0 = arith.constant 0 : index
    %get3A_1 = vector.load %arg3[%get3A, %get3A_0] : memref<256x768xi32, #tpu.memory_space<vmem>>, vector<256x768xi32>
    %shift_right_logical3A = arith.constant 9 : i32
    %shift_right_logical3A_2 = vector.broadcast %shift_right_logical3A : i32 to vector<256x768xi32>
    %shift_right_logical3A_3 = arith.shrui %get3A_1, %shift_right_logical3A_2 : vector<256x768xi32>
    %or3A = arith.constant 1065353216 : i32
    %or3A_4 = vector.broadcast %or3A : i32 to vector<256x768xi32>
    %or3A_5 = arith.ori %shift_right_logical3A_3, %or3A_4 : vector<256x768xi32>
    %bitcast_convert_type3A = tpu.bitcast %or3A_5 : vector<256x768xi32> -> vector<256x768xf32>
    %sub3A = arith.constant 1.000000e+00 : f32
    %sub3A_6 = vector.broadcast %sub3A : f32 to vector<256x768xf32>
    %sub3A_7 = arith.subf %bitcast_convert_type3A, %sub3A_6 : vector<256x768xf32>
    %mul3A = arith.constant 2.000000e+00 : f32
    %mul3A_8 = vector.broadcast %mul3A : f32 to vector<256x768xf32>
    %mul3A_9 = arith.mulf %sub3A_7, %mul3A_8 : vector<256x768xf32>
    %add3A = arith.constant -0.99999994 : f32
    %add3A_10 = vector.broadcast %add3A : f32 to vector<256x768xf32>
    %add3A_11 = arith.addf %mul3A_9, %add3A_10 : vector<256x768xf32>
    %max3A = arith.constant -0.99999994 : f32
    %max3A_12 = vector.broadcast %max3A : f32 to vector<256x768xf32>
    %max3A_13 = arith.maximumf %max3A_12, %add3A_11 : vector<256x768xf32>
    %neg3A = arith.constant 0.000000e+00 : f32
    %neg3A_14 = vector.broadcast %neg3A : f32 to vector<256x768xf32>
    %neg3A_15 = arith.subf %neg3A_14, %max3A_13 : vector<256x768xf32>
    %mul3A_16 = arith.mulf %neg3A_15, %max3A_13 : vector<256x768xf32>
    %log1p3A = math.log1p %mul3A_16 : vector<256x768xf32>
    %neg3A_17 = arith.constant 0.000000e+00 : f32
    %neg3A_18 = vector.broadcast %neg3A_17 : f32 to vector<256x768xf32>
    %neg3A_19 = arith.subf %neg3A_18, %log1p3A : vector<256x768xf32>
    %sub3A_20 = arith.constant 2.500000e+00 : f32
    %sub3A_21 = vector.broadcast %sub3A_20 : f32 to vector<256x768xf32>
    %sub3A_22 = arith.subf %neg3A_19, %sub3A_21 : vector<256x768xf32>
    %mul3A_23 = arith.constant 2.81022636E-8 : f32
    %mul3A_24 = vector.broadcast %mul3A_23 : f32 to vector<256x768xf32>
    %mul3A_25 = arith.mulf %mul3A_24, %sub3A_22 : vector<256x768xf32>
    %add3A_26 = arith.constant 3.43273939E-7 : f32
    %add3A_27 = vector.broadcast %add3A_26 : f32 to vector<256x768xf32>
    %add3A_28 = arith.addf %add3A_27, %mul3A_25 : vector<256x768xf32>
    %mul3A_29 = arith.mulf %add3A_28, %sub3A_22 : vector<256x768xf32>
    %add3A_30 = arith.constant -3.5233877E-6 : f32
    %add3A_31 = vector.broadcast %add3A_30 : f32 to vector<256x768xf32>
    %add3A_32 = arith.addf %add3A_31, %mul3A_29 : vector<256x768xf32>
    %mul3A_33 = arith.mulf %add3A_32, %sub3A_22 : vector<256x768xf32>
    %add3A_34 = arith.constant -4.39150654E-6 : f32
    %add3A_35 = vector.broadcast %add3A_34 : f32 to vector<256x768xf32>
    %add3A_36 = arith.addf %add3A_35, %mul3A_33 : vector<256x768xf32>
    %mul3A_37 = arith.mulf %add3A_36, %sub3A_22 : vector<256x768xf32>
    %add3A_38 = arith.constant 2.1858087E-4 : f32
    %add3A_39 = vector.broadcast %add3A_38 : f32 to vector<256x768xf32>
    %add3A_40 = arith.addf %add3A_39, %mul3A_37 : vector<256x768xf32>
    %mul3A_41 = arith.mulf %add3A_40, %sub3A_22 : vector<256x768xf32>
    %add3A_42 = arith.constant -0.00125372503 : f32
    %add3A_43 = vector.broadcast %add3A_42 : f32 to vector<256x768xf32>
    %add3A_44 = arith.addf %add3A_43, %mul3A_41 : vector<256x768xf32>
    %mul3A_45 = arith.mulf %add3A_44, %sub3A_22 : vector<256x768xf32>
    %add3A_46 = arith.constant -0.00417768164 : f32
    %add3A_47 = vector.broadcast %add3A_46 : f32 to vector<256x768xf32>
    %add3A_48 = arith.addf %add3A_47, %mul3A_45 : vector<256x768xf32>
    %mul3A_49 = arith.mulf %add3A_48, %sub3A_22 : vector<256x768xf32>
    %add3A_50 = arith.constant 0.246640727 : f32
    %add3A_51 = vector.broadcast %add3A_50 : f32 to vector<256x768xf32>
    %add3A_52 = arith.addf %add3A_51, %mul3A_49 : vector<256x768xf32>
    %mul3A_53 = arith.mulf %add3A_52, %sub3A_22 : vector<256x768xf32>
    %add3A_54 = arith.constant 1.50140941 : f32
    %add3A_55 = vector.broadcast %add3A_54 : f32 to vector<256x768xf32>
    %add3A_56 = arith.addf %add3A_55, %mul3A_53 : vector<256x768xf32>
    %sqrt3A = math.sqrt %neg3A_19 : vector<256x768xf32>
    %sub3A_57 = arith.constant 3.000000e+00 : f32
    %sub3A_58 = vector.broadcast %sub3A_57 : f32 to vector<256x768xf32>
    %sub3A_59 = arith.subf %sqrt3A, %sub3A_58 : vector<256x768xf32>
    %mul3A_60 = arith.constant -2.00214257E-4 : f32
    %mul3A_61 = vector.broadcast %mul3A_60 : f32 to vector<256x768xf32>
    %mul3A_62 = arith.mulf %mul3A_61, %sub3A_59 : vector<256x768xf32>
    %add3A_63 = arith.constant 1.00950558E-4 : f32
    %add3A_64 = vector.broadcast %add3A_63 : f32 to vector<256x768xf32>
    %add3A_65 = arith.addf %add3A_64, %mul3A_62 : vector<256x768xf32>
    %mul3A_66 = arith.mulf %add3A_65, %sub3A_59 : vector<256x768xf32>
    %add3A_67 = arith.constant 0.00134934322 : f32
    %add3A_68 = vector.broadcast %add3A_67 : f32 to vector<256x768xf32>
    %add3A_69 = arith.addf %add3A_68, %mul3A_66 : vector<256x768xf32>
    %mul3A_70 = arith.mulf %add3A_69, %sub3A_59 : vector<256x768xf32>
    %add3A_71 = arith.constant -0.00367342844 : f32
    %add3A_72 = vector.broadcast %add3A_71 : f32 to vector<256x768xf32>
    %add3A_73 = arith.addf %add3A_72, %mul3A_70 : vector<256x768xf32>
    %mul3A_74 = arith.mulf %add3A_73, %sub3A_59 : vector<256x768xf32>
    %add3A_75 = arith.constant 0.00573950773 : f32
    %add3A_76 = vector.broadcast %add3A_75 : f32 to vector<256x768xf32>
    %add3A_77 = arith.addf %add3A_76, %mul3A_74 : vector<256x768xf32>
    %mul3A_78 = arith.mulf %add3A_77, %sub3A_59 : vector<256x768xf32>
    %add3A_79 = arith.constant -0.0076224613 : f32
    %add3A_80 = vector.broadcast %add3A_79 : f32 to vector<256x768xf32>
    %add3A_81 = arith.addf %add3A_80, %mul3A_78 : vector<256x768xf32>
    %mul3A_82 = arith.mulf %add3A_81, %sub3A_59 : vector<256x768xf32>
    %add3A_83 = arith.constant 0.00943887047 : f32
    %add3A_84 = vector.broadcast %add3A_83 : f32 to vector<256x768xf32>
    %add3A_85 = arith.addf %add3A_84, %mul3A_82 : vector<256x768xf32>
    %mul3A_86 = arith.mulf %add3A_85, %sub3A_59 : vector<256x768xf32>
    %add3A_87 = arith.constant 1.00167406 : f32
    %add3A_88 = vector.broadcast %add3A_87 : f32 to vector<256x768xf32>
    %add3A_89 = arith.addf %add3A_88, %mul3A_86 : vector<256x768xf32>
    %mul3A_90 = arith.mulf %add3A_89, %sub3A_59 : vector<256x768xf32>
    %add3A_91 = arith.constant 2.83297682 : f32
    %add3A_92 = vector.broadcast %add3A_91 : f32 to vector<256x768xf32>
    %add3A_93 = arith.addf %add3A_92, %mul3A_90 : vector<256x768xf32>
    %lt3A = arith.constant 5.000000e+00 : f32
    %lt3A_94 = vector.broadcast %lt3A : f32 to vector<256x768xf32>
    %lt3A_95 = arith.cmpf olt, %neg3A_19, %lt3A_94 : vector<256x768xf32>
    %select_n3A = arith.select %lt3A_95, %add3A_56, %add3A_93 : vector<256x768xi1>, vector<256x768xf32>
    %mul3A_96 = arith.mulf %select_n3A, %max3A_13 : vector<256x768xf32>
    %mul3A_97 = arith.constant 1.41421354 : f32
    %mul3A_98 = vector.broadcast %mul3A_97 : f32 to vector<256x768xf32>
    %mul3A_99 = arith.mulf %mul3A_98, %mul3A_96 : vector<256x768xf32>
    %get3A_100 = arith.constant 0 : index
    %get3A_101 = arith.constant 0 : index
    %get3A_102 = vector.load %arg4[%get3A_100, %get3A_101] : memref<256x768xf32, #tpu.memory_space<vmem>>, vector<256x768xf32>
    %mul3A_103 = arith.mulf %mul3A_99, %get3A_102 : vector<256x768xf32>
    %reduce_sum3A = arith.constant dense<0.000000e+00> : vector<256xf32>
    %reduce_sum3A_104 = vector.multi_reduction <add>, %mul3A_103, %reduce_sum3A [1] : vector<256x768xf32> to vector<256xf32>
    %broadcast_in_dim3A = vector.shape_cast %reduce_sum3A_104 : vector<256xf32> to vector<256x1xf32>
    %mul3A_105 = vector.broadcast %broadcast_in_dim3A : vector<256x1xf32> to vector<256x768xf32>
    %mul3A_106 = arith.mulf %mul3A_105, %get3A_102 : vector<256x768xf32>
    %sub3A_107 = arith.subf %mul3A_99, %mul3A_106 : vector<256x768xf32>
    %mul3A_108 = arith.mulf %sub3A_107, %sub3A_107 : vector<256x768xf32>
    %reduce_sum3A_109 = arith.constant dense<0.000000e+00> : vector<256xf32>
    %reduce_sum3A_110 = vector.multi_reduction <add>, %mul3A_108, %reduce_sum3A_109 [1] : vector<256x768xf32> to vector<256xf32>
    %broadcast_in_dim3A_111 = vector.shape_cast %reduce_sum3A_110 : vector<256xf32> to vector<256x1xf32>
    %sqrt3A_112 = math.sqrt %broadcast_in_dim3A_111 : vector<256x1xf32>
    %max3A_113 = arith.constant 9.99999996E-13 : f32
    %max3A_114 = vector.broadcast %max3A_113 : f32 to vector<256x1xf32>
    %max3A_115 = arith.maximumf %sqrt3A_112, %max3A_114 : vector<256x1xf32>
    %get3A_116 = arith.constant 0 : index
    %get3A_117 = arith.constant 0 : index
    %get3A_118 = vector.load %arg2[%get3A_116, %get3A_117] : memref<256x1xf32, #tpu.memory_space<vmem>>, vector<256x1xf32>
    %mul3A_119 = vector.broadcast %get3A_118 : vector<256x1xf32> to vector<256x768xf32>
    %mul3A_120 = arith.mulf %mul3A_119, %get3A_102 : vector<256x768xf32>
    %mul3A_121 = arith.mulf %get3A_118, %get3A_118 : vector<256x1xf32>
    %sub3A_122 = arith.constant 1.000000e+00 : f32
    %sub3A_123 = vector.broadcast %sub3A_122 : f32 to vector<256x1xf32>
    %sub3A_124 = arith.subf %sub3A_123, %mul3A_121 : vector<256x1xf32>
    %sqrt3A_125 = math.sqrt %sub3A_124 : vector<256x1xf32>
    %div3A = vector.broadcast %max3A_115 : vector<256x1xf32> to vector<256x768xf32>
    %div3A_126 = arith.divf %sub3A_107, %div3A : vector<256x768xf32>
    %mul3A_127 = vector.broadcast %sqrt3A_125 : vector<256x1xf32> to vector<256x768xf32>
    %mul3A_128 = arith.mulf %mul3A_127, %div3A_126 : vector<256x768xf32>
    %add3A_129 = arith.addf %mul3A_120, %mul3A_128 : vector<256x768xf32>
    %swap3A = arith.constant 0 : index
    %swap3A_130 = arith.constant 0 : index
    %swap3A_131 = vector.load %arg5[%swap3A, %swap3A_130] : memref<256x768xf32, #tpu.memory_space<vmem>>, vector<256x768xf32>
    tpu.vector_store %arg5[%swap3A, %swap3A_130], %add3A_129 {strides = array<i32>} : memref<256x768xf32, #tpu.memory_space<vmem>>, vector<256x768xf32>,
    return
  }
  func.func @transform_1(%arg0: i32) -> (i32, i32) {
    %c0_i32 = arith.constant 0 : i32
    %c0_i32_0 = arith.constant 0 : i32
    return %arg0, %c0_i32 : i32, i32
  }
  func.func @transform_2(%arg0: i32) -> (i32, i32) {
    %c0_i32 = arith.constant 0 : i32
    %c0_i32_0 = arith.constant 0 : i32
    return %arg0, %c0_i32 : i32, i32
  }
  func.func @transform_3(%arg0: i32) -> (i32, i32) {
    %c0_i32 = arith.constant 0 : i32
    %c0_i32_0 = arith.constant 0 : i32
    return %arg0, %c0_i32 : i32, i32
  }
  func.func @transform_4(%arg0: i32) -> (i32, i32) {
    %c0_i32 = arith.constant 0 : i32
    %c0_i32_0 = arith.constant 0 : i32
    return %arg0, %c0_i32 : i32, i32
  }
}

</mosaic_0001>

<sc_bundles>
// kernel: kernel.6.cloned.1.call-start
scs
__scs_entry_jumppad:
0x0: {  	(pc) =	sbr.rel $0x88, $3  }
0x1: {  	(tag) =	ssettag $0x0;
	lr =	simm.s32 $0x1  }
0x2: {  	[smem:$0x3F9F] =	sst lr;
	_ =	strace $0xD0000000  }
0x3: {  	_ = 	snop  }
0x4: {  	_ = 	snop  }
0x5: {  	_ = 	snop  }
0x6: {  	_ = 	snop  }
0x7: {  	_ = 	snop  }
__scs_overlays_trampoline_lowered:
0x8: {  	[smem:$0x3FAE] =	sst s0  }
0x9: {  	[smem:$0x3FAF] =	sst s1  }
0xa: {  	[smem:$0x3FB0] =	sst s2  }
0xb: {  	[smem:$0x3FB1] =	sst s3  }
0xc: {  	[smem:$0x3FB2] =	sst s4  }
0xd: {  	[smem:$0x3FB3] =	sst s5  }
0xe: {  	[smem:$0x3FB4] =	sst s6  }
0xf: {  	[smem:$0x3FB5] =	sst s7  }
0x10: {  	[smem:$0x3FB6] =	sst s8  }
0x11: {  	[smem:$0x3FB7] =	sst s9;
	s0 =	simm.s32 @!p0 $0x0  }
0x12: {  	s1 =	sld [smem:$0x3F9D];
	s0 =	simm.s32 @p0 $0x1  }
0x13: {  	[smem:$0x3FB8] =	sst s0;
	s0 =	simm.s32 @!p1 $0x0  }
0x14: {  	s2 =	sld [smem:$0x3F9C];
	s0 =	simm.s32 @p1 $0x1  }
0x15: {  	[smem:$0x3FB9] =	sst s0;
	s0 =	simm.s32 @!p2 $0x0  }
0x16: {  	s3 =	sld [smem:$0x3FDB];
	s0 =	simm.s32 @p2 $0x1  }
0x17: {  	s4 =	simm.s32 $0x1BF5;
	[smem:$0x3FBB] =	sst s0  }
0x18: {  	s0 =	sld [smem:$0x3F9E];
	_ =	swait.ge [sflag:s4], $0x0  }
0x19: {  	s7 =	sld [smem:$0x3F9F]  }
0x1a: {  	s8 =	sadd.s32 $0xFFFFE003, lr  }
0x1b: {  	s9 =	sadd.s32 $0xFFFFFEF7, lr;
	s5 =	simm.s32 $0xFFFFFFFF;
	p2 =	slt.u32 s8, $0xFFFFF086  }
0x1c: {  	p1 =	slt.u32 s9, $0xF7A;
	s5 =	simm.s32 @!p2 $0x0  }
0x1d: {  	s5 =	simm.s32 @p1 $0x1;
	p0 =	seq.s32 s7, s2  }
0x1e: {  	s7 =	smul.u32 @!p0 $0xF7A, s2;
	p2 =	seq.s32 @!p0 s5, $0x0  }
0x1f: {  	s9 =	smul.u32 $0xF7A, s1;
	s8 =	simm.s32 @!p0 $0x1BF5;
	p2 =	por !p2, p0  }
0x20: {  	[sflag:s8] =	ssyncset.s32 @!p0 $0xFFFFF086;
	s6 =	sadd.s32 @!p0 s3, s7;
	s7 =	simm.s32 @!p0 $0x108  }
0x21: {  	s3 =	sadd.s32 s3, s9;
	s6 =	sadd.s32 @!p0 $0x88, s6;
	s7 =	simm.s32 @p2 $0x1082  }
0x22: {  	[simem:s7], [sflag:s8] =	dma.local @!p0 [hbm:s6], $0xF7A  }
0x23: {  	s9 =	sor.u32 $0xD0000000, s2;
	s6 =	simm.s32 $0x108;
	_ =	swait.ge @!p0 [sflag:s8], $0x0  }
0x24: {  	s3 =	sadd.s32 $0x88, s3;
	s6 =	simm.s32 @!p1 $0x1082;
	[sflag:s4] =	ssyncset.s32 $0xFFFFF086  }
0x25: {  	[simem:s6], [sflag:s4] =	dma.local [hbm:s3], $0xF7A  }
0x26: {  	[smem:$0x3F9F] =	sst s1;
	(tag) =	ssettag s2;
	_ =	strace s9  }
0x27: {  	s1 =	sld [smem:$0x3FAF]  }
0x28: {  	s2 =	sld [smem:$0x3FB0]  }
0x29: {  	s4 =	sld [smem:$0x3FB2]  }
0x2a: {  	p0 =	seq.s32 s5, $0x0;
	s5 =	sld [smem:$0x3FB3]  }
0x2b: {  	s6 =	sld [smem:$0x3FB4]  }
0x2c: {  	s7 =	sld [smem:$0x3FB5]  }
0x2d: {  	s3 =	simm.s32 $0x108;
	s8 =	sld [smem:$0x3FB6]  }
0x2e: {  	s3 =	simm.s32 @!p0 $0x1082;
	s9 =	sld [smem:$0x3FB7]  }
0x2f: {  	lr =	sadd.s32 s0, s3;
	s0 =	sld [smem:$0x3FAE]  }
0x30: {  	s3 =	sld [smem:$0x3FB1]  }
0x31: {  	[smem:$0x3FBA] =	sst s10  }
0x32: {  	s10 =	sld [smem:$0x3FB8];
	_ =	sdelay $0x3  }
0x33: {  	p0 =	seq.s32 s10, $0x1;
	s10 =	sld [smem:$0x3FBA];
	_ =	sdelay $0x3  }
0x34: {  	[smem:$0x3FBA] =	sst s10  }
0x35: {  	s10 =	sld [smem:$0x3FB9];
	_ =	sdelay $0x3  }
0x36: {  	p1 =	seq.s32 s10, $0x1;
	s10 =	sld [smem:$0x3FBA];
	_ =	sdelay $0x3  }
0x37: {  	[smem:$0x3FBA] =	sst s10  }
0x38: {  	s10 =	sld [smem:$0x3FBB]  }
0x39: {  	_ = 	snop;
	(pc) =	sbr.ind lr, $3  }
0x3a: {  	_ = 	snop  }
0x3b: {  	_ = 	snop  }
0x3c: {  	p2 =	seq.s32 s10, $0x1;
	s10 =	sld [smem:$0x3FBA]  }
0x3d: {  	_ =	shalt  }
0x3e: {  	_ =	shalt  }
0x3f: {  	_ =	shalt  }
0x40: {  	_ =	shalt  }
0x41: {  	_ =	shalt  }
0x42: {  	_ =	shalt  }
0x43: {  	_ =	shalt  }
0x44: {  	_ =	shalt  }
0x45: {  	_ =	shalt  }
0x46: {  	_ =	shalt  }
0x47: {  	_ =	shalt  }
0x48: {  	_ =	shalt  }
0x49: {  	_ =	shalt  }
0x4a: {  	_ =	shalt  }
0x4b: {  	_ =	shalt  }
0x4c: {  	_ =	shalt  }
0x4d: {  	_ =	shalt  }
0x4e: {  	_ =	shalt  }
0x4f: {  	_ =	shalt  }
0x50: {  	_ =	shalt  }
0x51: {  	_ =	shalt  }
0x52: {  	_ =	shalt  }
0x53: {  	_ =	shalt  }
0x54: {  	_ =	shalt  }
0x55: {  	_ =	shalt  }
0x56: {  	_ =	shalt  }
0x57: {  	_ =	shalt  }
0x58: {  	_ =	shalt  }
0x59: {  	_ =	shalt  }
0x5a: {  	_ =	shalt  }
0x5b: {  	_ =	shalt  }
0x5c: {  	_ =	shalt  }
0x5d: {  	_ =	shalt  }
0x5e: {  	_ =	shalt  }
0x5f: {  	_ =	shalt  }
0x60: {  	_ =	shalt  }
0x61: {  	_ =	shalt  }
0x62: {  	_ =	shalt  }
0x63: {  	_ =	shalt  }
0x64: {  	_ =	shalt  }
0x65: {  	_ =	shalt  }
0x66: {  	_ =	shalt  }
0x67: {  	_ =	shalt  }
0x68: {  	_ =	shalt  }
0x69: {  	_ =	shalt  }
0x6a: {  	_ =	shalt  }
0x6b: {  	_ =	shalt  }
0x6c: {  	_ =	shalt  }
0x6d: {  	_ =	shalt  }
0x6e: {  	_ =	shalt  }
0x6f: {  	_ =	shalt  }
0x70: {  	_ =	shalt  }
0x71: {  	_ =	shalt  }
0x72: {  	_ =	shalt  }
0x73: {  	_ =	shalt  }
0x74: {  	_ =	shalt  }
0x75: {  	_ =	shalt  }
0x76: {  	_ =	shalt  }
0x77: {  	_ =	shalt  }
0x78: {  	_ =	shalt  }
0x79: {  	_ =	shalt  }
0x7a: {  	_ =	shalt  }
0x7b: {  	_ =	shalt  }
0x7c: {  	_ =	shalt  }
0x7d: {  	_ =	shalt  }
0x7e: {  	_ =	shalt  }
0x7f: {  	_ =	shalt  }
0x80: {  	_ =	shalt  }
0x81: {  	_ =	shalt  }
0x82: {  	_ =	shalt  }
0x83: {  	_ =	shalt  }
0x84: {  	_ =	shalt  }
0x85: {  	_ =	shalt  }
0x86: {  	_ =	shalt  }
0x87: {  	_ =	shalt  }
.Lfunc_end0:
.L_simem_size_0:
called_computation_lowered:
.L_overlay_start_0:
0x88: {  	s2 =	sld [smem:$0x3FD9]  }
0x89: {  	s3 =	sld [smem:$0x3FFE];
	_ =	sdelay $0x1  }
0x8a: {  	s1 =	srdreg.scid  }
0x8b: {  	s0 =	sand.u32 $0x1, s1  }
0x8c: {  	s17 =	sshll.u32 s0, $0xA;
	s2 =	sadd.s32 s3, s2  }
0x8d: {  	s2 =	sadd.s32 s2, s17  }
0x8e: {  	[smem:$0x3FC6] =	sst s2  }
0x8f: {  	_ = 	snop  }
0x90: {  	s2 =	sld [smem:$0x3FD0];
	(tm) =	ssettm $0x1  }
0x91: {  	s18 =	sld [smem:$0x3FFB];
	_ =	sdelay $0x3  }
0x92: {  	_ =	strace s18  }
0x93: {  	s3 =	sld [smem:$0x3FFC];
	_ =	sdelay $0x3  }
0x94: {  	_ =	strace s3  }
0x95: {  	s3 =	sld [smem:$0x3FFD];
	_ =	sdelay $0x3  }
0x96: {  	_ =	strace s3  }
0x97: {  	_ =	strace $0x8FFFFFFF  }
0x98: {  	s19 =	sld [smem:$0x3FDB];
	_ =	sdelay $0x1  }
0x99: {  	s4 =	simm.s32 $_scs_section_size  }
0x9a: {  	s5 =	simm.s32 $_size__tile_overlayer_lowered;
	s6 =	simm.s32 $_tile_overlayer_lowered  }
0x9b: {  	s22 =	simm.s32 $0x1BFF;
	s21 =	sshll.u32 s6, $0x1;
	s3 =	sadd.s32 s4, s19  }
0x9c: {  	s7 =	simm.s32 $0x0;
	s20 =	sshll.u32 s5, $0x1;
	s5 =	sadd.s32 s21, s3  }
0x9d: {  	[timem:s7], [sflag:s22] =	dma.local [hbm:s5], s20  }
0x9e: {  	_ =	swait.ge [sflag:s22], s20  }
0x9f: {  	s4 =	ssub.s32 $0x0, s20;
	[sflag:s22] =	ssyncset.done $0x0  }
0xa0: {  	[sflag:s22] =	ssyncadd.s32 s4;
	_ =	sdelay $0x1  }
0xa1: {  	s23 =	simm.s32 $0x1B8B  }
0xa2: {  	_ =	swait.ge [sflag:s23], $0x1  }
0xa3: {  	[sflag:s23] =	ssyncset.done $0x0  }
0xa4: {  	s25 =	simm.s32 $0x1B8E;
	s24 =	sld [smem:$0x3FFE];
	[sflag:s23] =	ssyncadd.s32 $0xFFFFFFFF  }
0xa5: {  	s26 =	simm.s32 $execute0_lowered;
	[smem:$0x3FD2] =	sst s25  }
0xa6: {  	s5 =	sshll.u32 s26, $0x1;
	_ =	strace $0x80000046;
	[dreg:$0x1] =	wrdreg $0xFFFFFFFF  }
0xa7: {  	s28 =	simm.s32 $_size_execute0_lowered;
	s3 =	sadd.s32 s3, s5;
	[dreg:$0x0] =	wrdreg $0x0  }
0xa8: {  	s5 =	sshll.u32 s28, $0x1;
	[dreg:$0x2] =	wrdreg s3  }
0xa9: {  	[dreg:$0x3] =	wrdreg s5  }
0xaa: {  	[dreg:$0x4] =	wrdreg $0xC0  }
0xab: {  	_ =	task [dreg:s7], $0x5FFFF  }
0xac: {  	[dreg:$0x1] =	wrdreg $0xFFFFFFFF  }
0xad: {  	[dreg:$0x0] =	wrdreg $0x60  }
0xae: {  	[dreg:$0x2] =	wrdreg s2  }
0xaf: {  	[dreg:$0x3] =	wrdreg s24  }
0xb0: {  	[dreg:$0x4] =	wrdreg $0x9  }
0xb1: {  	_ =	task.clear_ibuf [dreg:s7], $0x5FFFF;
	_ =	strace $0x90000046  }
0xb2: {  	s29 =	simm.s32 $0x9;
	_ =	strace $0x80000048  }
0xb3: {  	_ =	swait.ge [sflag:s29], $0x1  }
0xb4: {  	[sflag:s29] =	ssyncadd.s32 $0xFFFFFFFF  }
0xb5: {  	_ =	strace $0x90000048  }
0xb6: {  	_ =	sfence  }
0xb7: {  	s30 =	sld [smem:$0x0];
	_ =	sdelay $0x2  }
0xb8: {  	s31 =	sshll.u32 s1, $0xD;
	s1 =	sshrl.u32 s1, $0x2  }
0xb9: {  	s3 =	sand.u32 $0x4000, s31;
	s1 =	sadd.s32 s1, s30  }
0xba: {  	s0 =	sor.u32 s3, s0;
	s1 =	sshll.u32 s1, $0x11  }
0xbb: {  	s0 =	sor.u32 s1, s0  }
0xbc: {  	s0 =	sadd.s32 $0x8F2B, s0  }
0xbd: {  	[sflag:s0] =	ssyncadd.remote.s32 $0x1  }
0xbe: {  	_ =	sfence.sel $0xFFFF  }
0xbf: {  	[dreg:$0x0] =	wrdreg $0xFFFFFFFF;
	(pc) =	sbr.abs _section_cstart, $3  }
0xc0: {  	[dreg:$0x1] =	wrdreg $0xFFFFFFFF  }
0xc1: {  	_ =	task.clear_ibuf [dreg:s7], $0x2FFFF;
	_ =	strace $0x9FFFFFFF  }
0xc2: {  	(tm) =	ssettm $0x7FFFFFFF  }
0xc3: {  	_ =	shalt  }
tec
execute0_lowered:
.L_overlay_start_1:
0x0: {  	(tag) =	ssettag $0x1  }
0x1: {  	s1 =	rddreg [dreg:$0x0]  }
0x2: {  	s4 =	rddreg [dreg:$0x1]  }
0x3: {  	s0 =	rddreg [dreg:$0x2];
	s5 =	srdreg.scid  }
0x4: {  	s3 =	simm.s32 $0x0;
	s2 =	stileid.u32;
	s8 =	simm.s32 $0x200  }
0x5: {  	s9 =	simm.s32 $0x400;
	s10 =	simm.s32 $0x1;
	s5 =	sand.u32 $0x1, s5  }
0x6: {  	s11 =	simm.s32 $0x10400;
	s6 =	sshll.u32 s2, $0x7;
	s7 =	sshll.u32 s5, $0x6  }
0x7: {  	s12 =	simm.s32 $0x0;
	s5 =	ssub.s32 $0x2, s5;
	s6 =	sor.u32 s7, s6  }
0x8: {  	[smem:$0x7FF] =	sst s3;
	s31 =	sshrl.u32 s5, $0x1;
	s6 =	sadd.s32 s6, s4  }
0x9: {  	v0 =	vlaneseq.u32;
	_ =	strace $0x80000047;
	s7 =	ssub.s32 s5, s31;
	s4 =	sadd.s32 $0xC00, s6  }
0xa: {  	v0 =	vmul.u32 $0x80, v0;
	s5 =	sadd.s32 $0x1400, s6;
	s6 =	smax.u32 s7, $0x1;
	s7 =	simm.s32 $0x2  }
.LBB2_1:
0xb: {  	[tilespmem:s3], [sflag:$0x2] =	stream.linear.gather [hbm4b:s4+s3], $0x200, $0x38;
	[tilespmem:$0x10600] =	vst v63  }
0xc: {  	_ =	swait.ge [sflag:s7], $0x200  }
0xd: {  	[sflag:s7] =	ssyncset.done $0x0  }
0xe: {  	s13 =	simm.s32 $0x0;
	[sflag:s7] =	ssyncadd.s32 $0xFFFFFE00  }
0xf: {  	s14 =	simm.s32 $0x40;
	v1 =	vld [tilespmem:s13+$0x0]  }
.LBB2_2:
0x10: {  	p0 =	sne.s32 s14, $0x7C0  }
.Ltmp0:
0x11: {  	_ = 	snop;
	(pc) =	sbr.rel @p0 .LBB2_2-.Ltmp0, $3  }
0x12: {  	_ =	sdelay $0x1  }
0x13: {  	s15 =	sshra.s32 s14, $0x2;
	s14 =	sadd.s32 $0x40, s14;
	v2 =	vshrl.u32 v1, $0x7  }
0x14: {  	v1 =	vld [tilespmem:s15+$0x0];
	[tilespmem:s13+$0x200] =	vst v2;
	s13 =	smov.u32 s15  }
0x15: {  	_ =	sdelay $0x3  }
0x16: {  	v1 =	vshrl.u32 v1, $0x7  }
0x17: {  	[tilespmem:s13+$0x200] =	vst v1  }
0x18: {  	[tilespmem:s9], [sflag:$0x1] =	stream.indirect.gather [hbm4b:s1+s8], $0x80, s8, s8, $0xb8;
	[tilespmem:$0x10600] =	vst v63  }
0x19: {  	_ =	swait.ge [sflag:s10], $0x10000  }
0x1a: {  	[sflag:s10] =	ssyncset.done $0x0  }
0x1b: {  	s31 =	simm.s32 $0x0;
	[sflag:s10] =	ssyncadd.s32 $0xFFFF0000  }
0x1c: {  	v1 =	vld [tilespmem:s31+$0x0];
	_ =	sdelay $0x2  }
0x1d: {  	v2 =	vmov s31  }
0x1e: {  	v2 =	vshll.u32 v2, $0x7  }
0x1f: {  	v2 =	vor.u32 v0, v2;
	v1 =	vand.u32 $0x7F, v1  }
0x20: {  	v1 =	vor.u32 v2, v1;
	_ =	sdelay $0x4  }
0x21: {  	v1 =	vld.idx.msk [tilespmem:v1+s9+$0x0], $0xffff;
	_ =	sdelay $0x3  }
0x22: {  	s13 =	simm.s32 $0x10400  }
0x23: {  	s14 =	simm.s32 $0x10;
	[tilespmem:s13+$0x0] =	vst v1  }
0x24: {  	s15 =	simm.s32 $0x20;
	s16 =	simm.s32 $0x10;
	v1 =	vld [tilespmem:s14+$0x0]  }
.LBB2_4:
0x25: {  	p0 =	sne.s32 s15, $0x1F0;
	_ =	sdelay $0x1  }
0x26: {  	v2 =	vmov s14;
	s14 =	smov.u32 s15  }
0x27: {  	v2 =	vshll.u32 v2, $0x7  }
0x28: {  	v2 =	vor.u32 v0, v2;
	v1 =	vand.u32 $0x7F, v1  }
0x29: {  	v1 =	vor.u32 v2, v1;
	_ =	sdelay $0x4  }
0x2a: {  	v1 =	vld.idx.msk [tilespmem:v1+s9+$0x0], $0xffff;
	_ =	sdelay $0x2  }
.Ltmp1:
0x2b: {  	(pc) =	sbr.rel @p0 .LBB2_4-.Ltmp1, $4  }
0x2c: {  	_ = 	snop  }
0x2d: {  	s13 =	sadd.s32 $0x10, s13  }
0x2e: {  	s16 =	sadd.s32 $0x10, s16;
	[tilespmem:s13+$0x0] =	vst v1  }
0x2f: {  	s15 =	sadd.s32 $0x10, s15;
	v1 =	vld [tilespmem:s16+$0x0]  }
0x30: {  	_ =	sdelay $0x1  }
0x31: {  	v2 =	vmov s14  }
0x32: {  	v2 =	vshll.u32 v2, $0x7  }
0x33: {  	v2 =	vor.u32 v0, v2;
	v1 =	vand.u32 $0x7F, v1  }
0x34: {  	v1 =	vor.u32 v2, v1;
	_ =	sdelay $0x4  }
0x35: {  	v1 =	vld.idx.msk [tilespmem:v1+s9+$0x0], $0xffff;
	_ =	sdelay $0x2  }
0x36: {  	s12 =	sadd.s32 $0x1, s12  }
0x37: {  	s13 =	sadd.s32 $0x10, s13;
	p0 =	sne.s32 s12, s6  }
.Ltmp2:
0x38: {  	[tilespmem:s13+$0x0] =	vst v1;
	(pc) =	sbr.rel @p0 .LBB2_1-.Ltmp2, $4  }
0x39: {  	[hbm4b:s5+s3] =	stream.linear.scatter [tilespmem:s11], [sflag:$0x2], $0x200, $0x38;
	[tilespmem:$0x10600] =	vst v63  }
0x3a: {  	_ =	swait.ge [sflag:s7], $0x200  }
0x3b: {  	[sflag:s7] =	ssyncset.done $0x0  }
0x3c: {  	[sflag:s7] =	ssyncadd.s32 $0xFFFFFE00  }
0x3d: {  	_ =	sfence.sel $0x180000  }
0x3e: {  	[bflag:$0x0] =	sbarrier.arrive $0xFFFF  }
0x3f: {  	p0 =	sne.s32 s2, $0x0;
	_ =	strace $0x90000047  }
0x40: {  	s0 =	sadd.s32 @!p0 $0x100000, s0;
	[bflag:$0x2] =	sbarrier.arrive $0xFFFF  }
0x41: {  	[sflag:s0] =	ssyncadd.tile.s32 @!p0 $0x1;
	_ =	shalt  }
.Lfunc_end2:
_tile_overlayer_lowered:
.L_overlay_start_2:
0x42: {  	(tag) =	ssettag $0x2  }
0x43: {  	s0 =	rddreg [dreg:$0x0];
	s2 =	stileid.u32  }
0x44: {  	s1 =	rddreg [dreg:$0x1];
	p0 =	sne.s32 s2, $0x0  }
0x45: {  	s3 =	rddreg [dreg:$0x2];
	[bflag:$0x3] =	sbarrier.arrive $0xFFFF;
	s2 =	simm.s32 @!p0 $0x1C02  }
0x46: {  	[timem:s3], [sflag:s2] =	dma.local @!p0 [hbm:s0], s1  }
0x47: {  	s0 =	simm.s32 @!p0 $0x2  }
0x48: {  	_ =	swait.ge @!p0 [sflag:s0], s1  }
0x49: {  	s1 =	ssub.s32 @!p0 $0x0, s1;
	[sflag:s0] =	ssyncset.done @!p0 $0x0  }
0x4a: {  	[sflag:s0] =	ssyncadd.s32 @!p0 s1  }
0x4b: {  	[bflag:$0x3] =	sbarrier.arrive $0xFFFF  }
0x4c: {  	_ =	shalt  }

// kernel: kernel.9.cloned.1.call-start
scs
__scs_entry_jumppad:
0x0: {  	(pc) =	sbr.rel $0x88, $3  }
0x1: {  	(tag) =	ssettag $0x0;
	lr =	simm.s32 $0x1  }
0x2: {  	[smem:$0x3F9F] =	sst lr;
	_ =	strace $0xD0000000  }
0x3: {  	_ = 	snop  }
0x4: {  	_ = 	snop  }
0x5: {  	_ = 	snop  }
0x6: {  	_ = 	snop  }
0x7: {  	_ = 	snop  }
__scs_overlays_trampoline_lowered:
0x8: {  	[smem:$0x3FAE] =	sst s0  }
0x9: {  	[smem:$0x3FAF] =	sst s1  }
0xa: {  	[smem:$0x3FB0] =	sst s2  }
0xb: {  	[smem:$0x3FB1] =	sst s3  }
0xc: {  	[smem:$0x3FB2] =	sst s4  }
0xd: {  	[smem:$0x3FB3] =	sst s5  }
0xe: {  	[smem:$0x3FB4] =	sst s6  }
0xf: {  	[smem:$0x3FB5] =	sst s7  }
0x10: {  	[smem:$0x3FB6] =	sst s8  }
0x11: {  	[smem:$0x3FB7] =	sst s9;
	s0 =	simm.s32 @!p0 $0x0  }
0x12: {  	s1 =	sld [smem:$0x3F9D];
	s0 =	simm.s32 @p0 $0x1  }
0x13: {  	[smem:$0x3FB8] =	sst s0;
	s0 =	simm.s32 @!p1 $0x0  }
0x14: {  	s2 =	sld [smem:$0x3F9C];
	s0 =	simm.s32 @p1 $0x1  }
0x15: {  	[smem:$0x3FB9] =	sst s0;
	s0 =	simm.s32 @!p2 $0x0  }
0x16: {  	s3 =	sld [smem:$0x3FDB];
	s0 =	simm.s32 @p2 $0x1  }
0x17: {  	s4 =	simm.s32 $0x1BF5;
	[smem:$0x3FBB] =	sst s0  }
0x18: {  	s0 =	sld [smem:$0x3F9E];
	_ =	swait.ge [sflag:s4], $0x0  }
0x19: {  	s7 =	sld [smem:$0x3F9F]  }
0x1a: {  	s8 =	sadd.s32 $0xFFFFE003, lr  }
0x1b: {  	s9 =	sadd.s32 $0xFFFFFEF7, lr;
	s5 =	simm.s32 $0xFFFFFFFF;
	p2 =	slt.u32 s8, $0xFFFFF086  }
0x1c: {  	p1 =	slt.u32 s9, $0xF7A;
	s5 =	simm.s32 @!p2 $0x0  }
0x1d: {  	s5 =	simm.s32 @p1 $0x1;
	p0 =	seq.s32 s7, s2  }
0x1e: {  	s7 =	smul.u32 @!p0 $0xF7A, s2;
	p2 =	seq.s32 @!p0 s5, $0x0  }
0x1f: {  	s9 =	smul.u32 $0xF7A, s1;
	s8 =	simm.s32 @!p0 $0x1BF5;
	p2 =	por !p2, p0  }
0x20: {  	[sflag:s8] =	ssyncset.s32 @!p0 $0xFFFFF086;
	s6 =	sadd.s32 @!p0 s3, s7;
	s7 =	simm.s32 @!p0 $0x108  }
0x21: {  	s3 =	sadd.s32 s3, s9;
	s6 =	sadd.s32 @!p0 $0x88, s6;
	s7 =	simm.s32 @p2 $0x1082  }
0x22: {  	[simem:s7], [sflag:s8] =	dma.local @!p0 [hbm:s6], $0xF7A  }
0x23: {  	s9 =	sor.u32 $0xD0000000, s2;
	s6 =	simm.s32 $0x108;
	_ =	swait.ge @!p0 [sflag:s8], $0x0  }
0x24: {  	s3 =	sadd.s32 $0x88, s3;
	s6 =	simm.s32 @!p1 $0x1082;
	[sflag:s4] =	ssyncset.s32 $0xFFFFF086  }
0x25: {  	[simem:s6], [sflag:s4] =	dma.local [hbm:s3], $0xF7A  }
0x26: {  	[smem:$0x3F9F] =	sst s1;
	(tag) =	ssettag s2;
	_ =	strace s9  }
0x27: {  	s1 =	sld [smem:$0x3FAF]  }
0x28: {  	s2 =	sld [smem:$0x3FB0]  }
0x29: {  	s4 =	sld [smem:$0x3FB2]  }
0x2a: {  	p0 =	seq.s32 s5, $0x0;
	s5 =	sld [smem:$0x3FB3]  }
0x2b: {  	s6 =	sld [smem:$0x3FB4]  }
0x2c: {  	s7 =	sld [smem:$0x3FB5]  }
0x2d: {  	s3 =	simm.s32 $0x108;
	s8 =	sld [smem:$0x3FB6]  }
0x2e: {  	s3 =	simm.s32 @!p0 $0x1082;
	s9 =	sld [smem:$0x3FB7]  }
0x2f: {  	lr =	sadd.s32 s0, s3;
	s0 =	sld [smem:$0x3FAE]  }
0x30: {  	s3 =	sld [smem:$0x3FB1]  }
0x31: {  	[smem:$0x3FBA] =	sst s10  }
0x32: {  	s10 =	sld [smem:$0x3FB8];
	_ =	sdelay $0x3  }
0x33: {  	p0 =	seq.s32 s10, $0x1;
	s10 =	sld [smem:$0x3FBA];
	_ =	sdelay $0x3  }
0x34: {  	[smem:$0x3FBA] =	sst s10  }
0x35: {  	s10 =	sld [smem:$0x3FB9];
	_ =	sdelay $0x3  }
0x36: {  	p1 =	seq.s32 s10, $0x1;
	s10 =	sld [smem:$0x3FBA];
	_ =	sdelay $0x3  }
0x37: {  	[smem:$0x3FBA] =	sst s10  }
0x38: {  	s10 =	sld [smem:$0x3FBB]  }
0x39: {  	_ = 	snop;
	(pc) =	sbr.ind lr, $3  }
0x3a: {  	_ = 	snop  }
0x3b: {  	_ = 	snop  }
0x3c: {  	p2 =	seq.s32 s10, $0x1;
	s10 =	sld [smem:$0x3FBA]  }
0x3d: {  	_ =	shalt  }
0x3e: {  	_ =	shalt  }
0x3f: {  	_ =	shalt  }
0x40: {  	_ =	shalt  }
0x41: {  	_ =	shalt  }
0x42: {  	_ =	shalt  }
0x43: {  	_ =	shalt  }
0x44: {  	_ =	shalt  }
0x45: {  	_ =	shalt  }
0x46: {  	_ =	shalt  }
0x47: {  	_ =	shalt  }
0x48: {  	_ =	shalt  }
0x49: {  	_ =	shalt  }
0x4a: {  	_ =	shalt  }
0x4b: {  	_ =	shalt  }
0x4c: {  	_ =	shalt  }
0x4d: {  	_ =	shalt  }
0x4e: {  	_ =	shalt  }
0x4f: {  	_ =	shalt  }
0x50: {  	_ =	shalt  }
0x51: {  	_ =	shalt  }
0x52: {  	_ =	shalt  }
0x53: {  	_ =	shalt  }
0x54: {  	_ =	shalt  }
0x55: {  	_ =	shalt  }
0x56: {  	_ =	shalt  }
0x57: {  	_ =	shalt  }
0x58: {  	_ =	shalt  }
0x59: {  	_ =	shalt  }
0x5a: {  	_ =	shalt  }
0x5b: {  	_ =	shalt  }
0x5c: {  	_ =	shalt  }
0x5d: {  	_ =	shalt  }
0x5e: {  	_ =	shalt  }
0x5f: {  	_ =	shalt  }
0x60: {  	_ =	shalt  }
0x61: {  	_ =	shalt  }
0x62: {  	_ =	shalt  }
0x63: {  	_ =	shalt  }
0x64: {  	_ =	shalt  }
0x65: {  	_ =	shalt  }
0x66: {  	_ =	shalt  }
0x67: {  	_ =	shalt  }
0x68: {  	_ =	shalt  }
0x69: {  	_ =	shalt  }
0x6a: {  	_ =	shalt  }
0x6b: {  	_ =	shalt  }
0x6c: {  	_ =	shalt  }
0x6d: {  	_ =	shalt  }
0x6e: {  	_ =	shalt  }
0x6f: {  	_ =	shalt  }
0x70: {  	_ =	shalt  }
0x71: {  	_ =	shalt  }
0x72: {  	_ =	shalt  }
0x73: {  	_ =	shalt  }
0x74: {  	_ =	shalt  }
0x75: {  	_ =	shalt  }
0x76: {  	_ =	shalt  }
0x77: {  	_ =	shalt  }
0x78: {  	_ =	shalt  }
0x79: {  	_ =	shalt  }
0x7a: {  	_ =	shalt  }
0x7b: {  	_ =	shalt  }
0x7c: {  	_ =	shalt  }
0x7d: {  	_ =	shalt  }
0x7e: {  	_ =	shalt  }
0x7f: {  	_ =	shalt  }
0x80: {  	_ =	shalt  }
0x81: {  	_ =	shalt  }
0x82: {  	_ =	shalt  }
0x83: {  	_ =	shalt  }
0x84: {  	_ =	shalt  }
0x85: {  	_ =	shalt  }
0x86: {  	_ =	shalt  }
0x87: {  	_ =	shalt  }
.Lfunc_end0:
.L_simem_size_0:
called_computation.1_lowered:
.L_overlay_start_0:
0x88: {  	s2 =	sld [smem:$0x3FD9]  }
0x89: {  	s3 =	sld [smem:$0x3FFE];
	_ =	sdelay $0x1  }
0x8a: {  	s1 =	srdreg.scid  }
0x8b: {  	s0 =	sand.u32 $0x1, s1  }
0x8c: {  	s16 =	sshll.u32 s0, $0xA;
	s2 =	sadd.s32 s3, s2  }
0x8d: {  	s2 =	sadd.s32 s2, s16  }
0x8e: {  	[smem:$0x3FC6] =	sst s2  }
0x8f: {  	_ = 	snop  }
0x90: {  	(tm) =	ssettm $0x1  }
0x91: {  	s17 =	sld [smem:$0x3FFB];
	_ =	sdelay $0x3  }
0x92: {  	_ =	strace s17  }
0x93: {  	s2 =	sld [smem:$0x3FFC];
	_ =	sdelay $0x3  }
0x94: {  	_ =	strace s2  }
0x95: {  	s2 =	sld [smem:$0x3FFD];
	_ =	sdelay $0x3  }
0x96: {  	_ =	strace s2  }
0x97: {  	_ =	strace $0x8FFFFFFF  }
0x98: {  	s18 =	sld [smem:$0x3FDB];
	_ =	sdelay $0x1  }
0x99: {  	s19 =	simm.s32 $_scs_section_size  }
0x9a: {  	s4 =	simm.s32 $_size__tile_overlayer_lowered;
	s5 =	simm.s32 $_tile_overlayer_lowered  }
0x9b: {  	s22 =	simm.s32 $0x1BFF;
	s21 =	sshll.u32 s5, $0x1;
	s2 =	sadd.s32 s19, s18  }
0x9c: {  	s6 =	simm.s32 $0x0;
	s20 =	sshll.u32 s4, $0x1;
	s4 =	sadd.s32 s21, s2  }
0x9d: {  	[timem:s6], [sflag:s22] =	dma.local [hbm:s4], s20  }
0x9e: {  	_ =	swait.ge [sflag:s22], s20  }
0x9f: {  	s3 =	ssub.s32 $0x0, s20;
	[sflag:s22] =	ssyncset.done $0x0  }
0xa0: {  	[sflag:s22] =	ssyncadd.s32 s3;
	_ =	sdelay $0x1  }
0xa1: {  	s23 =	simm.s32 $0x1B8B  }
0xa2: {  	_ =	swait.ge [sflag:s23], $0x1  }
0xa3: {  	[sflag:s23] =	ssyncset.done $0x0  }
0xa4: {  	s25 =	simm.s32 $0x1B8E;
	s24 =	sld [smem:$0x3FFE];
	[sflag:s23] =	ssyncadd.s32 $0xFFFFFFFF  }
0xa5: {  	s26 =	simm.s32 $execute0_lowered;
	[smem:$0x3FD2] =	sst s25  }
0xa6: {  	s4 =	sshll.u32 s26, $0x1;
	_ =	strace $0x80000049;
	[dreg:$0x1] =	wrdreg $0xFFFFFFFF  }
0xa7: {  	s28 =	simm.s32 $_size_execute0_lowered;
	s2 =	sadd.s32 s2, s4;
	[dreg:$0x0] =	wrdreg $0x0  }
0xa8: {  	s4 =	sshll.u32 s28, $0x1;
	[dreg:$0x2] =	wrdreg s2  }
0xa9: {  	[dreg:$0x3] =	wrdreg s4  }
0xaa: {  	[dreg:$0x4] =	wrdreg $0xC0  }
0xab: {  	_ =	task [dreg:s6], $0x5FFFF  }
0xac: {  	[dreg:$0x1] =	wrdreg $0xFFFFFFFF  }
0xad: {  	[dreg:$0x0] =	wrdreg $0x60  }
0xae: {  	[dreg:$0x2] =	wrdreg s24  }
0xaf: {  	[dreg:$0x3] =	wrdreg $0x9  }
0xb0: {  	_ =	task.clear_ibuf [dreg:s6], $0x4FFFF;
	_ =	strace $0x90000049  }
0xb1: {  	s29 =	simm.s32 $0x9;
	_ =	strace $0x8000004B  }
0xb2: {  	_ =	swait.ge [sflag:s29], $0x1  }
0xb3: {  	[sflag:s29] =	ssyncadd.s32 $0xFFFFFFFF  }
0xb4: {  	_ =	strace $0x9000004B  }
0xb5: {  	_ =	sfence  }
0xb6: {  	s30 =	sld [smem:$0x0];
	_ =	sdelay $0x2  }
0xb7: {  	s31 =	sshll.u32 s1, $0xD;
	s1 =	sshrl.u32 s1, $0x2  }
0xb8: {  	s3 =	sand.u32 $0x4000, s31;
	s1 =	sadd.s32 s1, s30  }
0xb9: {  	s0 =	sor.u32 s3, s0;
	s1 =	sshll.u32 s1, $0x11  }
0xba: {  	s0 =	sor.u32 s1, s0  }
0xbb: {  	s0 =	sadd.s32 $0x8F2B, s0  }
0xbc: {  	[sflag:s0] =	ssyncadd.remote.s32 $0x1  }
0xbd: {  	_ =	sfence.sel $0xFFFF  }
0xbe: {  	[dreg:$0x0] =	wrdreg $0xFFFFFFFF;
	(pc) =	sbr.abs _section_cstart, $3  }
0xbf: {  	[dreg:$0x1] =	wrdreg $0xFFFFFFFF  }
0xc0: {  	_ =	task.clear_ibuf [dreg:s6], $0x2FFFF;
	_ =	strace $0x9FFFFFFF  }
0xc1: {  	(tm) =	ssettm $0x7FFFFFFF  }
tec
execute0_lowered:
.L_overlay_start_1:
0x0: {  	(tag) =	ssettag $0x1  }
0x1: {  	s1 =	srdreg.scid  }
0x2: {  	s0 =	stileid.u32;
	s6 =	rddreg [dreg:$0x0]  }
0x3: {  	s2 =	simm.s32 $0x0;
	s5 =	sand.u32 $0x1, s1;
	s30 =	sshll.u32 s0, $0x1  }
0x4: {  	s11 =	simm.s32 $0x80;
	s12 =	simm.s32 $0x100;
	s3 =	sor.u32 s5, s30  }
0x5: {  	s13 =	simm.s32 $0x0;
	s1 =	rddreg [dreg:$0x1];
	s3 =	smul.u32 $0xC0, s3  }
0x6: {  	[smem:$0x7FF] =	sst s2;
	s10 =	smul.u32 $0x48000, s0;
	s8 =	ssub.s32 $0x2, s5  }
0x7: {  	s31 =	smul.u32 $0x24000, s5;
	s9 =	sshrl.u32 s8, $0x1;
	s4 =	sshrl.u32 s3, $0x3  }
0x8: {  	_ =	strace $0x8000004A;
	s8 =	ssub.s32 s8, s9;
	s7 =	smul.u32 $0x300, s4  }
0x9: {  	s9 =	sadd.s32 s31, s10;
	s10 =	simm.s32 $0x1;
	s3 =	sadd.s32 $0xC00, s6  }
0xa: {  	s8 =	smax.u32 s8, $0x1;
	s4 =	sadd.s32 $0xE00, s6;
	s7 =	sadd.s32 s7, s6  }
0xb: {  	v0 =	vlaneseq.u32;
	s5 =	sadd.s32 $0x1C00, s7;
	s6 =	sadd.s32 $0x3400, s7;
	s7 =	sadd.s32 $0x4C00, s7  }
.LBB2_1:
0xc: {  	[tilespmem:s2], [sflag:$0x1] =	stream.linear.gather [hbm4b:s3+s2], $0x80, $0x38;
	[tilespmem:$0xC100] =	vst v63  }
0xd: {  	_ =	swait.ge [sflag:s10], $0x80  }
0xe: {  	[sflag:s10] =	ssyncset.done $0x0  }
0xf: {  	[sflag:s10] =	ssyncadd.s32 $0xFFFFFF80  }
0x10: {  	[tilespmem:s11], [sflag:$0x1] =	stream.linear.gather [hbm4b:s4+s2], $0x80, $0x38;
	[tilespmem:$0xC100] =	vst v63  }
0x11: {  	_ =	swait.ge [sflag:s10], $0x80  }
0x12: {  	[sflag:s10] =	ssyncset.done $0x0  }
0x13: {  	[sflag:s10] =	ssyncadd.s32 $0xFFFFFF80  }
0x14: {  	v1 =	vld [tilespmem:$0x0]  }
0x15: {  	v2 =	vld [tilespmem:$0x80];
	_ =	sdelay $0x4  }
0x16: {  	v3 =	vxor.u32 v2, v1  }
0x17: {  	v5 =	vadd.s32 $0x2, v1;
	v6 =	vadd.s32 $0x3, v2;
	v3 =	vxor.u32 $0x1BD11BDA, v3  }
0x18: {  	s14 =	smov.u32 s9;
	s15 =	simm.s32 $0x0;
	v8 =	vadd.s32 $0x5, v1;
	v4 =	vadd.s32 $0x1, v3;
	v7 =	vadd.s32 $0x4, v3  }
.LBB2_2:
0x19: {  	s16 =	sshrl.u32 s15, $0x3  }
0x1a: {  	s16 =	smul.u32 $0x6000, s16  }
0x1b: {  	s17 =	sshll.u32 s15, $0x7  }
0x1c: {  	s18 =	sand.u32 $0x380, s17;
	s16 =	sshra.s32 s16, $0x2  }
0x1d: {  	s17 =	simm.s32 $0x0;
	v9 =	vmov s18;
	s18 =	simm.s32 $0x0;
	s16 =	sor.u32 $0x100, s16  }
.LBB2_3:
0x1e: {  	s19 =	sadd.s32 s18, s14  }
0x1f: {  	v10 =	vadd.s32 s19, v2  }
0x20: {  	s20 =	sadd.s32 $0x10, s19;
	v10 =	vadd.s32 v0, v10  }
0x21: {  	v53 =	vadd.s32 s20, v2;
	v11 =	vshrl.u32 v10, $0x13;
	v12 =	vshll.u32 v10, $0xD  }
0x22: {  	v10 =	vadd.s32 v1, v10;
	v11 =	vor.u32 v11, v12;
	v12 =	vadd.s32 v0, v53  }
0x23: {  	v11 =	vxor.u32 v10, v11;
	v55 =	vshrl.u32 v12, $0x13;
	v14 =	vshll.u32 v12, $0xD  }
0x24: {  	v12 =	vadd.s32 v1, v12;
	v34 =	vshrl.u32 v11, $0x11;
	v13 =	vshll.u32 v11, $0xF  }
0x25: {  	v10 =	vadd.s32 v10, v11;
	v11 =	vor.u32 v34, v13;
	v13 =	vor.u32 v55, v14  }
0x26: {  	v11 =	vxor.u32 v10, v11;
	v13 =	vxor.u32 v12, v13  }
0x27: {  	v35 =	vshrl.u32 v11, $0x6;
	v36 =	vshll.u32 v11, $0x1A;
	v10 =	vadd.s32 v10, v11  }
0x28: {  	v15 =	vshrl.u32 v13, $0x11;
	v16 =	vshll.u32 v13, $0xF;
	v11 =	vor.u32 v35, v36  }
0x29: {  	v12 =	vadd.s32 v12, v13;
	v57 =	vor.u32 v15, v16;
	v11 =	vxor.u32 v10, v11  }
0x2a: {  	v13 =	vxor.u32 v12, v57;
	v37 =	vshrl.u32 v11, $0x1A;
	v38 =	vshll.u32 v11, $0x6  }
0x2b: {  	v10 =	vadd.s32 v10, v11;
	v58 =	vshrl.u32 v13, $0x6;
	v59 =	vshll.u32 v13, $0x1A  }
0x2c: {  	v12 =	vadd.s32 v12, v13;
	v11 =	vor.u32 v37, v38;
	v60 =	vor.u32 v58, v59  }
0x2d: {  	v11 =	vxor.u32 v10, v11;
	v10 =	vadd.s32 v2, v10;
	v13 =	vxor.u32 v12, v60  }
0x2e: {  	v11 =	vadd.s32 v11, v4;
	v62 =	vshrl.u32 v13, $0x1A;
	v63 =	vshll.u32 v13, $0x6  }
0x2f: {  	v12 =	vadd.s32 v12, v13;
	v39 =	vshrl.u32 v11, $0xF;
	v40 =	vshll.u32 v11, $0x11  }
0x30: {  	v10 =	vadd.s32 v11, v10;
	v18 =	vor.u32 v62, v63;
	v11 =	vor.u32 v39, v40  }
0x31: {  	v13 =	vxor.u32 v12, v18;
	v12 =	vadd.s32 v2, v12;
	v11 =	vxor.u32 v10, v11  }
0x32: {  	v13 =	vadd.s32 v13, v4;
	v41 =	vshrl.u32 v11, $0x3;
	v42 =	vshll.u32 v11, $0x1D  }
0x33: {  	v10 =	vadd.s32 v10, v11;
	v21 =	vshrl.u32 v13, $0xF;
	v22 =	vshll.u32 v13, $0x11  }
0x34: {  	v12 =	vadd.s32 v13, v12;
	v11 =	vor.u32 v41, v42;
	v23 =	vor.u32 v21, v22  }
0x35: {  	v11 =	vxor.u32 v10, v11;
	v13 =	vxor.u32 v12, v23  }
0x36: {  	v43 =	vshrl.u32 v11, $0x10;
	v44 =	vshll.u32 v11, $0x10;
	v10 =	vadd.s32 v10, v11  }
0x37: {  	v25 =	vshrl.u32 v13, $0x3;
	v26 =	vshll.u32 v13, $0x1D;
	v11 =	vor.u32 v43, v44  }
0x38: {  	v12 =	vadd.s32 v12, v13;
	v27 =	vor.u32 v25, v26;
	v11 =	vxor.u32 v10, v11  }
0x39: {  	v13 =	vxor.u32 v12, v27;
	v45 =	vshrl.u32 v11, $0x8;
	v46 =	vshll.u32 v11, $0x18  }
0x3a: {  	v10 =	vadd.s32 v10, v11;
	v28 =	vshrl.u32 v13, $0x10;
	v29 =	vshll.u32 v13, $0x10  }
0x3b: {  	v12 =	vadd.s32 v12, v13;
	v11 =	vor.u32 v45, v46;
	v30 =	vor.u32 v28, v29  }
0x3c: {  	v11 =	vxor.u32 v10, v11;
	v10 =	vadd.s32 v3, v10;
	v13 =	vxor.u32 v12, v30  }
0x3d: {  	v11 =	vadd.s32 v11, v5;
	v32 =	vshrl.u32 v13, $0x8;
	v33 =	vshll.u32 v13, $0x18  }
0x3e: {  	v12 =	vadd.s32 v12, v13;
	v47 =	vshrl.u32 v11, $0x13;
	v48 =	vshll.u32 v11, $0xD  }
0x3f: {  	v10 =	vadd.s32 v11, v10;
	v34 =	vor.u32 v32, v33;
	v11 =	vor.u32 v47, v48  }
0x40: {  	v13 =	vxor.u32 v12, v34;
	v11 =	vxor.u32 v10, v11  }
0x41: {  	v12 =	vadd.s32 v3, v12;
	v49 =	vshrl.u32 v11, $0x11;
	v50 =	vshll.u32 v11, $0xF  }
0x42: {  	v13 =	vadd.s32 v13, v5;
	v10 =	vadd.s32 v10, v11;
	v11 =	vor.u32 v49, v50  }
0x43: {  	v36 =	vshrl.u32 v13, $0x13;
	v37 =	vshll.u32 v13, $0xD;
	v11 =	vxor.u32 v10, v11  }
0x44: {  	v12 =	vadd.s32 v13, v12;
	v51 =	vshrl.u32 v11, $0x6;
	v52 =	vshll.u32 v11, $0x1A  }
0x45: {  	v38 =	vor.u32 v36, v37;
	v10 =	vadd.s32 v10, v11;
	v11 =	vor.u32 v51, v52  }
0x46: {  	v13 =	vxor.u32 v12, v38;
	v11 =	vxor.u32 v10, v11  }
0x47: {  	v10 =	vadd.s32 v10, v11;
	v54 =	vshrl.u32 v11, $0x1A;
	v11 =	vshll.u32 v11, $0x6  }
0x48: {  	v40 =	vshrl.u32 v13, $0x11;
	v41 =	vshll.u32 v13, $0xF;
	v11 =	vor.u32 v54, v11  }
0x49: {  	s29 =	sadd.s32 $0x20, s19;
	s19 =	sadd.s32 $0x30, s19;
	v12 =	vadd.s32 v12, v13;
	v43 =	vor.u32 v40, v41;
	v11 =	vxor.u32 v10, v11  }
0x4a: {  	v51 =	vadd.s32 s29, v2;
	v41 =	vadd.s32 s19, v2;
	v11 =	vadd.s32 v11, v6  }
0x4b: {  	v10 =	vadd.s32 v1, v10;
	v56 =	vshrl.u32 v11, $0xF;
	v17 =	vshll.u32 v11, $0x11  }
0x4c: {  	v13 =	vxor.u32 v12, v43;
	v10 =	vadd.s32 v11, v10;
	v11 =	vor.u32 v56, v17  }
0x4d: {  	v14 =	vadd.s32 v0, v51;
	v15 =	vadd.s32 v0, v41;
	v11 =	vxor.u32 v10, v11  }
0x4e: {  	v10 =	vadd.s32 v10, v11;
	v61 =	vshrl.u32 v11, $0x3;
	v11 =	vshll.u32 v11, $0x1D  }
0x4f: {  	v44 =	vshrl.u32 v13, $0x6;
	v45 =	vshll.u32 v13, $0x1A;
	v11 =	vor.u32 v61, v11  }
0x50: {  	v12 =	vadd.s32 v12, v13;
	v53 =	vshrl.u32 v14, $0x13;
	v11 =	vxor.u32 v10, v11  }
0x51: {  	v43 =	vshrl.u32 v15, $0x13;
	v19 =	vshrl.u32 v11, $0x10;
	v20 =	vshll.u32 v11, $0x10  }
0x52: {  	v46 =	vor.u32 v44, v45;
	v10 =	vadd.s32 v10, v11;
	v11 =	vor.u32 v19, v20  }
0x53: {  	v54 =	vshll.u32 v14, $0xD;
	v14 =	vadd.s32 v1, v14;
	v11 =	vxor.u32 v10, v11  }
0x54: {  	v10 =	vadd.s32 v10, v11;
	v24 =	vshrl.u32 v11, $0x8;
	v11 =	vshll.u32 v11, $0x18  }
0x55: {  	v44 =	vshll.u32 v15, $0xD;
	v15 =	vadd.s32 v1, v15;
	v11 =	vor.u32 v24, v11  }
0x56: {  	v13 =	vxor.u32 v12, v46;
	v55 =	vor.u32 v53, v54;
	v11 =	vxor.u32 v10, v11  }
0x57: {  	v16 =	vor.u32 v43, v44;
	v10 =	vadd.s32 v2, v10;
	v11 =	vadd.s32 v11, v7  }
0x58: {  	v10 =	vadd.s32 v11, v10;
	v31 =	vshrl.u32 v11, $0x13;
	v11 =	vshll.u32 v11, $0xD  }
0x59: {  	v48 =	vshrl.u32 v13, $0x1A;
	v49 =	vshll.u32 v13, $0x6;
	v11 =	vor.u32 v31, v11  }
0x5a: {  	v12 =	vadd.s32 v12, v13;
	v16 =	vxor.u32 v15, v16;
	v11 =	vxor.u32 v10, v11  }
0x5b: {  	v10 =	vadd.s32 v10, v11;
	v35 =	vshrl.u32 v11, $0x11;
	v11 =	vshll.u32 v11, $0xF  }
0x5c: {  	v50 =	vor.u32 v48, v49;
	v46 =	vshrl.u32 v16, $0x11;
	v11 =	vor.u32 v35, v11  }
0x5d: {  	v15 =	vadd.s32 v15, v16;
	v13 =	vxor.u32 v12, v50;
	v11 =	vxor.u32 v10, v11  }
0x5e: {  	v12 =	vadd.s32 v1, v12;
	v39 =	vshrl.u32 v11, $0x6;
	v42 =	vshll.u32 v11, $0x1A  }
0x5f: {  	v56 =	vxor.u32 v14, v55;
	v10 =	vadd.s32 v10, v11;
	v11 =	vor.u32 v39, v42  }
0x60: {  	v13 =	vadd.s32 v13, v6;
	v58 =	vshrl.u32 v56, $0x11;
	v11 =	vxor.u32 v10, v11  }
0x61: {  	v10 =	vadd.s32 v10, v11;
	v47 =	vshrl.u32 v11, $0x1A;
	v11 =	vshll.u32 v11, $0x6  }
0x62: {  	v59 =	vshll.u32 v56, $0xF;
	v12 =	vadd.s32 v13, v12;
	v11 =	vor.u32 v47, v11  }
0x63: {  	v52 =	vshrl.u32 v13, $0xF;
	v13 =	vshll.u32 v13, $0x11;
	v11 =	vxor.u32 v10, v11  }
0x64: {  	v13 =	vor.u32 v52, v13;
	v10 =	vadd.s32 v3, v10;
	v11 =	vadd.s32 v11, v8  }
0x65: {  	v60 =	vor.u32 v58, v59;
	v10 =	vxor.u32 v10, v11;
	v11 =	vxor.u32 v12, v13  }
0x66: {  	v19 =	vshll.u32 v16, $0xF;
	v13 =	vadd.s32 v14, v56;
	v57 =	vshrl.u32 v11, $0x3  }
0x67: {  	v18 =	vshll.u32 v11, $0x1D;
	v11 =	vadd.s32 v12, v11;
	v14 =	vxor.u32 v13, v60  }
0x68: {  	v61 =	vor.u32 v57, v18;
	v62 =	vshrl.u32 v14, $0x6;
	v63 =	vshll.u32 v14, $0x1A  }
0x69: {  	v13 =	vadd.s32 v13, v14;
	v18 =	vor.u32 v46, v19;
	v12 =	vxor.u32 v11, v61  }
0x6a: {  	v20 =	vor.u32 v62, v63;
	v49 =	vxor.u32 v15, v18;
	v11 =	vadd.s32 v11, v12  }
0x6b: {  	v21 =	vshrl.u32 v12, $0x10;
	v12 =	vshll.u32 v12, $0x10;
	v14 =	vxor.u32 v13, v20  }
0x6c: {  	v50 =	vshrl.u32 v49, $0x6;
	v18 =	vshll.u32 v49, $0x1A;
	v15 =	vadd.s32 v15, v49  }
0x6d: {  	v12 =	vor.u32 v21, v12;
	v22 =	vshrl.u32 v14, $0x1A;
	v23 =	vshll.u32 v14, $0x6  }
0x6e: {  	v13 =	vadd.s32 v13, v14;
	v51 =	vor.u32 v50, v18;
	v12 =	vxor.u32 v11, v12  }
0x6f: {  	v24 =	vor.u32 v22, v23;
	v16 =	vxor.u32 v15, v51;
	v25 =	vshrl.u32 v12, $0x8  }
0x70: {  	v26 =	vshll.u32 v12, $0x18;
	v14 =	vxor.u32 v13, v24;
	v11 =	vadd.s32 v11, v12  }
0x71: {  	v13 =	vadd.s32 v2, v13;
	v53 =	vshrl.u32 v16, $0x1A;
	v54 =	vshll.u32 v16, $0x6  }
0x72: {  	v15 =	vadd.s32 v15, v16;
	v27 =	vor.u32 v25, v26;
	v14 =	vadd.s32 v14, v4  }
0x73: {  	v55 =	vor.u32 v53, v54;
	v28 =	vshrl.u32 v14, $0xF;
	v29 =	vshll.u32 v14, $0x11  }
0x74: {  	v12 =	vxor.u32 v11, v27;
	v13 =	vadd.s32 v14, v13;
	v11 =	vadd.s32 v2, v11  }
0x75: {  	v16 =	vxor.u32 v15, v55;
	v15 =	vadd.s32 v2, v15;
	v30 =	vor.u32 v28, v29  }
0x76: {  	v12 =	vadd.s32 v12, v7;
	v16 =	vadd.s32 v16, v4;
	v14 =	vxor.u32 v13, v30  }
0x77: {  	v31 =	vshrl.u32 v12, $0x13;
	v34 =	vshll.u32 v12, $0xD;
	v11 =	vadd.s32 v12, v11  }
0x78: {  	v59 =	vshrl.u32 v16, $0xF;
	v60 =	vshll.u32 v16, $0x11;
	v15 =	vadd.s32 v16, v15  }
0x79: {  	v32 =	vshrl.u32 v14, $0x3;
	v33 =	vshll.u32 v14, $0x1D;
	v13 =	vadd.s32 v13, v14  }
0x7a: {  	v36 =	vor.u32 v31, v34;
	v61 =	vor.u32 v59, v60;
	v35 =	vor.u32 v32, v33  }
0x7b: {  	v12 =	vxor.u32 v11, v36;
	v16 =	vxor.u32 v15, v61;
	v14 =	vxor.u32 v13, v35  }
0x7c: {  	v11 =	vadd.s32 v11, v12;
	v40 =	vshrl.u32 v12, $0x11;
	v12 =	vshll.u32 v12, $0xF  }
0x7d: {  	v63 =	vshrl.u32 v16, $0x3;
	v21 =	vshll.u32 v16, $0x1D;
	v15 =	vadd.s32 v15, v16  }
0x7e: {  	v37 =	vshrl.u32 v14, $0x10;
	v38 =	vshll.u32 v14, $0x10;
	v13 =	vadd.s32 v13, v14  }
0x7f: {  	v12 =	vor.u32 v40, v12;
	v22 =	vor.u32 v63, v21;
	v39 =	vor.u32 v37, v38  }
0x80: {  	v16 =	vxor.u32 v15, v22;
	v12 =	vxor.u32 v11, v12;
	v14 =	vxor.u32 v13, v39  }
0x81: {  	v23 =	vshrl.u32 v16, $0x10;
	v24 =	vshll.u32 v16, $0x10;
	v15 =	vadd.s32 v15, v16  }
0x82: {  	v11 =	vadd.s32 v11, v12;
	v41 =	vshrl.u32 v12, $0x6;
	v12 =	vshll.u32 v12, $0x1A  }
0x83: {  	v13 =	vadd.s32 v13, v14;
	v42 =	vshrl.u32 v14, $0x8;
	v14 =	vshll.u32 v14, $0x18  }
0x84: {  	v25 =	vor.u32 v23, v24;
	v12 =	vor.u32 v41, v12;
	v14 =	vor.u32 v42, v14  }
0x85: {  	v16 =	vxor.u32 v15, v25;
	v14 =	vxor.u32 v13, v14;
	v13 =	vadd.s32 v3, v13  }
0x86: {  	v27 =	vshrl.u32 v16, $0x8;
	v28 =	vshll.u32 v16, $0x18;
	v14 =	vadd.s32 v14, v5  }
0x87: {  	v15 =	vadd.s32 v15, v16;
	v29 =	vor.u32 v27, v28;
	v45 =	vshrl.u32 v14, $0x13  }
0x88: {  	v47 =	vshll.u32 v14, $0xD;
	v13 =	vadd.s32 v14, v13;
	v16 =	vxor.u32 v15, v29  }
0x89: {  	v15 =	vadd.s32 v3, v15;
	v48 =	vor.u32 v45, v47;
	v16 =	vadd.s32 v16, v5  }
0x8a: {  	v14 =	vxor.u32 v13, v48;
	v33 =	vshrl.u32 v16, $0x13;
	v34 =	vshll.u32 v16, $0xD  }
0x8b: {  	v13 =	vadd.s32 v13, v14;
	v52 =	vshrl.u32 v14, $0x11;
	v14 =	vshll.u32 v14, $0xF  }
0x8c: {  	v15 =	vadd.s32 v16, v15;
	v35 =	vor.u32 v33, v34;
	v14 =	vor.u32 v52, v14  }
0x8d: {  	v12 =	vxor.u32 v11, v12;
	v16 =	vxor.u32 v15, v35;
	v14 =	vxor.u32 v13, v14  }
0x8e: {  	v15 =	vadd.s32 v15, v16;
	v36 =	vshrl.u32 v16, $0x11;
	v16 =	vshll.u32 v16, $0xF  }
0x8f: {  	v56 =	vshrl.u32 v14, $0x6;
	v57 =	vshll.u32 v14, $0x1A;
	v16 =	vor.u32 v36, v16  }
0x90: {  	v13 =	vadd.s32 v13, v14;
	v58 =	vor.u32 v56, v57;
	v16 =	vxor.u32 v15, v16  }
0x91: {  	v11 =	vadd.s32 v11, v12;
	v14 =	vxor.u32 v13, v58;
	v15 =	vadd.s32 v15, v16  }
0x92: {  	v40 =	vshrl.u32 v16, $0x6;
	v16 =	vshll.u32 v16, $0x1A;
	v13 =	vadd.s32 v13, v14  }
0x93: {  	v62 =	vshrl.u32 v14, $0x1A;
	v14 =	vshll.u32 v14, $0x6;
	v16 =	vor.u32 v40, v16  }
0x94: {  	v50 =	vshrl.u32 v12, $0x1A;
	v14 =	vor.u32 v62, v14;
	v16 =	vxor.u32 v15, v16  }
0x95: {  	v14 =	vxor.u32 v13, v14;
	v13 =	vadd.s32 v1, v13;
	v15 =	vadd.s32 v15, v16  }
0x96: {  	v42 =	vshrl.u32 v16, $0x1A;
	v16 =	vshll.u32 v16, $0x6;
	v14 =	vadd.s32 v14, v6  }
0x97: {  	v12 =	vshll.u32 v12, $0x6;
	v16 =	vor.u32 v42, v16;
	v13 =	vadd.s32 v14, v13  }
0x98: {  	v26 =	vshrl.u32 v14, $0xF;
	v14 =	vshll.u32 v14, $0x11;
	v16 =	vxor.u32 v15, v16  }
0x99: {  	v15 =	vadd.s32 v1, v15;
	v14 =	vor.u32 v26, v14;
	v16 =	vadd.s32 v16, v6  }
0x9a: {  	v14 =	vxor.u32 v13, v14;
	v15 =	vadd.s32 v16, v15;
	v46 =	vshrl.u32 v16, $0xF  }
0x9b: {  	v16 =	vshll.u32 v16, $0x11;
	v30 =	vshrl.u32 v14, $0x3;
	v31 =	vshll.u32 v14, $0x1D  }
0x9c: {  	v13 =	vadd.s32 v13, v14;
	v16 =	vor.u32 v46, v16;
	v32 =	vor.u32 v30, v31  }
0x9d: {  	v12 =	vor.u32 v50, v12;
	v16 =	vxor.u32 v15, v16;
	v14 =	vxor.u32 v13, v32  }
0x9e: {  	v15 =	vadd.s32 v15, v16;
	v47 =	vshrl.u32 v16, $0x3;
	v16 =	vshll.u32 v16, $0x1D  }
0x9f: {  	v37 =	vshrl.u32 v14, $0x10;
	v38 =	vshll.u32 v14, $0x10;
	v16 =	vor.u32 v47, v16  }
0xa0: {  	v13 =	vadd.s32 v13, v14;
	v39 =	vor.u32 v37, v38;
	v16 =	vxor.u32 v15, v16  }
0xa1: {  	v14 =	vxor.u32 v13, v39;
	v15 =	vadd.s32 v15, v16;
	v49 =	vshrl.u32 v16, $0x10  }
0xa2: {  	v16 =	vshll.u32 v16, $0x10;
	v43 =	vshrl.u32 v14, $0x8;
	v44 =	vshll.u32 v14, $0x18  }
0xa3: {  	v13 =	vadd.s32 v13, v14;
	v16 =	vor.u32 v49, v16;
	v45 =	vor.u32 v43, v44  }
0xa4: {  	v12 =	vxor.u32 v11, v12;
	v16 =	vxor.u32 v15, v16;
	v14 =	vxor.u32 v13, v45  }
0xa5: {  	v15 =	vadd.s32 v15, v16;
	v51 =	vshrl.u32 v16, $0x8;
	v16 =	vshll.u32 v16, $0x18  }
0xa6: {  	v13 =	vadd.s32 v2, v13;
	v14 =	vadd.s32 v14, v7;
	v16 =	vor.u32 v51, v16  }
0xa7: {  	v13 =	vadd.s32 v14, v13;
	v48 =	vshrl.u32 v14, $0x13;
	v14 =	vshll.u32 v14, $0xD  }
0xa8: {  	v11 =	vadd.s32 v3, v11;
	v16 =	vxor.u32 v15, v16;
	v14 =	vor.u32 v48, v14  }
0xa9: {  	v15 =	vadd.s32 v2, v15;
	v16 =	vadd.s32 v16, v7;
	v14 =	vxor.u32 v13, v14  }
0xaa: {  	v15 =	vadd.s32 v16, v15;
	v53 =	vshrl.u32 v16, $0x13;
	v16 =	vshll.u32 v16, $0xD  }
0xab: {  	v13 =	vadd.s32 v13, v14;
	v52 =	vshrl.u32 v14, $0x11;
	v14 =	vshll.u32 v14, $0xF  }
0xac: {  	v12 =	vadd.s32 v12, v8;
	v16 =	vor.u32 v53, v16;
	v14 =	vor.u32 v52, v14  }
0xad: {  	v11 =	vxor.u32 v11, v12;
	v55 =	vxor.u32 v15, v16;
	v54 =	vxor.u32 v13, v14  }
0xae: {  	v15 =	vadd.s32 v15, v55;
	v16 =	vshrl.u32 v55, $0x11;
	v14 =	vshll.u32 v55, $0xF  }
0xaf: {  	v56 =	vshrl.u32 v54, $0x6;
	v14 =	vor.u32 v16, v14;
	v57 =	vshll.u32 v54, $0x1A  }
0xb0: {  	s30 =	sand.u32 $0x1C00, s17;
	v12 =	vadd.s32 v13, v54;
	v58 =	vor.u32 v56, v57;
	v14 =	vxor.u32 v15, v14  }
0xb1: {  	s31 =	sand.u32 $0x40, s18;
	s19 =	sadd.s32 s30, s16;
	v13 =	vxor.u32 v12, v58;
	v59 =	vshrl.u32 v14, $0x6;
	v60 =	vshll.u32 v14, $0x1A  }
0xb2: {  	s19 =	sadd.s32 s31, s19;
	v14 =	vadd.s32 v15, v14;
	v61 =	vor.u32 v59, v60;
	v12 =	vadd.s32 v12, v13  }
0xb3: {  	[tilespmem:v9+s19+$0x0 ss:$0x1] =	vst.idx.msk $0xffff, v10;
	v10 =	vshrl.u32 v13, $0x1A;
	v13 =	vshll.u32 v13, $0x6;
	v15 =	vxor.u32 v14, v61  }
0xb4: {  	p0 =	sne.s32 s18, $0x2C0;
	[tilespmem:v9+s19+$0x10 ss:$0x1] =	vst.idx.msk $0xffff, v11;
	v10 =	vor.u32 v10, v13;
	v11 =	vshrl.u32 v15, $0x1A;
	v62 =	vshll.u32 v15, $0x6  }
.Ltmp0:
0xb5: {  	v14 =	vadd.s32 v14, v15;
	v10 =	vxor.u32 v12, v10;
	v11 =	vor.u32 v11, v62;
	(pc) =	sbr.rel @p0 .LBB2_3-.Ltmp0, $4  }
0xb6: {  	v12 =	vadd.s32 v3, v12;
	v10 =	vadd.s32 v10, v8;
	v11 =	vxor.u32 v14, v11  }
0xb7: {  	v63 =	vadd.s32 v3, v14;
	v10 =	vxor.u32 v12, v10;
	v11 =	vadd.s32 v11, v8  }
0xb8: {  	[tilespmem:v9+s19+$0x20 ss:$0x1] =	vst.idx.msk $0xffff, v10;
	v10 =	vxor.u32 v63, v11  }
0xb9: {  	s17 =	sadd.s32 $0x200, s17;
	s18 =	sadd.s32 $0x40, s18;
	[tilespmem:v9+s19+$0x30 ss:$0x1] =	vst.idx.msk $0xffff, v10  }
0xba: {  	s15 =	sadd.s32 $0x1, s15  }
0xbb: {  	p0 =	sne.s32 s15, $0x40  }
.Ltmp1:
0xbc: {  	_ = 	snop;
	(pc) =	sbr.rel @p0 .LBB2_2-.Ltmp1, $2  }
0xbd: {  	_ =	sdelay $0x2  }
0xbe: {  	s14 =	sadd.s32 $0x300, s14  }
0xbf: {  	s14 =	simm.s32 $0x0  }
0xc0: {  	[hbm4b:s5+s14] =	stream.linear.scatter [tilespmem:s12], [sflag:$0x1], $0xC000, $0x38;
	[tilespmem:$0xC100] =	vst v63  }
0xc1: {  	_ =	swait.ge [sflag:s10], $0xC000  }
0xc2: {  	[sflag:s10] =	ssyncset.done $0x0  }
0xc3: {  	s15 =	smov.u32 s9;
	[sflag:s10] =	ssyncadd.s32 $0xFFFF4000  }
.LBB2_6:
0xc4: {  	s16 =	sshrl.u32 s14, $0x3  }
0xc5: {  	s16 =	smul.u32 $0x6000, s16  }
0xc6: {  	s17 =	sshll.u32 s14, $0x7  }
0xc7: {  	s17 =	sand.u32 $0x380, s17;
	s16 =	sshra.s32 s16, $0x2  }
0xc8: {  	s18 =	simm.s32 $0x0;
	v9 =	vmov s17;
	s17 =	simm.s32 $0x0;
	s16 =	sor.u32 $0x100, s16  }
.LBB2_7:
0xc9: {  	s19 =	sadd.s32 s18, s15  }
0xca: {  	s20 =	sadd.s32 $0xC000, s19  }
0xcb: {  	v10 =	vadd.s32 s20, v2  }
0xcc: {  	s28 =	sadd.s32 $0xC010, s19;
	v10 =	vadd.s32 v0, v10  }
0xcd: {  	v53 =	vadd.s32 s28, v2;
	v11 =	vshrl.u32 v10, $0x13;
	v12 =	vshll.u32 v10, $0xD  }
0xce: {  	v10 =	vadd.s32 v1, v10;
	v11 =	vor.u32 v11, v12;
	v12 =	vadd.s32 v0, v53  }
0xcf: {  	v11 =	vxor.u32 v10, v11;
	v55 =	vshrl.u32 v12, $0x13;
	v14 =	vshll.u32 v12, $0xD  }
0xd0: {  	v12 =	vadd.s32 v1, v12;
	v34 =	vshrl.u32 v11, $0x11;
	v13 =	vshll.u32 v11, $0xF  }
0xd1: {  	v10 =	vadd.s32 v10, v11;
	v11 =	vor.u32 v34, v13;
	v13 =	vor.u32 v55, v14  }
0xd2: {  	v11 =	vxor.u32 v10, v11;
	v13 =	vxor.u32 v12, v13  }
0xd3: {  	v35 =	vshrl.u32 v11, $0x6;
	v36 =	vshll.u32 v11, $0x1A;
	v10 =	vadd.s32 v10, v11  }
0xd4: {  	v15 =	vshrl.u32 v13, $0x11;
	v16 =	vshll.u32 v13, $0xF;
	v11 =	vor.u32 v35, v36  }
0xd5: {  	v12 =	vadd.s32 v12, v13;
	v57 =	vor.u32 v15, v16;
	v11 =	vxor.u32 v10, v11  }
0xd6: {  	v13 =	vxor.u32 v12, v57;
	v37 =	vshrl.u32 v11, $0x1A;
	v38 =	vshll.u32 v11, $0x6  }
0xd7: {  	v10 =	vadd.s32 v10, v11;
	v58 =	vshrl.u32 v13, $0x6;
	v59 =	vshll.u32 v13, $0x1A  }
0xd8: {  	v12 =	vadd.s32 v12, v13;
	v11 =	vor.u32 v37, v38;
	v60 =	vor.u32 v58, v59  }
0xd9: {  	v11 =	vxor.u32 v10, v11;
	v10 =	vadd.s32 v2, v10;
	v13 =	vxor.u32 v12, v60  }
0xda: {  	v11 =	vadd.s32 v11, v4;
	v62 =	vshrl.u32 v13, $0x1A;
	v63 =	vshll.u32 v13, $0x6  }
0xdb: {  	v12 =	vadd.s32 v12, v13;
	v39 =	vshrl.u32 v11, $0xF;
	v40 =	vshll.u32 v11, $0x11  }
0xdc: {  	v10 =	vadd.s32 v11, v10;
	v18 =	vor.u32 v62, v63;
	v11 =	vor.u32 v39, v40  }
0xdd: {  	v13 =	vxor.u32 v12, v18;
	v12 =	vadd.s32 v2, v12;
	v11 =	vxor.u32 v10, v11  }
0xde: {  	v13 =	vadd.s32 v13, v4;
	v41 =	vshrl.u32 v11, $0x3;
	v42 =	vshll.u32 v11, $0x1D  }
0xdf: {  	v10 =	vadd.s32 v10, v11;
	v21 =	vshrl.u32 v13, $0xF;
	v22 =	vshll.u32 v13, $0x11  }
0xe0: {  	v12 =	vadd.s32 v13, v12;
	v11 =	vor.u32 v41, v42;
	v23 =	vor.u32 v21, v22  }
0xe1: {  	v11 =	vxor.u32 v10, v11;
	v13 =	vxor.u32 v12, v23  }
0xe2: {  	v43 =	vshrl.u32 v11, $0x10;
	v44 =	vshll.u32 v11, $0x10;
	v10 =	vadd.s32 v10, v11  }
0xe3: {  	v25 =	vshrl.u32 v13, $0x3;
	v26 =	vshll.u32 v13, $0x1D;
	v11 =	vor.u32 v43, v44  }
0xe4: {  	v12 =	vadd.s32 v12, v13;
	v27 =	vor.u32 v25, v26;
	v11 =	vxor.u32 v10, v11  }
0xe5: {  	v13 =	vxor.u32 v12, v27;
	v45 =	vshrl.u32 v11, $0x8;
	v46 =	vshll.u32 v11, $0x18  }
0xe6: {  	v10 =	vadd.s32 v10, v11;
	v28 =	vshrl.u32 v13, $0x10;
	v29 =	vshll.u32 v13, $0x10  }
0xe7: {  	v12 =	vadd.s32 v12, v13;
	v11 =	vor.u32 v45, v46;
	v30 =	vor.u32 v28, v29  }
0xe8: {  	v11 =	vxor.u32 v10, v11;
	v10 =	vadd.s32 v3, v10;
	v13 =	vxor.u32 v12, v30  }
0xe9: {  	v11 =	vadd.s32 v11, v5;
	v32 =	vshrl.u32 v13, $0x8;
	v33 =	vshll.u32 v13, $0x18  }
0xea: {  	v12 =	vadd.s32 v12, v13;
	v47 =	vshrl.u32 v11, $0x13;
	v48 =	vshll.u32 v11, $0xD  }
0xeb: {  	v10 =	vadd.s32 v11, v10;
	v34 =	vor.u32 v32, v33;
	v11 =	vor.u32 v47, v48  }
0xec: {  	v13 =	vxor.u32 v12, v34;
	v11 =	vxor.u32 v10, v11  }
0xed: {  	v12 =	vadd.s32 v3, v12;
	v49 =	vshrl.u32 v11, $0x11;
	v50 =	vshll.u32 v11, $0xF  }
0xee: {  	v13 =	vadd.s32 v13, v5;
	v10 =	vadd.s32 v10, v11;
	v11 =	vor.u32 v49, v50  }
0xef: {  	v36 =	vshrl.u32 v13, $0x13;
	v37 =	vshll.u32 v13, $0xD;
	v11 =	vxor.u32 v10, v11  }
0xf0: {  	v12 =	vadd.s32 v13, v12;
	v51 =	vshrl.u32 v11, $0x6;
	v52 =	vshll.u32 v11, $0x1A  }
0xf1: {  	v38 =	vor.u32 v36, v37;
	v10 =	vadd.s32 v10, v11;
	v11 =	vor.u32 v51, v52  }
0xf2: {  	v13 =	vxor.u32 v12, v38;
	v11 =	vxor.u32 v10, v11  }
0xf3: {  	v10 =	vadd.s32 v10, v11;
	v54 =	vshrl.u32 v11, $0x1A;
	v11 =	vshll.u32 v11, $0x6  }
0xf4: {  	v40 =	vshrl.u32 v13, $0x11;
	v41 =	vshll.u32 v13, $0xF;
	v11 =	vor.u32 v54, v11  }
0xf5: {  	s29 =	sadd.s32 $0xC020, s19;
	s19 =	sadd.s32 $0xC030, s19;
	v12 =	vadd.s32 v12, v13;
	v43 =	vor.u32 v40, v41;
	v11 =	vxor.u32 v10, v11  }
0xf6: {  	v51 =	vadd.s32 s29, v2;
	v41 =	vadd.s32 s19, v2;
	v11 =	vadd.s32 v11, v6  }
0xf7: {  	v10 =	vadd.s32 v1, v10;
	v56 =	vshrl.u32 v11, $0xF;
	v17 =	vshll.u32 v11, $0x11  }
0xf8: {  	v13 =	vxor.u32 v12, v43;
	v10 =	vadd.s32 v11, v10;
	v11 =	vor.u32 v56, v17  }
0xf9: {  	v14 =	vadd.s32 v0, v51;
	v15 =	vadd.s32 v0, v41;
	v11 =	vxor.u32 v10, v11  }
0xfa: {  	v10 =	vadd.s32 v10, v11;
	v61 =	vshrl.u32 v11, $0x3;
	v11 =	vshll.u32 v11, $0x1D  }
0xfb: {  	v44 =	vshrl.u32 v13, $0x6;
	v45 =	vshll.u32 v13, $0x1A;
	v11 =	vor.u32 v61, v11  }
0xfc: {  	v12 =	vadd.s32 v12, v13;
	v53 =	vshrl.u32 v14, $0x13;
	v11 =	vxor.u32 v10, v11  }
0xfd: {  	v43 =	vshrl.u32 v15, $0x13;
	v19 =	vshrl.u32 v11, $0x10;
	v20 =	vshll.u32 v11, $0x10  }
0xfe: {  	v46 =	vor.u32 v44, v45;
	v10 =	vadd.s32 v10, v11;
	v11 =	vor.u32 v19, v20  }
0xff: {  	v54 =	vshll.u32 v14, $0xD;
	v14 =	vadd.s32 v1, v14;
	v11 =	vxor.u32 v10, v11  }
0x100: {  	v10 =	vadd.s32 v10, v11;
	v24 =	vshrl.u32 v11, $0x8;
	v11 =	vshll.u32 v11, $0x18  }
0x101: {  	v44 =	vshll.u32 v15, $0xD;
	v15 =	vadd.s32 v1, v15;
	v11 =	vor.u32 v24, v11  }
0x102: {  	v13 =	vxor.u32 v12, v46;
	v55 =	vor.u32 v53, v54;
	v11 =	vxor.u32 v10, v11  }
0x103: {  	v16 =	vor.u32 v43, v44;
	v10 =	vadd.s32 v2, v10;
	v11 =	vadd.s32 v11, v7  }
0x104: {  	v10 =	vadd.s32 v11, v10;
	v31 =	vshrl.u32 v11, $0x13;
	v11 =	vshll.u32 v11, $0xD  }
0x105: {  	v48 =	vshrl.u32 v13, $0x1A;
	v49 =	vshll.u32 v13, $0x6;
	v11 =	vor.u32 v31, v11  }
0x106: {  	v12 =	vadd.s32 v12, v13;
	v16 =	vxor.u32 v15, v16;
	v11 =	vxor.u32 v10, v11  }
0x107: {  	v10 =	vadd.s32 v10, v11;
	v35 =	vshrl.u32 v11, $0x11;
	v11 =	vshll.u32 v11, $0xF  }
0x108: {  	v50 =	vor.u32 v48, v49;
	v46 =	vshrl.u32 v16, $0x11;
	v11 =	vor.u32 v35, v11  }
0x109: {  	v15 =	vadd.s32 v15, v16;
	v13 =	vxor.u32 v12, v50;
	v11 =	vxor.u32 v10, v11  }
0x10a: {  	v12 =	vadd.s32 v1, v12;
	v39 =	vshrl.u32 v11, $0x6;
	v42 =	vshll.u32 v11, $0x1A  }
0x10b: {  	v56 =	vxor.u32 v14, v55;
	v10 =	vadd.s32 v10, v11;
	v11 =	vor.u32 v39, v42  }
0x10c: {  	v13 =	vadd.s32 v13, v6;
	v58 =	vshrl.u32 v56, $0x11;
	v11 =	vxor.u32 v10, v11  }
0x10d: {  	v10 =	vadd.s32 v10, v11;
	v47 =	vshrl.u32 v11, $0x1A;
	v11 =	vshll.u32 v11, $0x6  }
0x10e: {  	v59 =	vshll.u32 v56, $0xF;
	v12 =	vadd.s32 v13, v12;
	v11 =	vor.u32 v47, v11  }
0x10f: {  	v52 =	vshrl.u32 v13, $0xF;
	v13 =	vshll.u32 v13, $0x11;
	v11 =	vxor.u32 v10, v11  }
0x110: {  	v13 =	vor.u32 v52, v13;
	v10 =	vadd.s32 v3, v10;
	v11 =	vadd.s32 v11, v8  }
0x111: {  	v60 =	vor.u32 v58, v59;
	v10 =	vxor.u32 v10, v11;
	v11 =	vxor.u32 v12, v13  }
0x112: {  	v19 =	vshll.u32 v16, $0xF;
	v13 =	vadd.s32 v14, v56;
	v57 =	vshrl.u32 v11, $0x3  }
0x113: {  	v18 =	vshll.u32 v11, $0x1D;
	v11 =	vadd.s32 v12, v11;
	v14 =	vxor.u32 v13, v60  }
0x114: {  	v61 =	vor.u32 v57, v18;
	v62 =	vshrl.u32 v14, $0x6;
	v63 =	vshll.u32 v14, $0x1A  }
0x115: {  	v13 =	vadd.s32 v13, v14;
	v18 =	vor.u32 v46, v19;
	v12 =	vxor.u32 v11, v61  }
0x116: {  	v20 =	vor.u32 v62, v63;
	v49 =	vxor.u32 v15, v18;
	v11 =	vadd.s32 v11, v12  }
0x117: {  	v21 =	vshrl.u32 v12, $0x10;
	v12 =	vshll.u32 v12, $0x10;
	v14 =	vxor.u32 v13, v20  }
0x118: {  	v50 =	vshrl.u32 v49, $0x6;
	v18 =	vshll.u32 v49, $0x1A;
	v15 =	vadd.s32 v15, v49  }
0x119: {  	v12 =	vor.u32 v21, v12;
	v22 =	vshrl.u32 v14, $0x1A;
	v23 =	vshll.u32 v14, $0x6  }
0x11a: {  	v13 =	vadd.s32 v13, v14;
	v51 =	vor.u32 v50, v18;
	v12 =	vxor.u32 v11, v12  }
0x11b: {  	v24 =	vor.u32 v22, v23;
	v16 =	vxor.u32 v15, v51;
	v25 =	vshrl.u32 v12, $0x8  }
0x11c: {  	v26 =	vshll.u32 v12, $0x18;
	v14 =	vxor.u32 v13, v24;
	v11 =	vadd.s32 v11, v12  }
0x11d: {  	v13 =	vadd.s32 v2, v13;
	v53 =	vshrl.u32 v16, $0x1A;
	v54 =	vshll.u32 v16, $0x6  }
0x11e: {  	v15 =	vadd.s32 v15, v16;
	v27 =	vor.u32 v25, v26;
	v14 =	vadd.s32 v14, v4  }
0x11f: {  	v55 =	vor.u32 v53, v54;
	v28 =	vshrl.u32 v14, $0xF;
	v29 =	vshll.u32 v14, $0x11  }
0x120: {  	v12 =	vxor.u32 v11, v27;
	v13 =	vadd.s32 v14, v13;
	v11 =	vadd.s32 v2, v11  }
0x121: {  	v16 =	vxor.u32 v15, v55;
	v15 =	vadd.s32 v2, v15;
	v30 =	vor.u32 v28, v29  }
0x122: {  	v12 =	vadd.s32 v12, v7;
	v16 =	vadd.s32 v16, v4;
	v14 =	vxor.u32 v13, v30  }
0x123: {  	v31 =	vshrl.u32 v12, $0x13;
	v34 =	vshll.u32 v12, $0xD;
	v11 =	vadd.s32 v12, v11  }
0x124: {  	v59 =	vshrl.u32 v16, $0xF;
	v60 =	vshll.u32 v16, $0x11;
	v15 =	vadd.s32 v16, v15  }
0x125: {  	v32 =	vshrl.u32 v14, $0x3;
	v33 =	vshll.u32 v14, $0x1D;
	v13 =	vadd.s32 v13, v14  }
0x126: {  	v36 =	vor.u32 v31, v34;
	v61 =	vor.u32 v59, v60;
	v35 =	vor.u32 v32, v33  }
0x127: {  	v12 =	vxor.u32 v11, v36;
	v16 =	vxor.u32 v15, v61;
	v14 =	vxor.u32 v13, v35  }
0x128: {  	v11 =	vadd.s32 v11, v12;
	v40 =	vshrl.u32 v12, $0x11;
	v12 =	vshll.u32 v12, $0xF  }
0x129: {  	v63 =	vshrl.u32 v16, $0x3;
	v21 =	vshll.u32 v16, $0x1D;
	v15 =	vadd.s32 v15, v16  }
0x12a: {  	v37 =	vshrl.u32 v14, $0x10;
	v38 =	vshll.u32 v14, $0x10;
	v13 =	vadd.s32 v13, v14  }
0x12b: {  	v12 =	vor.u32 v40, v12;
	v22 =	vor.u32 v63, v21;
	v39 =	vor.u32 v37, v38  }
0x12c: {  	v16 =	vxor.u32 v15, v22;
	v12 =	vxor.u32 v11, v12;
	v14 =	vxor.u32 v13, v39  }
0x12d: {  	v23 =	vshrl.u32 v16, $0x10;
	v24 =	vshll.u32 v16, $0x10;
	v15 =	vadd.s32 v15, v16  }
0x12e: {  	v11 =	vadd.s32 v11, v12;
	v41 =	vshrl.u32 v12, $0x6;
	v12 =	vshll.u32 v12, $0x1A  }
0x12f: {  	v13 =	vadd.s32 v13, v14;
	v42 =	vshrl.u32 v14, $0x8;
	v14 =	vshll.u32 v14, $0x18  }
0x130: {  	v25 =	vor.u32 v23, v24;
	v12 =	vor.u32 v41, v12;
	v14 =	vor.u32 v42, v14  }
0x131: {  	v16 =	vxor.u32 v15, v25;
	v14 =	vxor.u32 v13, v14;
	v13 =	vadd.s32 v3, v13  }
0x132: {  	v27 =	vshrl.u32 v16, $0x8;
	v28 =	vshll.u32 v16, $0x18;
	v14 =	vadd.s32 v14, v5  }
0x133: {  	v15 =	vadd.s32 v15, v16;
	v29 =	vor.u32 v27, v28;
	v45 =	vshrl.u32 v14, $0x13  }
0x134: {  	v47 =	vshll.u32 v14, $0xD;
	v13 =	vadd.s32 v14, v13;
	v16 =	vxor.u32 v15, v29  }
0x135: {  	v15 =	vadd.s32 v3, v15;
	v48 =	vor.u32 v45, v47;
	v16 =	vadd.s32 v16, v5  }
0x136: {  	v14 =	vxor.u32 v13, v48;
	v33 =	vshrl.u32 v16, $0x13;
	v34 =	vshll.u32 v16, $0xD  }
0x137: {  	v13 =	vadd.s32 v13, v14;
	v52 =	vshrl.u32 v14, $0x11;
	v14 =	vshll.u32 v14, $0xF  }
0x138: {  	v15 =	vadd.s32 v16, v15;
	v35 =	vor.u32 v33, v34;
	v14 =	vor.u32 v52, v14  }
0x139: {  	v12 =	vxor.u32 v11, v12;
	v16 =	vxor.u32 v15, v35;
	v14 =	vxor.u32 v13, v14  }
0x13a: {  	v15 =	vadd.s32 v15, v16;
	v36 =	vshrl.u32 v16, $0x11;
	v16 =	vshll.u32 v16, $0xF  }
0x13b: {  	v56 =	vshrl.u32 v14, $0x6;
	v57 =	vshll.u32 v14, $0x1A;
	v16 =	vor.u32 v36, v16  }
0x13c: {  	v13 =	vadd.s32 v13, v14;
	v58 =	vor.u32 v56, v57;
	v16 =	vxor.u32 v15, v16  }
0x13d: {  	v11 =	vadd.s32 v11, v12;
	v14 =	vxor.u32 v13, v58;
	v15 =	vadd.s32 v15, v16  }
0x13e: {  	v40 =	vshrl.u32 v16, $0x6;
	v16 =	vshll.u32 v16, $0x1A;
	v13 =	vadd.s32 v13, v14  }
0x13f: {  	v62 =	vshrl.u32 v14, $0x1A;
	v14 =	vshll.u32 v14, $0x6;
	v16 =	vor.u32 v40, v16  }
0x140: {  	v50 =	vshrl.u32 v12, $0x1A;
	v14 =	vor.u32 v62, v14;
	v16 =	vxor.u32 v15, v16  }
0x141: {  	v14 =	vxor.u32 v13, v14;
	v13 =	vadd.s32 v1, v13;
	v15 =	vadd.s32 v15, v16  }
0x142: {  	v42 =	vshrl.u32 v16, $0x1A;
	v16 =	vshll.u32 v16, $0x6;
	v14 =	vadd.s32 v14, v6  }
0x143: {  	v12 =	vshll.u32 v12, $0x6;
	v16 =	vor.u32 v42, v16;
	v13 =	vadd.s32 v14, v13  }
0x144: {  	v26 =	vshrl.u32 v14, $0xF;
	v14 =	vshll.u32 v14, $0x11;
	v16 =	vxor.u32 v15, v16  }
0x145: {  	v15 =	vadd.s32 v1, v15;
	v14 =	vor.u32 v26, v14;
	v16 =	vadd.s32 v16, v6  }
0x146: {  	v14 =	vxor.u32 v13, v14;
	v15 =	vadd.s32 v16, v15;
	v46 =	vshrl.u32 v16, $0xF  }
0x147: {  	v16 =	vshll.u32 v16, $0x11;
	v30 =	vshrl.u32 v14, $0x3;
	v31 =	vshll.u32 v14, $0x1D  }
0x148: {  	v13 =	vadd.s32 v13, v14;
	v16 =	vor.u32 v46, v16;
	v32 =	vor.u32 v30, v31  }
0x149: {  	v12 =	vor.u32 v50, v12;
	v16 =	vxor.u32 v15, v16;
	v14 =	vxor.u32 v13, v32  }
0x14a: {  	v15 =	vadd.s32 v15, v16;
	v47 =	vshrl.u32 v16, $0x3;
	v16 =	vshll.u32 v16, $0x1D  }
0x14b: {  	v37 =	vshrl.u32 v14, $0x10;
	v38 =	vshll.u32 v14, $0x10;
	v16 =	vor.u32 v47, v16  }
0x14c: {  	v13 =	vadd.s32 v13, v14;
	v39 =	vor.u32 v37, v38;
	v16 =	vxor.u32 v15, v16  }
0x14d: {  	v14 =	vxor.u32 v13, v39;
	v15 =	vadd.s32 v15, v16;
	v49 =	vshrl.u32 v16, $0x10  }
0x14e: {  	v16 =	vshll.u32 v16, $0x10;
	v43 =	vshrl.u32 v14, $0x8;
	v44 =	vshll.u32 v14, $0x18  }
0x14f: {  	v13 =	vadd.s32 v13, v14;
	v16 =	vor.u32 v49, v16;
	v45 =	vor.u32 v43, v44  }
0x150: {  	v12 =	vxor.u32 v11, v12;
	v16 =	vxor.u32 v15, v16;
	v14 =	vxor.u32 v13, v45  }
0x151: {  	v15 =	vadd.s32 v15, v16;
	v51 =	vshrl.u32 v16, $0x8;
	v16 =	vshll.u32 v16, $0x18  }
0x152: {  	v13 =	vadd.s32 v2, v13;
	v14 =	vadd.s32 v14, v7;
	v16 =	vor.u32 v51, v16  }
0x153: {  	v13 =	vadd.s32 v14, v13;
	v48 =	vshrl.u32 v14, $0x13;
	v14 =	vshll.u32 v14, $0xD  }
0x154: {  	v11 =	vadd.s32 v3, v11;
	v16 =	vxor.u32 v15, v16;
	v14 =	vor.u32 v48, v14  }
0x155: {  	v15 =	vadd.s32 v2, v15;
	v16 =	vadd.s32 v16, v7;
	v14 =	vxor.u32 v13, v14  }
0x156: {  	v15 =	vadd.s32 v16, v15;
	v53 =	vshrl.u32 v16, $0x13;
	v16 =	vshll.u32 v16, $0xD  }
0x157: {  	v13 =	vadd.s32 v13, v14;
	v52 =	vshrl.u32 v14, $0x11;
	v14 =	vshll.u32 v14, $0xF  }
0x158: {  	v12 =	vadd.s32 v12, v8;
	v16 =	vor.u32 v53, v16;
	v14 =	vor.u32 v52, v14  }
0x159: {  	v11 =	vxor.u32 v11, v12;
	v55 =	vxor.u32 v15, v16;
	v54 =	vxor.u32 v13, v14  }
0x15a: {  	v15 =	vadd.s32 v15, v55;
	v16 =	vshrl.u32 v55, $0x11;
	v14 =	vshll.u32 v55, $0xF  }
0x15b: {  	v56 =	vshrl.u32 v54, $0x6;
	v14 =	vor.u32 v16, v14;
	v57 =	vshll.u32 v54, $0x1A  }
0x15c: {  	s30 =	sand.u32 $0x1C00, s17;
	v12 =	vadd.s32 v13, v54;
	v58 =	vor.u32 v56, v57;
	v14 =	vxor.u32 v15, v14  }
0x15d: {  	s31 =	sand.u32 $0x40, s18;
	s19 =	sadd.s32 s30, s16;
	v13 =	vxor.u32 v12, v58;
	v59 =	vshrl.u32 v14, $0x6;
	v60 =	vshll.u32 v14, $0x1A  }
0x15e: {  	s19 =	sadd.s32 s31, s19;
	v14 =	vadd.s32 v15, v14;
	v61 =	vor.u32 v59, v60;
	v12 =	vadd.s32 v12, v13  }
0x15f: {  	[tilespmem:v9+s19+$0x0 ss:$0x1] =	vst.idx.msk $0xffff, v10;
	v10 =	vshrl.u32 v13, $0x1A;
	v13 =	vshll.u32 v13, $0x6;
	v15 =	vxor.u32 v14, v61  }
0x160: {  	p0 =	sne.s32 s18, $0x2C0;
	[tilespmem:v9+s19+$0x10 ss:$0x1] =	vst.idx.msk $0xffff, v11;
	v10 =	vor.u32 v10, v13;
	v11 =	vshrl.u32 v15, $0x1A;
	v62 =	vshll.u32 v15, $0x6  }
.Ltmp2:
0x161: {  	v14 =	vadd.s32 v14, v15;
	v10 =	vxor.u32 v12, v10;
	v11 =	vor.u32 v11, v62;
	(pc) =	sbr.rel @p0 .LBB2_7-.Ltmp2, $4  }
0x162: {  	v12 =	vadd.s32 v3, v12;
	v10 =	vadd.s32 v10, v8;
	v11 =	vxor.u32 v14, v11  }
0x163: {  	v63 =	vadd.s32 v3, v14;
	v10 =	vxor.u32 v12, v10;
	v11 =	vadd.s32 v11, v8  }
0x164: {  	[tilespmem:v9+s19+$0x20 ss:$0x1] =	vst.idx.msk $0xffff, v10;
	v10 =	vxor.u32 v63, v11  }
0x165: {  	s17 =	sadd.s32 $0x200, s17;
	s18 =	sadd.s32 $0x40, s18;
	[tilespmem:v9+s19+$0x30 ss:$0x1] =	vst.idx.msk $0xffff, v10  }
0x166: {  	s14 =	sadd.s32 $0x1, s14  }
0x167: {  	p0 =	sne.s32 s14, $0x40  }
.Ltmp3:
0x168: {  	_ = 	snop;
	(pc) =	sbr.rel @p0 .LBB2_6-.Ltmp3, $2  }
0x169: {  	_ =	sdelay $0x2  }
0x16a: {  	s15 =	sadd.s32 $0x300, s15  }
0x16b: {  	s14 =	simm.s32 $0x0  }
0x16c: {  	[hbm4b:s6+s14] =	stream.linear.scatter [tilespmem:s12], [sflag:$0x1], $0xC000, $0x38;
	[tilespmem:$0xC100] =	vst v63  }
0x16d: {  	_ =	swait.ge [sflag:s10], $0xC000  }
0x16e: {  	[sflag:s10] =	ssyncset.done $0x0  }
0x16f: {  	s15 =	smov.u32 s9;
	[sflag:s10] =	ssyncadd.s32 $0xFFFF4000  }
.LBB2_10:
0x170: {  	s16 =	sshrl.u32 s14, $0x3  }
0x171: {  	s16 =	smul.u32 $0x6000, s16  }
0x172: {  	s17 =	sshll.u32 s14, $0x7  }
0x173: {  	s17 =	sand.u32 $0x380, s17;
	s16 =	sshra.s32 s16, $0x2  }
0x174: {  	s18 =	simm.s32 $0x0;
	v9 =	vmov s17;
	s17 =	simm.s32 $0x0;
	s16 =	sor.u32 $0x100, s16  }
.LBB2_11:
0x175: {  	s19 =	sadd.s32 s18, s15  }
0x176: {  	s20 =	sadd.s32 $0x18000, s19  }
0x177: {  	v10 =	vadd.s32 s20, v2  }
0x178: {  	s28 =	sadd.s32 $0x18010, s19;
	v10 =	vadd.s32 v0, v10  }
0x179: {  	v53 =	vadd.s32 s28, v2;
	v11 =	vshrl.u32 v10, $0x13;
	v12 =	vshll.u32 v10, $0xD  }
0x17a: {  	v10 =	vadd.s32 v1, v10;
	v11 =	vor.u32 v11, v12;
	v12 =	vadd.s32 v0, v53  }
0x17b: {  	v11 =	vxor.u32 v10, v11;
	v55 =	vshrl.u32 v12, $0x13;
	v14 =	vshll.u32 v12, $0xD  }
0x17c: {  	v12 =	vadd.s32 v1, v12;
	v34 =	vshrl.u32 v11, $0x11;
	v13 =	vshll.u32 v11, $0xF  }
0x17d: {  	v10 =	vadd.s32 v10, v11;
	v11 =	vor.u32 v34, v13;
	v13 =	vor.u32 v55, v14  }
0x17e: {  	v11 =	vxor.u32 v10, v11;
	v13 =	vxor.u32 v12, v13  }
0x17f: {  	v35 =	vshrl.u32 v11, $0x6;
	v36 =	vshll.u32 v11, $0x1A;
	v10 =	vadd.s32 v10, v11  }
0x180: {  	v15 =	vshrl.u32 v13, $0x11;
	v16 =	vshll.u32 v13, $0xF;
	v11 =	vor.u32 v35, v36  }
0x181: {  	v12 =	vadd.s32 v12, v13;
	v57 =	vor.u32 v15, v16;
	v11 =	vxor.u32 v10, v11  }
0x182: {  	v13 =	vxor.u32 v12, v57;
	v37 =	vshrl.u32 v11, $0x1A;
	v38 =	vshll.u32 v11, $0x6  }
0x183: {  	v10 =	vadd.s32 v10, v11;
	v58 =	vshrl.u32 v13, $0x6;
	v59 =	vshll.u32 v13, $0x1A  }
0x184: {  	v12 =	vadd.s32 v12, v13;
	v11 =	vor.u32 v37, v38;
	v60 =	vor.u32 v58, v59  }
0x185: {  	v11 =	vxor.u32 v10, v11;
	v10 =	vadd.s32 v2, v10;
	v13 =	vxor.u32 v12, v60  }
0x186: {  	v11 =	vadd.s32 v11, v4;
	v62 =	vshrl.u32 v13, $0x1A;
	v63 =	vshll.u32 v13, $0x6  }
0x187: {  	v12 =	vadd.s32 v12, v13;
	v39 =	vshrl.u32 v11, $0xF;
	v40 =	vshll.u32 v11, $0x11  }
0x188: {  	v10 =	vadd.s32 v11, v10;
	v18 =	vor.u32 v62, v63;
	v11 =	vor.u32 v39, v40  }
0x189: {  	v13 =	vxor.u32 v12, v18;
	v12 =	vadd.s32 v2, v12;
	v11 =	vxor.u32 v10, v11  }
0x18a: {  	v13 =	vadd.s32 v13, v4;
	v41 =	vshrl.u32 v11, $0x3;
	v42 =	vshll.u32 v11, $0x1D  }
0x18b: {  	v10 =	vadd.s32 v10, v11;
	v21 =	vshrl.u32 v13, $0xF;
	v22 =	vshll.u32 v13, $0x11  }
0x18c: {  	v12 =	vadd.s32 v13, v12;
	v11 =	vor.u32 v41, v42;
	v23 =	vor.u32 v21, v22  }
0x18d: {  	v11 =	vxor.u32 v10, v11;
	v13 =	vxor.u32 v12, v23  }
0x18e: {  	v43 =	vshrl.u32 v11, $0x10;
	v44 =	vshll.u32 v11, $0x10;
	v10 =	vadd.s32 v10, v11  }
0x18f: {  	v25 =	vshrl.u32 v13, $0x3;
	v26 =	vshll.u32 v13, $0x1D;
	v11 =	vor.u32 v43, v44  }
0x190: {  	v12 =	vadd.s32 v12, v13;
	v27 =	vor.u32 v25, v26;
	v11 =	vxor.u32 v10, v11  }
0x191: {  	v13 =	vxor.u32 v12, v27;
	v45 =	vshrl.u32 v11, $0x8;
	v46 =	vshll.u32 v11, $0x18  }
0x192: {  	v10 =	vadd.s32 v10, v11;
	v28 =	vshrl.u32 v13, $0x10;
	v29 =	vshll.u32 v13, $0x10  }
0x193: {  	v12 =	vadd.s32 v12, v13;
	v11 =	vor.u32 v45, v46;
	v30 =	vor.u32 v28, v29  }
0x194: {  	v11 =	vxor.u32 v10, v11;
	v10 =	vadd.s32 v3, v10;
	v13 =	vxor.u32 v12, v30  }
0x195: {  	v11 =	vadd.s32 v11, v5;
	v32 =	vshrl.u32 v13, $0x8;
	v33 =	vshll.u32 v13, $0x18  }
0x196: {  	v12 =	vadd.s32 v12, v13;
	v47 =	vshrl.u32 v11, $0x13;
	v48 =	vshll.u32 v11, $0xD  }
0x197: {  	v10 =	vadd.s32 v11, v10;
	v34 =	vor.u32 v32, v33;
	v11 =	vor.u32 v47, v48  }
0x198: {  	v13 =	vxor.u32 v12, v34;
	v11 =	vxor.u32 v10, v11  }
0x199: {  	v12 =	vadd.s32 v3, v12;
	v49 =	vshrl.u32 v11, $0x11;
	v50 =	vshll.u32 v11, $0xF  }
0x19a: {  	v13 =	vadd.s32 v13, v5;
	v10 =	vadd.s32 v10, v11;
	v11 =	vor.u32 v49, v50  }
0x19b: {  	v36 =	vshrl.u32 v13, $0x13;
	v37 =	vshll.u32 v13, $0xD;
	v11 =	vxor.u32 v10, v11  }
0x19c: {  	v12 =	vadd.s32 v13, v12;
	v51 =	vshrl.u32 v11, $0x6;
	v52 =	vshll.u32 v11, $0x1A  }
0x19d: {  	v38 =	vor.u32 v36, v37;
	v10 =	vadd.s32 v10, v11;
	v11 =	vor.u32 v51, v52  }
0x19e: {  	v13 =	vxor.u32 v12, v38;
	v11 =	vxor.u32 v10, v11  }
0x19f: {  	v10 =	vadd.s32 v10, v11;
	v54 =	vshrl.u32 v11, $0x1A;
	v11 =	vshll.u32 v11, $0x6  }
0x1a0: {  	v40 =	vshrl.u32 v13, $0x11;
	v41 =	vshll.u32 v13, $0xF;
	v11 =	vor.u32 v54, v11  }
0x1a1: {  	s29 =	sadd.s32 $0x18020, s19;
	s19 =	sadd.s32 $0x18030, s19;
	v12 =	vadd.s32 v12, v13;
	v43 =	vor.u32 v40, v41;
	v11 =	vxor.u32 v10, v11  }
0x1a2: {  	v51 =	vadd.s32 s29, v2;
	v41 =	vadd.s32 s19, v2;
	v11 =	vadd.s32 v11, v6  }
0x1a3: {  	v10 =	vadd.s32 v1, v10;
	v56 =	vshrl.u32 v11, $0xF;
	v17 =	vshll.u32 v11, $0x11  }
0x1a4: {  	v13 =	vxor.u32 v12, v43;
	v10 =	vadd.s32 v11, v10;
	v11 =	vor.u32 v56, v17  }
0x1a5: {  	v14 =	vadd.s32 v0, v51;
	v15 =	vadd.s32 v0, v41;
	v11 =	vxor.u32 v10, v11  }
0x1a6: {  	v10 =	vadd.s32 v10, v11;
	v61 =	vshrl.u32 v11, $0x3;
	v11 =	vshll.u32 v11, $0x1D  }
0x1a7: {  	v44 =	vshrl.u32 v13, $0x6;
	v45 =	vshll.u32 v13, $0x1A;
	v11 =	vor.u32 v61, v11  }
0x1a8: {  	v12 =	vadd.s32 v12, v13;
	v53 =	vshrl.u32 v14, $0x13;
	v11 =	vxor.u32 v10, v11  }
0x1a9: {  	v43 =	vshrl.u32 v15, $0x13;
	v19 =	vshrl.u32 v11, $0x10;
	v20 =	vshll.u32 v11, $0x10  }
0x1aa: {  	v46 =	vor.u32 v44, v45;
	v10 =	vadd.s32 v10, v11;
	v11 =	vor.u32 v19, v20  }
0x1ab: {  	v54 =	vshll.u32 v14, $0xD;
	v14 =	vadd.s32 v1, v14;
	v11 =	vxor.u32 v10, v11  }
0x1ac: {  	v10 =	vadd.s32 v10, v11;
	v24 =	vshrl.u32 v11, $0x8;
	v11 =	vshll.u32 v11, $0x18  }
0x1ad: {  	v44 =	vshll.u32 v15, $0xD;
	v15 =	vadd.s32 v1, v15;
	v11 =	vor.u32 v24, v11  }
0x1ae: {  	v13 =	vxor.u32 v12, v46;
	v55 =	vor.u32 v53, v54;
	v11 =	vxor.u32 v10, v11  }
0x1af: {  	v16 =	vor.u32 v43, v44;
	v10 =	vadd.s32 v2, v10;
	v11 =	vadd.s32 v11, v7  }
0x1b0: {  	v10 =	vadd.s32 v11, v10;
	v31 =	vshrl.u32 v11, $0x13;
	v11 =	vshll.u32 v11, $0xD  }
0x1b1: {  	v48 =	vshrl.u32 v13, $0x1A;
	v49 =	vshll.u32 v13, $0x6;
	v11 =	vor.u32 v31, v11  }
0x1b2: {  	v12 =	vadd.s32 v12, v13;
	v16 =	vxor.u32 v15, v16;
	v11 =	vxor.u32 v10, v11  }
0x1b3: {  	v10 =	vadd.s32 v10, v11;
	v35 =	vshrl.u32 v11, $0x11;
	v11 =	vshll.u32 v11, $0xF  }
0x1b4: {  	v50 =	vor.u32 v48, v49;
	v46 =	vshrl.u32 v16, $0x11;
	v11 =	vor.u32 v35, v11  }
0x1b5: {  	v15 =	vadd.s32 v15, v16;
	v13 =	vxor.u32 v12, v50;
	v11 =	vxor.u32 v10, v11  }
0x1b6: {  	v12 =	vadd.s32 v1, v12;
	v39 =	vshrl.u32 v11, $0x6;
	v42 =	vshll.u32 v11, $0x1A  }
0x1b7: {  	v56 =	vxor.u32 v14, v55;
	v10 =	vadd.s32 v10, v11;
	v11 =	vor.u32 v39, v42  }
0x1b8: {  	v13 =	vadd.s32 v13, v6;
	v58 =	vshrl.u32 v56, $0x11;
	v11 =	vxor.u32 v10, v11  }
0x1b9: {  	v10 =	vadd.s32 v10, v11;
	v47 =	vshrl.u32 v11, $0x1A;
	v11 =	vshll.u32 v11, $0x6  }
0x1ba: {  	v59 =	vshll.u32 v56, $0xF;
	v12 =	vadd.s32 v13, v12;
	v11 =	vor.u32 v47, v11  }
0x1bb: {  	v52 =	vshrl.u32 v13, $0xF;
	v13 =	vshll.u32 v13, $0x11;
	v11 =	vxor.u32 v10, v11  }
0x1bc: {  	v13 =	vor.u32 v52, v13;
	v10 =	vadd.s32 v3, v10;
	v11 =	vadd.s32 v11, v8  }
0x1bd: {  	v60 =	vor.u32 v58, v59;
	v10 =	vxor.u32 v10, v11;
	v11 =	vxor.u32 v12, v13  }
0x1be: {  	v19 =	vshll.u32 v16, $0xF;
	v13 =	vadd.s32 v14, v56;
	v57 =	vshrl.u32 v11, $0x3  }
0x1bf: {  	v18 =	vshll.u32 v11, $0x1D;
	v11 =	vadd.s32 v12, v11;
	v14 =	vxor.u32 v13, v60  }
0x1c0: {  	v61 =	vor.u32 v57, v18;
	v62 =	vshrl.u32 v14, $0x6;
	v63 =	vshll.u32 v14, $0x1A  }
0x1c1: {  	v13 =	vadd.s32 v13, v14;
	v18 =	vor.u32 v46, v19;
	v12 =	vxor.u32 v11, v61  }
0x1c2: {  	v20 =	vor.u32 v62, v63;
	v49 =	vxor.u32 v15, v18;
	v11 =	vadd.s32 v11, v12  }
0x1c3: {  	v21 =	vshrl.u32 v12, $0x10;
	v12 =	vshll.u32 v12, $0x10;
	v14 =	vxor.u32 v13, v20  }
0x1c4: {  	v50 =	vshrl.u32 v49, $0x6;
	v18 =	vshll.u32 v49, $0x1A;
	v15 =	vadd.s32 v15, v49  }
0x1c5: {  	v12 =	vor.u32 v21, v12;
	v22 =	vshrl.u32 v14, $0x1A;
	v23 =	vshll.u32 v14, $0x6  }
0x1c6: {  	v13 =	vadd.s32 v13, v14;
	v51 =	vor.u32 v50, v18;
	v12 =	vxor.u32 v11, v12  }
0x1c7: {  	v24 =	vor.u32 v22, v23;
	v16 =	vxor.u32 v15, v51;
	v25 =	vshrl.u32 v12, $0x8  }
0x1c8: {  	v26 =	vshll.u32 v12, $0x18;
	v14 =	vxor.u32 v13, v24;
	v11 =	vadd.s32 v11, v12  }
0x1c9: {  	v13 =	vadd.s32 v2, v13;
	v53 =	vshrl.u32 v16, $0x1A;
	v54 =	vshll.u32 v16, $0x6  }
0x1ca: {  	v15 =	vadd.s32 v15, v16;
	v27 =	vor.u32 v25, v26;
	v14 =	vadd.s32 v14, v4  }
0x1cb: {  	v55 =	vor.u32 v53, v54;
	v28 =	vshrl.u32 v14, $0xF;
	v29 =	vshll.u32 v14, $0x11  }
0x1cc: {  	v12 =	vxor.u32 v11, v27;
	v13 =	vadd.s32 v14, v13;
	v11 =	vadd.s32 v2, v11  }
0x1cd: {  	v16 =	vxor.u32 v15, v55;
	v15 =	vadd.s32 v2, v15;
	v30 =	vor.u32 v28, v29  }
0x1ce: {  	v12 =	vadd.s32 v12, v7;
	v16 =	vadd.s32 v16, v4;
	v14 =	vxor.u32 v13, v30  }
0x1cf: {  	v31 =	vshrl.u32 v12, $0x13;
	v34 =	vshll.u32 v12, $0xD;
	v11 =	vadd.s32 v12, v11  }
0x1d0: {  	v59 =	vshrl.u32 v16, $0xF;
	v60 =	vshll.u32 v16, $0x11;
	v15 =	vadd.s32 v16, v15  }
0x1d1: {  	v32 =	vshrl.u32 v14, $0x3;
	v33 =	vshll.u32 v14, $0x1D;
	v13 =	vadd.s32 v13, v14  }
0x1d2: {  	v36 =	vor.u32 v31, v34;
	v61 =	vor.u32 v59, v60;
	v35 =	vor.u32 v32, v33  }
0x1d3: {  	v12 =	vxor.u32 v11, v36;
	v16 =	vxor.u32 v15, v61;
	v14 =	vxor.u32 v13, v35  }
0x1d4: {  	v11 =	vadd.s32 v11, v12;
	v40 =	vshrl.u32 v12, $0x11;
	v12 =	vshll.u32 v12, $0xF  }
0x1d5: {  	v63 =	vshrl.u32 v16, $0x3;
	v21 =	vshll.u32 v16, $0x1D;
	v15 =	vadd.s32 v15, v16  }
0x1d6: {  	v37 =	vshrl.u32 v14, $0x10;
	v38 =	vshll.u32 v14, $0x10;
	v13 =	vadd.s32 v13, v14  }
0x1d7: {  	v12 =	vor.u32 v40, v12;
	v22 =	vor.u32 v63, v21;
	v39 =	vor.u32 v37, v38  }
0x1d8: {  	v16 =	vxor.u32 v15, v22;
	v12 =	vxor.u32 v11, v12;
	v14 =	vxor.u32 v13, v39  }
0x1d9: {  	v23 =	vshrl.u32 v16, $0x10;
	v24 =	vshll.u32 v16, $0x10;
	v15 =	vadd.s32 v15, v16  }
0x1da: {  	v11 =	vadd.s32 v11, v12;
	v41 =	vshrl.u32 v12, $0x6;
	v12 =	vshll.u32 v12, $0x1A  }
0x1db: {  	v13 =	vadd.s32 v13, v14;
	v42 =	vshrl.u32 v14, $0x8;
	v14 =	vshll.u32 v14, $0x18  }
0x1dc: {  	v25 =	vor.u32 v23, v24;
	v12 =	vor.u32 v41, v12;
	v14 =	vor.u32 v42, v14  }
0x1dd: {  	v16 =	vxor.u32 v15, v25;
	v14 =	vxor.u32 v13, v14;
	v13 =	vadd.s32 v3, v13  }
0x1de: {  	v27 =	vshrl.u32 v16, $0x8;
	v28 =	vshll.u32 v16, $0x18;
	v14 =	vadd.s32 v14, v5  }
0x1df: {  	v15 =	vadd.s32 v15, v16;
	v29 =	vor.u32 v27, v28;
	v45 =	vshrl.u32 v14, $0x13  }
0x1e0: {  	v47 =	vshll.u32 v14, $0xD;
	v13 =	vadd.s32 v14, v13;
	v16 =	vxor.u32 v15, v29  }
0x1e1: {  	v15 =	vadd.s32 v3, v15;
	v48 =	vor.u32 v45, v47;
	v16 =	vadd.s32 v16, v5  }
0x1e2: {  	v14 =	vxor.u32 v13, v48;
	v33 =	vshrl.u32 v16, $0x13;
	v34 =	vshll.u32 v16, $0xD  }
0x1e3: {  	v13 =	vadd.s32 v13, v14;
	v52 =	vshrl.u32 v14, $0x11;
	v14 =	vshll.u32 v14, $0xF  }
0x1e4: {  	v15 =	vadd.s32 v16, v15;
	v35 =	vor.u32 v33, v34;
	v14 =	vor.u32 v52, v14  }
0x1e5: {  	v12 =	vxor.u32 v11, v12;
	v16 =	vxor.u32 v15, v35;
	v14 =	vxor.u32 v13, v14  }
0x1e6: {  	v15 =	vadd.s32 v15, v16;
	v36 =	vshrl.u32 v16, $0x11;
	v16 =	vshll.u32 v16, $0xF  }
0x1e7: {  	v56 =	vshrl.u32 v14, $0x6;
	v57 =	vshll.u32 v14, $0x1A;
	v16 =	vor.u32 v36, v16  }
0x1e8: {  	v13 =	vadd.s32 v13, v14;
	v58 =	vor.u32 v56, v57;
	v16 =	vxor.u32 v15, v16  }
0x1e9: {  	v11 =	vadd.s32 v11, v12;
	v14 =	vxor.u32 v13, v58;
	v15 =	vadd.s32 v15, v16  }
0x1ea: {  	v40 =	vshrl.u32 v16, $0x6;
	v16 =	vshll.u32 v16, $0x1A;
	v13 =	vadd.s32 v13, v14  }
0x1eb: {  	v62 =	vshrl.u32 v14, $0x1A;
	v14 =	vshll.u32 v14, $0x6;
	v16 =	vor.u32 v40, v16  }
0x1ec: {  	v50 =	vshrl.u32 v12, $0x1A;
	v14 =	vor.u32 v62, v14;
	v16 =	vxor.u32 v15, v16  }
0x1ed: {  	v14 =	vxor.u32 v13, v14;
	v13 =	vadd.s32 v1, v13;
	v15 =	vadd.s32 v15, v16  }
0x1ee: {  	v42 =	vshrl.u32 v16, $0x1A;
	v16 =	vshll.u32 v16, $0x6;
	v14 =	vadd.s32 v14, v6  }
0x1ef: {  	v12 =	vshll.u32 v12, $0x6;
	v16 =	vor.u32 v42, v16;
	v13 =	vadd.s32 v14, v13  }
0x1f0: {  	v26 =	vshrl.u32 v14, $0xF;
	v14 =	vshll.u32 v14, $0x11;
	v16 =	vxor.u32 v15, v16  }
0x1f1: {  	v15 =	vadd.s32 v1, v15;
	v14 =	vor.u32 v26, v14;
	v16 =	vadd.s32 v16, v6  }
0x1f2: {  	v14 =	vxor.u32 v13, v14;
	v15 =	vadd.s32 v16, v15;
	v46 =	vshrl.u32 v16, $0xF  }
0x1f3: {  	v16 =	vshll.u32 v16, $0x11;
	v30 =	vshrl.u32 v14, $0x3;
	v31 =	vshll.u32 v14, $0x1D  }
0x1f4: {  	v13 =	vadd.s32 v13, v14;
	v16 =	vor.u32 v46, v16;
	v32 =	vor.u32 v30, v31  }
0x1f5: {  	v12 =	vor.u32 v50, v12;
	v16 =	vxor.u32 v15, v16;
	v14 =	vxor.u32 v13, v32  }
0x1f6: {  	v15 =	vadd.s32 v15, v16;
	v47 =	vshrl.u32 v16, $0x3;
	v16 =	vshll.u32 v16, $0x1D  }
0x1f7: {  	v37 =	vshrl.u32 v14, $0x10;
	v38 =	vshll.u32 v14, $0x10;
	v16 =	vor.u32 v47, v16  }
0x1f8: {  	v13 =	vadd.s32 v13, v14;
	v39 =	vor.u32 v37, v38;
	v16 =	vxor.u32 v15, v16  }
0x1f9: {  	v14 =	vxor.u32 v13, v39;
	v15 =	vadd.s32 v15, v16;
	v49 =	vshrl.u32 v16, $0x10  }
0x1fa: {  	v16 =	vshll.u32 v16, $0x10;
	v43 =	vshrl.u32 v14, $0x8;
	v44 =	vshll.u32 v14, $0x18  }
0x1fb: {  	v13 =	vadd.s32 v13, v14;
	v16 =	vor.u32 v49, v16;
	v45 =	vor.u32 v43, v44  }
0x1fc: {  	v12 =	vxor.u32 v11, v12;
	v16 =	vxor.u32 v15, v16;
	v14 =	vxor.u32 v13, v45  }
0x1fd: {  	v15 =	vadd.s32 v15, v16;
	v51 =	vshrl.u32 v16, $0x8;
	v16 =	vshll.u32 v16, $0x18  }
0x1fe: {  	v13 =	vadd.s32 v2, v13;
	v14 =	vadd.s32 v14, v7;
	v16 =	vor.u32 v51, v16  }
0x1ff: {  	v13 =	vadd.s32 v14, v13;
	v48 =	vshrl.u32 v14, $0x13;
	v14 =	vshll.u32 v14, $0xD  }
0x200: {  	v11 =	vadd.s32 v3, v11;
	v16 =	vxor.u32 v15, v16;
	v14 =	vor.u32 v48, v14  }
0x201: {  	v15 =	vadd.s32 v2, v15;
	v16 =	vadd.s32 v16, v7;
	v14 =	vxor.u32 v13, v14  }
0x202: {  	v15 =	vadd.s32 v16, v15;
	v53 =	vshrl.u32 v16, $0x13;
	v16 =	vshll.u32 v16, $0xD  }
0x203: {  	v13 =	vadd.s32 v13, v14;
	v52 =	vshrl.u32 v14, $0x11;
	v14 =	vshll.u32 v14, $0xF  }
0x204: {  	v12 =	vadd.s32 v12, v8;
	v16 =	vor.u32 v53, v16;
	v14 =	vor.u32 v52, v14  }
0x205: {  	v11 =	vxor.u32 v11, v12;
	v55 =	vxor.u32 v15, v16;
	v54 =	vxor.u32 v13, v14  }
0x206: {  	v15 =	vadd.s32 v15, v55;
	v16 =	vshrl.u32 v55, $0x11;
	v14 =	vshll.u32 v55, $0xF  }
0x207: {  	v56 =	vshrl.u32 v54, $0x6;
	v14 =	vor.u32 v16, v14;
	v57 =	vshll.u32 v54, $0x1A  }
0x208: {  	s30 =	sand.u32 $0x1C00, s17;
	v12 =	vadd.s32 v13, v54;
	v58 =	vor.u32 v56, v57;
	v14 =	vxor.u32 v15, v14  }
0x209: {  	s31 =	sand.u32 $0x40, s18;
	s19 =	sadd.s32 s30, s16;
	v13 =	vxor.u32 v12, v58;
	v59 =	vshrl.u32 v14, $0x6;
	v60 =	vshll.u32 v14, $0x1A  }
0x20a: {  	s19 =	sadd.s32 s31, s19;
	v14 =	vadd.s32 v15, v14;
	v61 =	vor.u32 v59, v60;
	v12 =	vadd.s32 v12, v13  }
0x20b: {  	[tilespmem:v9+s19+$0x0 ss:$0x1] =	vst.idx.msk $0xffff, v10;
	v10 =	vshrl.u32 v13, $0x1A;
	v13 =	vshll.u32 v13, $0x6;
	v15 =	vxor.u32 v14, v61  }
0x20c: {  	p0 =	sne.s32 s18, $0x2C0;
	[tilespmem:v9+s19+$0x10 ss:$0x1] =	vst.idx.msk $0xffff, v11;
	v10 =	vor.u32 v10, v13;
	v11 =	vshrl.u32 v15, $0x1A;
	v62 =	vshll.u32 v15, $0x6  }
.Ltmp4:
0x20d: {  	v14 =	vadd.s32 v14, v15;
	v10 =	vxor.u32 v12, v10;
	v11 =	vor.u32 v11, v62;
	(pc) =	sbr.rel @p0 .LBB2_11-.Ltmp4, $4  }
0x20e: {  	v12 =	vadd.s32 v3, v12;
	v10 =	vadd.s32 v10, v8;
	v11 =	vxor.u32 v14, v11  }
0x20f: {  	v63 =	vadd.s32 v3, v14;
	v10 =	vxor.u32 v12, v10;
	v11 =	vadd.s32 v11, v8  }
0x210: {  	[tilespmem:v9+s19+$0x20 ss:$0x1] =	vst.idx.msk $0xffff, v10;
	v10 =	vxor.u32 v63, v11  }
0x211: {  	s17 =	sadd.s32 $0x200, s17;
	s18 =	sadd.s32 $0x40, s18;
	[tilespmem:v9+s19+$0x30 ss:$0x1] =	vst.idx.msk $0xffff, v10  }
0x212: {  	s14 =	sadd.s32 $0x1, s14  }
0x213: {  	p0 =	sne.s32 s14, $0x40  }
.Ltmp5:
0x214: {  	_ = 	snop;
	(pc) =	sbr.rel @p0 .LBB2_10-.Ltmp5, $2  }
0x215: {  	_ =	sdelay $0x2  }
0x216: {  	s15 =	sadd.s32 $0x300, s15  }
0x217: {  	s13 =	sadd.s32 $0x1, s13  }
0x218: {  	p0 =	sne.s32 s13, s8  }
.Ltmp6:
0x219: {  	_ = 	snop;
	(pc) =	sbr.rel @p0 .LBB2_1-.Ltmp6, $4  }
0x21a: {  	[hbm4b:s7+s2] =	stream.linear.scatter [tilespmem:s12], [sflag:$0x1], $0xC000, $0x38;
	[tilespmem:$0xC100] =	vst v63  }
0x21b: {  	_ =	swait.ge [sflag:s10], $0xC000  }
0x21c: {  	[sflag:s10] =	ssyncset.done $0x0  }
0x21d: {  	[sflag:s10] =	ssyncadd.s32 $0xFFFF4000  }
0x21e: {  	_ =	sfence.sel $0x180000  }
0x21f: {  	[bflag:$0x0] =	sbarrier.arrive $0xFFFF  }
0x220: {  	p0 =	sne.s32 s0, $0x0;
	_ =	strace $0x9000004A  }
0x221: {  	s0 =	sadd.s32 @!p0 $0x100000, s1;
	[bflag:$0x2] =	sbarrier.arrive $0xFFFF  }
0x222: {  	[sflag:s0] =	ssyncadd.tile.s32 @!p0 $0x1;
	_ =	shalt  }
.Lfunc_end2:
_tile_overlayer_lowered:
.L_overlay_start_2:
0x223: {  	(tag) =	ssettag $0x2  }
0x224: {  	s0 =	rddreg [dreg:$0x0];
	s2 =	stileid.u32  }
0x225: {  	s1 =	rddreg [dreg:$0x1];
	p0 =	sne.s32 s2, $0x0  }
0x226: {  	s3 =	rddreg [dreg:$0x2];
	[bflag:$0x3] =	sbarrier.arrive $0xFFFF;
	s2 =	simm.s32 @!p0 $0x1C01  }
0x227: {  	[timem:s3], [sflag:s2] =	dma.local @!p0 [hbm:s0], s1  }
0x228: {  	s0 =	simm.s32 @!p0 $0x1  }
0x229: {  	_ =	swait.ge @!p0 [sflag:s0], s1  }
0x22a: {  	s1 =	ssub.s32 @!p0 $0x0, s1;
	[sflag:s0] =	ssyncset.done @!p0 $0x0  }
0x22b: {  	[sflag:s0] =	ssyncadd.s32 @!p0 s1  }
0x22c: {  	[bflag:$0x3] =	sbarrier.arrive $0xFFFF  }
0x22d: {  	_ =	shalt  }

</sc_bundles>
